<compile_context>
chip_gen: v7x
topology: tpu7x:2x2x1
jax: 0.10.2.dev20260603
libtpu: 0.0.44.dev20260713+nightly
codegen_flags: <defaults>
</compile_context>

<pallas_src>
import functools

import jax
import jax.numpy as jnp
from jax import lax
from jax.experimental import pallas as pl
from jax.experimental.pallas import tpu as pltpu
from jax.experimental.pallas import tpu_sc as plsc

L = 16
NC, NS = 2, 16
NW = NC * NS
K = 128
BLK = 1024


def _mesh():
  return plsc.VectorSubcoreMesh(core_axis_name="c", subcore_axis_name="s")


def _rsqrt16(x):
  i = plsc.bitcast(x, jnp.int32)
  y = plsc.bitcast(jnp.int32(0x5F3759DF) - (i >> 1), jnp.float32)
  for _ in range(3):
    y = y * (1.5 - 0.5 * x * y * y)
  return y


def _deg_body(ept, dst_hbm, zeros_hbm, dinv_hbm, dst_v, hist_v, iota_v, deg_t,
              deg_s):
  cid = lax.axis_index("c")
  sid = lax.axis_index("s")
  sl = pl.ds(sid * 8, 8)
  iota16 = lax.iota(jnp.int32, L)
  for k in range(128 // L):
    iota_v[0, pl.ds(k * L, L)] = iota16 + k * L

  @pl.when(cid == 0)
  def _():
    pltpu.sync_copy(zeros_hbm, hist_v)
    pltpu.sync_copy(zeros_hbm.at[pl.ds(0, 8)], deg_s.at[sl])
    pltpu.sync_copy(dst_hbm.at[pl.ds(sid * ept, ept)], dst_v)
    ones = jnp.full((L,), 1.0, jnp.float32)

    def body(i, carry):
      for u in range(4):
        idx = dst_v[pl.ds((i * 4 + u) * L, L)]
        plsc.addupdate_scatter(hist_v, [idx >> 7, idx & 127], ones)
      return carry

    lax.fori_loop(0, ept // (L * 4), body, 0)

  plsc.subcore_barrier()

  @pl.when(cid == 0)
  def _():
    pltpu.sync_copy(hist_v, deg_s.at[iota_v.at[0]], add=True)

  plsc.subcore_barrier()

  @pl.when(cid == 0)
  def _():
    pltpu.sync_copy(deg_s.at[sl], deg_t)
    for r in range(8):
      for k in range(128 // L):
        cs = pl.ds(k * L, L)
        deg_t[r, cs] = _rsqrt16(1.0 + deg_t[r, cs])
    pltpu.sync_copy(deg_t, dinv_hbm.at[sl])


def _make_deg_kernel(ept):
  return functools.partial(
      pl.kernel,
      out_type=jax.ShapeDtypeStruct((128, 128), jnp.float32),
      mesh=_mesh(),
      compiler_params=pltpu.CompilerParams(needs_layout_passes=False),
      scratch_types=[
          pltpu.VMEM((ept,), jnp.int32),
          pltpu.VMEM((128, 128), jnp.float32),
          pltpu.VMEM((1, 128), jnp.int32),
          pltpu.VMEM((8, 128), jnp.float32),
          pltpu.VMEM_SHARED((128, 128), jnp.float32),
      ],
  )(functools.partial(_deg_body, ept))


def _msg_body(chunks, rows_per_tile, nbuf, nsplit, iphases, w, *refs):
  h_list = refs[:nsplit]
  (src_hbm, dst_hbm, zeros_hbm, out_hbm,
   src_v, dst_v, rows_v, sems, hs, acc) = refs[nsplit:]
  cid = lax.axis_index("c")
  sid = lax.axis_index("s")
  wid = sid * NC + cid
  tbase = sid * rows_per_tile
  cph = chunks // iphases

  for p in range(nsplit):
    for z in range(rows_per_tile // K):
      pltpu.sync_copy(zeros_hbm, acc.at[pl.ds(tbase + z * K, K)])
    pltpu.sync_copy(h_list[p].at[pl.ds(tbase, rows_per_tile)],
                    hs.at[pl.ds(tbase, rows_per_tile)])
    plsc.subcore_barrier()

    for ip in range(iphases):
      cbase = wid * chunks + ip * cph
      pltpu.sync_copy(src_hbm.at[pl.ds(cbase, cph)], src_v)
      pltpu.sync_copy(dst_hbm.at[pl.ds(cbase, cph)], dst_v)
      for b in range(nbuf):
        pltpu.async_copy(hs.at[src_v.at[b]], rows_v.at[b], sems.at[b])

      def group(g, carry):
        for b in range(nbuf):
          j = g * nbuf + b
          pltpu.make_async_copy(hs.at[src_v.at[j]], rows_v.at[b],
                                sems.at[b]).wait()
          pltpu.sync_copy(rows_v.at[b], acc.at[dst_v.at[j]], add=True)
          jn = j + nbuf

          @pl.when(jn < cph)
          def _():
            pltpu.async_copy(hs.at[src_v.at[jn]], rows_v.at[b], sems.at[b])
        return carry

      lax.fori_loop(0, cph // nbuf, group, 0)
    plsc.subcore_barrier()
    base = (p * NC + cid) * (rows_per_tile * NS) + tbase
    pltpu.sync_copy(acc.at[pl.ds(tbase, rows_per_tile)],
                    out_hbm.at[pl.ds(base, rows_per_tile)])


def _make_msg_kernel(npad, d, chunks, nbuf, nsplit, iphases,
                     dtype=jnp.float32):
  rows_per_tile = npad // NS
  w = d // nsplit
  return functools.partial(
      pl.kernel,
      out_type=jax.ShapeDtypeStruct((nsplit * NC * npad, w), dtype),
      mesh=_mesh(),
      compiler_params=pltpu.CompilerParams(
          needs_layout_passes=False, use_tc_tiling_on_sc=False),
      scratch_types=[
          pltpu.VMEM((chunks // iphases, K), jnp.int32),
          pltpu.VMEM((chunks // iphases, K), jnp.int32),
          pltpu.VMEM((nbuf, K, w), dtype),
          pltpu.SemaphoreType.DMA((nbuf,)),
          pltpu.VMEM_SHARED((npad, w), dtype),
          pltpu.VMEM_SHARED((npad, w), dtype),
      ],
  )(functools.partial(_msg_body, chunks, rows_per_tile, nbuf, nsplit, iphases,
                      w))


def _mm_scale_body(x_ref, w_ref, dinv_ref, out_ref):
  h1 = jnp.dot(dinv_ref[...] * x_ref[...], w_ref[...],
               preferred_element_type=jnp.float32)
  out_ref[...] = h1.astype(jnp.bfloat16)


def _layer2_body(p0_ref, p1_ref, h1_ref, dinv_ref, b1_ref, w2_ref, out_ref):
  dinv = dinv_ref[...]
  agg = (p0_ref[...].astype(jnp.float32) + p1_ref[...].astype(jnp.float32) +
         h1_ref[...].astype(jnp.float32))
  h = jnp.maximum(dinv * agg + b1_ref[...], 0.0)
  h2 = dinv * jnp.dot(h, w2_ref[...], preferred_element_type=jnp.float32)
  out_ref[...] = h2.astype(jnp.bfloat16)


def _final_body(c, p0_ref, p1_ref, h2_ref, dinv_ref, b2_ref, out_ref):
  agg = (p0_ref[...].astype(jnp.float32) + p1_ref[...].astype(jnp.float32) +
         h2_ref[...].astype(jnp.float32))
  o = (dinv_ref[...] * agg + b2_ref[...])[:, :c]
  m = jnp.max(o, axis=1, keepdims=True)
  z = o - m
  lse = jnp.log(jnp.sum(jnp.exp(z), axis=1, keepdims=True))
  out_ref[...] = z - lse


def kernel(x, edge_index, W1, b1, W2, b2):
  n, f_in = x.shape
  hidden = W1.shape[1]
  c = W2.shape[1]
  e = edge_index.shape[1]

  npad = ((n + 2 * BLK) // (2 * BLK)) * (2 * BLK)
  chunks = -(-e // (NW * K))
  chunks = ((chunks + 7) // 8) * 8
  epad = NW * chunks * K
  cpad = ((c + 63) // 64) * 64

  src = jnp.concatenate([edge_index[0], jnp.zeros((epad - e,), jnp.int32)])
  dst = jnp.concatenate([edge_index[1],
                         jnp.full((epad - e,), n, jnp.int32)])
  src2d = src.reshape(epad // K, K)
  dst2d = dst.reshape(epad // K, K)
  xp = jnp.zeros((npad, f_in), x.dtype).at[:n].set(x)
  w2p = jnp.zeros((f_in, cpad), W2.dtype).at[:, :c].set(W2)
  b2p = jnp.zeros((cpad,), b2.dtype).at[:c].set(b2)

  dinv_sq = _make_deg_kernel(epad // NS)(dst, jnp.zeros((128, 128),
                                                        jnp.float32))
  dinv_col = dinv_sq.reshape(128 * 128)[:npad].reshape(npad, 1)

  grid = npad // BLK
  row_spec = pl.BlockSpec((BLK, 1), lambda i: (i, 0))

  h1 = pl.pallas_call(
      _mm_scale_body,
      grid=(grid,),
      in_specs=[
          pl.BlockSpec((BLK, f_in), lambda i: (i, 0)),
          pl.BlockSpec((f_in, hidden), lambda i: (0, 0)),
          row_spec,
      ],
      out_specs=pl.BlockSpec((BLK, hidden), lambda i: (i, 0)),
      out_shape=jax.ShapeDtypeStruct((npad, hidden), jnp.bfloat16),
  )(xp, W1, dinv_col)

  p1 = _make_msg_kernel(npad, hidden, chunks, 2, 1, 1, jnp.bfloat16)(
      h1, src2d, dst2d, jnp.zeros((K, hidden), jnp.bfloat16))

  def _reg(r, wd):
    return pl.BlockSpec((BLK, wd), lambda i, r=r: (r * grid + i, 0))

  h2 = pl.pallas_call(
      _layer2_body,
      grid=(grid,),
      in_specs=[
          _reg(0, hidden), _reg(1, hidden),
          pl.BlockSpec((BLK, hidden), lambda i: (i, 0)),
          row_spec,
          pl.BlockSpec((1, hidden), lambda i: (0, 0)),
          pl.BlockSpec((hidden, cpad), lambda i: (0, 0)),
      ],
      out_specs=pl.BlockSpec((BLK, cpad), lambda i: (i, 0)),
      out_shape=jax.ShapeDtypeStruct((npad, cpad), jnp.bfloat16),
  )(p1, p1, h1, dinv_col, b1.reshape(1, hidden), w2p)

  p2 = _make_msg_kernel(npad, cpad, chunks, 4, 1, 1, jnp.bfloat16)(
      h2, src2d, dst2d, jnp.zeros((K, cpad), jnp.bfloat16))

  out = pl.pallas_call(
      functools.partial(_final_body, c),
      grid=(grid,),
      in_specs=[
          _reg(0, cpad), _reg(1, cpad),
          pl.BlockSpec((BLK, cpad), lambda i: (i, 0)),
          row_spec,
          pl.BlockSpec((1, cpad), lambda i: (0, 0)),
      ],
      out_specs=pl.BlockSpec((BLK, c), lambda i: (i, 0)),
      out_shape=jax.ShapeDtypeStruct((npad, c), jnp.float32),
  )(p2, p2, h2, dinv_col, b2p.reshape(1, cpad))

  return out[:n]

# --- scband reference (transcript-rebuilt; emitter-appended) ---
"""Pipeline reference for scband-net-36146444763195 (READ-ONLY COPY).

The authoritative reference and input builder live on the scoring server;
editing this copy changes nothing except your own understanding.
"""

import jax, jax.numpy as jnp
import numpy as np

N, F_IN, HIDDEN, C = 10000, 128, 128, 40
E = 320000


def gcn_conv(x, edge_index, W, b):
    n = x.shape[0]
    src = edge_index[0]
    dst = edge_index[1]
    loop = jnp.arange(n, dtype=src.dtype)
    src = jnp.concatenate([src, loop])
    dst = jnp.concatenate([dst, loop])
    deg = jnp.zeros((n,), dtype=x.dtype).at[dst].add(1.0)
    dinv = jnp.where(deg > 0, 1.0 / jnp.sqrt(deg), 0.0)
    norm = dinv[src] * dinv[dst]
    h = x @ W
    msg = h[src] * norm[:, None]
    out = jnp.zeros((n, W.shape[1]), dtype=x.dtype).at[dst].add(msg)
    return out + b


def setup_inputs(seed: int = 0) -> dict:
    key = jax.random.key(seed)
    k1, k2, k3, k4, k5, k6 = jax.random.split(key, 6)
    x = jax.random.normal(k1, (N, F_IN), dtype=jnp.float32)
    edge_index = jax.random.randint(k2, (2, E), 0, N, dtype=jnp.int32)
    W1 = jax.random.normal(k3, (F_IN, HIDDEN), dtype=jnp.float32) * (1.0 / np.sqrt(F_IN))
    b1 = jnp.zeros((HIDDEN,), dtype=jnp.float32)
    W2 = jax.random.normal(k4, (HIDDEN, C), dtype=jnp.float32) * (1.0 / np.sqrt(HIDDEN))
    b2 = jnp.zeros((C,), dtype=jnp.float32)
    return {"x": x, "edge_index": edge_index, "W1": W1, "b1": b1, "W2": W2, "b2": b2}


def reference(x, edge_index, W1, b1, W2, b2):
    h = jax.nn.relu(gcn_conv(x, edge_index, W1, b1))
    out = gcn_conv(h, edge_index, W2, b2)
    return jax.nn.log_softmax(out, axis=1)

if __name__ == "__main__":
    import jax
    _d = setup_inputs()
    print(jax.jit(kernel)(*tuple(_d.values())))

</pallas_src>

<mosaic_0001>
#map = affine_map<(d0, d1) -> (0, 0)>
module attributes {stable_mosaic.version = 14 : i64} {
  func.func @_msg_body(%arg0: i32, %arg1: i32, %arg2: memref<10240x64xbf16, #tpu.memory_space<hbm>>, %arg3: memref<2560x128xi32, #tpu.memory_space<hbm>>, %arg4: memref<2560x128xi32, #tpu.memory_space<hbm>>, %arg5: memref<128x64xbf16, #tpu.memory_space<hbm>>, %arg6: memref<20480x64xbf16, #tpu.memory_space<hbm>>, %arg7: memref<80x128xi32, #tpu.memory_space<vmem>>, %arg8: memref<80x128xi32, #tpu.memory_space<vmem>>, %arg9: memref<4x128x64xbf16, #tpu.memory_space<vmem>>, %arg10: memref<4x!tpu.dma_semaphore, #tpu.memory_space<semaphore_mem>>, %arg11: memref<10240x64xbf16, #tpu.memory_space<vmem_shared>>, %arg12: memref<10240x64xbf16, #tpu.memory_space<vmem_shared>>) attributes {dimension_semantics = [#tpu.dimension_semantics<core_parallel>, #tpu.dimension_semantics<subcore_parallel>], iteration_bounds = array<i64: 2, 16>, scalar_prefetch = 0 : i64, scratch_operands = 6 : i64, tpu.core_type = #tpu.core_type<sc_vector_subcore>, window_params = [{transform_indices = #map}, {transform_indices = #map}, {transform_indices = #map}, {transform_indices = #map}, {transform_indices = #map}]} {
    %mul3A = arith.constant 2 : i32
    %mul3A_0 = arith.muli %arg1, %mul3A : i32
    %add3A = arith.addi %mul3A_0, %arg0 : i32
    %mul3A_1 = arith.constant 640 : i32
    %mul3A_2 = arith.muli %arg1, %mul3A_1 : i32
    %add3A_3 = arith.constant 0 : i32
    %add3A_4 = arith.addi %mul3A_2, %add3A_3 : i32
    "tpu.region"() ({
      %run_scoped3A = tpu.sem_alloc : memref<!tpu.dma_semaphore, #tpu.memory_space<semaphore_mem>>
      %dma_start3A_87 = arith.constant 0 : i32
      %dma_start3A_88 = tpu.memref_slice %arg12[%add3A_4, %dma_start3A_87] : memref<10240x64xbf16, #tpu.memory_space<vmem_shared>> -> memref<128x64xbf16, #tpu.memory_space<vmem_shared>>
      tpu.enqueue_dma source(%arg5 : memref<128x64xbf16, #tpu.memory_space<hbm>>) target(%dma_start3A_88 : memref<128x64xbf16, #tpu.memory_space<vmem_shared>>) target_semaphore(%run_scoped3A : memref<!tpu.dma_semaphore, #tpu.memory_space<semaphore_mem>>)
      %dma_wait3A = arith.constant 0 : i32
      %dma_wait3A_89 = tpu.memref_slice %arg12[%add3A_4, %dma_wait3A] : memref<10240x64xbf16, #tpu.memory_space<vmem_shared>> -> memref<128x64xbf16, #tpu.memory_space<vmem_shared>>
      tpu.wait_dma2 semaphore(%run_scoped3A : memref<!tpu.dma_semaphore, #tpu.memory_space<semaphore_mem>>) src(%arg5 : memref<128x64xbf16, #tpu.memory_space<hbm>>) dst(%dma_wait3A_89 : memref<128x64xbf16, #tpu.memory_space<vmem_shared>>)
      tpu.yield
    }) : () -> ()
    %add3A_5 = arith.constant 128 : i32
    %add3A_6 = arith.addi %mul3A_2, %add3A_5 : i32
    "tpu.region"() ({
      %run_scoped3A = tpu.sem_alloc : memref<!tpu.dma_semaphore, #tpu.memory_space<semaphore_mem>>
      %dma_start3A_87 = arith.constant 0 : i32
      %dma_start3A_88 = tpu.memref_slice %arg12[%add3A_6, %dma_start3A_87] : memref<10240x64xbf16, #tpu.memory_space<vmem_shared>> -> memref<128x64xbf16, #tpu.memory_space<vmem_shared>>
      tpu.enqueue_dma source(%arg5 : memref<128x64xbf16, #tpu.memory_space<hbm>>) target(%dma_start3A_88 : memref<128x64xbf16, #tpu.memory_space<vmem_shared>>) target_semaphore(%run_scoped3A : memref<!tpu.dma_semaphore, #tpu.memory_space<semaphore_mem>>)
      %dma_wait3A = arith.constant 0 : i32
      %dma_wait3A_89 = tpu.memref_slice %arg12[%add3A_6, %dma_wait3A] : memref<10240x64xbf16, #tpu.memory_space<vmem_shared>> -> memref<128x64xbf16, #tpu.memory_space<vmem_shared>>
      tpu.wait_dma2 semaphore(%run_scoped3A : memref<!tpu.dma_semaphore, #tpu.memory_space<semaphore_mem>>) src(%arg5 : memref<128x64xbf16, #tpu.memory_space<hbm>>) dst(%dma_wait3A_89 : memref<128x64xbf16, #tpu.memory_space<vmem_shared>>)
      tpu.yield
    }) : () -> ()
    %add3A_7 = arith.constant 256 : i32
    %add3A_8 = arith.addi %mul3A_2, %add3A_7 : i32
    "tpu.region"() ({
      %run_scoped3A = tpu.sem_alloc : memref<!tpu.dma_semaphore, #tpu.memory_space<semaphore_mem>>
      %dma_start3A_87 = arith.constant 0 : i32
      %dma_start3A_88 = tpu.memref_slice %arg12[%add3A_8, %dma_start3A_87] : memref<10240x64xbf16, #tpu.memory_space<vmem_shared>> -> memref<128x64xbf16, #tpu.memory_space<vmem_shared>>
      tpu.enqueue_dma source(%arg5 : memref<128x64xbf16, #tpu.memory_space<hbm>>) target(%dma_start3A_88 : memref<128x64xbf16, #tpu.memory_space<vmem_shared>>) target_semaphore(%run_scoped3A : memref<!tpu.dma_semaphore, #tpu.memory_space<semaphore_mem>>)
      %dma_wait3A = arith.constant 0 : i32
      %dma_wait3A_89 = tpu.memref_slice %arg12[%add3A_8, %dma_wait3A] : memref<10240x64xbf16, #tpu.memory_space<vmem_shared>> -> memref<128x64xbf16, #tpu.memory_space<vmem_shared>>
      tpu.wait_dma2 semaphore(%run_scoped3A : memref<!tpu.dma_semaphore, #tpu.memory_space<semaphore_mem>>) src(%arg5 : memref<128x64xbf16, #tpu.memory_space<hbm>>) dst(%dma_wait3A_89 : memref<128x64xbf16, #tpu.memory_space<vmem_shared>>)
      tpu.yield
    }) : () -> ()
    %add3A_9 = arith.constant 384 : i32
    %add3A_10 = arith.addi %mul3A_2, %add3A_9 : i32
    "tpu.region"() ({
      %run_scoped3A = tpu.sem_alloc : memref<!tpu.dma_semaphore, #tpu.memory_space<semaphore_mem>>
      %dma_start3A_87 = arith.constant 0 : i32
      %dma_start3A_88 = tpu.memref_slice %arg12[%add3A_10, %dma_start3A_87] : memref<10240x64xbf16, #tpu.memory_space<vmem_shared>> -> memref<128x64xbf16, #tpu.memory_space<vmem_shared>>
      tpu.enqueue_dma source(%arg5 : memref<128x64xbf16, #tpu.memory_space<hbm>>) target(%dma_start3A_88 : memref<128x64xbf16, #tpu.memory_space<vmem_shared>>) target_semaphore(%run_scoped3A : memref<!tpu.dma_semaphore, #tpu.memory_space<semaphore_mem>>)
      %dma_wait3A = arith.constant 0 : i32
      %dma_wait3A_89 = tpu.memref_slice %arg12[%add3A_10, %dma_wait3A] : memref<10240x64xbf16, #tpu.memory_space<vmem_shared>> -> memref<128x64xbf16, #tpu.memory_space<vmem_shared>>
      tpu.wait_dma2 semaphore(%run_scoped3A : memref<!tpu.dma_semaphore, #tpu.memory_space<semaphore_mem>>) src(%arg5 : memref<128x64xbf16, #tpu.memory_space<hbm>>) dst(%dma_wait3A_89 : memref<128x64xbf16, #tpu.memory_space<vmem_shared>>)
      tpu.yield
    }) : () -> ()
    %add3A_11 = arith.constant 512 : i32
    %add3A_12 = arith.addi %mul3A_2, %add3A_11 : i32
    "tpu.region"() ({
      %run_scoped3A = tpu.sem_alloc : memref<!tpu.dma_semaphore, #tpu.memory_space<semaphore_mem>>
      %dma_start3A_87 = arith.constant 0 : i32
      %dma_start3A_88 = tpu.memref_slice %arg12[%add3A_12, %dma_start3A_87] : memref<10240x64xbf16, #tpu.memory_space<vmem_shared>> -> memref<128x64xbf16, #tpu.memory_space<vmem_shared>>
      tpu.enqueue_dma source(%arg5 : memref<128x64xbf16, #tpu.memory_space<hbm>>) target(%dma_start3A_88 : memref<128x64xbf16, #tpu.memory_space<vmem_shared>>) target_semaphore(%run_scoped3A : memref<!tpu.dma_semaphore, #tpu.memory_space<semaphore_mem>>)
      %dma_wait3A = arith.constant 0 : i32
      %dma_wait3A_89 = tpu.memref_slice %arg12[%add3A_12, %dma_wait3A] : memref<10240x64xbf16, #tpu.memory_space<vmem_shared>> -> memref<128x64xbf16, #tpu.memory_space<vmem_shared>>
      tpu.wait_dma2 semaphore(%run_scoped3A : memref<!tpu.dma_semaphore, #tpu.memory_space<semaphore_mem>>) src(%arg5 : memref<128x64xbf16, #tpu.memory_space<hbm>>) dst(%dma_wait3A_89 : memref<128x64xbf16, #tpu.memory_space<vmem_shared>>)
      tpu.yield
    }) : () -> ()
    "tpu.region"() ({
      %run_scoped3A = tpu.sem_alloc : memref<!tpu.dma_semaphore, #tpu.memory_space<semaphore_mem>>
      %dma_start3A_87 = arith.constant 0 : i32
      %dma_start3A_88 = tpu.memref_slice %arg11[%mul3A_2, %dma_start3A_87] : memref<10240x64xbf16, #tpu.memory_space<vmem_shared>> -> memref<640x64xbf16, #tpu.memory_space<vmem_shared>>
      %dma_start3A_89 = arith.constant 0 : i32
      %dma_start3A_90 = tpu.memref_slice %arg2[%mul3A_2, %dma_start3A_89] : memref<10240x64xbf16, #tpu.memory_space<hbm>> -> memref<640x64xbf16, #tpu.memory_space<hbm>>
      tpu.enqueue_dma source(%dma_start3A_90 : memref<640x64xbf16, #tpu.memory_space<hbm>>) target(%dma_start3A_88 : memref<640x64xbf16, #tpu.memory_space<vmem_shared>>) target_semaphore(%run_scoped3A : memref<!tpu.dma_semaphore, #tpu.memory_space<semaphore_mem>>)
      %dma_wait3A = arith.constant 0 : i32
      %dma_wait3A_91 = tpu.memref_slice %arg11[%mul3A_2, %dma_wait3A] : memref<10240x64xbf16, #tpu.memory_space<vmem_shared>> -> memref<640x64xbf16, #tpu.memory_space<vmem_shared>>
      %dma_wait3A_92 = arith.constant 0 : i32
      %dma_wait3A_93 = tpu.memref_slice %arg2[%mul3A_2, %dma_wait3A_92] : memref<10240x64xbf16, #tpu.memory_space<hbm>> -> memref<640x64xbf16, #tpu.memory_space<hbm>>
      tpu.wait_dma2 semaphore(%run_scoped3A : memref<!tpu.dma_semaphore, #tpu.memory_space<semaphore_mem>>) src(%dma_wait3A_93 : memref<640x64xbf16, #tpu.memory_space<hbm>>) dst(%dma_wait3A_91 : memref<640x64xbf16, #tpu.memory_space<vmem_shared>>)
      tpu.yield
    }) : () -> ()
    %barrier3A = arith.constant 0 : index
    tpu.barrier barrier_id(%barrier3A)
    %mul3A_13 = arith.constant 80 : i32
    %mul3A_14 = arith.muli %add3A, %mul3A_13 : i32
    %add3A_15 = arith.constant 0 : i32
    %add3A_16 = arith.addi %mul3A_14, %add3A_15 : i32
    "tpu.region"() ({
      %run_scoped3A = tpu.sem_alloc : memref<!tpu.dma_semaphore, #tpu.memory_space<semaphore_mem>>
      %dma_start3A_87 = arith.constant 0 : i32
      %dma_start3A_88 = tpu.memref_slice %arg3[%add3A_16, %dma_start3A_87] : memref<2560x128xi32, #tpu.memory_space<hbm>> -> memref<80x128xi32, #tpu.memory_space<hbm>>
      %dma_start3A_89 = arith.constant 0 : i32
      %dma_start3A_90 = tpu.memref_slice %arg3[%add3A_16, %dma_start3A_89] : memref<2560x128xi32, #tpu.memory_space<hbm>> -> memref<80x128xi32, #tpu.memory_space<hbm>>
      tpu.enqueue_dma source(%dma_start3A_90 : memref<80x128xi32, #tpu.memory_space<hbm>>) target(%arg7 : memref<80x128xi32, #tpu.memory_space<vmem>>) target_semaphore(%run_scoped3A : memref<!tpu.dma_semaphore, #tpu.memory_space<semaphore_mem>>)
      %dma_wait3A = arith.constant 0 : i32
      %dma_wait3A_91 = tpu.memref_slice %arg3[%add3A_16, %dma_wait3A] : memref<2560x128xi32, #tpu.memory_space<hbm>> -> memref<80x128xi32, #tpu.memory_space<hbm>>
      %dma_wait3A_92 = arith.constant 0 : i32
      %dma_wait3A_93 = tpu.memref_slice %arg3[%add3A_16, %dma_wait3A_92] : memref<2560x128xi32, #tpu.memory_space<hbm>> -> memref<80x128xi32, #tpu.memory_space<hbm>>
      tpu.wait_dma2 semaphore(%run_scoped3A : memref<!tpu.dma_semaphore, #tpu.memory_space<semaphore_mem>>) src(%dma_wait3A_93 : memref<80x128xi32, #tpu.memory_space<hbm>>) dst(%arg7 : memref<80x128xi32, #tpu.memory_space<vmem>>)
      tpu.yield
    }) : () -> ()
    "tpu.region"() ({
      %run_scoped3A = tpu.sem_alloc : memref<!tpu.dma_semaphore, #tpu.memory_space<semaphore_mem>>
      %dma_start3A_87 = arith.constant 0 : i32
      %dma_start3A_88 = tpu.memref_slice %arg4[%add3A_16, %dma_start3A_87] : memref<2560x128xi32, #tpu.memory_space<hbm>> -> memref<80x128xi32, #tpu.memory_space<hbm>>
      %dma_start3A_89 = arith.constant 0 : i32
      %dma_start3A_90 = tpu.memref_slice %arg4[%add3A_16, %dma_start3A_89] : memref<2560x128xi32, #tpu.memory_space<hbm>> -> memref<80x128xi32, #tpu.memory_space<hbm>>
      tpu.enqueue_dma source(%dma_start3A_90 : memref<80x128xi32, #tpu.memory_space<hbm>>) target(%arg8 : memref<80x128xi32, #tpu.memory_space<vmem>>) target_semaphore(%run_scoped3A : memref<!tpu.dma_semaphore, #tpu.memory_space<semaphore_mem>>)
      %dma_wait3A = arith.constant 0 : i32
      %dma_wait3A_91 = tpu.memref_slice %arg4[%add3A_16, %dma_wait3A] : memref<2560x128xi32, #tpu.memory_space<hbm>> -> memref<80x128xi32, #tpu.memory_space<hbm>>
      %dma_wait3A_92 = arith.constant 0 : i32
      %dma_wait3A_93 = tpu.memref_slice %arg4[%add3A_16, %dma_wait3A_92] : memref<2560x128xi32, #tpu.memory_space<hbm>> -> memref<80x128xi32, #tpu.memory_space<hbm>>
      tpu.wait_dma2 semaphore(%run_scoped3A : memref<!tpu.dma_semaphore, #tpu.memory_space<semaphore_mem>>) src(%dma_wait3A_93 : memref<80x128xi32, #tpu.memory_space<hbm>>) dst(%arg8 : memref<80x128xi32, #tpu.memory_space<vmem>>)
      tpu.yield
    }) : () -> ()
    %dma_start3A = arith.constant 0 : i32
    %dma_start3A_17 = arith.constant 0 : i32
    %dma_start3A_18 = arith.constant 0 : i32
    %dma_start3A_19 = arith.constant 0 : i32
    %dma_start3A_20 = arith.constant 0 : i32
    %dma_start3A_21 = tpu.memref_slice %arg9[%dma_start3A_17, %dma_start3A_19, %dma_start3A_20] : memref<4x128x64xbf16, #tpu.memory_space<vmem>> -> memref<1x128x64xbf16, #tpu.memory_space<vmem>>
    %dma_start3A_22 = tpu.memref_squeeze %dma_start3A_21 : memref<1x128x64xbf16, #tpu.memory_space<vmem>> -> memref<128x64xbf16, #tpu.memory_space<vmem>>
    %dma_start3A_23 = arith.constant 0 : i32
    %dma_start3A_24 = tpu.memref_slice %arg7[%dma_start3A, %dma_start3A_23] : memref<80x128xi32, #tpu.memory_space<vmem>> -> memref<1x128xi32, #tpu.memory_space<vmem>>
    %dma_start3A_25 = tpu.memref_squeeze %dma_start3A_24 : memref<1x128xi32, #tpu.memory_space<vmem>> -> memref<128xi32, #tpu.memory_space<vmem>>
    %dma_start3A_26 = arith.constant 0 : i32
    %dma_start3A_27 = arith.constant 0 : i32
    %dma_start3A_28 = tpu.memref_slice %arg11[%dma_start3A_26, %dma_start3A_27] : memref<10240x64xbf16, #tpu.memory_space<vmem_shared>> -> memref<10240x64xbf16, #tpu.memory_space<vmem_shared>>
    %dma_start3A_29 = tpu.memref_slice %arg10[%dma_start3A_18] : memref<4x!tpu.dma_semaphore, #tpu.memory_space<semaphore_mem>> -> memref<1x!tpu.dma_semaphore, #tpu.memory_space<semaphore_mem>>
    %dma_start3A_30 = tpu.memref_squeeze %dma_start3A_29 : memref<1x!tpu.dma_semaphore, #tpu.memory_space<semaphore_mem>> -> memref<!tpu.dma_semaphore, #tpu.memory_space<semaphore_mem>>
    tpu.enqueue_indirect_dma source(%dma_start3A_28 : memref<10240x64xbf16, #tpu.memory_space<vmem_shared>>) target(%dma_start3A_22 : memref<128x64xbf16, #tpu.memory_space<vmem>>) offsets(%dma_start3A_25 : memref<128xi32, #tpu.memory_space<vmem>>) semaphore(%dma_start3A_30 : memref<!tpu.dma_semaphore, #tpu.memory_space<semaphore_mem>>)
    %dma_start3A_31 = arith.constant 1 : i32
    %dma_start3A_32 = arith.constant 1 : i32
    %dma_start3A_33 = arith.constant 1 : i32
    %dma_start3A_34 = arith.constant 0 : i32
    %dma_start3A_35 = arith.constant 0 : i32
    %dma_start3A_36 = tpu.memref_slice %arg9[%dma_start3A_32, %dma_start3A_34, %dma_start3A_35] : memref<4x128x64xbf16, #tpu.memory_space<vmem>> -> memref<1x128x64xbf16, #tpu.memory_space<vmem>>
    %dma_start3A_37 = tpu.memref_squeeze %dma_start3A_36 : memref<1x128x64xbf16, #tpu.memory_space<vmem>> -> memref<128x64xbf16, #tpu.memory_space<vmem>>
    %dma_start3A_38 = arith.constant 0 : i32
    %dma_start3A_39 = tpu.memref_slice %arg7[%dma_start3A_31, %dma_start3A_38] : memref<80x128xi32, #tpu.memory_space<vmem>> -> memref<1x128xi32, #tpu.memory_space<vmem>>
    %dma_start3A_40 = tpu.memref_squeeze %dma_start3A_39 : memref<1x128xi32, #tpu.memory_space<vmem>> -> memref<128xi32, #tpu.memory_space<vmem>>
    %dma_start3A_41 = arith.constant 0 : i32
    %dma_start3A_42 = arith.constant 0 : i32
    %dma_start3A_43 = tpu.memref_slice %arg11[%dma_start3A_41, %dma_start3A_42] : memref<10240x64xbf16, #tpu.memory_space<vmem_shared>> -> memref<10240x64xbf16, #tpu.memory_space<vmem_shared>>
    %dma_start3A_44 = tpu.memref_slice %arg10[%dma_start3A_33] : memref<4x!tpu.dma_semaphore, #tpu.memory_space<semaphore_mem>> -> memref<1x!tpu.dma_semaphore, #tpu.memory_space<semaphore_mem>>
    %dma_start3A_45 = tpu.memref_squeeze %dma_start3A_44 : memref<1x!tpu.dma_semaphore, #tpu.memory_space<semaphore_mem>> -> memref<!tpu.dma_semaphore, #tpu.memory_space<semaphore_mem>>
    tpu.enqueue_indirect_dma source(%dma_start3A_43 : memref<10240x64xbf16, #tpu.memory_space<vmem_shared>>) target(%dma_start3A_37 : memref<128x64xbf16, #tpu.memory_space<vmem>>) offsets(%dma_start3A_40 : memref<128xi32, #tpu.memory_space<vmem>>) semaphore(%dma_start3A_45 : memref<!tpu.dma_semaphore, #tpu.memory_space<semaphore_mem>>)
    %dma_start3A_46 = arith.constant 2 : i32
    %dma_start3A_47 = arith.constant 2 : i32
    %dma_start3A_48 = arith.constant 2 : i32
    %dma_start3A_49 = arith.constant 0 : i32
    %dma_start3A_50 = arith.constant 0 : i32
    %dma_start3A_51 = tpu.memref_slice %arg9[%dma_start3A_47, %dma_start3A_49, %dma_start3A_50] : memref<4x128x64xbf16, #tpu.memory_space<vmem>> -> memref<1x128x64xbf16, #tpu.memory_space<vmem>>
    %dma_start3A_52 = tpu.memref_squeeze %dma_start3A_51 : memref<1x128x64xbf16, #tpu.memory_space<vmem>> -> memref<128x64xbf16, #tpu.memory_space<vmem>>
    %dma_start3A_53 = arith.constant 0 : i32
    %dma_start3A_54 = tpu.memref_slice %arg7[%dma_start3A_46, %dma_start3A_53] : memref<80x128xi32, #tpu.memory_space<vmem>> -> memref<1x128xi32, #tpu.memory_space<vmem>>
    %dma_start3A_55 = tpu.memref_squeeze %dma_start3A_54 : memref<1x128xi32, #tpu.memory_space<vmem>> -> memref<128xi32, #tpu.memory_space<vmem>>
    %dma_start3A_56 = arith.constant 0 : i32
    %dma_start3A_57 = arith.constant 0 : i32
    %dma_start3A_58 = tpu.memref_slice %arg11[%dma_start3A_56, %dma_start3A_57] : memref<10240x64xbf16, #tpu.memory_space<vmem_shared>> -> memref<10240x64xbf16, #tpu.memory_space<vmem_shared>>
    %dma_start3A_59 = tpu.memref_slice %arg10[%dma_start3A_48] : memref<4x!tpu.dma_semaphore, #tpu.memory_space<semaphore_mem>> -> memref<1x!tpu.dma_semaphore, #tpu.memory_space<semaphore_mem>>
    %dma_start3A_60 = tpu.memref_squeeze %dma_start3A_59 : memref<1x!tpu.dma_semaphore, #tpu.memory_space<semaphore_mem>> -> memref<!tpu.dma_semaphore, #tpu.memory_space<semaphore_mem>>
    tpu.enqueue_indirect_dma source(%dma_start3A_58 : memref<10240x64xbf16, #tpu.memory_space<vmem_shared>>) target(%dma_start3A_52 : memref<128x64xbf16, #tpu.memory_space<vmem>>) offsets(%dma_start3A_55 : memref<128xi32, #tpu.memory_space<vmem>>) semaphore(%dma_start3A_60 : memref<!tpu.dma_semaphore, #tpu.memory_space<semaphore_mem>>)
    %dma_start3A_61 = arith.constant 3 : i32
    %dma_start3A_62 = arith.constant 3 : i32
    %dma_start3A_63 = arith.constant 3 : i32
    %dma_start3A_64 = arith.constant 0 : i32
    %dma_start3A_65 = arith.constant 0 : i32
    %dma_start3A_66 = tpu.memref_slice %arg9[%dma_start3A_62, %dma_start3A_64, %dma_start3A_65] : memref<4x128x64xbf16, #tpu.memory_space<vmem>> -> memref<1x128x64xbf16, #tpu.memory_space<vmem>>
    %dma_start3A_67 = tpu.memref_squeeze %dma_start3A_66 : memref<1x128x64xbf16, #tpu.memory_space<vmem>> -> memref<128x64xbf16, #tpu.memory_space<vmem>>
    %dma_start3A_68 = arith.constant 0 : i32
    %dma_start3A_69 = tpu.memref_slice %arg7[%dma_start3A_61, %dma_start3A_68] : memref<80x128xi32, #tpu.memory_space<vmem>> -> memref<1x128xi32, #tpu.memory_space<vmem>>
    %dma_start3A_70 = tpu.memref_squeeze %dma_start3A_69 : memref<1x128xi32, #tpu.memory_space<vmem>> -> memref<128xi32, #tpu.memory_space<vmem>>
    %dma_start3A_71 = arith.constant 0 : i32
    %dma_start3A_72 = arith.constant 0 : i32
    %dma_start3A_73 = tpu.memref_slice %arg11[%dma_start3A_71, %dma_start3A_72] : memref<10240x64xbf16, #tpu.memory_space<vmem_shared>> -> memref<10240x64xbf16, #tpu.memory_space<vmem_shared>>
    %dma_start3A_74 = tpu.memref_slice %arg10[%dma_start3A_63] : memref<4x!tpu.dma_semaphore, #tpu.memory_space<semaphore_mem>> -> memref<1x!tpu.dma_semaphore, #tpu.memory_space<semaphore_mem>>
    %dma_start3A_75 = tpu.memref_squeeze %dma_start3A_74 : memref<1x!tpu.dma_semaphore, #tpu.memory_space<semaphore_mem>> -> memref<!tpu.dma_semaphore, #tpu.memory_space<semaphore_mem>>
    tpu.enqueue_indirect_dma source(%dma_start3A_73 : memref<10240x64xbf16, #tpu.memory_space<vmem_shared>>) target(%dma_start3A_67 : memref<128x64xbf16, #tpu.memory_space<vmem>>) offsets(%dma_start3A_70 : memref<128xi32, #tpu.memory_space<vmem>>) semaphore(%dma_start3A_75 : memref<!tpu.dma_semaphore, #tpu.memory_space<semaphore_mem>>)
    %scan3A = arith.constant 0 : i32
    %scan3A_76 = arith.constant 0 : i32
    %scan3A_77 = arith.constant 20 : i32
    %scan3A_78 = arith.addi %scan3A_76, %scan3A_77 : i32
    %scan3A_79 = arith.constant 1 : i32
    scf.for %scan3A_87 = %scan3A_76 to %scan3A_78 step %scan3A_79  : i32 {
      %mul3A_88 = arith.constant 4 : i32
      %mul3A_89 = arith.muli %scan3A_87, %mul3A_88 : i32
      %add3A_90 = arith.constant 0 : i32
      %add3A_91 = arith.addi %mul3A_89, %add3A_90 : i32
      %dma_wait3A = arith.constant 0 : i32
      %dma_wait3A_92 = arith.constant 0 : i32
      %dma_wait3A_93 = arith.constant 0 : i32
      %dma_wait3A_94 = arith.constant 0 : i32
      %dma_wait3A_95 = tpu.memref_slice %arg9[%dma_wait3A, %dma_wait3A_93, %dma_wait3A_94] : memref<4x128x64xbf16, #tpu.memory_space<vmem>> -> memref<1x128x64xbf16, #tpu.memory_space<vmem>>
      %dma_wait3A_96 = tpu.memref_squeeze %dma_wait3A_95 : memref<1x128x64xbf16, #tpu.memory_space<vmem>> -> memref<128x64xbf16, #tpu.memory_space<vmem>>
      %dma_wait3A_97 = arith.constant 0 : i32
      %dma_wait3A_98 = tpu.memref_slice %arg7[%add3A_91, %dma_wait3A_97] : memref<80x128xi32, #tpu.memory_space<vmem>> -> memref<1x128xi32, #tpu.memory_space<vmem>>
      %dma_wait3A_99 = tpu.memref_squeeze %dma_wait3A_98 : memref<1x128xi32, #tpu.memory_space<vmem>> -> memref<128xi32, #tpu.memory_space<vmem>>
      %dma_wait3A_100 = arith.constant 0 : i32
      %dma_wait3A_101 = arith.constant 0 : i32
      %dma_wait3A_102 = tpu.memref_slice %arg11[%dma_wait3A_100, %dma_wait3A_101] : memref<10240x64xbf16, #tpu.memory_space<vmem_shared>> -> memref<10240x64xbf16, #tpu.memory_space<vmem_shared>>
      %dma_wait3A_103 = tpu.memref_slice %arg10[%dma_wait3A_92] : memref<4x!tpu.dma_semaphore, #tpu.memory_space<semaphore_mem>> -> memref<1x!tpu.dma_semaphore, #tpu.memory_space<semaphore_mem>>
      %dma_wait3A_104 = tpu.memref_squeeze %dma_wait3A_103 : memref<1x!tpu.dma_semaphore, #tpu.memory_space<semaphore_mem>> -> memref<!tpu.dma_semaphore, #tpu.memory_space<semaphore_mem>>
      tpu.wait_indirect_dma semaphore(%dma_wait3A_104 : memref<!tpu.dma_semaphore, #tpu.memory_space<semaphore_mem>>) src(%dma_wait3A_102 : memref<10240x64xbf16, #tpu.memory_space<vmem_shared>>) dst(%dma_wait3A_96 : memref<128x64xbf16, #tpu.memory_space<vmem>>)
      %run_scoped3A = arith.constant 0 : i32
      "tpu.region"() ({
        %run_scoped3A_187 = tpu.sem_alloc : memref<!tpu.dma_semaphore, #tpu.memory_space<semaphore_mem>>
        %dma_start3A_188 = arith.constant 0 : i32
        %dma_start3A_189 = arith.constant 0 : i32
        %dma_start3A_190 = tpu.memref_slice %arg9[%run_scoped3A, %dma_start3A_188, %dma_start3A_189] : memref<4x128x64xbf16, #tpu.memory_space<vmem>> -> memref<1x128x64xbf16, #tpu.memory_space<vmem>>
        %dma_start3A_191 = tpu.memref_squeeze %dma_start3A_190 : memref<1x128x64xbf16, #tpu.memory_space<vmem>> -> memref<128x64xbf16, #tpu.memory_space<vmem>>
        %dma_start3A_192 = arith.constant 0 : i32
        %dma_start3A_193 = tpu.memref_slice %arg8[%add3A_91, %dma_start3A_192] : memref<80x128xi32, #tpu.memory_space<vmem>> -> memref<1x128xi32, #tpu.memory_space<vmem>>
        %dma_start3A_194 = tpu.memref_squeeze %dma_start3A_193 : memref<1x128xi32, #tpu.memory_space<vmem>> -> memref<128xi32, #tpu.memory_space<vmem>>
        %dma_start3A_195 = arith.constant 0 : i32
        %dma_start3A_196 = arith.constant 0 : i32
        %dma_start3A_197 = tpu.memref_slice %arg12[%dma_start3A_195, %dma_start3A_196] : memref<10240x64xbf16, #tpu.memory_space<vmem_shared>> -> memref<10240x64xbf16, #tpu.memory_space<vmem_shared>>
        tpu.enqueue_indirect_dma source(%dma_start3A_191 : memref<128x64xbf16, #tpu.memory_space<vmem>>) target(%dma_start3A_197 : memref<10240x64xbf16, #tpu.memory_space<vmem_shared>>) offsets(%dma_start3A_194 : memref<128xi32, #tpu.memory_space<vmem>>) semaphore(%run_scoped3A_187 : memref<!tpu.dma_semaphore, #tpu.memory_space<semaphore_mem>>) {add = true}
        %dma_wait3A_198 = arith.constant 0 : i32
        %dma_wait3A_199 = arith.constant 0 : i32
        %dma_wait3A_200 = tpu.memref_slice %arg9[%run_scoped3A, %dma_wait3A_198, %dma_wait3A_199] : memref<4x128x64xbf16, #tpu.memory_space<vmem>> -> memref<1x128x64xbf16, #tpu.memory_space<vmem>>
        %dma_wait3A_201 = tpu.memref_squeeze %dma_wait3A_200 : memref<1x128x64xbf16, #tpu.memory_space<vmem>> -> memref<128x64xbf16, #tpu.memory_space<vmem>>
        %dma_wait3A_202 = arith.constant 0 : i32
        %dma_wait3A_203 = tpu.memref_slice %arg8[%add3A_91, %dma_wait3A_202] : memref<80x128xi32, #tpu.memory_space<vmem>> -> memref<1x128xi32, #tpu.memory_space<vmem>>
        %dma_wait3A_204 = tpu.memref_squeeze %dma_wait3A_203 : memref<1x128xi32, #tpu.memory_space<vmem>> -> memref<128xi32, #tpu.memory_space<vmem>>
        %dma_wait3A_205 = arith.constant 0 : i32
        %dma_wait3A_206 = arith.constant 0 : i32
        %dma_wait3A_207 = tpu.memref_slice %arg12[%dma_wait3A_205, %dma_wait3A_206] : memref<10240x64xbf16, #tpu.memory_space<vmem_shared>> -> memref<10240x64xbf16, #tpu.memory_space<vmem_shared>>
        tpu.wait_indirect_dma semaphore(%run_scoped3A_187 : memref<!tpu.dma_semaphore, #tpu.memory_space<semaphore_mem>>) src(%dma_wait3A_201 : memref<128x64xbf16, #tpu.memory_space<vmem>>) dst(%dma_wait3A_207 : memref<10240x64xbf16, #tpu.memory_space<vmem_shared>>)
        tpu.yield
      }) : () -> ()
      %add3A_105 = arith.constant 4 : i32
      %add3A_106 = arith.addi %add3A_91, %add3A_105 : i32
      %lt3A = arith.constant 80 : i32
      %lt3A_107 = arith.cmpi slt, %add3A_106, %lt3A : i32
      %convert_element_type3A = arith.extui %lt3A_107 : i1 to i32
      %cond3A = arith.constant 0 : i32
      %cond3A_108 = arith.cmpi ne, %convert_element_type3A, %cond3A : i32
      scf.if %cond3A_108 {
        %dma_start3A_187 = arith.constant 0 : i32
        %dma_start3A_188 = arith.constant 0 : i32
        %dma_start3A_189 = arith.constant 0 : i32
        %dma_start3A_190 = arith.constant 0 : i32
        %dma_start3A_191 = tpu.memref_slice %arg9[%dma_start3A_187, %dma_start3A_189, %dma_start3A_190] : memref<4x128x64xbf16, #tpu.memory_space<vmem>> -> memref<1x128x64xbf16, #tpu.memory_space<vmem>>
        %dma_start3A_192 = tpu.memref_squeeze %dma_start3A_191 : memref<1x128x64xbf16, #tpu.memory_space<vmem>> -> memref<128x64xbf16, #tpu.memory_space<vmem>>
        %dma_start3A_193 = arith.constant 0 : i32
        %dma_start3A_194 = tpu.memref_slice %arg7[%add3A_106, %dma_start3A_193] : memref<80x128xi32, #tpu.memory_space<vmem>> -> memref<1x128xi32, #tpu.memory_space<vmem>>
        %dma_start3A_195 = tpu.memref_squeeze %dma_start3A_194 : memref<1x128xi32, #tpu.memory_space<vmem>> -> memref<128xi32, #tpu.memory_space<vmem>>
        %dma_start3A_196 = arith.constant 0 : i32
        %dma_start3A_197 = arith.constant 0 : i32
        %dma_start3A_198 = tpu.memref_slice %arg11[%dma_start3A_196, %dma_start3A_197] : memref<10240x64xbf16, #tpu.memory_space<vmem_shared>> -> memref<10240x64xbf16, #tpu.memory_space<vmem_shared>>
        %dma_start3A_199 = tpu.memref_slice %arg10[%dma_start3A_188] : memref<4x!tpu.dma_semaphore, #tpu.memory_space<semaphore_mem>> -> memref<1x!tpu.dma_semaphore, #tpu.memory_space<semaphore_mem>>
        %dma_start3A_200 = tpu.memref_squeeze %dma_start3A_199 : memref<1x!tpu.dma_semaphore, #tpu.memory_space<semaphore_mem>> -> memref<!tpu.dma_semaphore, #tpu.memory_space<semaphore_mem>>
        tpu.enqueue_indirect_dma source(%dma_start3A_198 : memref<10240x64xbf16, #tpu.memory_space<vmem_shared>>) target(%dma_start3A_192 : memref<128x64xbf16, #tpu.memory_space<vmem>>) offsets(%dma_start3A_195 : memref<128xi32, #tpu.memory_space<vmem>>) semaphore(%dma_start3A_200 : memref<!tpu.dma_semaphore, #tpu.memory_space<semaphore_mem>>)
      } else {
      }
      %mul3A_109 = arith.constant 4 : i32
      %mul3A_110 = arith.muli %scan3A_87, %mul3A_109 : i32
      %add3A_111 = arith.constant 1 : i32
      %add3A_112 = arith.addi %mul3A_110, %add3A_111 : i32
      %dma_wait3A_113 = arith.constant 1 : i32
      %dma_wait3A_114 = arith.constant 1 : i32
      %dma_wait3A_115 = arith.constant 0 : i32
      %dma_wait3A_116 = arith.constant 0 : i32
      %dma_wait3A_117 = tpu.memref_slice %arg9[%dma_wait3A_113, %dma_wait3A_115, %dma_wait3A_116] : memref<4x128x64xbf16, #tpu.memory_space<vmem>> -> memref<1x128x64xbf16, #tpu.memory_space<vmem>>
      %dma_wait3A_118 = tpu.memref_squeeze %dma_wait3A_117 : memref<1x128x64xbf16, #tpu.memory_space<vmem>> -> memref<128x64xbf16, #tpu.memory_space<vmem>>
      %dma_wait3A_119 = arith.constant 0 : i32
      %dma_wait3A_120 = tpu.memref_slice %arg7[%add3A_112, %dma_wait3A_119] : memref<80x128xi32, #tpu.memory_space<vmem>> -> memref<1x128xi32, #tpu.memory_space<vmem>>
      %dma_wait3A_121 = tpu.memref_squeeze %dma_wait3A_120 : memref<1x128xi32, #tpu.memory_space<vmem>> -> memref<128xi32, #tpu.memory_space<vmem>>
      %dma_wait3A_122 = arith.constant 0 : i32
      %dma_wait3A_123 = arith.constant 0 : i32
      %dma_wait3A_124 = tpu.memref_slice %arg11[%dma_wait3A_122, %dma_wait3A_123] : memref<10240x64xbf16, #tpu.memory_space<vmem_shared>> -> memref<10240x64xbf16, #tpu.memory_space<vmem_shared>>
      %dma_wait3A_125 = tpu.memref_slice %arg10[%dma_wait3A_114] : memref<4x!tpu.dma_semaphore, #tpu.memory_space<semaphore_mem>> -> memref<1x!tpu.dma_semaphore, #tpu.memory_space<semaphore_mem>>
      %dma_wait3A_126 = tpu.memref_squeeze %dma_wait3A_125 : memref<1x!tpu.dma_semaphore, #tpu.memory_space<semaphore_mem>> -> memref<!tpu.dma_semaphore, #tpu.memory_space<semaphore_mem>>
      tpu.wait_indirect_dma semaphore(%dma_wait3A_126 : memref<!tpu.dma_semaphore, #tpu.memory_space<semaphore_mem>>) src(%dma_wait3A_124 : memref<10240x64xbf16, #tpu.memory_space<vmem_shared>>) dst(%dma_wait3A_118 : memref<128x64xbf16, #tpu.memory_space<vmem>>)
      %run_scoped3A_127 = arith.constant 1 : i32
      "tpu.region"() ({
        %run_scoped3A_187 = tpu.sem_alloc : memref<!tpu.dma_semaphore, #tpu.memory_space<semaphore_mem>>
        %dma_start3A_188 = arith.constant 0 : i32
        %dma_start3A_189 = arith.constant 0 : i32
        %dma_start3A_190 = tpu.memref_slice %arg9[%run_scoped3A_127, %dma_start3A_188, %dma_start3A_189] : memref<4x128x64xbf16, #tpu.memory_space<vmem>> -> memref<1x128x64xbf16, #tpu.memory_space<vmem>>
        %dma_start3A_191 = tpu.memref_squeeze %dma_start3A_190 : memref<1x128x64xbf16, #tpu.memory_space<vmem>> -> memref<128x64xbf16, #tpu.memory_space<vmem>>
        %dma_start3A_192 = arith.constant 0 : i32
        %dma_start3A_193 = tpu.memref_slice %arg8[%add3A_112, %dma_start3A_192] : memref<80x128xi32, #tpu.memory_space<vmem>> -> memref<1x128xi32, #tpu.memory_space<vmem>>
        %dma_start3A_194 = tpu.memref_squeeze %dma_start3A_193 : memref<1x128xi32, #tpu.memory_space<vmem>> -> memref<128xi32, #tpu.memory_space<vmem>>
        %dma_start3A_195 = arith.constant 0 : i32
        %dma_start3A_196 = arith.constant 0 : i32
        %dma_start3A_197 = tpu.memref_slice %arg12[%dma_start3A_195, %dma_start3A_196] : memref<10240x64xbf16, #tpu.memory_space<vmem_shared>> -> memref<10240x64xbf16, #tpu.memory_space<vmem_shared>>
        tpu.enqueue_indirect_dma source(%dma_start3A_191 : memref<128x64xbf16, #tpu.memory_space<vmem>>) target(%dma_start3A_197 : memref<10240x64xbf16, #tpu.memory_space<vmem_shared>>) offsets(%dma_start3A_194 : memref<128xi32, #tpu.memory_space<vmem>>) semaphore(%run_scoped3A_187 : memref<!tpu.dma_semaphore, #tpu.memory_space<semaphore_mem>>) {add = true}
        %dma_wait3A_198 = arith.constant 0 : i32
        %dma_wait3A_199 = arith.constant 0 : i32
        %dma_wait3A_200 = tpu.memref_slice %arg9[%run_scoped3A_127, %dma_wait3A_198, %dma_wait3A_199] : memref<4x128x64xbf16, #tpu.memory_space<vmem>> -> memref<1x128x64xbf16, #tpu.memory_space<vmem>>
        %dma_wait3A_201 = tpu.memref_squeeze %dma_wait3A_200 : memref<1x128x64xbf16, #tpu.memory_space<vmem>> -> memref<128x64xbf16, #tpu.memory_space<vmem>>
        %dma_wait3A_202 = arith.constant 0 : i32
        %dma_wait3A_203 = tpu.memref_slice %arg8[%add3A_112, %dma_wait3A_202] : memref<80x128xi32, #tpu.memory_space<vmem>> -> memref<1x128xi32, #tpu.memory_space<vmem>>
        %dma_wait3A_204 = tpu.memref_squeeze %dma_wait3A_203 : memref<1x128xi32, #tpu.memory_space<vmem>> -> memref<128xi32, #tpu.memory_space<vmem>>
        %dma_wait3A_205 = arith.constant 0 : i32
        %dma_wait3A_206 = arith.constant 0 : i32
        %dma_wait3A_207 = tpu.memref_slice %arg12[%dma_wait3A_205, %dma_wait3A_206] : memref<10240x64xbf16, #tpu.memory_space<vmem_shared>> -> memref<10240x64xbf16, #tpu.memory_space<vmem_shared>>
        tpu.wait_indirect_dma semaphore(%run_scoped3A_187 : memref<!tpu.dma_semaphore, #tpu.memory_space<semaphore_mem>>) src(%dma_wait3A_201 : memref<128x64xbf16, #tpu.memory_space<vmem>>) dst(%dma_wait3A_207 : memref<10240x64xbf16, #tpu.memory_space<vmem_shared>>)
        tpu.yield
      }) : () -> ()
      %add3A_128 = arith.constant 4 : i32
      %add3A_129 = arith.addi %add3A_112, %add3A_128 : i32
      %lt3A_130 = arith.constant 80 : i32
      %lt3A_131 = arith.cmpi slt, %add3A_129, %lt3A_130 : i32
      %convert_element_type3A_132 = arith.extui %lt3A_131 : i1 to i32
      %cond3A_133 = arith.constant 0 : i32
      %cond3A_134 = arith.cmpi ne, %convert_element_type3A_132, %cond3A_133 : i32
      scf.if %cond3A_134 {
        %dma_start3A_187 = arith.constant 1 : i32
        %dma_start3A_188 = arith.constant 1 : i32
        %dma_start3A_189 = arith.constant 0 : i32
        %dma_start3A_190 = arith.constant 0 : i32
        %dma_start3A_191 = tpu.memref_slice %arg9[%dma_start3A_187, %dma_start3A_189, %dma_start3A_190] : memref<4x128x64xbf16, #tpu.memory_space<vmem>> -> memref<1x128x64xbf16, #tpu.memory_space<vmem>>
        %dma_start3A_192 = tpu.memref_squeeze %dma_start3A_191 : memref<1x128x64xbf16, #tpu.memory_space<vmem>> -> memref<128x64xbf16, #tpu.memory_space<vmem>>
        %dma_start3A_193 = arith.constant 0 : i32
        %dma_start3A_194 = tpu.memref_slice %arg7[%add3A_129, %dma_start3A_193] : memref<80x128xi32, #tpu.memory_space<vmem>> -> memref<1x128xi32, #tpu.memory_space<vmem>>
        %dma_start3A_195 = tpu.memref_squeeze %dma_start3A_194 : memref<1x128xi32, #tpu.memory_space<vmem>> -> memref<128xi32, #tpu.memory_space<vmem>>
        %dma_start3A_196 = arith.constant 0 : i32
        %dma_start3A_197 = arith.constant 0 : i32
        %dma_start3A_198 = tpu.memref_slice %arg11[%dma_start3A_196, %dma_start3A_197] : memref<10240x64xbf16, #tpu.memory_space<vmem_shared>> -> memref<10240x64xbf16, #tpu.memory_space<vmem_shared>>
        %dma_start3A_199 = tpu.memref_slice %arg10[%dma_start3A_188] : memref<4x!tpu.dma_semaphore, #tpu.memory_space<semaphore_mem>> -> memref<1x!tpu.dma_semaphore, #tpu.memory_space<semaphore_mem>>
        %dma_start3A_200 = tpu.memref_squeeze %dma_start3A_199 : memref<1x!tpu.dma_semaphore, #tpu.memory_space<semaphore_mem>> -> memref<!tpu.dma_semaphore, #tpu.memory_space<semaphore_mem>>
        tpu.enqueue_indirect_dma source(%dma_start3A_198 : memref<10240x64xbf16, #tpu.memory_space<vmem_shared>>) target(%dma_start3A_192 : memref<128x64xbf16, #tpu.memory_space<vmem>>) offsets(%dma_start3A_195 : memref<128xi32, #tpu.memory_space<vmem>>) semaphore(%dma_start3A_200 : memref<!tpu.dma_semaphore, #tpu.memory_space<semaphore_mem>>)
      } else {
      }
      %mul3A_135 = arith.constant 4 : i32
      %mul3A_136 = arith.muli %scan3A_87, %mul3A_135 : i32
      %add3A_137 = arith.constant 2 : i32
      %add3A_138 = arith.addi %mul3A_136, %add3A_137 : i32
      %dma_wait3A_139 = arith.constant 2 : i32
      %dma_wait3A_140 = arith.constant 2 : i32
      %dma_wait3A_141 = arith.constant 0 : i32
      %dma_wait3A_142 = arith.constant 0 : i32
      %dma_wait3A_143 = tpu.memref_slice %arg9[%dma_wait3A_139, %dma_wait3A_141, %dma_wait3A_142] : memref<4x128x64xbf16, #tpu.memory_space<vmem>> -> memref<1x128x64xbf16, #tpu.memory_space<vmem>>
      %dma_wait3A_144 = tpu.memref_squeeze %dma_wait3A_143 : memref<1x128x64xbf16, #tpu.memory_space<vmem>> -> memref<128x64xbf16, #tpu.memory_space<vmem>>
      %dma_wait3A_145 = arith.constant 0 : i32
      %dma_wait3A_146 = tpu.memref_slice %arg7[%add3A_138, %dma_wait3A_145] : memref<80x128xi32, #tpu.memory_space<vmem>> -> memref<1x128xi32, #tpu.memory_space<vmem>>
      %dma_wait3A_147 = tpu.memref_squeeze %dma_wait3A_146 : memref<1x128xi32, #tpu.memory_space<vmem>> -> memref<128xi32, #tpu.memory_space<vmem>>
      %dma_wait3A_148 = arith.constant 0 : i32
      %dma_wait3A_149 = arith.constant 0 : i32
      %dma_wait3A_150 = tpu.memref_slice %arg11[%dma_wait3A_148, %dma_wait3A_149] : memref<10240x64xbf16, #tpu.memory_space<vmem_shared>> -> memref<10240x64xbf16, #tpu.memory_space<vmem_shared>>
      %dma_wait3A_151 = tpu.memref_slice %arg10[%dma_wait3A_140] : memref<4x!tpu.dma_semaphore, #tpu.memory_space<semaphore_mem>> -> memref<1x!tpu.dma_semaphore, #tpu.memory_space<semaphore_mem>>
      %dma_wait3A_152 = tpu.memref_squeeze %dma_wait3A_151 : memref<1x!tpu.dma_semaphore, #tpu.memory_space<semaphore_mem>> -> memref<!tpu.dma_semaphore, #tpu.memory_space<semaphore_mem>>
      tpu.wait_indirect_dma semaphore(%dma_wait3A_152 : memref<!tpu.dma_semaphore, #tpu.memory_space<semaphore_mem>>) src(%dma_wait3A_150 : memref<10240x64xbf16, #tpu.memory_space<vmem_shared>>) dst(%dma_wait3A_144 : memref<128x64xbf16, #tpu.memory_space<vmem>>)
      %run_scoped3A_153 = arith.constant 2 : i32
      "tpu.region"() ({
        %run_scoped3A_187 = tpu.sem_alloc : memref<!tpu.dma_semaphore, #tpu.memory_space<semaphore_mem>>
        %dma_start3A_188 = arith.constant 0 : i32
        %dma_start3A_189 = arith.constant 0 : i32
        %dma_start3A_190 = tpu.memref_slice %arg9[%run_scoped3A_153, %dma_start3A_188, %dma_start3A_189] : memref<4x128x64xbf16, #tpu.memory_space<vmem>> -> memref<1x128x64xbf16, #tpu.memory_space<vmem>>
        %dma_start3A_191 = tpu.memref_squeeze %dma_start3A_190 : memref<1x128x64xbf16, #tpu.memory_space<vmem>> -> memref<128x64xbf16, #tpu.memory_space<vmem>>
        %dma_start3A_192 = arith.constant 0 : i32
        %dma_start3A_193 = tpu.memref_slice %arg8[%add3A_138, %dma_start3A_192] : memref<80x128xi32, #tpu.memory_space<vmem>> -> memref<1x128xi32, #tpu.memory_space<vmem>>
        %dma_start3A_194 = tpu.memref_squeeze %dma_start3A_193 : memref<1x128xi32, #tpu.memory_space<vmem>> -> memref<128xi32, #tpu.memory_space<vmem>>
        %dma_start3A_195 = arith.constant 0 : i32
        %dma_start3A_196 = arith.constant 0 : i32
        %dma_start3A_197 = tpu.memref_slice %arg12[%dma_start3A_195, %dma_start3A_196] : memref<10240x64xbf16, #tpu.memory_space<vmem_shared>> -> memref<10240x64xbf16, #tpu.memory_space<vmem_shared>>
        tpu.enqueue_indirect_dma source(%dma_start3A_191 : memref<128x64xbf16, #tpu.memory_space<vmem>>) target(%dma_start3A_197 : memref<10240x64xbf16, #tpu.memory_space<vmem_shared>>) offsets(%dma_start3A_194 : memref<128xi32, #tpu.memory_space<vmem>>) semaphore(%run_scoped3A_187 : memref<!tpu.dma_semaphore, #tpu.memory_space<semaphore_mem>>) {add = true}
        %dma_wait3A_198 = arith.constant 0 : i32
        %dma_wait3A_199 = arith.constant 0 : i32
        %dma_wait3A_200 = tpu.memref_slice %arg9[%run_scoped3A_153, %dma_wait3A_198, %dma_wait3A_199] : memref<4x128x64xbf16, #tpu.memory_space<vmem>> -> memref<1x128x64xbf16, #tpu.memory_space<vmem>>
        %dma_wait3A_201 = tpu.memref_squeeze %dma_wait3A_200 : memref<1x128x64xbf16, #tpu.memory_space<vmem>> -> memref<128x64xbf16, #tpu.memory_space<vmem>>
        %dma_wait3A_202 = arith.constant 0 : i32
        %dma_wait3A_203 = tpu.memref_slice %arg8[%add3A_138, %dma_wait3A_202] : memref<80x128xi32, #tpu.memory_space<vmem>> -> memref<1x128xi32, #tpu.memory_space<vmem>>
        %dma_wait3A_204 = tpu.memref_squeeze %dma_wait3A_203 : memref<1x128xi32, #tpu.memory_space<vmem>> -> memref<128xi32, #tpu.memory_space<vmem>>
        %dma_wait3A_205 = arith.constant 0 : i32
        %dma_wait3A_206 = arith.constant 0 : i32
        %dma_wait3A_207 = tpu.memref_slice %arg12[%dma_wait3A_205, %dma_wait3A_206] : memref<10240x64xbf16, #tpu.memory_space<vmem_shared>> -> memref<10240x64xbf16, #tpu.memory_space<vmem_shared>>
        tpu.wait_indirect_dma semaphore(%run_scoped3A_187 : memref<!tpu.dma_semaphore, #tpu.memory_space<semaphore_mem>>) src(%dma_wait3A_201 : memref<128x64xbf16, #tpu.memory_space<vmem>>) dst(%dma_wait3A_207 : memref<10240x64xbf16, #tpu.memory_space<vmem_shared>>)
        tpu.yield
      }) : () -> ()
      %add3A_154 = arith.constant 4 : i32
      %add3A_155 = arith.addi %add3A_138, %add3A_154 : i32
      %lt3A_156 = arith.constant 80 : i32
      %lt3A_157 = arith.cmpi slt, %add3A_155, %lt3A_156 : i32
      %convert_element_type3A_158 = arith.extui %lt3A_157 : i1 to i32
      %cond3A_159 = arith.constant 0 : i32
      %cond3A_160 = arith.cmpi ne, %convert_element_type3A_158, %cond3A_159 : i32
      scf.if %cond3A_160 {
        %dma_start3A_187 = arith.constant 2 : i32
        %dma_start3A_188 = arith.constant 2 : i32
        %dma_start3A_189 = arith.constant 0 : i32
        %dma_start3A_190 = arith.constant 0 : i32
        %dma_start3A_191 = tpu.memref_slice %arg9[%dma_start3A_187, %dma_start3A_189, %dma_start3A_190] : memref<4x128x64xbf16, #tpu.memory_space<vmem>> -> memref<1x128x64xbf16, #tpu.memory_space<vmem>>
        %dma_start3A_192 = tpu.memref_squeeze %dma_start3A_191 : memref<1x128x64xbf16, #tpu.memory_space<vmem>> -> memref<128x64xbf16, #tpu.memory_space<vmem>>
        %dma_start3A_193 = arith.constant 0 : i32
        %dma_start3A_194 = tpu.memref_slice %arg7[%add3A_155, %dma_start3A_193] : memref<80x128xi32, #tpu.memory_space<vmem>> -> memref<1x128xi32, #tpu.memory_space<vmem>>
        %dma_start3A_195 = tpu.memref_squeeze %dma_start3A_194 : memref<1x128xi32, #tpu.memory_space<vmem>> -> memref<128xi32, #tpu.memory_space<vmem>>
        %dma_start3A_196 = arith.constant 0 : i32
        %dma_start3A_197 = arith.constant 0 : i32
        %dma_start3A_198 = tpu.memref_slice %arg11[%dma_start3A_196, %dma_start3A_197] : memref<10240x64xbf16, #tpu.memory_space<vmem_shared>> -> memref<10240x64xbf16, #tpu.memory_space<vmem_shared>>
        %dma_start3A_199 = tpu.memref_slice %arg10[%dma_start3A_188] : memref<4x!tpu.dma_semaphore, #tpu.memory_space<semaphore_mem>> -> memref<1x!tpu.dma_semaphore, #tpu.memory_space<semaphore_mem>>
        %dma_start3A_200 = tpu.memref_squeeze %dma_start3A_199 : memref<1x!tpu.dma_semaphore, #tpu.memory_space<semaphore_mem>> -> memref<!tpu.dma_semaphore, #tpu.memory_space<semaphore_mem>>
        tpu.enqueue_indirect_dma source(%dma_start3A_198 : memref<10240x64xbf16, #tpu.memory_space<vmem_shared>>) target(%dma_start3A_192 : memref<128x64xbf16, #tpu.memory_space<vmem>>) offsets(%dma_start3A_195 : memref<128xi32, #tpu.memory_space<vmem>>) semaphore(%dma_start3A_200 : memref<!tpu.dma_semaphore, #tpu.memory_space<semaphore_mem>>)
      } else {
      }
      %mul3A_161 = arith.constant 4 : i32
      %mul3A_162 = arith.muli %scan3A_87, %mul3A_161 : i32
      %add3A_163 = arith.constant 3 : i32
      %add3A_164 = arith.addi %mul3A_162, %add3A_163 : i32
      %dma_wait3A_165 = arith.constant 3 : i32
      %dma_wait3A_166 = arith.constant 3 : i32
      %dma_wait3A_167 = arith.constant 0 : i32
      %dma_wait3A_168 = arith.constant 0 : i32
      %dma_wait3A_169 = tpu.memref_slice %arg9[%dma_wait3A_165, %dma_wait3A_167, %dma_wait3A_168] : memref<4x128x64xbf16, #tpu.memory_space<vmem>> -> memref<1x128x64xbf16, #tpu.memory_space<vmem>>
      %dma_wait3A_170 = tpu.memref_squeeze %dma_wait3A_169 : memref<1x128x64xbf16, #tpu.memory_space<vmem>> -> memref<128x64xbf16, #tpu.memory_space<vmem>>
      %dma_wait3A_171 = arith.constant 0 : i32
      %dma_wait3A_172 = tpu.memref_slice %arg7[%add3A_164, %dma_wait3A_171] : memref<80x128xi32, #tpu.memory_space<vmem>> -> memref<1x128xi32, #tpu.memory_space<vmem>>
      %dma_wait3A_173 = tpu.memref_squeeze %dma_wait3A_172 : memref<1x128xi32, #tpu.memory_space<vmem>> -> memref<128xi32, #tpu.memory_space<vmem>>
      %dma_wait3A_174 = arith.constant 0 : i32
      %dma_wait3A_175 = arith.constant 0 : i32
      %dma_wait3A_176 = tpu.memref_slice %arg11[%dma_wait3A_174, %dma_wait3A_175] : memref<10240x64xbf16, #tpu.memory_space<vmem_shared>> -> memref<10240x64xbf16, #tpu.memory_space<vmem_shared>>
      %dma_wait3A_177 = tpu.memref_slice %arg10[%dma_wait3A_166] : memref<4x!tpu.dma_semaphore, #tpu.memory_space<semaphore_mem>> -> memref<1x!tpu.dma_semaphore, #tpu.memory_space<semaphore_mem>>
      %dma_wait3A_178 = tpu.memref_squeeze %dma_wait3A_177 : memref<1x!tpu.dma_semaphore, #tpu.memory_space<semaphore_mem>> -> memref<!tpu.dma_semaphore, #tpu.memory_space<semaphore_mem>>
      tpu.wait_indirect_dma semaphore(%dma_wait3A_178 : memref<!tpu.dma_semaphore, #tpu.memory_space<semaphore_mem>>) src(%dma_wait3A_176 : memref<10240x64xbf16, #tpu.memory_space<vmem_shared>>) dst(%dma_wait3A_170 : memref<128x64xbf16, #tpu.memory_space<vmem>>)
      %run_scoped3A_179 = arith.constant 3 : i32
      "tpu.region"() ({
        %run_scoped3A_187 = tpu.sem_alloc : memref<!tpu.dma_semaphore, #tpu.memory_space<semaphore_mem>>
        %dma_start3A_188 = arith.constant 0 : i32
        %dma_start3A_189 = arith.constant 0 : i32
        %dma_start3A_190 = tpu.memref_slice %arg9[%run_scoped3A_179, %dma_start3A_188, %dma_start3A_189] : memref<4x128x64xbf16, #tpu.memory_space<vmem>> -> memref<1x128x64xbf16, #tpu.memory_space<vmem>>
        %dma_start3A_191 = tpu.memref_squeeze %dma_start3A_190 : memref<1x128x64xbf16, #tpu.memory_space<vmem>> -> memref<128x64xbf16, #tpu.memory_space<vmem>>
        %dma_start3A_192 = arith.constant 0 : i32
        %dma_start3A_193 = tpu.memref_slice %arg8[%add3A_164, %dma_start3A_192] : memref<80x128xi32, #tpu.memory_space<vmem>> -> memref<1x128xi32, #tpu.memory_space<vmem>>
        %dma_start3A_194 = tpu.memref_squeeze %dma_start3A_193 : memref<1x128xi32, #tpu.memory_space<vmem>> -> memref<128xi32, #tpu.memory_space<vmem>>
        %dma_start3A_195 = arith.constant 0 : i32
        %dma_start3A_196 = arith.constant 0 : i32
        %dma_start3A_197 = tpu.memref_slice %arg12[%dma_start3A_195, %dma_start3A_196] : memref<10240x64xbf16, #tpu.memory_space<vmem_shared>> -> memref<10240x64xbf16, #tpu.memory_space<vmem_shared>>
        tpu.enqueue_indirect_dma source(%dma_start3A_191 : memref<128x64xbf16, #tpu.memory_space<vmem>>) target(%dma_start3A_197 : memref<10240x64xbf16, #tpu.memory_space<vmem_shared>>) offsets(%dma_start3A_194 : memref<128xi32, #tpu.memory_space<vmem>>) semaphore(%run_scoped3A_187 : memref<!tpu.dma_semaphore, #tpu.memory_space<semaphore_mem>>) {add = true}
        %dma_wait3A_198 = arith.constant 0 : i32
        %dma_wait3A_199 = arith.constant 0 : i32
        %dma_wait3A_200 = tpu.memref_slice %arg9[%run_scoped3A_179, %dma_wait3A_198, %dma_wait3A_199] : memref<4x128x64xbf16, #tpu.memory_space<vmem>> -> memref<1x128x64xbf16, #tpu.memory_space<vmem>>
        %dma_wait3A_201 = tpu.memref_squeeze %dma_wait3A_200 : memref<1x128x64xbf16, #tpu.memory_space<vmem>> -> memref<128x64xbf16, #tpu.memory_space<vmem>>
        %dma_wait3A_202 = arith.constant 0 : i32
        %dma_wait3A_203 = tpu.memref_slice %arg8[%add3A_164, %dma_wait3A_202] : memref<80x128xi32, #tpu.memory_space<vmem>> -> memref<1x128xi32, #tpu.memory_space<vmem>>
        %dma_wait3A_204 = tpu.memref_squeeze %dma_wait3A_203 : memref<1x128xi32, #tpu.memory_space<vmem>> -> memref<128xi32, #tpu.memory_space<vmem>>
        %dma_wait3A_205 = arith.constant 0 : i32
        %dma_wait3A_206 = arith.constant 0 : i32
        %dma_wait3A_207 = tpu.memref_slice %arg12[%dma_wait3A_205, %dma_wait3A_206] : memref<10240x64xbf16, #tpu.memory_space<vmem_shared>> -> memref<10240x64xbf16, #tpu.memory_space<vmem_shared>>
        tpu.wait_indirect_dma semaphore(%run_scoped3A_187 : memref<!tpu.dma_semaphore, #tpu.memory_space<semaphore_mem>>) src(%dma_wait3A_201 : memref<128x64xbf16, #tpu.memory_space<vmem>>) dst(%dma_wait3A_207 : memref<10240x64xbf16, #tpu.memory_space<vmem_shared>>)
        tpu.yield
      }) : () -> ()
      %add3A_180 = arith.constant 4 : i32
      %add3A_181 = arith.addi %add3A_164, %add3A_180 : i32
      %lt3A_182 = arith.constant 80 : i32
      %lt3A_183 = arith.cmpi slt, %add3A_181, %lt3A_182 : i32
      %convert_element_type3A_184 = arith.extui %lt3A_183 : i1 to i32
      %cond3A_185 = arith.constant 0 : i32
      %cond3A_186 = arith.cmpi ne, %convert_element_type3A_184, %cond3A_185 : i32
      scf.if %cond3A_186 {
        %dma_start3A_187 = arith.constant 3 : i32
        %dma_start3A_188 = arith.constant 3 : i32
        %dma_start3A_189 = arith.constant 0 : i32
        %dma_start3A_190 = arith.constant 0 : i32
        %dma_start3A_191 = tpu.memref_slice %arg9[%dma_start3A_187, %dma_start3A_189, %dma_start3A_190] : memref<4x128x64xbf16, #tpu.memory_space<vmem>> -> memref<1x128x64xbf16, #tpu.memory_space<vmem>>
        %dma_start3A_192 = tpu.memref_squeeze %dma_start3A_191 : memref<1x128x64xbf16, #tpu.memory_space<vmem>> -> memref<128x64xbf16, #tpu.memory_space<vmem>>
        %dma_start3A_193 = arith.constant 0 : i32
        %dma_start3A_194 = tpu.memref_slice %arg7[%add3A_181, %dma_start3A_193] : memref<80x128xi32, #tpu.memory_space<vmem>> -> memref<1x128xi32, #tpu.memory_space<vmem>>
        %dma_start3A_195 = tpu.memref_squeeze %dma_start3A_194 : memref<1x128xi32, #tpu.memory_space<vmem>> -> memref<128xi32, #tpu.memory_space<vmem>>
        %dma_start3A_196 = arith.constant 0 : i32
        %dma_start3A_197 = arith.constant 0 : i32
        %dma_start3A_198 = tpu.memref_slice %arg11[%dma_start3A_196, %dma_start3A_197] : memref<10240x64xbf16, #tpu.memory_space<vmem_shared>> -> memref<10240x64xbf16, #tpu.memory_space<vmem_shared>>
        %dma_start3A_199 = tpu.memref_slice %arg10[%dma_start3A_188] : memref<4x!tpu.dma_semaphore, #tpu.memory_space<semaphore_mem>> -> memref<1x!tpu.dma_semaphore, #tpu.memory_space<semaphore_mem>>
        %dma_start3A_200 = tpu.memref_squeeze %dma_start3A_199 : memref<1x!tpu.dma_semaphore, #tpu.memory_space<semaphore_mem>> -> memref<!tpu.dma_semaphore, #tpu.memory_space<semaphore_mem>>
        tpu.enqueue_indirect_dma source(%dma_start3A_198 : memref<10240x64xbf16, #tpu.memory_space<vmem_shared>>) target(%dma_start3A_192 : memref<128x64xbf16, #tpu.memory_space<vmem>>) offsets(%dma_start3A_195 : memref<128xi32, #tpu.memory_space<vmem>>) semaphore(%dma_start3A_200 : memref<!tpu.dma_semaphore, #tpu.memory_space<semaphore_mem>>)
      } else {
      }
    }
    %scan3A_80 = arith.constant 20 : i32
    %barrier3A_81 = arith.constant 0 : index
    tpu.barrier barrier_id(%barrier3A_81)
    %add3A_82 = arith.constant 0 : i32
    %add3A_83 = arith.addi %add3A_82, %arg0 : i32
    %mul3A_84 = arith.constant 10240 : i32
    %mul3A_85 = arith.muli %add3A_83, %mul3A_84 : i32
    %add3A_86 = arith.addi %mul3A_85, %mul3A_2 : i32
    "tpu.region"() ({
      %run_scoped3A = tpu.sem_alloc : memref<!tpu.dma_semaphore, #tpu.memory_space<semaphore_mem>>
      %dma_start3A_87 = arith.constant 0 : i32
      %dma_start3A_88 = tpu.memref_slice %arg6[%add3A_86, %dma_start3A_87] : memref<20480x64xbf16, #tpu.memory_space<hbm>> -> memref<640x64xbf16, #tpu.memory_space<hbm>>
      %dma_start3A_89 = arith.constant 0 : i32
      %dma_start3A_90 = tpu.memref_slice %arg12[%mul3A_2, %dma_start3A_89] : memref<10240x64xbf16, #tpu.memory_space<vmem_shared>> -> memref<640x64xbf16, #tpu.memory_space<vmem_shared>>
      tpu.enqueue_dma source(%dma_start3A_90 : memref<640x64xbf16, #tpu.memory_space<vmem_shared>>) target(%dma_start3A_88 : memref<640x64xbf16, #tpu.memory_space<hbm>>) target_semaphore(%run_scoped3A : memref<!tpu.dma_semaphore, #tpu.memory_space<semaphore_mem>>)
      %dma_wait3A = arith.constant 0 : i32
      %dma_wait3A_91 = tpu.memref_slice %arg6[%add3A_86, %dma_wait3A] : memref<20480x64xbf16, #tpu.memory_space<hbm>> -> memref<640x64xbf16, #tpu.memory_space<hbm>>
      %dma_wait3A_92 = arith.constant 0 : i32
      %dma_wait3A_93 = tpu.memref_slice %arg12[%mul3A_2, %dma_wait3A_92] : memref<10240x64xbf16, #tpu.memory_space<vmem_shared>> -> memref<640x64xbf16, #tpu.memory_space<vmem_shared>>
      tpu.wait_dma2 semaphore(%run_scoped3A : memref<!tpu.dma_semaphore, #tpu.memory_space<semaphore_mem>>) src(%dma_wait3A_93 : memref<640x64xbf16, #tpu.memory_space<vmem_shared>>) dst(%dma_wait3A_91 : memref<640x64xbf16, #tpu.memory_space<hbm>>)
      tpu.yield
    }) : () -> ()
    return
  }
}

#map = affine_map<(d0, d1) -> (0)>
#map1 = affine_map<(d0, d1) -> (0, 0)>
module attributes {stable_mosaic.version = 14 : i64} {
  func.func @_deg_body(%arg0: i32, %arg1: i32, %arg2: memref<327680xi32, #tpu.memory_space<hbm>>, %arg3: memref<128x128xf32, #tpu.memory_space<hbm>>, %arg4: memref<128x128xf32, #tpu.memory_space<hbm>>, %arg5: memref<20480xi32, #tpu.memory_space<vmem>>, %arg6: memref<128x128xf32, #tpu.memory_space<vmem>>, %arg7: memref<1x128xi32, #tpu.memory_space<vmem>>, %arg8: memref<8x128xf32, #tpu.memory_space<vmem>>, %arg9: memref<128x128xf32, #tpu.memory_space<vmem_shared>>) attributes {dimension_semantics = [#tpu.dimension_semantics<core_parallel>, #tpu.dimension_semantics<subcore_parallel>], iteration_bounds = array<i64: 2, 16>, scalar_prefetch = 0 : i64, scratch_operands = 5 : i64, tpu.core_type = #tpu.core_type<sc_vector_subcore>, window_params = [{transform_indices = #map}, {transform_indices = #map1}, {transform_indices = #map1}]} {
    %mul3A = arith.constant 8 : i32
    %mul3A_0 = arith.muli %arg1, %mul3A : i32
    %iota3A = tpu.iota {dimensions = array<i32: 0>} : vector<16xi32>
    %add3A = arith.constant 0 : i32
    %add3A_1 = vector.broadcast %add3A : i32 to vector<16xi32>
    %add3A_2 = arith.addi %iota3A, %add3A_1 : vector<16xi32>
    %swap3A = arith.constant 0 : i32
    %swap3A_3 = arith.index_cast %swap3A : i32 to index
    %swap3A_4 = arith.constant 0 : index
    %swap3A_5 = tpu.vector_load %arg7[%swap3A_3, %swap3A_4] {strides = array<i32>} : memref<1x128xi32, #tpu.memory_space<vmem>>, vector<16xi32>,
    tpu.vector_store %arg7[%swap3A_3, %swap3A_4], %add3A_2 {strides = array<i32>} : memref<1x128xi32, #tpu.memory_space<vmem>>, vector<16xi32>,
    %add3A_6 = arith.constant 16 : i32
    %add3A_7 = vector.broadcast %add3A_6 : i32 to vector<16xi32>
    %add3A_8 = arith.addi %iota3A, %add3A_7 : vector<16xi32>
    %swap3A_9 = arith.constant 0 : i32
    %swap3A_10 = arith.index_cast %swap3A_9 : i32 to index
    %swap3A_11 = arith.constant 16 : index
    %swap3A_12 = tpu.vector_load %arg7[%swap3A_10, %swap3A_11] {strides = array<i32>} : memref<1x128xi32, #tpu.memory_space<vmem>>, vector<16xi32>,
    tpu.vector_store %arg7[%swap3A_10, %swap3A_11], %add3A_8 {strides = array<i32>} : memref<1x128xi32, #tpu.memory_space<vmem>>, vector<16xi32>,
    %add3A_13 = arith.constant 32 : i32
    %add3A_14 = vector.broadcast %add3A_13 : i32 to vector<16xi32>
    %add3A_15 = arith.addi %iota3A, %add3A_14 : vector<16xi32>
    %swap3A_16 = arith.constant 0 : i32
    %swap3A_17 = arith.index_cast %swap3A_16 : i32 to index
    %swap3A_18 = arith.constant 32 : index
    %swap3A_19 = tpu.vector_load %arg7[%swap3A_17, %swap3A_18] {strides = array<i32>} : memref<1x128xi32, #tpu.memory_space<vmem>>, vector<16xi32>,
    tpu.vector_store %arg7[%swap3A_17, %swap3A_18], %add3A_15 {strides = array<i32>} : memref<1x128xi32, #tpu.memory_space<vmem>>, vector<16xi32>,
    %add3A_20 = arith.constant 48 : i32
    %add3A_21 = vector.broadcast %add3A_20 : i32 to vector<16xi32>
    %add3A_22 = arith.addi %iota3A, %add3A_21 : vector<16xi32>
    %swap3A_23 = arith.constant 0 : i32
    %swap3A_24 = arith.index_cast %swap3A_23 : i32 to index
    %swap3A_25 = arith.constant 48 : index
    %swap3A_26 = tpu.vector_load %arg7[%swap3A_24, %swap3A_25] {strides = array<i32>} : memref<1x128xi32, #tpu.memory_space<vmem>>, vector<16xi32>,
    tpu.vector_store %arg7[%swap3A_24, %swap3A_25], %add3A_22 {strides = array<i32>} : memref<1x128xi32, #tpu.memory_space<vmem>>, vector<16xi32>,
    %add3A_27 = arith.constant 64 : i32
    %add3A_28 = vector.broadcast %add3A_27 : i32 to vector<16xi32>
    %add3A_29 = arith.addi %iota3A, %add3A_28 : vector<16xi32>
    %swap3A_30 = arith.constant 0 : i32
    %swap3A_31 = arith.index_cast %swap3A_30 : i32 to index
    %swap3A_32 = arith.constant 64 : index
    %swap3A_33 = tpu.vector_load %arg7[%swap3A_31, %swap3A_32] {strides = array<i32>} : memref<1x128xi32, #tpu.memory_space<vmem>>, vector<16xi32>,
    tpu.vector_store %arg7[%swap3A_31, %swap3A_32], %add3A_29 {strides = array<i32>} : memref<1x128xi32, #tpu.memory_space<vmem>>, vector<16xi32>,
    %add3A_34 = arith.constant 80 : i32
    %add3A_35 = vector.broadcast %add3A_34 : i32 to vector<16xi32>
    %add3A_36 = arith.addi %iota3A, %add3A_35 : vector<16xi32>
    %swap3A_37 = arith.constant 0 : i32
    %swap3A_38 = arith.index_cast %swap3A_37 : i32 to index
    %swap3A_39 = arith.constant 80 : index
    %swap3A_40 = tpu.vector_load %arg7[%swap3A_38, %swap3A_39] {strides = array<i32>} : memref<1x128xi32, #tpu.memory_space<vmem>>, vector<16xi32>,
    tpu.vector_store %arg7[%swap3A_38, %swap3A_39], %add3A_36 {strides = array<i32>} : memref<1x128xi32, #tpu.memory_space<vmem>>, vector<16xi32>,
    %add3A_41 = arith.constant 96 : i32
    %add3A_42 = vector.broadcast %add3A_41 : i32 to vector<16xi32>
    %add3A_43 = arith.addi %iota3A, %add3A_42 : vector<16xi32>
    %swap3A_44 = arith.constant 0 : i32
    %swap3A_45 = arith.index_cast %swap3A_44 : i32 to index
    %swap3A_46 = arith.constant 96 : index
    %swap3A_47 = tpu.vector_load %arg7[%swap3A_45, %swap3A_46] {strides = array<i32>} : memref<1x128xi32, #tpu.memory_space<vmem>>, vector<16xi32>,
    tpu.vector_store %arg7[%swap3A_45, %swap3A_46], %add3A_43 {strides = array<i32>} : memref<1x128xi32, #tpu.memory_space<vmem>>, vector<16xi32>,
    %add3A_48 = arith.constant 112 : i32
    %add3A_49 = vector.broadcast %add3A_48 : i32 to vector<16xi32>
    %add3A_50 = arith.addi %iota3A, %add3A_49 : vector<16xi32>
    %swap3A_51 = arith.constant 0 : i32
    %swap3A_52 = arith.index_cast %swap3A_51 : i32 to index
    %swap3A_53 = arith.constant 112 : index
    %swap3A_54 = tpu.vector_load %arg7[%swap3A_52, %swap3A_53] {strides = array<i32>} : memref<1x128xi32, #tpu.memory_space<vmem>>, vector<16xi32>,
    tpu.vector_store %arg7[%swap3A_52, %swap3A_53], %add3A_50 {strides = array<i32>} : memref<1x128xi32, #tpu.memory_space<vmem>>, vector<16xi32>,
    %eq3A = arith.constant 0 : i32
    %eq3A_55 = arith.cmpi eq, %arg0, %eq3A : i32
    %convert_element_type3A = arith.extui %eq3A_55 : i1 to i32
    %cond3A = arith.constant 0 : i32
    %cond3A_56 = arith.cmpi ne, %convert_element_type3A, %cond3A : i32
    scf.if %cond3A_56 {
      "tpu.region"() ({
        %run_scoped3A = tpu.sem_alloc : memref<!tpu.dma_semaphore, #tpu.memory_space<semaphore_mem>>
        tpu.enqueue_dma source(%arg3 : memref<128x128xf32, #tpu.memory_space<hbm>>) target(%arg6 : memref<128x128xf32, #tpu.memory_space<vmem>>) target_semaphore(%run_scoped3A : memref<!tpu.dma_semaphore, #tpu.memory_space<semaphore_mem>>)
        tpu.wait_dma2 semaphore(%run_scoped3A : memref<!tpu.dma_semaphore, #tpu.memory_space<semaphore_mem>>) src(%arg3 : memref<128x128xf32, #tpu.memory_space<hbm>>) dst(%arg6 : memref<128x128xf32, #tpu.memory_space<vmem>>)
        tpu.yield
      }) : () -> ()
      "tpu.region"() ({
        %run_scoped3A = tpu.sem_alloc : memref<!tpu.dma_semaphore, #tpu.memory_space<semaphore_mem>>
        %dma_start3A = arith.constant 0 : i32
        %dma_start3A_76 = tpu.memref_slice %arg9[%mul3A_0, %dma_start3A] : memref<128x128xf32, #tpu.memory_space<vmem_shared>> -> memref<8x128xf32, #tpu.memory_space<vmem_shared>>
        %dma_start3A_77 = arith.constant 0 : i32
        %dma_start3A_78 = arith.constant 0 : i32
        %dma_start3A_79 = tpu.memref_slice %arg3[%dma_start3A_77, %dma_start3A_78] : memref<128x128xf32, #tpu.memory_space<hbm>> -> memref<8x128xf32, #tpu.memory_space<hbm>>
        tpu.enqueue_dma source(%dma_start3A_79 : memref<8x128xf32, #tpu.memory_space<hbm>>) target(%dma_start3A_76 : memref<8x128xf32, #tpu.memory_space<vmem_shared>>) target_semaphore(%run_scoped3A : memref<!tpu.dma_semaphore, #tpu.memory_space<semaphore_mem>>)
        %dma_wait3A = arith.constant 0 : i32
        %dma_wait3A_80 = tpu.memref_slice %arg9[%mul3A_0, %dma_wait3A] : memref<128x128xf32, #tpu.memory_space<vmem_shared>> -> memref<8x128xf32, #tpu.memory_space<vmem_shared>>
        %dma_wait3A_81 = arith.constant 0 : i32
        %dma_wait3A_82 = arith.constant 0 : i32
        %dma_wait3A_83 = tpu.memref_slice %arg3[%dma_wait3A_81, %dma_wait3A_82] : memref<128x128xf32, #tpu.memory_space<hbm>> -> memref<8x128xf32, #tpu.memory_space<hbm>>
        tpu.wait_dma2 semaphore(%run_scoped3A : memref<!tpu.dma_semaphore, #tpu.memory_space<semaphore_mem>>) src(%dma_wait3A_83 : memref<8x128xf32, #tpu.memory_space<hbm>>) dst(%dma_wait3A_80 : memref<8x128xf32, #tpu.memory_space<vmem_shared>>)
        tpu.yield
      }) : () -> ()
      %mul3A_68 = arith.constant 20480 : i32
      %mul3A_69 = arith.muli %arg1, %mul3A_68 : i32
      "tpu.region"() ({
        %run_scoped3A = tpu.sem_alloc : memref<!tpu.dma_semaphore, #tpu.memory_space<semaphore_mem>>
        %dma_start3A = tpu.memref_slice %arg2[%mul3A_69] : memref<327680xi32, #tpu.memory_space<hbm>> -> memref<20480xi32, #tpu.memory_space<hbm>>
        %dma_start3A_76 = tpu.memref_slice %arg2[%mul3A_69] : memref<327680xi32, #tpu.memory_space<hbm>> -> memref<20480xi32, #tpu.memory_space<hbm>>
        tpu.enqueue_dma source(%dma_start3A_76 : memref<20480xi32, #tpu.memory_space<hbm>>) target(%arg5 : memref<20480xi32, #tpu.memory_space<vmem>>) target_semaphore(%run_scoped3A : memref<!tpu.dma_semaphore, #tpu.memory_space<semaphore_mem>>)
        %dma_wait3A = tpu.memref_slice %arg2[%mul3A_69] : memref<327680xi32, #tpu.memory_space<hbm>> -> memref<20480xi32, #tpu.memory_space<hbm>>
        %dma_wait3A_77 = tpu.memref_slice %arg2[%mul3A_69] : memref<327680xi32, #tpu.memory_space<hbm>> -> memref<20480xi32, #tpu.memory_space<hbm>>
        tpu.wait_dma2 semaphore(%run_scoped3A : memref<!tpu.dma_semaphore, #tpu.memory_space<semaphore_mem>>) src(%dma_wait3A_77 : memref<20480xi32, #tpu.memory_space<hbm>>) dst(%arg5 : memref<20480xi32, #tpu.memory_space<vmem>>)
        tpu.yield
      }) : () -> ()
      %broadcast_in_dim3A = arith.constant 1.000000e+00 : f32
      %broadcast_in_dim3A_70 = vector.broadcast %broadcast_in_dim3A : f32 to vector<16xf32>
      %scan3A = arith.constant 0 : i32
      %scan3A_71 = arith.constant 0 : i32
      %scan3A_72 = arith.constant 320 : i32
      %scan3A_73 = arith.addi %scan3A_71, %scan3A_72 : i32
      %scan3A_74 = arith.constant 1 : i32
      scf.for %scan3A_76 = %scan3A_71 to %scan3A_73 step %scan3A_74  : i32 {
        %mul3A_77 = arith.constant 4 : i32
        %mul3A_78 = arith.muli %scan3A_76, %mul3A_77 : i32
        %add3A_79 = arith.constant 0 : i32
        %add3A_80 = arith.addi %mul3A_78, %add3A_79 : i32
        %mul3A_81 = arith.constant 16 : i32
        %mul3A_82 = arith.muli %add3A_80, %mul3A_81 : i32
        %get3A = arith.index_cast %mul3A_82 : i32 to index
        %get3A_83 = tpu.vector_load %arg5[%get3A] {strides = array<i32>} : memref<20480xi32, #tpu.memory_space<vmem>>, vector<16xi32>,
        %shift_right_arithmetic3A = arith.constant 7 : i32
        %shift_right_arithmetic3A_84 = vector.broadcast %shift_right_arithmetic3A : i32 to vector<16xi32>
        %shift_right_arithmetic3A_85 = arith.shrsi %get3A_83, %shift_right_arithmetic3A_84 : vector<16xi32>
        %and3A = arith.constant 127 : i32
        %and3A_86 = vector.broadcast %and3A : i32 to vector<16xi32>
        %and3A_87 = arith.andi %get3A_83, %and3A_86 : vector<16xi32>
        tpu.vector_store_idx %arg6[%shift_right_arithmetic3A_85, %and3A_87], %broadcast_in_dim3A_70 {add = true} : memref<128x128xf32, #tpu.memory_space<vmem>>[vector<16xi32>, vector<16xi32>], vector<16xf32>,
        %mul3A_88 = arith.constant 4 : i32
        %mul3A_89 = arith.muli %scan3A_76, %mul3A_88 : i32
        %add3A_90 = arith.constant 1 : i32
        %add3A_91 = arith.addi %mul3A_89, %add3A_90 : i32
        %mul3A_92 = arith.constant 16 : i32
        %mul3A_93 = arith.muli %add3A_91, %mul3A_92 : i32
        %get3A_94 = arith.index_cast %mul3A_93 : i32 to index
        %get3A_95 = tpu.vector_load %arg5[%get3A_94] {strides = array<i32>} : memref<20480xi32, #tpu.memory_space<vmem>>, vector<16xi32>,
        %shift_right_arithmetic3A_96 = arith.constant 7 : i32
        %shift_right_arithmetic3A_97 = vector.broadcast %shift_right_arithmetic3A_96 : i32 to vector<16xi32>
        %shift_right_arithmetic3A_98 = arith.shrsi %get3A_95, %shift_right_arithmetic3A_97 : vector<16xi32>
        %and3A_99 = arith.constant 127 : i32
        %and3A_100 = vector.broadcast %and3A_99 : i32 to vector<16xi32>
        %and3A_101 = arith.andi %get3A_95, %and3A_100 : vector<16xi32>
        tpu.vector_store_idx %arg6[%shift_right_arithmetic3A_98, %and3A_101], %broadcast_in_dim3A_70 {add = true} : memref<128x128xf32, #tpu.memory_space<vmem>>[vector<16xi32>, vector<16xi32>], vector<16xf32>,
        %mul3A_102 = arith.constant 4 : i32
        %mul3A_103 = arith.muli %scan3A_76, %mul3A_102 : i32
        %add3A_104 = arith.constant 2 : i32
        %add3A_105 = arith.addi %mul3A_103, %add3A_104 : i32
        %mul3A_106 = arith.constant 16 : i32
        %mul3A_107 = arith.muli %add3A_105, %mul3A_106 : i32
        %get3A_108 = arith.index_cast %mul3A_107 : i32 to index
        %get3A_109 = tpu.vector_load %arg5[%get3A_108] {strides = array<i32>} : memref<20480xi32, #tpu.memory_space<vmem>>, vector<16xi32>,
        %shift_right_arithmetic3A_110 = arith.constant 7 : i32
        %shift_right_arithmetic3A_111 = vector.broadcast %shift_right_arithmetic3A_110 : i32 to vector<16xi32>
        %shift_right_arithmetic3A_112 = arith.shrsi %get3A_109, %shift_right_arithmetic3A_111 : vector<16xi32>
        %and3A_113 = arith.constant 127 : i32
        %and3A_114 = vector.broadcast %and3A_113 : i32 to vector<16xi32>
        %and3A_115 = arith.andi %get3A_109, %and3A_114 : vector<16xi32>
        tpu.vector_store_idx %arg6[%shift_right_arithmetic3A_112, %and3A_115], %broadcast_in_dim3A_70 {add = true} : memref<128x128xf32, #tpu.memory_space<vmem>>[vector<16xi32>, vector<16xi32>], vector<16xf32>,
        %mul3A_116 = arith.constant 4 : i32
        %mul3A_117 = arith.muli %scan3A_76, %mul3A_116 : i32
        %add3A_118 = arith.constant 3 : i32
        %add3A_119 = arith.addi %mul3A_117, %add3A_118 : i32
        %mul3A_120 = arith.constant 16 : i32
        %mul3A_121 = arith.muli %add3A_119, %mul3A_120 : i32
        %get3A_122 = arith.index_cast %mul3A_121 : i32 to index
        %get3A_123 = tpu.vector_load %arg5[%get3A_122] {strides = array<i32>} : memref<20480xi32, #tpu.memory_space<vmem>>, vector<16xi32>,
        %shift_right_arithmetic3A_124 = arith.constant 7 : i32
        %shift_right_arithmetic3A_125 = vector.broadcast %shift_right_arithmetic3A_124 : i32 to vector<16xi32>
        %shift_right_arithmetic3A_126 = arith.shrsi %get3A_123, %shift_right_arithmetic3A_125 : vector<16xi32>
        %and3A_127 = arith.constant 127 : i32
        %and3A_128 = vector.broadcast %and3A_127 : i32 to vector<16xi32>
        %and3A_129 = arith.andi %get3A_123, %and3A_128 : vector<16xi32>
        tpu.vector_store_idx %arg6[%shift_right_arithmetic3A_126, %and3A_129], %broadcast_in_dim3A_70 {add = true} : memref<128x128xf32, #tpu.memory_space<vmem>>[vector<16xi32>, vector<16xi32>], vector<16xf32>,
      }
      %scan3A_75 = arith.constant 320 : i32
    } else {
    }
    %barrier3A = arith.constant 0 : index
    tpu.barrier barrier_id(%barrier3A)
    %eq3A_57 = arith.constant 0 : i32
    %eq3A_58 = arith.cmpi eq, %arg0, %eq3A_57 : i32
    %convert_element_type3A_59 = arith.extui %eq3A_58 : i1 to i32
    %cond3A_60 = arith.constant 0 : i32
    %cond3A_61 = arith.cmpi ne, %convert_element_type3A_59, %cond3A_60 : i32
    scf.if %cond3A_61 {
      %run_scoped3A = arith.constant 0 : i32
      "tpu.region"() ({
        %run_scoped3A_68 = tpu.sem_alloc : memref<!tpu.dma_semaphore, #tpu.memory_space<semaphore_mem>>
        %dma_start3A = arith.constant 0 : i32
        %dma_start3A_69 = tpu.memref_slice %arg7[%run_scoped3A, %dma_start3A] : memref<1x128xi32, #tpu.memory_space<vmem>> -> memref<1x128xi32, #tpu.memory_space<vmem>>
        %dma_start3A_70 = tpu.memref_squeeze %dma_start3A_69 : memref<1x128xi32, #tpu.memory_space<vmem>> -> memref<128xi32, #tpu.memory_space<vmem>>
        %dma_start3A_71 = arith.constant 0 : i32
        %dma_start3A_72 = arith.constant 0 : i32
        %dma_start3A_73 = tpu.memref_slice %arg9[%dma_start3A_71, %dma_start3A_72] : memref<128x128xf32, #tpu.memory_space<vmem_shared>> -> memref<128x128xf32, #tpu.memory_space<vmem_shared>>
        tpu.enqueue_indirect_dma source(%arg6 : memref<128x128xf32, #tpu.memory_space<vmem>>) target(%dma_start3A_73 : memref<128x128xf32, #tpu.memory_space<vmem_shared>>) offsets(%dma_start3A_70 : memref<128xi32, #tpu.memory_space<vmem>>) semaphore(%run_scoped3A_68 : memref<!tpu.dma_semaphore, #tpu.memory_space<semaphore_mem>>) {add = true}
        %dma_wait3A = arith.constant 0 : i32
        %dma_wait3A_74 = tpu.memref_slice %arg7[%run_scoped3A, %dma_wait3A] : memref<1x128xi32, #tpu.memory_space<vmem>> -> memref<1x128xi32, #tpu.memory_space<vmem>>
        %dma_wait3A_75 = tpu.memref_squeeze %dma_wait3A_74 : memref<1x128xi32, #tpu.memory_space<vmem>> -> memref<128xi32, #tpu.memory_space<vmem>>
        %dma_wait3A_76 = arith.constant 0 : i32
        %dma_wait3A_77 = arith.constant 0 : i32
        %dma_wait3A_78 = tpu.memref_slice %arg9[%dma_wait3A_76, %dma_wait3A_77] : memref<128x128xf32, #tpu.memory_space<vmem_shared>> -> memref<128x128xf32, #tpu.memory_space<vmem_shared>>
        tpu.wait_indirect_dma semaphore(%run_scoped3A_68 : memref<!tpu.dma_semaphore, #tpu.memory_space<semaphore_mem>>) src(%arg6 : memref<128x128xf32, #tpu.memory_space<vmem>>) dst(%dma_wait3A_78 : memref<128x128xf32, #tpu.memory_space<vmem_shared>>)
        tpu.yield
      }) : () -> ()
    } else {
    }
    %barrier3A_62 = arith.constant 0 : index
    tpu.barrier barrier_id(%barrier3A_62)
    %eq3A_63 = arith.constant 0 : i32
    %eq3A_64 = arith.cmpi eq, %arg0, %eq3A_63 : i32
    %convert_element_type3A_65 = arith.extui %eq3A_64 : i1 to i32
    %cond3A_66 = arith.constant 0 : i32
    %cond3A_67 = arith.cmpi ne, %convert_element_type3A_65, %cond3A_66 : i32
    scf.if %cond3A_67 {
      "tpu.region"() ({
        %run_scoped3A = tpu.sem_alloc : memref<!tpu.dma_semaphore, #tpu.memory_space<semaphore_mem>>
        %dma_start3A = arith.constant 0 : i32
        %dma_start3A_3008 = tpu.memref_slice %arg9[%mul3A_0, %dma_start3A] : memref<128x128xf32, #tpu.memory_space<vmem_shared>> -> memref<8x128xf32, #tpu.memory_space<vmem_shared>>
        %dma_start3A_3009 = arith.constant 0 : i32
        %dma_start3A_3010 = tpu.memref_slice %arg9[%mul3A_0, %dma_start3A_3009] : memref<128x128xf32, #tpu.memory_space<vmem_shared>> -> memref<8x128xf32, #tpu.memory_space<vmem_shared>>
        tpu.enqueue_dma source(%dma_start3A_3010 : memref<8x128xf32, #tpu.memory_space<vmem_shared>>) target(%arg8 : memref<8x128xf32, #tpu.memory_space<vmem>>) target_semaphore(%run_scoped3A : memref<!tpu.dma_semaphore, #tpu.memory_space<semaphore_mem>>)
        %dma_wait3A = arith.constant 0 : i32
        %dma_wait3A_3011 = tpu.memref_slice %arg9[%mul3A_0, %dma_wait3A] : memref<128x128xf32, #tpu.memory_space<vmem_shared>> -> memref<8x128xf32, #tpu.memory_space<vmem_shared>>
        %dma_wait3A_3012 = arith.constant 0 : i32
        %dma_wait3A_3013 = tpu.memref_slice %arg9[%mul3A_0, %dma_wait3A_3012] : memref<128x128xf32, #tpu.memory_space<vmem_shared>> -> memref<8x128xf32, #tpu.memory_space<vmem_shared>>
        tpu.wait_dma2 semaphore(%run_scoped3A : memref<!tpu.dma_semaphore, #tpu.memory_space<semaphore_mem>>) src(%dma_wait3A_3013 : memref<8x128xf32, #tpu.memory_space<vmem_shared>>) dst(%arg8 : memref<8x128xf32, #tpu.memory_space<vmem>>)
        tpu.yield
      }) : () -> ()
      %get3A = arith.constant 0 : i32
      %get3A_68 = arith.index_cast %get3A : i32 to index
      %get3A_69 = arith.constant 0 : index
      %get3A_70 = tpu.vector_load %arg8[%get3A_68, %get3A_69] {strides = array<i32>} : memref<8x128xf32, #tpu.memory_space<vmem>>, vector<16xf32>,
      %add3A_71 = arith.constant 1.000000e+00 : f32
      %add3A_72 = vector.broadcast %add3A_71 : f32 to vector<16xf32>
      %add3A_73 = arith.addf %add3A_72, %get3A_70 : vector<16xf32>
      %bitcast3A = vector.bitcast %add3A_73 : vector<16xf32> to vector<16xi32>
      %shift_right_arithmetic3A = arith.constant 1 : i32
      %shift_right_arithmetic3A_74 = vector.broadcast %shift_right_arithmetic3A : i32 to vector<16xi32>
      %shift_right_arithmetic3A_75 = arith.shrsi %bitcast3A, %shift_right_arithmetic3A_74 : vector<16xi32>
      %sub3A = arith.constant 1597463007 : i32
      %sub3A_76 = vector.broadcast %sub3A : i32 to vector<16xi32>
      %sub3A_77 = arith.subi %sub3A_76, %shift_right_arithmetic3A_75 : vector<16xi32>
      %bitcast3A_78 = vector.bitcast %sub3A_77 : vector<16xi32> to vector<16xf32>
      %mul3A_79 = arith.constant 5.000000e-01 : f32
      %mul3A_80 = vector.broadcast %mul3A_79 : f32 to vector<16xf32>
      %mul3A_81 = arith.mulf %mul3A_80, %add3A_73 : vector<16xf32>
      %mul3A_82 = arith.mulf %mul3A_81, %bitcast3A_78 : vector<16xf32>
      %mul3A_83 = arith.mulf %mul3A_82, %bitcast3A_78 : vector<16xf32>
      %sub3A_84 = arith.constant 1.500000e+00 : f32
      %sub3A_85 = vector.broadcast %sub3A_84 : f32 to vector<16xf32>
      %sub3A_86 = arith.subf %sub3A_85, %mul3A_83 : vector<16xf32>
      %mul3A_87 = arith.mulf %bitcast3A_78, %sub3A_86 : vector<16xf32>
      %mul3A_88 = arith.constant 5.000000e-01 : f32
      %mul3A_89 = vector.broadcast %mul3A_88 : f32 to vector<16xf32>
      %mul3A_90 = arith.mulf %mul3A_89, %add3A_73 : vector<16xf32>
      %mul3A_91 = arith.mulf %mul3A_90, %mul3A_87 : vector<16xf32>
      %mul3A_92 = arith.mulf %mul3A_91, %mul3A_87 : vector<16xf32>
      %sub3A_93 = arith.constant 1.500000e+00 : f32
      %sub3A_94 = vector.broadcast %sub3A_93 : f32 to vector<16xf32>
      %sub3A_95 = arith.subf %sub3A_94, %mul3A_92 : vector<16xf32>
      %mul3A_96 = arith.mulf %mul3A_87, %sub3A_95 : vector<16xf32>
      %mul3A_97 = arith.constant 5.000000e-01 : f32
      %mul3A_98 = vector.broadcast %mul3A_97 : f32 to vector<16xf32>
      %mul3A_99 = arith.mulf %mul3A_98, %add3A_73 : vector<16xf32>
      %mul3A_100 = arith.mulf %mul3A_99, %mul3A_96 : vector<16xf32>
      %mul3A_101 = arith.mulf %mul3A_100, %mul3A_96 : vector<16xf32>
      %sub3A_102 = arith.constant 1.500000e+00 : f32
      %sub3A_103 = vector.broadcast %sub3A_102 : f32 to vector<16xf32>
      %sub3A_104 = arith.subf %sub3A_103, %mul3A_101 : vector<16xf32>
      %mul3A_105 = arith.mulf %mul3A_96, %sub3A_104 : vector<16xf32>
      %swap3A_106 = arith.constant 0 : i32
      %swap3A_107 = arith.index_cast %swap3A_106 : i32 to index
      %swap3A_108 = arith.constant 0 : index
      %swap3A_109 = tpu.vector_load %arg8[%swap3A_107, %swap3A_108] {strides = array<i32>} : memref<8x128xf32, #tpu.memory_space<vmem>>, vector<16xf32>,
      tpu.vector_store %arg8[%swap3A_107, %swap3A_108], %mul3A_105 {strides = array<i32>} : memref<8x128xf32, #tpu.memory_space<vmem>>, vector<16xf32>,
      %get3A_110 = arith.constant 0 : i32
      %get3A_111 = arith.index_cast %get3A_110 : i32 to index
      %get3A_112 = arith.constant 16 : index
      %get3A_113 = tpu.vector_load %arg8[%get3A_111, %get3A_112] {strides = array<i32>} : memref<8x128xf32, #tpu.memory_space<vmem>>, vector<16xf32>,
      %add3A_114 = arith.constant 1.000000e+00 : f32
      %add3A_115 = vector.broadcast %add3A_114 : f32 to vector<16xf32>
      %add3A_116 = arith.addf %add3A_115, %get3A_113 : vector<16xf32>
      %bitcast3A_117 = vector.bitcast %add3A_116 : vector<16xf32> to vector<16xi32>
      %shift_right_arithmetic3A_118 = arith.constant 1 : i32
      %shift_right_arithmetic3A_119 = vector.broadcast %shift_right_arithmetic3A_118 : i32 to vector<16xi32>
      %shift_right_arithmetic3A_120 = arith.shrsi %bitcast3A_117, %shift_right_arithmetic3A_119 : vector<16xi32>
      %sub3A_121 = arith.constant 1597463007 : i32
      %sub3A_122 = vector.broadcast %sub3A_121 : i32 to vector<16xi32>
      %sub3A_123 = arith.subi %sub3A_122, %shift_right_arithmetic3A_120 : vector<16xi32>
      %bitcast3A_124 = vector.bitcast %sub3A_123 : vector<16xi32> to vector<16xf32>
      %mul3A_125 = arith.constant 5.000000e-01 : f32
      %mul3A_126 = vector.broadcast %mul3A_125 : f32 to vector<16xf32>
      %mul3A_127 = arith.mulf %mul3A_126, %add3A_116 : vector<16xf32>
      %mul3A_128 = arith.mulf %mul3A_127, %bitcast3A_124 : vector<16xf32>
      %mul3A_129 = arith.mulf %mul3A_128, %bitcast3A_124 : vector<16xf32>
      %sub3A_130 = arith.constant 1.500000e+00 : f32
      %sub3A_131 = vector.broadcast %sub3A_130 : f32 to vector<16xf32>
      %sub3A_132 = arith.subf %sub3A_131, %mul3A_129 : vector<16xf32>
      %mul3A_133 = arith.mulf %bitcast3A_124, %sub3A_132 : vector<16xf32>
      %mul3A_134 = arith.constant 5.000000e-01 : f32
      %mul3A_135 = vector.broadcast %mul3A_134 : f32 to vector<16xf32>
      %mul3A_136 = arith.mulf %mul3A_135, %add3A_116 : vector<16xf32>
      %mul3A_137 = arith.mulf %mul3A_136, %mul3A_133 : vector<16xf32>
      %mul3A_138 = arith.mulf %mul3A_137, %mul3A_133 : vector<16xf32>
      %sub3A_139 = arith.constant 1.500000e+00 : f32
      %sub3A_140 = vector.broadcast %sub3A_139 : f32 to vector<16xf32>
      %sub3A_141 = arith.subf %sub3A_140, %mul3A_138 : vector<16xf32>
      %mul3A_142 = arith.mulf %mul3A_133, %sub3A_141 : vector<16xf32>
      %mul3A_143 = arith.constant 5.000000e-01 : f32
      %mul3A_144 = vector.broadcast %mul3A_143 : f32 to vector<16xf32>
      %mul3A_145 = arith.mulf %mul3A_144, %add3A_116 : vector<16xf32>
      %mul3A_146 = arith.mulf %mul3A_145, %mul3A_142 : vector<16xf32>
      %mul3A_147 = arith.mulf %mul3A_146, %mul3A_142 : vector<16xf32>
      %sub3A_148 = arith.constant 1.500000e+00 : f32
      %sub3A_149 = vector.broadcast %sub3A_148 : f32 to vector<16xf32>
      %sub3A_150 = arith.subf %sub3A_149, %mul3A_147 : vector<16xf32>
      %mul3A_151 = arith.mulf %mul3A_142, %sub3A_150 : vector<16xf32>
      %swap3A_152 = arith.constant 0 : i32
      %swap3A_153 = arith.index_cast %swap3A_152 : i32 to index
      %swap3A_154 = arith.constant 16 : index
      %swap3A_155 = tpu.vector_load %arg8[%swap3A_153, %swap3A_154] {strides = array<i32>} : memref<8x128xf32, #tpu.memory_space<vmem>>, vector<16xf32>,
      tpu.vector_store %arg8[%swap3A_153, %swap3A_154], %mul3A_151 {strides = array<i32>} : memref<8x128xf32, #tpu.memory_space<vmem>>, vector<16xf32>,
      %get3A_156 = arith.constant 0 : i32
      %get3A_157 = arith.index_cast %get3A_156 : i32 to index
      %get3A_158 = arith.constant 32 : index
      %get3A_159 = tpu.vector_load %arg8[%get3A_157, %get3A_158] {strides = array<i32>} : memref<8x128xf32, #tpu.memory_space<vmem>>, vector<16xf32>,
      %add3A_160 = arith.constant 1.000000e+00 : f32
      %add3A_161 = vector.broadcast %add3A_160 : f32 to vector<16xf32>
      %add3A_162 = arith.addf %add3A_161, %get3A_159 : vector<16xf32>
      %bitcast3A_163 = vector.bitcast %add3A_162 : vector<16xf32> to vector<16xi32>
      %shift_right_arithmetic3A_164 = arith.constant 1 : i32
      %shift_right_arithmetic3A_165 = vector.broadcast %shift_right_arithmetic3A_164 : i32 to vector<16xi32>
      %shift_right_arithmetic3A_166 = arith.shrsi %bitcast3A_163, %shift_right_arithmetic3A_165 : vector<16xi32>
      %sub3A_167 = arith.constant 1597463007 : i32
      %sub3A_168 = vector.broadcast %sub3A_167 : i32 to vector<16xi32>
      %sub3A_169 = arith.subi %sub3A_168, %shift_right_arithmetic3A_166 : vector<16xi32>
      %bitcast3A_170 = vector.bitcast %sub3A_169 : vector<16xi32> to vector<16xf32>
      %mul3A_171 = arith.constant 5.000000e-01 : f32
      %mul3A_172 = vector.broadcast %mul3A_171 : f32 to vector<16xf32>
      %mul3A_173 = arith.mulf %mul3A_172, %add3A_162 : vector<16xf32>
      %mul3A_174 = arith.mulf %mul3A_173, %bitcast3A_170 : vector<16xf32>
      %mul3A_175 = arith.mulf %mul3A_174, %bitcast3A_170 : vector<16xf32>
      %sub3A_176 = arith.constant 1.500000e+00 : f32
      %sub3A_177 = vector.broadcast %sub3A_176 : f32 to vector<16xf32>
      %sub3A_178 = arith.subf %sub3A_177, %mul3A_175 : vector<16xf32>
      %mul3A_179 = arith.mulf %bitcast3A_170, %sub3A_178 : vector<16xf32>
      %mul3A_180 = arith.constant 5.000000e-01 : f32
      %mul3A_181 = vector.broadcast %mul3A_180 : f32 to vector<16xf32>
      %mul3A_182 = arith.mulf %mul3A_181, %add3A_162 : vector<16xf32>
      %mul3A_183 = arith.mulf %mul3A_182, %mul3A_179 : vector<16xf32>
      %mul3A_184 = arith.mulf %mul3A_183, %mul3A_179 : vector<16xf32>
      %sub3A_185 = arith.constant 1.500000e+00 : f32
      %sub3A_186 = vector.broadcast %sub3A_185 : f32 to vector<16xf32>
      %sub3A_187 = arith.subf %sub3A_186, %mul3A_184 : vector<16xf32>
      %mul3A_188 = arith.mulf %mul3A_179, %sub3A_187 : vector<16xf32>
      %mul3A_189 = arith.constant 5.000000e-01 : f32
      %mul3A_190 = vector.broadcast %mul3A_189 : f32 to vector<16xf32>
      %mul3A_191 = arith.mulf %mul3A_190, %add3A_162 : vector<16xf32>
      %mul3A_192 = arith.mulf %mul3A_191, %mul3A_188 : vector<16xf32>
      %mul3A_193 = arith.mulf %mul3A_192, %mul3A_188 : vector<16xf32>
      %sub3A_194 = arith.constant 1.500000e+00 : f32
      %sub3A_195 = vector.broadcast %sub3A_194 : f32 to vector<16xf32>
      %sub3A_196 = arith.subf %sub3A_195, %mul3A_193 : vector<16xf32>
      %mul3A_197 = arith.mulf %mul3A_188, %sub3A_196 : vector<16xf32>
      %swap3A_198 = arith.constant 0 : i32
      %swap3A_199 = arith.index_cast %swap3A_198 : i32 to index
      %swap3A_200 = arith.constant 32 : index
      %swap3A_201 = tpu.vector_load %arg8[%swap3A_199, %swap3A_200] {strides = array<i32>} : memref<8x128xf32, #tpu.memory_space<vmem>>, vector<16xf32>,
      tpu.vector_store %arg8[%swap3A_199, %swap3A_200], %mul3A_197 {strides = array<i32>} : memref<8x128xf32, #tpu.memory_space<vmem>>, vector<16xf32>,
      %get3A_202 = arith.constant 0 : i32
      %get3A_203 = arith.index_cast %get3A_202 : i32 to index
      %get3A_204 = arith.constant 48 : index
      %get3A_205 = tpu.vector_load %arg8[%get3A_203, %get3A_204] {strides = array<i32>} : memref<8x128xf32, #tpu.memory_space<vmem>>, vector<16xf32>,
      %add3A_206 = arith.constant 1.000000e+00 : f32
      %add3A_207 = vector.broadcast %add3A_206 : f32 to vector<16xf32>
      %add3A_208 = arith.addf %add3A_207, %get3A_205 : vector<16xf32>
      %bitcast3A_209 = vector.bitcast %add3A_208 : vector<16xf32> to vector<16xi32>
      %shift_right_arithmetic3A_210 = arith.constant 1 : i32
      %shift_right_arithmetic3A_211 = vector.broadcast %shift_right_arithmetic3A_210 : i32 to vector<16xi32>
      %shift_right_arithmetic3A_212 = arith.shrsi %bitcast3A_209, %shift_right_arithmetic3A_211 : vector<16xi32>
      %sub3A_213 = arith.constant 1597463007 : i32
      %sub3A_214 = vector.broadcast %sub3A_213 : i32 to vector<16xi32>
      %sub3A_215 = arith.subi %sub3A_214, %shift_right_arithmetic3A_212 : vector<16xi32>
      %bitcast3A_216 = vector.bitcast %sub3A_215 : vector<16xi32> to vector<16xf32>
      %mul3A_217 = arith.constant 5.000000e-01 : f32
      %mul3A_218 = vector.broadcast %mul3A_217 : f32 to vector<16xf32>
      %mul3A_219 = arith.mulf %mul3A_218, %add3A_208 : vector<16xf32>
      %mul3A_220 = arith.mulf %mul3A_219, %bitcast3A_216 : vector<16xf32>
      %mul3A_221 = arith.mulf %mul3A_220, %bitcast3A_216 : vector<16xf32>
      %sub3A_222 = arith.constant 1.500000e+00 : f32
      %sub3A_223 = vector.broadcast %sub3A_222 : f32 to vector<16xf32>
      %sub3A_224 = arith.subf %sub3A_223, %mul3A_221 : vector<16xf32>
      %mul3A_225 = arith.mulf %bitcast3A_216, %sub3A_224 : vector<16xf32>
      %mul3A_226 = arith.constant 5.000000e-01 : f32
      %mul3A_227 = vector.broadcast %mul3A_226 : f32 to vector<16xf32>
      %mul3A_228 = arith.mulf %mul3A_227, %add3A_208 : vector<16xf32>
      %mul3A_229 = arith.mulf %mul3A_228, %mul3A_225 : vector<16xf32>
      %mul3A_230 = arith.mulf %mul3A_229, %mul3A_225 : vector<16xf32>
      %sub3A_231 = arith.constant 1.500000e+00 : f32
      %sub3A_232 = vector.broadcast %sub3A_231 : f32 to vector<16xf32>
      %sub3A_233 = arith.subf %sub3A_232, %mul3A_230 : vector<16xf32>
      %mul3A_234 = arith.mulf %mul3A_225, %sub3A_233 : vector<16xf32>
      %mul3A_235 = arith.constant 5.000000e-01 : f32
      %mul3A_236 = vector.broadcast %mul3A_235 : f32 to vector<16xf32>
      %mul3A_237 = arith.mulf %mul3A_236, %add3A_208 : vector<16xf32>
      %mul3A_238 = arith.mulf %mul3A_237, %mul3A_234 : vector<16xf32>
      %mul3A_239 = arith.mulf %mul3A_238, %mul3A_234 : vector<16xf32>
      %sub3A_240 = arith.constant 1.500000e+00 : f32
      %sub3A_241 = vector.broadcast %sub3A_240 : f32 to vector<16xf32>
      %sub3A_242 = arith.subf %sub3A_241, %mul3A_239 : vector<16xf32>
      %mul3A_243 = arith.mulf %mul3A_234, %sub3A_242 : vector<16xf32>
      %swap3A_244 = arith.constant 0 : i32
      %swap3A_245 = arith.index_cast %swap3A_244 : i32 to index
      %swap3A_246 = arith.constant 48 : index
      %swap3A_247 = tpu.vector_load %arg8[%swap3A_245, %swap3A_246] {strides = array<i32>} : memref<8x128xf32, #tpu.memory_space<vmem>>, vector<16xf32>,
      tpu.vector_store %arg8[%swap3A_245, %swap3A_246], %mul3A_243 {strides = array<i32>} : memref<8x128xf32, #tpu.memory_space<vmem>>, vector<16xf32>,
      %get3A_248 = arith.constant 0 : i32
      %get3A_249 = arith.index_cast %get3A_248 : i32 to index
      %get3A_250 = arith.constant 64 : index
      %get3A_251 = tpu.vector_load %arg8[%get3A_249, %get3A_250] {strides = array<i32>} : memref<8x128xf32, #tpu.memory_space<vmem>>, vector<16xf32>,
      %add3A_252 = arith.constant 1.000000e+00 : f32
      %add3A_253 = vector.broadcast %add3A_252 : f32 to vector<16xf32>
      %add3A_254 = arith.addf %add3A_253, %get3A_251 : vector<16xf32>
      %bitcast3A_255 = vector.bitcast %add3A_254 : vector<16xf32> to vector<16xi32>
      %shift_right_arithmetic3A_256 = arith.constant 1 : i32
      %shift_right_arithmetic3A_257 = vector.broadcast %shift_right_arithmetic3A_256 : i32 to vector<16xi32>
      %shift_right_arithmetic3A_258 = arith.shrsi %bitcast3A_255, %shift_right_arithmetic3A_257 : vector<16xi32>
      %sub3A_259 = arith.constant 1597463007 : i32
      %sub3A_260 = vector.broadcast %sub3A_259 : i32 to vector<16xi32>
      %sub3A_261 = arith.subi %sub3A_260, %shift_right_arithmetic3A_258 : vector<16xi32>
      %bitcast3A_262 = vector.bitcast %sub3A_261 : vector<16xi32> to vector<16xf32>
      %mul3A_263 = arith.constant 5.000000e-01 : f32
      %mul3A_264 = vector.broadcast %mul3A_263 : f32 to vector<16xf32>
      %mul3A_265 = arith.mulf %mul3A_264, %add3A_254 : vector<16xf32>
      %mul3A_266 = arith.mulf %mul3A_265, %bitcast3A_262 : vector<16xf32>
      %mul3A_267 = arith.mulf %mul3A_266, %bitcast3A_262 : vector<16xf32>
      %sub3A_268 = arith.constant 1.500000e+00 : f32
      %sub3A_269 = vector.broadcast %sub3A_268 : f32 to vector<16xf32>
      %sub3A_270 = arith.subf %sub3A_269, %mul3A_267 : vector<16xf32>
      %mul3A_271 = arith.mulf %bitcast3A_262, %sub3A_270 : vector<16xf32>
      %mul3A_272 = arith.constant 5.000000e-01 : f32
      %mul3A_273 = vector.broadcast %mul3A_272 : f32 to vector<16xf32>
      %mul3A_274 = arith.mulf %mul3A_273, %add3A_254 : vector<16xf32>
      %mul3A_275 = arith.mulf %mul3A_274, %mul3A_271 : vector<16xf32>
      %mul3A_276 = arith.mulf %mul3A_275, %mul3A_271 : vector<16xf32>
      %sub3A_277 = arith.constant 1.500000e+00 : f32
      %sub3A_278 = vector.broadcast %sub3A_277 : f32 to vector<16xf32>
      %sub3A_279 = arith.subf %sub3A_278, %mul3A_276 : vector<16xf32>
      %mul3A_280 = arith.mulf %mul3A_271, %sub3A_279 : vector<16xf32>
      %mul3A_281 = arith.constant 5.000000e-01 : f32
      %mul3A_282 = vector.broadcast %mul3A_281 : f32 to vector<16xf32>
      %mul3A_283 = arith.mulf %mul3A_282, %add3A_254 : vector<16xf32>
      %mul3A_284 = arith.mulf %mul3A_283, %mul3A_280 : vector<16xf32>
      %mul3A_285 = arith.mulf %mul3A_284, %mul3A_280 : vector<16xf32>
      %sub3A_286 = arith.constant 1.500000e+00 : f32
      %sub3A_287 = vector.broadcast %sub3A_286 : f32 to vector<16xf32>
      %sub3A_288 = arith.subf %sub3A_287, %mul3A_285 : vector<16xf32>
      %mul3A_289 = arith.mulf %mul3A_280, %sub3A_288 : vector<16xf32>
      %swap3A_290 = arith.constant 0 : i32
      %swap3A_291 = arith.index_cast %swap3A_290 : i32 to index
      %swap3A_292 = arith.constant 64 : index
      %swap3A_293 = tpu.vector_load %arg8[%swap3A_291, %swap3A_292] {strides = array<i32>} : memref<8x128xf32, #tpu.memory_space<vmem>>, vector<16xf32>,
      tpu.vector_store %arg8[%swap3A_291, %swap3A_292], %mul3A_289 {strides = array<i32>} : memref<8x128xf32, #tpu.memory_space<vmem>>, vector<16xf32>,
      %get3A_294 = arith.constant 0 : i32
      %get3A_295 = arith.index_cast %get3A_294 : i32 to index
      %get3A_296 = arith.constant 80 : index
      %get3A_297 = tpu.vector_load %arg8[%get3A_295, %get3A_296] {strides = array<i32>} : memref<8x128xf32, #tpu.memory_space<vmem>>, vector<16xf32>,
      %add3A_298 = arith.constant 1.000000e+00 : f32
      %add3A_299 = vector.broadcast %add3A_298 : f32 to vector<16xf32>
      %add3A_300 = arith.addf %add3A_299, %get3A_297 : vector<16xf32>
      %bitcast3A_301 = vector.bitcast %add3A_300 : vector<16xf32> to vector<16xi32>
      %shift_right_arithmetic3A_302 = arith.constant 1 : i32
      %shift_right_arithmetic3A_303 = vector.broadcast %shift_right_arithmetic3A_302 : i32 to vector<16xi32>
      %shift_right_arithmetic3A_304 = arith.shrsi %bitcast3A_301, %shift_right_arithmetic3A_303 : vector<16xi32>
      %sub3A_305 = arith.constant 1597463007 : i32
      %sub3A_306 = vector.broadcast %sub3A_305 : i32 to vector<16xi32>
      %sub3A_307 = arith.subi %sub3A_306, %shift_right_arithmetic3A_304 : vector<16xi32>
      %bitcast3A_308 = vector.bitcast %sub3A_307 : vector<16xi32> to vector<16xf32>
      %mul3A_309 = arith.constant 5.000000e-01 : f32
      %mul3A_310 = vector.broadcast %mul3A_309 : f32 to vector<16xf32>
      %mul3A_311 = arith.mulf %mul3A_310, %add3A_300 : vector<16xf32>
      %mul3A_312 = arith.mulf %mul3A_311, %bitcast3A_308 : vector<16xf32>
      %mul3A_313 = arith.mulf %mul3A_312, %bitcast3A_308 : vector<16xf32>
      %sub3A_314 = arith.constant 1.500000e+00 : f32
      %sub3A_315 = vector.broadcast %sub3A_314 : f32 to vector<16xf32>
      %sub3A_316 = arith.subf %sub3A_315, %mul3A_313 : vector<16xf32>
      %mul3A_317 = arith.mulf %bitcast3A_308, %sub3A_316 : vector<16xf32>
      %mul3A_318 = arith.constant 5.000000e-01 : f32
      %mul3A_319 = vector.broadcast %mul3A_318 : f32 to vector<16xf32>
      %mul3A_320 = arith.mulf %mul3A_319, %add3A_300 : vector<16xf32>
      %mul3A_321 = arith.mulf %mul3A_320, %mul3A_317 : vector<16xf32>
      %mul3A_322 = arith.mulf %mul3A_321, %mul3A_317 : vector<16xf32>
      %sub3A_323 = arith.constant 1.500000e+00 : f32
      %sub3A_324 = vector.broadcast %sub3A_323 : f32 to vector<16xf32>
      %sub3A_325 = arith.subf %sub3A_324, %mul3A_322 : vector<16xf32>
      %mul3A_326 = arith.mulf %mul3A_317, %sub3A_325 : vector<16xf32>
      %mul3A_327 = arith.constant 5.000000e-01 : f32
      %mul3A_328 = vector.broadcast %mul3A_327 : f32 to vector<16xf32>
      %mul3A_329 = arith.mulf %mul3A_328, %add3A_300 : vector<16xf32>
      %mul3A_330 = arith.mulf %mul3A_329, %mul3A_326 : vector<16xf32>
      %mul3A_331 = arith.mulf %mul3A_330, %mul3A_326 : vector<16xf32>
      %sub3A_332 = arith.constant 1.500000e+00 : f32
      %sub3A_333 = vector.broadcast %sub3A_332 : f32 to vector<16xf32>
      %sub3A_334 = arith.subf %sub3A_333, %mul3A_331 : vector<16xf32>
      %mul3A_335 = arith.mulf %mul3A_326, %sub3A_334 : vector<16xf32>
      %swap3A_336 = arith.constant 0 : i32
      %swap3A_337 = arith.index_cast %swap3A_336 : i32 to index
      %swap3A_338 = arith.constant 80 : index
      %swap3A_339 = tpu.vector_load %arg8[%swap3A_337, %swap3A_338] {strides = array<i32>} : memref<8x128xf32, #tpu.memory_space<vmem>>, vector<16xf32>,
      tpu.vector_store %arg8[%swap3A_337, %swap3A_338], %mul3A_335 {strides = array<i32>} : memref<8x128xf32, #tpu.memory_space<vmem>>, vector<16xf32>,
      %get3A_340 = arith.constant 0 : i32
      %get3A_341 = arith.index_cast %get3A_340 : i32 to index
      %get3A_342 = arith.constant 96 : index
      %get3A_343 = tpu.vector_load %arg8[%get3A_341, %get3A_342] {strides = array<i32>} : memref<8x128xf32, #tpu.memory_space<vmem>>, vector<16xf32>,
      %add3A_344 = arith.constant 1.000000e+00 : f32
      %add3A_345 = vector.broadcast %add3A_344 : f32 to vector<16xf32>
      %add3A_346 = arith.addf %add3A_345, %get3A_343 : vector<16xf32>
      %bitcast3A_347 = vector.bitcast %add3A_346 : vector<16xf32> to vector<16xi32>
      %shift_right_arithmetic3A_348 = arith.constant 1 : i32
      %shift_right_arithmetic3A_349 = vector.broadcast %shift_right_arithmetic3A_348 : i32 to vector<16xi32>
      %shift_right_arithmetic3A_350 = arith.shrsi %bitcast3A_347, %shift_right_arithmetic3A_349 : vector<16xi32>
      %sub3A_351 = arith.constant 1597463007 : i32
      %sub3A_352 = vector.broadcast %sub3A_351 : i32 to vector<16xi32>
      %sub3A_353 = arith.subi %sub3A_352, %shift_right_arithmetic3A_350 : vector<16xi32>
      %bitcast3A_354 = vector.bitcast %sub3A_353 : vector<16xi32> to vector<16xf32>
      %mul3A_355 = arith.constant 5.000000e-01 : f32
      %mul3A_356 = vector.broadcast %mul3A_355 : f32 to vector<16xf32>
      %mul3A_357 = arith.mulf %mul3A_356, %add3A_346 : vector<16xf32>
      %mul3A_358 = arith.mulf %mul3A_357, %bitcast3A_354 : vector<16xf32>
      %mul3A_359 = arith.mulf %mul3A_358, %bitcast3A_354 : vector<16xf32>
      %sub3A_360 = arith.constant 1.500000e+00 : f32
      %sub3A_361 = vector.broadcast %sub3A_360 : f32 to vector<16xf32>
      %sub3A_362 = arith.subf %sub3A_361, %mul3A_359 : vector<16xf32>
      %mul3A_363 = arith.mulf %bitcast3A_354, %sub3A_362 : vector<16xf32>
      %mul3A_364 = arith.constant 5.000000e-01 : f32
      %mul3A_365 = vector.broadcast %mul3A_364 : f32 to vector<16xf32>
      %mul3A_366 = arith.mulf %mul3A_365, %add3A_346 : vector<16xf32>
      %mul3A_367 = arith.mulf %mul3A_366, %mul3A_363 : vector<16xf32>
      %mul3A_368 = arith.mulf %mul3A_367, %mul3A_363 : vector<16xf32>
      %sub3A_369 = arith.constant 1.500000e+00 : f32
      %sub3A_370 = vector.broadcast %sub3A_369 : f32 to vector<16xf32>
      %sub3A_371 = arith.subf %sub3A_370, %mul3A_368 : vector<16xf32>
      %mul3A_372 = arith.mulf %mul3A_363, %sub3A_371 : vector<16xf32>
      %mul3A_373 = arith.constant 5.000000e-01 : f32
      %mul3A_374 = vector.broadcast %mul3A_373 : f32 to vector<16xf32>
      %mul3A_375 = arith.mulf %mul3A_374, %add3A_346 : vector<16xf32>
      %mul3A_376 = arith.mulf %mul3A_375, %mul3A_372 : vector<16xf32>
      %mul3A_377 = arith.mulf %mul3A_376, %mul3A_372 : vector<16xf32>
      %sub3A_378 = arith.constant 1.500000e+00 : f32
      %sub3A_379 = vector.broadcast %sub3A_378 : f32 to vector<16xf32>
      %sub3A_380 = arith.subf %sub3A_379, %mul3A_377 : vector<16xf32>
      %mul3A_381 = arith.mulf %mul3A_372, %sub3A_380 : vector<16xf32>
      %swap3A_382 = arith.constant 0 : i32
      %swap3A_383 = arith.index_cast %swap3A_382 : i32 to index
      %swap3A_384 = arith.constant 96 : index
      %swap3A_385 = tpu.vector_load %arg8[%swap3A_383, %swap3A_384] {strides = array<i32>} : memref<8x128xf32, #tpu.memory_space<vmem>>, vector<16xf32>,
      tpu.vector_store %arg8[%swap3A_383, %swap3A_384], %mul3A_381 {strides = array<i32>} : memref<8x128xf32, #tpu.memory_space<vmem>>, vector<16xf32>,
      %get3A_386 = arith.constant 0 : i32
      %get3A_387 = arith.index_cast %get3A_386 : i32 to index
      %get3A_388 = arith.constant 112 : index
      %get3A_389 = tpu.vector_load %arg8[%get3A_387, %get3A_388] {strides = array<i32>} : memref<8x128xf32, #tpu.memory_space<vmem>>, vector<16xf32>,
      %add3A_390 = arith.constant 1.000000e+00 : f32
      %add3A_391 = vector.broadcast %add3A_390 : f32 to vector<16xf32>
      %add3A_392 = arith.addf %add3A_391, %get3A_389 : vector<16xf32>
      %bitcast3A_393 = vector.bitcast %add3A_392 : vector<16xf32> to vector<16xi32>
      %shift_right_arithmetic3A_394 = arith.constant 1 : i32
      %shift_right_arithmetic3A_395 = vector.broadcast %shift_right_arithmetic3A_394 : i32 to vector<16xi32>
      %shift_right_arithmetic3A_396 = arith.shrsi %bitcast3A_393, %shift_right_arithmetic3A_395 : vector<16xi32>
      %sub3A_397 = arith.constant 1597463007 : i32
      %sub3A_398 = vector.broadcast %sub3A_397 : i32 to vector<16xi32>
      %sub3A_399 = arith.subi %sub3A_398, %shift_right_arithmetic3A_396 : vector<16xi32>
      %bitcast3A_400 = vector.bitcast %sub3A_399 : vector<16xi32> to vector<16xf32>
      %mul3A_401 = arith.constant 5.000000e-01 : f32
      %mul3A_402 = vector.broadcast %mul3A_401 : f32 to vector<16xf32>
      %mul3A_403 = arith.mulf %mul3A_402, %add3A_392 : vector<16xf32>
      %mul3A_404 = arith.mulf %mul3A_403, %bitcast3A_400 : vector<16xf32>
      %mul3A_405 = arith.mulf %mul3A_404, %bitcast3A_400 : vector<16xf32>
      %sub3A_406 = arith.constant 1.500000e+00 : f32
      %sub3A_407 = vector.broadcast %sub3A_406 : f32 to vector<16xf32>
      %sub3A_408 = arith.subf %sub3A_407, %mul3A_405 : vector<16xf32>
      %mul3A_409 = arith.mulf %bitcast3A_400, %sub3A_408 : vector<16xf32>
      %mul3A_410 = arith.constant 5.000000e-01 : f32
      %mul3A_411 = vector.broadcast %mul3A_410 : f32 to vector<16xf32>
      %mul3A_412 = arith.mulf %mul3A_411, %add3A_392 : vector<16xf32>
      %mul3A_413 = arith.mulf %mul3A_412, %mul3A_409 : vector<16xf32>
      %mul3A_414 = arith.mulf %mul3A_413, %mul3A_409 : vector<16xf32>
      %sub3A_415 = arith.constant 1.500000e+00 : f32
      %sub3A_416 = vector.broadcast %sub3A_415 : f32 to vector<16xf32>
      %sub3A_417 = arith.subf %sub3A_416, %mul3A_414 : vector<16xf32>
      %mul3A_418 = arith.mulf %mul3A_409, %sub3A_417 : vector<16xf32>
      %mul3A_419 = arith.constant 5.000000e-01 : f32
      %mul3A_420 = vector.broadcast %mul3A_419 : f32 to vector<16xf32>
      %mul3A_421 = arith.mulf %mul3A_420, %add3A_392 : vector<16xf32>
      %mul3A_422 = arith.mulf %mul3A_421, %mul3A_418 : vector<16xf32>
      %mul3A_423 = arith.mulf %mul3A_422, %mul3A_418 : vector<16xf32>
      %sub3A_424 = arith.constant 1.500000e+00 : f32
      %sub3A_425 = vector.broadcast %sub3A_424 : f32 to vector<16xf32>
      %sub3A_426 = arith.subf %sub3A_425, %mul3A_423 : vector<16xf32>
      %mul3A_427 = arith.mulf %mul3A_418, %sub3A_426 : vector<16xf32>
      %swap3A_428 = arith.constant 0 : i32
      %swap3A_429 = arith.index_cast %swap3A_428 : i32 to index
      %swap3A_430 = arith.constant 112 : index
      %swap3A_431 = tpu.vector_load %arg8[%swap3A_429, %swap3A_430] {strides = array<i32>} : memref<8x128xf32, #tpu.memory_space<vmem>>, vector<16xf32>,
      tpu.vector_store %arg8[%swap3A_429, %swap3A_430], %mul3A_427 {strides = array<i32>} : memref<8x128xf32, #tpu.memory_space<vmem>>, vector<16xf32>,
      %get3A_432 = arith.constant 1 : i32
      %get3A_433 = arith.index_cast %get3A_432 : i32 to index
      %get3A_434 = arith.constant 0 : index
      %get3A_435 = tpu.vector_load %arg8[%get3A_433, %get3A_434] {strides = array<i32>} : memref<8x128xf32, #tpu.memory_space<vmem>>, vector<16xf32>,
      %add3A_436 = arith.constant 1.000000e+00 : f32
      %add3A_437 = vector.broadcast %add3A_436 : f32 to vector<16xf32>
      %add3A_438 = arith.addf %add3A_437, %get3A_435 : vector<16xf32>
      %bitcast3A_439 = vector.bitcast %add3A_438 : vector<16xf32> to vector<16xi32>
      %shift_right_arithmetic3A_440 = arith.constant 1 : i32
      %shift_right_arithmetic3A_441 = vector.broadcast %shift_right_arithmetic3A_440 : i32 to vector<16xi32>
      %shift_right_arithmetic3A_442 = arith.shrsi %bitcast3A_439, %shift_right_arithmetic3A_441 : vector<16xi32>
      %sub3A_443 = arith.constant 1597463007 : i32
      %sub3A_444 = vector.broadcast %sub3A_443 : i32 to vector<16xi32>
      %sub3A_445 = arith.subi %sub3A_444, %shift_right_arithmetic3A_442 : vector<16xi32>
      %bitcast3A_446 = vector.bitcast %sub3A_445 : vector<16xi32> to vector<16xf32>
      %mul3A_447 = arith.constant 5.000000e-01 : f32
      %mul3A_448 = vector.broadcast %mul3A_447 : f32 to vector<16xf32>
      %mul3A_449 = arith.mulf %mul3A_448, %add3A_438 : vector<16xf32>
      %mul3A_450 = arith.mulf %mul3A_449, %bitcast3A_446 : vector<16xf32>
      %mul3A_451 = arith.mulf %mul3A_450, %bitcast3A_446 : vector<16xf32>
      %sub3A_452 = arith.constant 1.500000e+00 : f32
      %sub3A_453 = vector.broadcast %sub3A_452 : f32 to vector<16xf32>
      %sub3A_454 = arith.subf %sub3A_453, %mul3A_451 : vector<16xf32>
      %mul3A_455 = arith.mulf %bitcast3A_446, %sub3A_454 : vector<16xf32>
      %mul3A_456 = arith.constant 5.000000e-01 : f32
      %mul3A_457 = vector.broadcast %mul3A_456 : f32 to vector<16xf32>
      %mul3A_458 = arith.mulf %mul3A_457, %add3A_438 : vector<16xf32>
      %mul3A_459 = arith.mulf %mul3A_458, %mul3A_455 : vector<16xf32>
      %mul3A_460 = arith.mulf %mul3A_459, %mul3A_455 : vector<16xf32>
      %sub3A_461 = arith.constant 1.500000e+00 : f32
      %sub3A_462 = vector.broadcast %sub3A_461 : f32 to vector<16xf32>
      %sub3A_463 = arith.subf %sub3A_462, %mul3A_460 : vector<16xf32>
      %mul3A_464 = arith.mulf %mul3A_455, %sub3A_463 : vector<16xf32>
      %mul3A_465 = arith.constant 5.000000e-01 : f32
      %mul3A_466 = vector.broadcast %mul3A_465 : f32 to vector<16xf32>
      %mul3A_467 = arith.mulf %mul3A_466, %add3A_438 : vector<16xf32>
      %mul3A_468 = arith.mulf %mul3A_467, %mul3A_464 : vector<16xf32>
      %mul3A_469 = arith.mulf %mul3A_468, %mul3A_464 : vector<16xf32>
      %sub3A_470 = arith.constant 1.500000e+00 : f32
      %sub3A_471 = vector.broadcast %sub3A_470 : f32 to vector<16xf32>
      %sub3A_472 = arith.subf %sub3A_471, %mul3A_469 : vector<16xf32>
      %mul3A_473 = arith.mulf %mul3A_464, %sub3A_472 : vector<16xf32>
      %swap3A_474 = arith.constant 1 : i32
      %swap3A_475 = arith.index_cast %swap3A_474 : i32 to index
      %swap3A_476 = arith.constant 0 : index
      %swap3A_477 = tpu.vector_load %arg8[%swap3A_475, %swap3A_476] {strides = array<i32>} : memref<8x128xf32, #tpu.memory_space<vmem>>, vector<16xf32>,
      tpu.vector_store %arg8[%swap3A_475, %swap3A_476], %mul3A_473 {strides = array<i32>} : memref<8x128xf32, #tpu.memory_space<vmem>>, vector<16xf32>,
      %get3A_478 = arith.constant 1 : i32
      %get3A_479 = arith.index_cast %get3A_478 : i32 to index
      %get3A_480 = arith.constant 16 : index
      %get3A_481 = tpu.vector_load %arg8[%get3A_479, %get3A_480] {strides = array<i32>} : memref<8x128xf32, #tpu.memory_space<vmem>>, vector<16xf32>,
      %add3A_482 = arith.constant 1.000000e+00 : f32
      %add3A_483 = vector.broadcast %add3A_482 : f32 to vector<16xf32>
      %add3A_484 = arith.addf %add3A_483, %get3A_481 : vector<16xf32>
      %bitcast3A_485 = vector.bitcast %add3A_484 : vector<16xf32> to vector<16xi32>
      %shift_right_arithmetic3A_486 = arith.constant 1 : i32
      %shift_right_arithmetic3A_487 = vector.broadcast %shift_right_arithmetic3A_486 : i32 to vector<16xi32>
      %shift_right_arithmetic3A_488 = arith.shrsi %bitcast3A_485, %shift_right_arithmetic3A_487 : vector<16xi32>
      %sub3A_489 = arith.constant 1597463007 : i32
      %sub3A_490 = vector.broadcast %sub3A_489 : i32 to vector<16xi32>
      %sub3A_491 = arith.subi %sub3A_490, %shift_right_arithmetic3A_488 : vector<16xi32>
      %bitcast3A_492 = vector.bitcast %sub3A_491 : vector<16xi32> to vector<16xf32>
      %mul3A_493 = arith.constant 5.000000e-01 : f32
      %mul3A_494 = vector.broadcast %mul3A_493 : f32 to vector<16xf32>
      %mul3A_495 = arith.mulf %mul3A_494, %add3A_484 : vector<16xf32>
      %mul3A_496 = arith.mulf %mul3A_495, %bitcast3A_492 : vector<16xf32>
      %mul3A_497 = arith.mulf %mul3A_496, %bitcast3A_492 : vector<16xf32>
      %sub3A_498 = arith.constant 1.500000e+00 : f32
      %sub3A_499 = vector.broadcast %sub3A_498 : f32 to vector<16xf32>
      %sub3A_500 = arith.subf %sub3A_499, %mul3A_497 : vector<16xf32>
      %mul3A_501 = arith.mulf %bitcast3A_492, %sub3A_500 : vector<16xf32>
      %mul3A_502 = arith.constant 5.000000e-01 : f32
      %mul3A_503 = vector.broadcast %mul3A_502 : f32 to vector<16xf32>
      %mul3A_504 = arith.mulf %mul3A_503, %add3A_484 : vector<16xf32>
      %mul3A_505 = arith.mulf %mul3A_504, %mul3A_501 : vector<16xf32>
      %mul3A_506 = arith.mulf %mul3A_505, %mul3A_501 : vector<16xf32>
      %sub3A_507 = arith.constant 1.500000e+00 : f32
      %sub3A_508 = vector.broadcast %sub3A_507 : f32 to vector<16xf32>
      %sub3A_509 = arith.subf %sub3A_508, %mul3A_506 : vector<16xf32>
      %mul3A_510 = arith.mulf %mul3A_501, %sub3A_509 : vector<16xf32>
      %mul3A_511 = arith.constant 5.000000e-01 : f32
      %mul3A_512 = vector.broadcast %mul3A_511 : f32 to vector<16xf32>
      %mul3A_513 = arith.mulf %mul3A_512, %add3A_484 : vector<16xf32>
      %mul3A_514 = arith.mulf %mul3A_513, %mul3A_510 : vector<16xf32>
      %mul3A_515 = arith.mulf %mul3A_514, %mul3A_510 : vector<16xf32>
      %sub3A_516 = arith.constant 1.500000e+00 : f32
      %sub3A_517 = vector.broadcast %sub3A_516 : f32 to vector<16xf32>
      %sub3A_518 = arith.subf %sub3A_517, %mul3A_515 : vector<16xf32>
      %mul3A_519 = arith.mulf %mul3A_510, %sub3A_518 : vector<16xf32>
      %swap3A_520 = arith.constant 1 : i32
      %swap3A_521 = arith.index_cast %swap3A_520 : i32 to index
      %swap3A_522 = arith.constant 16 : index
      %swap3A_523 = tpu.vector_load %arg8[%swap3A_521, %swap3A_522] {strides = array<i32>} : memref<8x128xf32, #tpu.memory_space<vmem>>, vector<16xf32>,
      tpu.vector_store %arg8[%swap3A_521, %swap3A_522], %mul3A_519 {strides = array<i32>} : memref<8x128xf32, #tpu.memory_space<vmem>>, vector<16xf32>,
      %get3A_524 = arith.constant 1 : i32
      %get3A_525 = arith.index_cast %get3A_524 : i32 to index
      %get3A_526 = arith.constant 32 : index
      %get3A_527 = tpu.vector_load %arg8[%get3A_525, %get3A_526] {strides = array<i32>} : memref<8x128xf32, #tpu.memory_space<vmem>>, vector<16xf32>,
      %add3A_528 = arith.constant 1.000000e+00 : f32
      %add3A_529 = vector.broadcast %add3A_528 : f32 to vector<16xf32>
      %add3A_530 = arith.addf %add3A_529, %get3A_527 : vector<16xf32>
      %bitcast3A_531 = vector.bitcast %add3A_530 : vector<16xf32> to vector<16xi32>
      %shift_right_arithmetic3A_532 = arith.constant 1 : i32
      %shift_right_arithmetic3A_533 = vector.broadcast %shift_right_arithmetic3A_532 : i32 to vector<16xi32>
      %shift_right_arithmetic3A_534 = arith.shrsi %bitcast3A_531, %shift_right_arithmetic3A_533 : vector<16xi32>
      %sub3A_535 = arith.constant 1597463007 : i32
      %sub3A_536 = vector.broadcast %sub3A_535 : i32 to vector<16xi32>
      %sub3A_537 = arith.subi %sub3A_536, %shift_right_arithmetic3A_534 : vector<16xi32>
      %bitcast3A_538 = vector.bitcast %sub3A_537 : vector<16xi32> to vector<16xf32>
      %mul3A_539 = arith.constant 5.000000e-01 : f32
      %mul3A_540 = vector.broadcast %mul3A_539 : f32 to vector<16xf32>
      %mul3A_541 = arith.mulf %mul3A_540, %add3A_530 : vector<16xf32>
      %mul3A_542 = arith.mulf %mul3A_541, %bitcast3A_538 : vector<16xf32>
      %mul3A_543 = arith.mulf %mul3A_542, %bitcast3A_538 : vector<16xf32>
      %sub3A_544 = arith.constant 1.500000e+00 : f32
      %sub3A_545 = vector.broadcast %sub3A_544 : f32 to vector<16xf32>
      %sub3A_546 = arith.subf %sub3A_545, %mul3A_543 : vector<16xf32>
      %mul3A_547 = arith.mulf %bitcast3A_538, %sub3A_546 : vector<16xf32>
      %mul3A_548 = arith.constant 5.000000e-01 : f32
      %mul3A_549 = vector.broadcast %mul3A_548 : f32 to vector<16xf32>
      %mul3A_550 = arith.mulf %mul3A_549, %add3A_530 : vector<16xf32>
      %mul3A_551 = arith.mulf %mul3A_550, %mul3A_547 : vector<16xf32>
      %mul3A_552 = arith.mulf %mul3A_551, %mul3A_547 : vector<16xf32>
      %sub3A_553 = arith.constant 1.500000e+00 : f32
      %sub3A_554 = vector.broadcast %sub3A_553 : f32 to vector<16xf32>
      %sub3A_555 = arith.subf %sub3A_554, %mul3A_552 : vector<16xf32>
      %mul3A_556 = arith.mulf %mul3A_547, %sub3A_555 : vector<16xf32>
      %mul3A_557 = arith.constant 5.000000e-01 : f32
      %mul3A_558 = vector.broadcast %mul3A_557 : f32 to vector<16xf32>
      %mul3A_559 = arith.mulf %mul3A_558, %add3A_530 : vector<16xf32>
      %mul3A_560 = arith.mulf %mul3A_559, %mul3A_556 : vector<16xf32>
      %mul3A_561 = arith.mulf %mul3A_560, %mul3A_556 : vector<16xf32>
      %sub3A_562 = arith.constant 1.500000e+00 : f32
      %sub3A_563 = vector.broadcast %sub3A_562 : f32 to vector<16xf32>
      %sub3A_564 = arith.subf %sub3A_563, %mul3A_561 : vector<16xf32>
      %mul3A_565 = arith.mulf %mul3A_556, %sub3A_564 : vector<16xf32>
      %swap3A_566 = arith.constant 1 : i32
      %swap3A_567 = arith.index_cast %swap3A_566 : i32 to index
      %swap3A_568 = arith.constant 32 : index
      %swap3A_569 = tpu.vector_load %arg8[%swap3A_567, %swap3A_568] {strides = array<i32>} : memref<8x128xf32, #tpu.memory_space<vmem>>, vector<16xf32>,
      tpu.vector_store %arg8[%swap3A_567, %swap3A_568], %mul3A_565 {strides = array<i32>} : memref<8x128xf32, #tpu.memory_space<vmem>>, vector<16xf32>,
      %get3A_570 = arith.constant 1 : i32
      %get3A_571 = arith.index_cast %get3A_570 : i32 to index
      %get3A_572 = arith.constant 48 : index
      %get3A_573 = tpu.vector_load %arg8[%get3A_571, %get3A_572] {strides = array<i32>} : memref<8x128xf32, #tpu.memory_space<vmem>>, vector<16xf32>,
      %add3A_574 = arith.constant 1.000000e+00 : f32
      %add3A_575 = vector.broadcast %add3A_574 : f32 to vector<16xf32>
      %add3A_576 = arith.addf %add3A_575, %get3A_573 : vector<16xf32>
      %bitcast3A_577 = vector.bitcast %add3A_576 : vector<16xf32> to vector<16xi32>
      %shift_right_arithmetic3A_578 = arith.constant 1 : i32
      %shift_right_arithmetic3A_579 = vector.broadcast %shift_right_arithmetic3A_578 : i32 to vector<16xi32>
      %shift_right_arithmetic3A_580 = arith.shrsi %bitcast3A_577, %shift_right_arithmetic3A_579 : vector<16xi32>
      %sub3A_581 = arith.constant 1597463007 : i32
      %sub3A_582 = vector.broadcast %sub3A_581 : i32 to vector<16xi32>
      %sub3A_583 = arith.subi %sub3A_582, %shift_right_arithmetic3A_580 : vector<16xi32>
      %bitcast3A_584 = vector.bitcast %sub3A_583 : vector<16xi32> to vector<16xf32>
      %mul3A_585 = arith.constant 5.000000e-01 : f32
      %mul3A_586 = vector.broadcast %mul3A_585 : f32 to vector<16xf32>
      %mul3A_587 = arith.mulf %mul3A_586, %add3A_576 : vector<16xf32>
      %mul3A_588 = arith.mulf %mul3A_587, %bitcast3A_584 : vector<16xf32>
      %mul3A_589 = arith.mulf %mul3A_588, %bitcast3A_584 : vector<16xf32>
      %sub3A_590 = arith.constant 1.500000e+00 : f32
      %sub3A_591 = vector.broadcast %sub3A_590 : f32 to vector<16xf32>
      %sub3A_592 = arith.subf %sub3A_591, %mul3A_589 : vector<16xf32>
      %mul3A_593 = arith.mulf %bitcast3A_584, %sub3A_592 : vector<16xf32>
      %mul3A_594 = arith.constant 5.000000e-01 : f32
      %mul3A_595 = vector.broadcast %mul3A_594 : f32 to vector<16xf32>
      %mul3A_596 = arith.mulf %mul3A_595, %add3A_576 : vector<16xf32>
      %mul3A_597 = arith.mulf %mul3A_596, %mul3A_593 : vector<16xf32>
      %mul3A_598 = arith.mulf %mul3A_597, %mul3A_593 : vector<16xf32>
      %sub3A_599 = arith.constant 1.500000e+00 : f32
      %sub3A_600 = vector.broadcast %sub3A_599 : f32 to vector<16xf32>
      %sub3A_601 = arith.subf %sub3A_600, %mul3A_598 : vector<16xf32>
      %mul3A_602 = arith.mulf %mul3A_593, %sub3A_601 : vector<16xf32>
      %mul3A_603 = arith.constant 5.000000e-01 : f32
      %mul3A_604 = vector.broadcast %mul3A_603 : f32 to vector<16xf32>
      %mul3A_605 = arith.mulf %mul3A_604, %add3A_576 : vector<16xf32>
      %mul3A_606 = arith.mulf %mul3A_605, %mul3A_602 : vector<16xf32>
      %mul3A_607 = arith.mulf %mul3A_606, %mul3A_602 : vector<16xf32>
      %sub3A_608 = arith.constant 1.500000e+00 : f32
      %sub3A_609 = vector.broadcast %sub3A_608 : f32 to vector<16xf32>
      %sub3A_610 = arith.subf %sub3A_609, %mul3A_607 : vector<16xf32>
      %mul3A_611 = arith.mulf %mul3A_602, %sub3A_610 : vector<16xf32>
      %swap3A_612 = arith.constant 1 : i32
      %swap3A_613 = arith.index_cast %swap3A_612 : i32 to index
      %swap3A_614 = arith.constant 48 : index
      %swap3A_615 = tpu.vector_load %arg8[%swap3A_613, %swap3A_614] {strides = array<i32>} : memref<8x128xf32, #tpu.memory_space<vmem>>, vector<16xf32>,
      tpu.vector_store %arg8[%swap3A_613, %swap3A_614], %mul3A_611 {strides = array<i32>} : memref<8x128xf32, #tpu.memory_space<vmem>>, vector<16xf32>,
      %get3A_616 = arith.constant 1 : i32
      %get3A_617 = arith.index_cast %get3A_616 : i32 to index
      %get3A_618 = arith.constant 64 : index
      %get3A_619 = tpu.vector_load %arg8[%get3A_617, %get3A_618] {strides = array<i32>} : memref<8x128xf32, #tpu.memory_space<vmem>>, vector<16xf32>,
      %add3A_620 = arith.constant 1.000000e+00 : f32
      %add3A_621 = vector.broadcast %add3A_620 : f32 to vector<16xf32>
      %add3A_622 = arith.addf %add3A_621, %get3A_619 : vector<16xf32>
      %bitcast3A_623 = vector.bitcast %add3A_622 : vector<16xf32> to vector<16xi32>
      %shift_right_arithmetic3A_624 = arith.constant 1 : i32
      %shift_right_arithmetic3A_625 = vector.broadcast %shift_right_arithmetic3A_624 : i32 to vector<16xi32>
      %shift_right_arithmetic3A_626 = arith.shrsi %bitcast3A_623, %shift_right_arithmetic3A_625 : vector<16xi32>
      %sub3A_627 = arith.constant 1597463007 : i32
      %sub3A_628 = vector.broadcast %sub3A_627 : i32 to vector<16xi32>
      %sub3A_629 = arith.subi %sub3A_628, %shift_right_arithmetic3A_626 : vector<16xi32>
      %bitcast3A_630 = vector.bitcast %sub3A_629 : vector<16xi32> to vector<16xf32>
      %mul3A_631 = arith.constant 5.000000e-01 : f32
      %mul3A_632 = vector.broadcast %mul3A_631 : f32 to vector<16xf32>
      %mul3A_633 = arith.mulf %mul3A_632, %add3A_622 : vector<16xf32>
      %mul3A_634 = arith.mulf %mul3A_633, %bitcast3A_630 : vector<16xf32>
      %mul3A_635 = arith.mulf %mul3A_634, %bitcast3A_630 : vector<16xf32>
      %sub3A_636 = arith.constant 1.500000e+00 : f32
      %sub3A_637 = vector.broadcast %sub3A_636 : f32 to vector<16xf32>
      %sub3A_638 = arith.subf %sub3A_637, %mul3A_635 : vector<16xf32>
      %mul3A_639 = arith.mulf %bitcast3A_630, %sub3A_638 : vector<16xf32>
      %mul3A_640 = arith.constant 5.000000e-01 : f32
      %mul3A_641 = vector.broadcast %mul3A_640 : f32 to vector<16xf32>
      %mul3A_642 = arith.mulf %mul3A_641, %add3A_622 : vector<16xf32>
      %mul3A_643 = arith.mulf %mul3A_642, %mul3A_639 : vector<16xf32>
      %mul3A_644 = arith.mulf %mul3A_643, %mul3A_639 : vector<16xf32>
      %sub3A_645 = arith.constant 1.500000e+00 : f32
      %sub3A_646 = vector.broadcast %sub3A_645 : f32 to vector<16xf32>
      %sub3A_647 = arith.subf %sub3A_646, %mul3A_644 : vector<16xf32>
      %mul3A_648 = arith.mulf %mul3A_639, %sub3A_647 : vector<16xf32>
      %mul3A_649 = arith.constant 5.000000e-01 : f32
      %mul3A_650 = vector.broadcast %mul3A_649 : f32 to vector<16xf32>
      %mul3A_651 = arith.mulf %mul3A_650, %add3A_622 : vector<16xf32>
      %mul3A_652 = arith.mulf %mul3A_651, %mul3A_648 : vector<16xf32>
      %mul3A_653 = arith.mulf %mul3A_652, %mul3A_648 : vector<16xf32>
      %sub3A_654 = arith.constant 1.500000e+00 : f32
      %sub3A_655 = vector.broadcast %sub3A_654 : f32 to vector<16xf32>
      %sub3A_656 = arith.subf %sub3A_655, %mul3A_653 : vector<16xf32>
      %mul3A_657 = arith.mulf %mul3A_648, %sub3A_656 : vector<16xf32>
      %swap3A_658 = arith.constant 1 : i32
      %swap3A_659 = arith.index_cast %swap3A_658 : i32 to index
      %swap3A_660 = arith.constant 64 : index
      %swap3A_661 = tpu.vector_load %arg8[%swap3A_659, %swap3A_660] {strides = array<i32>} : memref<8x128xf32, #tpu.memory_space<vmem>>, vector<16xf32>,
      tpu.vector_store %arg8[%swap3A_659, %swap3A_660], %mul3A_657 {strides = array<i32>} : memref<8x128xf32, #tpu.memory_space<vmem>>, vector<16xf32>,
      %get3A_662 = arith.constant 1 : i32
      %get3A_663 = arith.index_cast %get3A_662 : i32 to index
      %get3A_664 = arith.constant 80 : index
      %get3A_665 = tpu.vector_load %arg8[%get3A_663, %get3A_664] {strides = array<i32>} : memref<8x128xf32, #tpu.memory_space<vmem>>, vector<16xf32>,
      %add3A_666 = arith.constant 1.000000e+00 : f32
      %add3A_667 = vector.broadcast %add3A_666 : f32 to vector<16xf32>
      %add3A_668 = arith.addf %add3A_667, %get3A_665 : vector<16xf32>
      %bitcast3A_669 = vector.bitcast %add3A_668 : vector<16xf32> to vector<16xi32>
      %shift_right_arithmetic3A_670 = arith.constant 1 : i32
      %shift_right_arithmetic3A_671 = vector.broadcast %shift_right_arithmetic3A_670 : i32 to vector<16xi32>
      %shift_right_arithmetic3A_672 = arith.shrsi %bitcast3A_669, %shift_right_arithmetic3A_671 : vector<16xi32>
      %sub3A_673 = arith.constant 1597463007 : i32
      %sub3A_674 = vector.broadcast %sub3A_673 : i32 to vector<16xi32>
      %sub3A_675 = arith.subi %sub3A_674, %shift_right_arithmetic3A_672 : vector<16xi32>
      %bitcast3A_676 = vector.bitcast %sub3A_675 : vector<16xi32> to vector<16xf32>
      %mul3A_677 = arith.constant 5.000000e-01 : f32
      %mul3A_678 = vector.broadcast %mul3A_677 : f32 to vector<16xf32>
      %mul3A_679 = arith.mulf %mul3A_678, %add3A_668 : vector<16xf32>
      %mul3A_680 = arith.mulf %mul3A_679, %bitcast3A_676 : vector<16xf32>
      %mul3A_681 = arith.mulf %mul3A_680, %bitcast3A_676 : vector<16xf32>
      %sub3A_682 = arith.constant 1.500000e+00 : f32
      %sub3A_683 = vector.broadcast %sub3A_682 : f32 to vector<16xf32>
      %sub3A_684 = arith.subf %sub3A_683, %mul3A_681 : vector<16xf32>
      %mul3A_685 = arith.mulf %bitcast3A_676, %sub3A_684 : vector<16xf32>
      %mul3A_686 = arith.constant 5.000000e-01 : f32
      %mul3A_687 = vector.broadcast %mul3A_686 : f32 to vector<16xf32>
      %mul3A_688 = arith.mulf %mul3A_687, %add3A_668 : vector<16xf32>
      %mul3A_689 = arith.mulf %mul3A_688, %mul3A_685 : vector<16xf32>
      %mul3A_690 = arith.mulf %mul3A_689, %mul3A_685 : vector<16xf32>
      %sub3A_691 = arith.constant 1.500000e+00 : f32
      %sub3A_692 = vector.broadcast %sub3A_691 : f32 to vector<16xf32>
      %sub3A_693 = arith.subf %sub3A_692, %mul3A_690 : vector<16xf32>
      %mul3A_694 = arith.mulf %mul3A_685, %sub3A_693 : vector<16xf32>
      %mul3A_695 = arith.constant 5.000000e-01 : f32
      %mul3A_696 = vector.broadcast %mul3A_695 : f32 to vector<16xf32>
      %mul3A_697 = arith.mulf %mul3A_696, %add3A_668 : vector<16xf32>
      %mul3A_698 = arith.mulf %mul3A_697, %mul3A_694 : vector<16xf32>
      %mul3A_699 = arith.mulf %mul3A_698, %mul3A_694 : vector<16xf32>
      %sub3A_700 = arith.constant 1.500000e+00 : f32
      %sub3A_701 = vector.broadcast %sub3A_700 : f32 to vector<16xf32>
      %sub3A_702 = arith.subf %sub3A_701, %mul3A_699 : vector<16xf32>
      %mul3A_703 = arith.mulf %mul3A_694, %sub3A_702 : vector<16xf32>
      %swap3A_704 = arith.constant 1 : i32
      %swap3A_705 = arith.index_cast %swap3A_704 : i32 to index
      %swap3A_706 = arith.constant 80 : index
      %swap3A_707 = tpu.vector_load %arg8[%swap3A_705, %swap3A_706] {strides = array<i32>} : memref<8x128xf32, #tpu.memory_space<vmem>>, vector<16xf32>,
      tpu.vector_store %arg8[%swap3A_705, %swap3A_706], %mul3A_703 {strides = array<i32>} : memref<8x128xf32, #tpu.memory_space<vmem>>, vector<16xf32>,
      %get3A_708 = arith.constant 1 : i32
      %get3A_709 = arith.index_cast %get3A_708 : i32 to index
      %get3A_710 = arith.constant 96 : index
      %get3A_711 = tpu.vector_load %arg8[%get3A_709, %get3A_710] {strides = array<i32>} : memref<8x128xf32, #tpu.memory_space<vmem>>, vector<16xf32>,
      %add3A_712 = arith.constant 1.000000e+00 : f32
      %add3A_713 = vector.broadcast %add3A_712 : f32 to vector<16xf32>
      %add3A_714 = arith.addf %add3A_713, %get3A_711 : vector<16xf32>
      %bitcast3A_715 = vector.bitcast %add3A_714 : vector<16xf32> to vector<16xi32>
      %shift_right_arithmetic3A_716 = arith.constant 1 : i32
      %shift_right_arithmetic3A_717 = vector.broadcast %shift_right_arithmetic3A_716 : i32 to vector<16xi32>
      %shift_right_arithmetic3A_718 = arith.shrsi %bitcast3A_715, %shift_right_arithmetic3A_717 : vector<16xi32>
      %sub3A_719 = arith.constant 1597463007 : i32
      %sub3A_720 = vector.broadcast %sub3A_719 : i32 to vector<16xi32>
      %sub3A_721 = arith.subi %sub3A_720, %shift_right_arithmetic3A_718 : vector<16xi32>
      %bitcast3A_722 = vector.bitcast %sub3A_721 : vector<16xi32> to vector<16xf32>
      %mul3A_723 = arith.constant 5.000000e-01 : f32
      %mul3A_724 = vector.broadcast %mul3A_723 : f32 to vector<16xf32>
      %mul3A_725 = arith.mulf %mul3A_724, %add3A_714 : vector<16xf32>
      %mul3A_726 = arith.mulf %mul3A_725, %bitcast3A_722 : vector<16xf32>
      %mul3A_727 = arith.mulf %mul3A_726, %bitcast3A_722 : vector<16xf32>
      %sub3A_728 = arith.constant 1.500000e+00 : f32
      %sub3A_729 = vector.broadcast %sub3A_728 : f32 to vector<16xf32>
      %sub3A_730 = arith.subf %sub3A_729, %mul3A_727 : vector<16xf32>
      %mul3A_731 = arith.mulf %bitcast3A_722, %sub3A_730 : vector<16xf32>
      %mul3A_732 = arith.constant 5.000000e-01 : f32
      %mul3A_733 = vector.broadcast %mul3A_732 : f32 to vector<16xf32>
      %mul3A_734 = arith.mulf %mul3A_733, %add3A_714 : vector<16xf32>
      %mul3A_735 = arith.mulf %mul3A_734, %mul3A_731 : vector<16xf32>
      %mul3A_736 = arith.mulf %mul3A_735, %mul3A_731 : vector<16xf32>
      %sub3A_737 = arith.constant 1.500000e+00 : f32
      %sub3A_738 = vector.broadcast %sub3A_737 : f32 to vector<16xf32>
      %sub3A_739 = arith.subf %sub3A_738, %mul3A_736 : vector<16xf32>
      %mul3A_740 = arith.mulf %mul3A_731, %sub3A_739 : vector<16xf32>
      %mul3A_741 = arith.constant 5.000000e-01 : f32
      %mul3A_742 = vector.broadcast %mul3A_741 : f32 to vector<16xf32>
      %mul3A_743 = arith.mulf %mul3A_742, %add3A_714 : vector<16xf32>
      %mul3A_744 = arith.mulf %mul3A_743, %mul3A_740 : vector<16xf32>
      %mul3A_745 = arith.mulf %mul3A_744, %mul3A_740 : vector<16xf32>
      %sub3A_746 = arith.constant 1.500000e+00 : f32
      %sub3A_747 = vector.broadcast %sub3A_746 : f32 to vector<16xf32>
      %sub3A_748 = arith.subf %sub3A_747, %mul3A_745 : vector<16xf32>
      %mul3A_749 = arith.mulf %mul3A_740, %sub3A_748 : vector<16xf32>
      %swap3A_750 = arith.constant 1 : i32
      %swap3A_751 = arith.index_cast %swap3A_750 : i32 to index
      %swap3A_752 = arith.constant 96 : index
      %swap3A_753 = tpu.vector_load %arg8[%swap3A_751, %swap3A_752] {strides = array<i32>} : memref<8x128xf32, #tpu.memory_space<vmem>>, vector<16xf32>,
      tpu.vector_store %arg8[%swap3A_751, %swap3A_752], %mul3A_749 {strides = array<i32>} : memref<8x128xf32, #tpu.memory_space<vmem>>, vector<16xf32>,
      %get3A_754 = arith.constant 1 : i32
      %get3A_755 = arith.index_cast %get3A_754 : i32 to index
      %get3A_756 = arith.constant 112 : index
      %get3A_757 = tpu.vector_load %arg8[%get3A_755, %get3A_756] {strides = array<i32>} : memref<8x128xf32, #tpu.memory_space<vmem>>, vector<16xf32>,
      %add3A_758 = arith.constant 1.000000e+00 : f32
      %add3A_759 = vector.broadcast %add3A_758 : f32 to vector<16xf32>
      %add3A_760 = arith.addf %add3A_759, %get3A_757 : vector<16xf32>
      %bitcast3A_761 = vector.bitcast %add3A_760 : vector<16xf32> to vector<16xi32>
      %shift_right_arithmetic3A_762 = arith.constant 1 : i32
      %shift_right_arithmetic3A_763 = vector.broadcast %shift_right_arithmetic3A_762 : i32 to vector<16xi32>
      %shift_right_arithmetic3A_764 = arith.shrsi %bitcast3A_761, %shift_right_arithmetic3A_763 : vector<16xi32>
      %sub3A_765 = arith.constant 1597463007 : i32
      %sub3A_766 = vector.broadcast %sub3A_765 : i32 to vector<16xi32>
      %sub3A_767 = arith.subi %sub3A_766, %shift_right_arithmetic3A_764 : vector<16xi32>
      %bitcast3A_768 = vector.bitcast %sub3A_767 : vector<16xi32> to vector<16xf32>
      %mul3A_769 = arith.constant 5.000000e-01 : f32
      %mul3A_770 = vector.broadcast %mul3A_769 : f32 to vector<16xf32>
      %mul3A_771 = arith.mulf %mul3A_770, %add3A_760 : vector<16xf32>
      %mul3A_772 = arith.mulf %mul3A_771, %bitcast3A_768 : vector<16xf32>
      %mul3A_773 = arith.mulf %mul3A_772, %bitcast3A_768 : vector<16xf32>
      %sub3A_774 = arith.constant 1.500000e+00 : f32
      %sub3A_775 = vector.broadcast %sub3A_774 : f32 to vector<16xf32>
      %sub3A_776 = arith.subf %sub3A_775, %mul3A_773 : vector<16xf32>
      %mul3A_777 = arith.mulf %bitcast3A_768, %sub3A_776 : vector<16xf32>
      %mul3A_778 = arith.constant 5.000000e-01 : f32
      %mul3A_779 = vector.broadcast %mul3A_778 : f32 to vector<16xf32>
      %mul3A_780 = arith.mulf %mul3A_779, %add3A_760 : vector<16xf32>
      %mul3A_781 = arith.mulf %mul3A_780, %mul3A_777 : vector<16xf32>
      %mul3A_782 = arith.mulf %mul3A_781, %mul3A_777 : vector<16xf32>
      %sub3A_783 = arith.constant 1.500000e+00 : f32
      %sub3A_784 = vector.broadcast %sub3A_783 : f32 to vector<16xf32>
      %sub3A_785 = arith.subf %sub3A_784, %mul3A_782 : vector<16xf32>
      %mul3A_786 = arith.mulf %mul3A_777, %sub3A_785 : vector<16xf32>
      %mul3A_787 = arith.constant 5.000000e-01 : f32
      %mul3A_788 = vector.broadcast %mul3A_787 : f32 to vector<16xf32>
      %mul3A_789 = arith.mulf %mul3A_788, %add3A_760 : vector<16xf32>
      %mul3A_790 = arith.mulf %mul3A_789, %mul3A_786 : vector<16xf32>
      %mul3A_791 = arith.mulf %mul3A_790, %mul3A_786 : vector<16xf32>
      %sub3A_792 = arith.constant 1.500000e+00 : f32
      %sub3A_793 = vector.broadcast %sub3A_792 : f32 to vector<16xf32>
      %sub3A_794 = arith.subf %sub3A_793, %mul3A_791 : vector<16xf32>
      %mul3A_795 = arith.mulf %mul3A_786, %sub3A_794 : vector<16xf32>
      %swap3A_796 = arith.constant 1 : i32
      %swap3A_797 = arith.index_cast %swap3A_796 : i32 to index
      %swap3A_798 = arith.constant 112 : index
      %swap3A_799 = tpu.vector_load %arg8[%swap3A_797, %swap3A_798] {strides = array<i32>} : memref<8x128xf32, #tpu.memory_space<vmem>>, vector<16xf32>,
      tpu.vector_store %arg8[%swap3A_797, %swap3A_798], %mul3A_795 {strides = array<i32>} : memref<8x128xf32, #tpu.memory_space<vmem>>, vector<16xf32>,
      %get3A_800 = arith.constant 2 : i32
      %get3A_801 = arith.index_cast %get3A_800 : i32 to index
      %get3A_802 = arith.constant 0 : index
      %get3A_803 = tpu.vector_load %arg8[%get3A_801, %get3A_802] {strides = array<i32>} : memref<8x128xf32, #tpu.memory_space<vmem>>, vector<16xf32>,
      %add3A_804 = arith.constant 1.000000e+00 : f32
      %add3A_805 = vector.broadcast %add3A_804 : f32 to vector<16xf32>
      %add3A_806 = arith.addf %add3A_805, %get3A_803 : vector<16xf32>
      %bitcast3A_807 = vector.bitcast %add3A_806 : vector<16xf32> to vector<16xi32>
      %shift_right_arithmetic3A_808 = arith.constant 1 : i32
      %shift_right_arithmetic3A_809 = vector.broadcast %shift_right_arithmetic3A_808 : i32 to vector<16xi32>
      %shift_right_arithmetic3A_810 = arith.shrsi %bitcast3A_807, %shift_right_arithmetic3A_809 : vector<16xi32>
      %sub3A_811 = arith.constant 1597463007 : i32
      %sub3A_812 = vector.broadcast %sub3A_811 : i32 to vector<16xi32>
      %sub3A_813 = arith.subi %sub3A_812, %shift_right_arithmetic3A_810 : vector<16xi32>
      %bitcast3A_814 = vector.bitcast %sub3A_813 : vector<16xi32> to vector<16xf32>
      %mul3A_815 = arith.constant 5.000000e-01 : f32
      %mul3A_816 = vector.broadcast %mul3A_815 : f32 to vector<16xf32>
      %mul3A_817 = arith.mulf %mul3A_816, %add3A_806 : vector<16xf32>
      %mul3A_818 = arith.mulf %mul3A_817, %bitcast3A_814 : vector<16xf32>
      %mul3A_819 = arith.mulf %mul3A_818, %bitcast3A_814 : vector<16xf32>
      %sub3A_820 = arith.constant 1.500000e+00 : f32
      %sub3A_821 = vector.broadcast %sub3A_820 : f32 to vector<16xf32>
      %sub3A_822 = arith.subf %sub3A_821, %mul3A_819 : vector<16xf32>
      %mul3A_823 = arith.mulf %bitcast3A_814, %sub3A_822 : vector<16xf32>
      %mul3A_824 = arith.constant 5.000000e-01 : f32
      %mul3A_825 = vector.broadcast %mul3A_824 : f32 to vector<16xf32>
      %mul3A_826 = arith.mulf %mul3A_825, %add3A_806 : vector<16xf32>
      %mul3A_827 = arith.mulf %mul3A_826, %mul3A_823 : vector<16xf32>
      %mul3A_828 = arith.mulf %mul3A_827, %mul3A_823 : vector<16xf32>
      %sub3A_829 = arith.constant 1.500000e+00 : f32
      %sub3A_830 = vector.broadcast %sub3A_829 : f32 to vector<16xf32>
      %sub3A_831 = arith.subf %sub3A_830, %mul3A_828 : vector<16xf32>
      %mul3A_832 = arith.mulf %mul3A_823, %sub3A_831 : vector<16xf32>
      %mul3A_833 = arith.constant 5.000000e-01 : f32
      %mul3A_834 = vector.broadcast %mul3A_833 : f32 to vector<16xf32>
      %mul3A_835 = arith.mulf %mul3A_834, %add3A_806 : vector<16xf32>
      %mul3A_836 = arith.mulf %mul3A_835, %mul3A_832 : vector<16xf32>
      %mul3A_837 = arith.mulf %mul3A_836, %mul3A_832 : vector<16xf32>
      %sub3A_838 = arith.constant 1.500000e+00 : f32
      %sub3A_839 = vector.broadcast %sub3A_838 : f32 to vector<16xf32>
      %sub3A_840 = arith.subf %sub3A_839, %mul3A_837 : vector<16xf32>
      %mul3A_841 = arith.mulf %mul3A_832, %sub3A_840 : vector<16xf32>
      %swap3A_842 = arith.constant 2 : i32
      %swap3A_843 = arith.index_cast %swap3A_842 : i32 to index
      %swap3A_844 = arith.constant 0 : index
      %swap3A_845 = tpu.vector_load %arg8[%swap3A_843, %swap3A_844] {strides = array<i32>} : memref<8x128xf32, #tpu.memory_space<vmem>>, vector<16xf32>,
      tpu.vector_store %arg8[%swap3A_843, %swap3A_844], %mul3A_841 {strides = array<i32>} : memref<8x128xf32, #tpu.memory_space<vmem>>, vector<16xf32>,
      %get3A_846 = arith.constant 2 : i32
      %get3A_847 = arith.index_cast %get3A_846 : i32 to index
      %get3A_848 = arith.constant 16 : index
      %get3A_849 = tpu.vector_load %arg8[%get3A_847, %get3A_848] {strides = array<i32>} : memref<8x128xf32, #tpu.memory_space<vmem>>, vector<16xf32>,
      %add3A_850 = arith.constant 1.000000e+00 : f32
      %add3A_851 = vector.broadcast %add3A_850 : f32 to vector<16xf32>
      %add3A_852 = arith.addf %add3A_851, %get3A_849 : vector<16xf32>
      %bitcast3A_853 = vector.bitcast %add3A_852 : vector<16xf32> to vector<16xi32>
      %shift_right_arithmetic3A_854 = arith.constant 1 : i32
      %shift_right_arithmetic3A_855 = vector.broadcast %shift_right_arithmetic3A_854 : i32 to vector<16xi32>
      %shift_right_arithmetic3A_856 = arith.shrsi %bitcast3A_853, %shift_right_arithmetic3A_855 : vector<16xi32>
      %sub3A_857 = arith.constant 1597463007 : i32
      %sub3A_858 = vector.broadcast %sub3A_857 : i32 to vector<16xi32>
      %sub3A_859 = arith.subi %sub3A_858, %shift_right_arithmetic3A_856 : vector<16xi32>
      %bitcast3A_860 = vector.bitcast %sub3A_859 : vector<16xi32> to vector<16xf32>
      %mul3A_861 = arith.constant 5.000000e-01 : f32
      %mul3A_862 = vector.broadcast %mul3A_861 : f32 to vector<16xf32>
      %mul3A_863 = arith.mulf %mul3A_862, %add3A_852 : vector<16xf32>
      %mul3A_864 = arith.mulf %mul3A_863, %bitcast3A_860 : vector<16xf32>
      %mul3A_865 = arith.mulf %mul3A_864, %bitcast3A_860 : vector<16xf32>
      %sub3A_866 = arith.constant 1.500000e+00 : f32
      %sub3A_867 = vector.broadcast %sub3A_866 : f32 to vector<16xf32>
      %sub3A_868 = arith.subf %sub3A_867, %mul3A_865 : vector<16xf32>
      %mul3A_869 = arith.mulf %bitcast3A_860, %sub3A_868 : vector<16xf32>
      %mul3A_870 = arith.constant 5.000000e-01 : f32
      %mul3A_871 = vector.broadcast %mul3A_870 : f32 to vector<16xf32>
      %mul3A_872 = arith.mulf %mul3A_871, %add3A_852 : vector<16xf32>
      %mul3A_873 = arith.mulf %mul3A_872, %mul3A_869 : vector<16xf32>
      %mul3A_874 = arith.mulf %mul3A_873, %mul3A_869 : vector<16xf32>
      %sub3A_875 = arith.constant 1.500000e+00 : f32
      %sub3A_876 = vector.broadcast %sub3A_875 : f32 to vector<16xf32>
      %sub3A_877 = arith.subf %sub3A_876, %mul3A_874 : vector<16xf32>
      %mul3A_878 = arith.mulf %mul3A_869, %sub3A_877 : vector<16xf32>
      %mul3A_879 = arith.constant 5.000000e-01 : f32
      %mul3A_880 = vector.broadcast %mul3A_879 : f32 to vector<16xf32>
      %mul3A_881 = arith.mulf %mul3A_880, %add3A_852 : vector<16xf32>
      %mul3A_882 = arith.mulf %mul3A_881, %mul3A_878 : vector<16xf32>
      %mul3A_883 = arith.mulf %mul3A_882, %mul3A_878 : vector<16xf32>
      %sub3A_884 = arith.constant 1.500000e+00 : f32
      %sub3A_885 = vector.broadcast %sub3A_884 : f32 to vector<16xf32>
      %sub3A_886 = arith.subf %sub3A_885, %mul3A_883 : vector<16xf32>
      %mul3A_887 = arith.mulf %mul3A_878, %sub3A_886 : vector<16xf32>
      %swap3A_888 = arith.constant 2 : i32
      %swap3A_889 = arith.index_cast %swap3A_888 : i32 to index
      %swap3A_890 = arith.constant 16 : index
      %swap3A_891 = tpu.vector_load %arg8[%swap3A_889, %swap3A_890] {strides = array<i32>} : memref<8x128xf32, #tpu.memory_space<vmem>>, vector<16xf32>,
      tpu.vector_store %arg8[%swap3A_889, %swap3A_890], %mul3A_887 {strides = array<i32>} : memref<8x128xf32, #tpu.memory_space<vmem>>, vector<16xf32>,
      %get3A_892 = arith.constant 2 : i32
      %get3A_893 = arith.index_cast %get3A_892 : i32 to index
      %get3A_894 = arith.constant 32 : index
      %get3A_895 = tpu.vector_load %arg8[%get3A_893, %get3A_894] {strides = array<i32>} : memref<8x128xf32, #tpu.memory_space<vmem>>, vector<16xf32>,
      %add3A_896 = arith.constant 1.000000e+00 : f32
      %add3A_897 = vector.broadcast %add3A_896 : f32 to vector<16xf32>
      %add3A_898 = arith.addf %add3A_897, %get3A_895 : vector<16xf32>
      %bitcast3A_899 = vector.bitcast %add3A_898 : vector<16xf32> to vector<16xi32>
      %shift_right_arithmetic3A_900 = arith.constant 1 : i32
      %shift_right_arithmetic3A_901 = vector.broadcast %shift_right_arithmetic3A_900 : i32 to vector<16xi32>
      %shift_right_arithmetic3A_902 = arith.shrsi %bitcast3A_899, %shift_right_arithmetic3A_901 : vector<16xi32>
      %sub3A_903 = arith.constant 1597463007 : i32
      %sub3A_904 = vector.broadcast %sub3A_903 : i32 to vector<16xi32>
      %sub3A_905 = arith.subi %sub3A_904, %shift_right_arithmetic3A_902 : vector<16xi32>
      %bitcast3A_906 = vector.bitcast %sub3A_905 : vector<16xi32> to vector<16xf32>
      %mul3A_907 = arith.constant 5.000000e-01 : f32
      %mul3A_908 = vector.broadcast %mul3A_907 : f32 to vector<16xf32>
      %mul3A_909 = arith.mulf %mul3A_908, %add3A_898 : vector<16xf32>
      %mul3A_910 = arith.mulf %mul3A_909, %bitcast3A_906 : vector<16xf32>
      %mul3A_911 = arith.mulf %mul3A_910, %bitcast3A_906 : vector<16xf32>
      %sub3A_912 = arith.constant 1.500000e+00 : f32
      %sub3A_913 = vector.broadcast %sub3A_912 : f32 to vector<16xf32>
      %sub3A_914 = arith.subf %sub3A_913, %mul3A_911 : vector<16xf32>
      %mul3A_915 = arith.mulf %bitcast3A_906, %sub3A_914 : vector<16xf32>
      %mul3A_916 = arith.constant 5.000000e-01 : f32
      %mul3A_917 = vector.broadcast %mul3A_916 : f32 to vector<16xf32>
      %mul3A_918 = arith.mulf %mul3A_917, %add3A_898 : vector<16xf32>
      %mul3A_919 = arith.mulf %mul3A_918, %mul3A_915 : vector<16xf32>
      %mul3A_920 = arith.mulf %mul3A_919, %mul3A_915 : vector<16xf32>
      %sub3A_921 = arith.constant 1.500000e+00 : f32
      %sub3A_922 = vector.broadcast %sub3A_921 : f32 to vector<16xf32>
      %sub3A_923 = arith.subf %sub3A_922, %mul3A_920 : vector<16xf32>
      %mul3A_924 = arith.mulf %mul3A_915, %sub3A_923 : vector<16xf32>
      %mul3A_925 = arith.constant 5.000000e-01 : f32
      %mul3A_926 = vector.broadcast %mul3A_925 : f32 to vector<16xf32>
      %mul3A_927 = arith.mulf %mul3A_926, %add3A_898 : vector<16xf32>
      %mul3A_928 = arith.mulf %mul3A_927, %mul3A_924 : vector<16xf32>
      %mul3A_929 = arith.mulf %mul3A_928, %mul3A_924 : vector<16xf32>
      %sub3A_930 = arith.constant 1.500000e+00 : f32
      %sub3A_931 = vector.broadcast %sub3A_930 : f32 to vector<16xf32>
      %sub3A_932 = arith.subf %sub3A_931, %mul3A_929 : vector<16xf32>
      %mul3A_933 = arith.mulf %mul3A_924, %sub3A_932 : vector<16xf32>
      %swap3A_934 = arith.constant 2 : i32
      %swap3A_935 = arith.index_cast %swap3A_934 : i32 to index
      %swap3A_936 = arith.constant 32 : index
      %swap3A_937 = tpu.vector_load %arg8[%swap3A_935, %swap3A_936] {strides = array<i32>} : memref<8x128xf32, #tpu.memory_space<vmem>>, vector<16xf32>,
      tpu.vector_store %arg8[%swap3A_935, %swap3A_936], %mul3A_933 {strides = array<i32>} : memref<8x128xf32, #tpu.memory_space<vmem>>, vector<16xf32>,
      %get3A_938 = arith.constant 2 : i32
      %get3A_939 = arith.index_cast %get3A_938 : i32 to index
      %get3A_940 = arith.constant 48 : index
      %get3A_941 = tpu.vector_load %arg8[%get3A_939, %get3A_940] {strides = array<i32>} : memref<8x128xf32, #tpu.memory_space<vmem>>, vector<16xf32>,
      %add3A_942 = arith.constant 1.000000e+00 : f32
      %add3A_943 = vector.broadcast %add3A_942 : f32 to vector<16xf32>
      %add3A_944 = arith.addf %add3A_943, %get3A_941 : vector<16xf32>
      %bitcast3A_945 = vector.bitcast %add3A_944 : vector<16xf32> to vector<16xi32>
      %shift_right_arithmetic3A_946 = arith.constant 1 : i32
      %shift_right_arithmetic3A_947 = vector.broadcast %shift_right_arithmetic3A_946 : i32 to vector<16xi32>
      %shift_right_arithmetic3A_948 = arith.shrsi %bitcast3A_945, %shift_right_arithmetic3A_947 : vector<16xi32>
      %sub3A_949 = arith.constant 1597463007 : i32
      %sub3A_950 = vector.broadcast %sub3A_949 : i32 to vector<16xi32>
      %sub3A_951 = arith.subi %sub3A_950, %shift_right_arithmetic3A_948 : vector<16xi32>
      %bitcast3A_952 = vector.bitcast %sub3A_951 : vector<16xi32> to vector<16xf32>
      %mul3A_953 = arith.constant 5.000000e-01 : f32
      %mul3A_954 = vector.broadcast %mul3A_953 : f32 to vector<16xf32>
      %mul3A_955 = arith.mulf %mul3A_954, %add3A_944 : vector<16xf32>
      %mul3A_956 = arith.mulf %mul3A_955, %bitcast3A_952 : vector<16xf32>
      %mul3A_957 = arith.mulf %mul3A_956, %bitcast3A_952 : vector<16xf32>
      %sub3A_958 = arith.constant 1.500000e+00 : f32
      %sub3A_959 = vector.broadcast %sub3A_958 : f32 to vector<16xf32>
      %sub3A_960 = arith.subf %sub3A_959, %mul3A_957 : vector<16xf32>
      %mul3A_961 = arith.mulf %bitcast3A_952, %sub3A_960 : vector<16xf32>
      %mul3A_962 = arith.constant 5.000000e-01 : f32
      %mul3A_963 = vector.broadcast %mul3A_962 : f32 to vector<16xf32>
      %mul3A_964 = arith.mulf %mul3A_963, %add3A_944 : vector<16xf32>
      %mul3A_965 = arith.mulf %mul3A_964, %mul3A_961 : vector<16xf32>
      %mul3A_966 = arith.mulf %mul3A_965, %mul3A_961 : vector<16xf32>
      %sub3A_967 = arith.constant 1.500000e+00 : f32
      %sub3A_968 = vector.broadcast %sub3A_967 : f32 to vector<16xf32>
      %sub3A_969 = arith.subf %sub3A_968, %mul3A_966 : vector<16xf32>
      %mul3A_970 = arith.mulf %mul3A_961, %sub3A_969 : vector<16xf32>
      %mul3A_971 = arith.constant 5.000000e-01 : f32
      %mul3A_972 = vector.broadcast %mul3A_971 : f32 to vector<16xf32>
      %mul3A_973 = arith.mulf %mul3A_972, %add3A_944 : vector<16xf32>
      %mul3A_974 = arith.mulf %mul3A_973, %mul3A_970 : vector<16xf32>
      %mul3A_975 = arith.mulf %mul3A_974, %mul3A_970 : vector<16xf32>
      %sub3A_976 = arith.constant 1.500000e+00 : f32
      %sub3A_977 = vector.broadcast %sub3A_976 : f32 to vector<16xf32>
      %sub3A_978 = arith.subf %sub3A_977, %mul3A_975 : vector<16xf32>
      %mul3A_979 = arith.mulf %mul3A_970, %sub3A_978 : vector<16xf32>
      %swap3A_980 = arith.constant 2 : i32
      %swap3A_981 = arith.index_cast %swap3A_980 : i32 to index
      %swap3A_982 = arith.constant 48 : index
      %swap3A_983 = tpu.vector_load %arg8[%swap3A_981, %swap3A_982] {strides = array<i32>} : memref<8x128xf32, #tpu.memory_space<vmem>>, vector<16xf32>,
      tpu.vector_store %arg8[%swap3A_981, %swap3A_982], %mul3A_979 {strides = array<i32>} : memref<8x128xf32, #tpu.memory_space<vmem>>, vector<16xf32>,
      %get3A_984 = arith.constant 2 : i32
      %get3A_985 = arith.index_cast %get3A_984 : i32 to index
      %get3A_986 = arith.constant 64 : index
      %get3A_987 = tpu.vector_load %arg8[%get3A_985, %get3A_986] {strides = array<i32>} : memref<8x128xf32, #tpu.memory_space<vmem>>, vector<16xf32>,
      %add3A_988 = arith.constant 1.000000e+00 : f32
      %add3A_989 = vector.broadcast %add3A_988 : f32 to vector<16xf32>
      %add3A_990 = arith.addf %add3A_989, %get3A_987 : vector<16xf32>
      %bitcast3A_991 = vector.bitcast %add3A_990 : vector<16xf32> to vector<16xi32>
      %shift_right_arithmetic3A_992 = arith.constant 1 : i32
      %shift_right_arithmetic3A_993 = vector.broadcast %shift_right_arithmetic3A_992 : i32 to vector<16xi32>
      %shift_right_arithmetic3A_994 = arith.shrsi %bitcast3A_991, %shift_right_arithmetic3A_993 : vector<16xi32>
      %sub3A_995 = arith.constant 1597463007 : i32
      %sub3A_996 = vector.broadcast %sub3A_995 : i32 to vector<16xi32>
      %sub3A_997 = arith.subi %sub3A_996, %shift_right_arithmetic3A_994 : vector<16xi32>
      %bitcast3A_998 = vector.bitcast %sub3A_997 : vector<16xi32> to vector<16xf32>
      %mul3A_999 = arith.constant 5.000000e-01 : f32
      %mul3A_1000 = vector.broadcast %mul3A_999 : f32 to vector<16xf32>
      %mul3A_1001 = arith.mulf %mul3A_1000, %add3A_990 : vector<16xf32>
      %mul3A_1002 = arith.mulf %mul3A_1001, %bitcast3A_998 : vector<16xf32>
      %mul3A_1003 = arith.mulf %mul3A_1002, %bitcast3A_998 : vector<16xf32>
      %sub3A_1004 = arith.constant 1.500000e+00 : f32
      %sub3A_1005 = vector.broadcast %sub3A_1004 : f32 to vector<16xf32>
      %sub3A_1006 = arith.subf %sub3A_1005, %mul3A_1003 : vector<16xf32>
      %mul3A_1007 = arith.mulf %bitcast3A_998, %sub3A_1006 : vector<16xf32>
      %mul3A_1008 = arith.constant 5.000000e-01 : f32
      %mul3A_1009 = vector.broadcast %mul3A_1008 : f32 to vector<16xf32>
      %mul3A_1010 = arith.mulf %mul3A_1009, %add3A_990 : vector<16xf32>
      %mul3A_1011 = arith.mulf %mul3A_1010, %mul3A_1007 : vector<16xf32>
      %mul3A_1012 = arith.mulf %mul3A_1011, %mul3A_1007 : vector<16xf32>
      %sub3A_1013 = arith.constant 1.500000e+00 : f32
      %sub3A_1014 = vector.broadcast %sub3A_1013 : f32 to vector<16xf32>
      %sub3A_1015 = arith.subf %sub3A_1014, %mul3A_1012 : vector<16xf32>
      %mul3A_1016 = arith.mulf %mul3A_1007, %sub3A_1015 : vector<16xf32>
      %mul3A_1017 = arith.constant 5.000000e-01 : f32
      %mul3A_1018 = vector.broadcast %mul3A_1017 : f32 to vector<16xf32>
      %mul3A_1019 = arith.mulf %mul3A_1018, %add3A_990 : vector<16xf32>
      %mul3A_1020 = arith.mulf %mul3A_1019, %mul3A_1016 : vector<16xf32>
      %mul3A_1021 = arith.mulf %mul3A_1020, %mul3A_1016 : vector<16xf32>
      %sub3A_1022 = arith.constant 1.500000e+00 : f32
      %sub3A_1023 = vector.broadcast %sub3A_1022 : f32 to vector<16xf32>
      %sub3A_1024 = arith.subf %sub3A_1023, %mul3A_1021 : vector<16xf32>
      %mul3A_1025 = arith.mulf %mul3A_1016, %sub3A_1024 : vector<16xf32>
      %swap3A_1026 = arith.constant 2 : i32
      %swap3A_1027 = arith.index_cast %swap3A_1026 : i32 to index
      %swap3A_1028 = arith.constant 64 : index
      %swap3A_1029 = tpu.vector_load %arg8[%swap3A_1027, %swap3A_1028] {strides = array<i32>} : memref<8x128xf32, #tpu.memory_space<vmem>>, vector<16xf32>,
      tpu.vector_store %arg8[%swap3A_1027, %swap3A_1028], %mul3A_1025 {strides = array<i32>} : memref<8x128xf32, #tpu.memory_space<vmem>>, vector<16xf32>,
      %get3A_1030 = arith.constant 2 : i32
      %get3A_1031 = arith.index_cast %get3A_1030 : i32 to index
      %get3A_1032 = arith.constant 80 : index
      %get3A_1033 = tpu.vector_load %arg8[%get3A_1031, %get3A_1032] {strides = array<i32>} : memref<8x128xf32, #tpu.memory_space<vmem>>, vector<16xf32>,
      %add3A_1034 = arith.constant 1.000000e+00 : f32
      %add3A_1035 = vector.broadcast %add3A_1034 : f32 to vector<16xf32>
      %add3A_1036 = arith.addf %add3A_1035, %get3A_1033 : vector<16xf32>
      %bitcast3A_1037 = vector.bitcast %add3A_1036 : vector<16xf32> to vector<16xi32>
      %shift_right_arithmetic3A_1038 = arith.constant 1 : i32
      %shift_right_arithmetic3A_1039 = vector.broadcast %shift_right_arithmetic3A_1038 : i32 to vector<16xi32>
      %shift_right_arithmetic3A_1040 = arith.shrsi %bitcast3A_1037, %shift_right_arithmetic3A_1039 : vector<16xi32>
      %sub3A_1041 = arith.constant 1597463007 : i32
      %sub3A_1042 = vector.broadcast %sub3A_1041 : i32 to vector<16xi32>
      %sub3A_1043 = arith.subi %sub3A_1042, %shift_right_arithmetic3A_1040 : vector<16xi32>
      %bitcast3A_1044 = vector.bitcast %sub3A_1043 : vector<16xi32> to vector<16xf32>
      %mul3A_1045 = arith.constant 5.000000e-01 : f32
      %mul3A_1046 = vector.broadcast %mul3A_1045 : f32 to vector<16xf32>
      %mul3A_1047 = arith.mulf %mul3A_1046, %add3A_1036 : vector<16xf32>
      %mul3A_1048 = arith.mulf %mul3A_1047, %bitcast3A_1044 : vector<16xf32>
      %mul3A_1049 = arith.mulf %mul3A_1048, %bitcast3A_1044 : vector<16xf32>
      %sub3A_1050 = arith.constant 1.500000e+00 : f32
      %sub3A_1051 = vector.broadcast %sub3A_1050 : f32 to vector<16xf32>
      %sub3A_1052 = arith.subf %sub3A_1051, %mul3A_1049 : vector<16xf32>
      %mul3A_1053 = arith.mulf %bitcast3A_1044, %sub3A_1052 : vector<16xf32>
      %mul3A_1054 = arith.constant 5.000000e-01 : f32
      %mul3A_1055 = vector.broadcast %mul3A_1054 : f32 to vector<16xf32>
      %mul3A_1056 = arith.mulf %mul3A_1055, %add3A_1036 : vector<16xf32>
      %mul3A_1057 = arith.mulf %mul3A_1056, %mul3A_1053 : vector<16xf32>
      %mul3A_1058 = arith.mulf %mul3A_1057, %mul3A_1053 : vector<16xf32>
      %sub3A_1059 = arith.constant 1.500000e+00 : f32
      %sub3A_1060 = vector.broadcast %sub3A_1059 : f32 to vector<16xf32>
      %sub3A_1061 = arith.subf %sub3A_1060, %mul3A_1058 : vector<16xf32>
      %mul3A_1062 = arith.mulf %mul3A_1053, %sub3A_1061 : vector<16xf32>
      %mul3A_1063 = arith.constant 5.000000e-01 : f32
      %mul3A_1064 = vector.broadcast %mul3A_1063 : f32 to vector<16xf32>
      %mul3A_1065 = arith.mulf %mul3A_1064, %add3A_1036 : vector<16xf32>
      %mul3A_1066 = arith.mulf %mul3A_1065, %mul3A_1062 : vector<16xf32>
      %mul3A_1067 = arith.mulf %mul3A_1066, %mul3A_1062 : vector<16xf32>
      %sub3A_1068 = arith.constant 1.500000e+00 : f32
      %sub3A_1069 = vector.broadcast %sub3A_1068 : f32 to vector<16xf32>
      %sub3A_1070 = arith.subf %sub3A_1069, %mul3A_1067 : vector<16xf32>
      %mul3A_1071 = arith.mulf %mul3A_1062, %sub3A_1070 : vector<16xf32>
      %swap3A_1072 = arith.constant 2 : i32
      %swap3A_1073 = arith.index_cast %swap3A_1072 : i32 to index
      %swap3A_1074 = arith.constant 80 : index
      %swap3A_1075 = tpu.vector_load %arg8[%swap3A_1073, %swap3A_1074] {strides = array<i32>} : memref<8x128xf32, #tpu.memory_space<vmem>>, vector<16xf32>,
      tpu.vector_store %arg8[%swap3A_1073, %swap3A_1074], %mul3A_1071 {strides = array<i32>} : memref<8x128xf32, #tpu.memory_space<vmem>>, vector<16xf32>,
      %get3A_1076 = arith.constant 2 : i32
      %get3A_1077 = arith.index_cast %get3A_1076 : i32 to index
      %get3A_1078 = arith.constant 96 : index
      %get3A_1079 = tpu.vector_load %arg8[%get3A_1077, %get3A_1078] {strides = array<i32>} : memref<8x128xf32, #tpu.memory_space<vmem>>, vector<16xf32>,
      %add3A_1080 = arith.constant 1.000000e+00 : f32
      %add3A_1081 = vector.broadcast %add3A_1080 : f32 to vector<16xf32>
      %add3A_1082 = arith.addf %add3A_1081, %get3A_1079 : vector<16xf32>
      %bitcast3A_1083 = vector.bitcast %add3A_1082 : vector<16xf32> to vector<16xi32>
      %shift_right_arithmetic3A_1084 = arith.constant 1 : i32
      %shift_right_arithmetic3A_1085 = vector.broadcast %shift_right_arithmetic3A_1084 : i32 to vector<16xi32>
      %shift_right_arithmetic3A_1086 = arith.shrsi %bitcast3A_1083, %shift_right_arithmetic3A_1085 : vector<16xi32>
      %sub3A_1087 = arith.constant 1597463007 : i32
      %sub3A_1088 = vector.broadcast %sub3A_1087 : i32 to vector<16xi32>
      %sub3A_1089 = arith.subi %sub3A_1088, %shift_right_arithmetic3A_1086 : vector<16xi32>
      %bitcast3A_1090 = vector.bitcast %sub3A_1089 : vector<16xi32> to vector<16xf32>
      %mul3A_1091 = arith.constant 5.000000e-01 : f32
      %mul3A_1092 = vector.broadcast %mul3A_1091 : f32 to vector<16xf32>
      %mul3A_1093 = arith.mulf %mul3A_1092, %add3A_1082 : vector<16xf32>
      %mul3A_1094 = arith.mulf %mul3A_1093, %bitcast3A_1090 : vector<16xf32>
      %mul3A_1095 = arith.mulf %mul3A_1094, %bitcast3A_1090 : vector<16xf32>
      %sub3A_1096 = arith.constant 1.500000e+00 : f32
      %sub3A_1097 = vector.broadcast %sub3A_1096 : f32 to vector<16xf32>
      %sub3A_1098 = arith.subf %sub3A_1097, %mul3A_1095 : vector<16xf32>
      %mul3A_1099 = arith.mulf %bitcast3A_1090, %sub3A_1098 : vector<16xf32>
      %mul3A_1100 = arith.constant 5.000000e-01 : f32
      %mul3A_1101 = vector.broadcast %mul3A_1100 : f32 to vector<16xf32>
      %mul3A_1102 = arith.mulf %mul3A_1101, %add3A_1082 : vector<16xf32>
      %mul3A_1103 = arith.mulf %mul3A_1102, %mul3A_1099 : vector<16xf32>
      %mul3A_1104 = arith.mulf %mul3A_1103, %mul3A_1099 : vector<16xf32>
      %sub3A_1105 = arith.constant 1.500000e+00 : f32
      %sub3A_1106 = vector.broadcast %sub3A_1105 : f32 to vector<16xf32>
      %sub3A_1107 = arith.subf %sub3A_1106, %mul3A_1104 : vector<16xf32>
      %mul3A_1108 = arith.mulf %mul3A_1099, %sub3A_1107 : vector<16xf32>
      %mul3A_1109 = arith.constant 5.000000e-01 : f32
      %mul3A_1110 = vector.broadcast %mul3A_1109 : f32 to vector<16xf32>
      %mul3A_1111 = arith.mulf %mul3A_1110, %add3A_1082 : vector<16xf32>
      %mul3A_1112 = arith.mulf %mul3A_1111, %mul3A_1108 : vector<16xf32>
      %mul3A_1113 = arith.mulf %mul3A_1112, %mul3A_1108 : vector<16xf32>
      %sub3A_1114 = arith.constant 1.500000e+00 : f32
      %sub3A_1115 = vector.broadcast %sub3A_1114 : f32 to vector<16xf32>
      %sub3A_1116 = arith.subf %sub3A_1115, %mul3A_1113 : vector<16xf32>
      %mul3A_1117 = arith.mulf %mul3A_1108, %sub3A_1116 : vector<16xf32>
      %swap3A_1118 = arith.constant 2 : i32
      %swap3A_1119 = arith.index_cast %swap3A_1118 : i32 to index
      %swap3A_1120 = arith.constant 96 : index
      %swap3A_1121 = tpu.vector_load %arg8[%swap3A_1119, %swap3A_1120] {strides = array<i32>} : memref<8x128xf32, #tpu.memory_space<vmem>>, vector<16xf32>,
      tpu.vector_store %arg8[%swap3A_1119, %swap3A_1120], %mul3A_1117 {strides = array<i32>} : memref<8x128xf32, #tpu.memory_space<vmem>>, vector<16xf32>,
      %get3A_1122 = arith.constant 2 : i32
      %get3A_1123 = arith.index_cast %get3A_1122 : i32 to index
      %get3A_1124 = arith.constant 112 : index
      %get3A_1125 = tpu.vector_load %arg8[%get3A_1123, %get3A_1124] {strides = array<i32>} : memref<8x128xf32, #tpu.memory_space<vmem>>, vector<16xf32>,
      %add3A_1126 = arith.constant 1.000000e+00 : f32
      %add3A_1127 = vector.broadcast %add3A_1126 : f32 to vector<16xf32>
      %add3A_1128 = arith.addf %add3A_1127, %get3A_1125 : vector<16xf32>
      %bitcast3A_1129 = vector.bitcast %add3A_1128 : vector<16xf32> to vector<16xi32>
      %shift_right_arithmetic3A_1130 = arith.constant 1 : i32
      %shift_right_arithmetic3A_1131 = vector.broadcast %shift_right_arithmetic3A_1130 : i32 to vector<16xi32>
      %shift_right_arithmetic3A_1132 = arith.shrsi %bitcast3A_1129, %shift_right_arithmetic3A_1131 : vector<16xi32>
      %sub3A_1133 = arith.constant 1597463007 : i32
      %sub3A_1134 = vector.broadcast %sub3A_1133 : i32 to vector<16xi32>
      %sub3A_1135 = arith.subi %sub3A_1134, %shift_right_arithmetic3A_1132 : vector<16xi32>
      %bitcast3A_1136 = vector.bitcast %sub3A_1135 : vector<16xi32> to vector<16xf32>
      %mul3A_1137 = arith.constant 5.000000e-01 : f32
      %mul3A_1138 = vector.broadcast %mul3A_1137 : f32 to vector<16xf32>
      %mul3A_1139 = arith.mulf %mul3A_1138, %add3A_1128 : vector<16xf32>
      %mul3A_1140 = arith.mulf %mul3A_1139, %bitcast3A_1136 : vector<16xf32>
      %mul3A_1141 = arith.mulf %mul3A_1140, %bitcast3A_1136 : vector<16xf32>
      %sub3A_1142 = arith.constant 1.500000e+00 : f32
      %sub3A_1143 = vector.broadcast %sub3A_1142 : f32 to vector<16xf32>
      %sub3A_1144 = arith.subf %sub3A_1143, %mul3A_1141 : vector<16xf32>
      %mul3A_1145 = arith.mulf %bitcast3A_1136, %sub3A_1144 : vector<16xf32>
      %mul3A_1146 = arith.constant 5.000000e-01 : f32
      %mul3A_1147 = vector.broadcast %mul3A_1146 : f32 to vector<16xf32>
      %mul3A_1148 = arith.mulf %mul3A_1147, %add3A_1128 : vector<16xf32>
      %mul3A_1149 = arith.mulf %mul3A_1148, %mul3A_1145 : vector<16xf32>
      %mul3A_1150 = arith.mulf %mul3A_1149, %mul3A_1145 : vector<16xf32>
      %sub3A_1151 = arith.constant 1.500000e+00 : f32
      %sub3A_1152 = vector.broadcast %sub3A_1151 : f32 to vector<16xf32>
      %sub3A_1153 = arith.subf %sub3A_1152, %mul3A_1150 : vector<16xf32>
      %mul3A_1154 = arith.mulf %mul3A_1145, %sub3A_1153 : vector<16xf32>
      %mul3A_1155 = arith.constant 5.000000e-01 : f32
      %mul3A_1156 = vector.broadcast %mul3A_1155 : f32 to vector<16xf32>
      %mul3A_1157 = arith.mulf %mul3A_1156, %add3A_1128 : vector<16xf32>
      %mul3A_1158 = arith.mulf %mul3A_1157, %mul3A_1154 : vector<16xf32>
      %mul3A_1159 = arith.mulf %mul3A_1158, %mul3A_1154 : vector<16xf32>
      %sub3A_1160 = arith.constant 1.500000e+00 : f32
      %sub3A_1161 = vector.broadcast %sub3A_1160 : f32 to vector<16xf32>
      %sub3A_1162 = arith.subf %sub3A_1161, %mul3A_1159 : vector<16xf32>
      %mul3A_1163 = arith.mulf %mul3A_1154, %sub3A_1162 : vector<16xf32>
      %swap3A_1164 = arith.constant 2 : i32
      %swap3A_1165 = arith.index_cast %swap3A_1164 : i32 to index
      %swap3A_1166 = arith.constant 112 : index
      %swap3A_1167 = tpu.vector_load %arg8[%swap3A_1165, %swap3A_1166] {strides = array<i32>} : memref<8x128xf32, #tpu.memory_space<vmem>>, vector<16xf32>,
      tpu.vector_store %arg8[%swap3A_1165, %swap3A_1166], %mul3A_1163 {strides = array<i32>} : memref<8x128xf32, #tpu.memory_space<vmem>>, vector<16xf32>,
      %get3A_1168 = arith.constant 3 : i32
      %get3A_1169 = arith.index_cast %get3A_1168 : i32 to index
      %get3A_1170 = arith.constant 0 : index
      %get3A_1171 = tpu.vector_load %arg8[%get3A_1169, %get3A_1170] {strides = array<i32>} : memref<8x128xf32, #tpu.memory_space<vmem>>, vector<16xf32>,
      %add3A_1172 = arith.constant 1.000000e+00 : f32
      %add3A_1173 = vector.broadcast %add3A_1172 : f32 to vector<16xf32>
      %add3A_1174 = arith.addf %add3A_1173, %get3A_1171 : vector<16xf32>
      %bitcast3A_1175 = vector.bitcast %add3A_1174 : vector<16xf32> to vector<16xi32>
      %shift_right_arithmetic3A_1176 = arith.constant 1 : i32
      %shift_right_arithmetic3A_1177 = vector.broadcast %shift_right_arithmetic3A_1176 : i32 to vector<16xi32>
      %shift_right_arithmetic3A_1178 = arith.shrsi %bitcast3A_1175, %shift_right_arithmetic3A_1177 : vector<16xi32>
      %sub3A_1179 = arith.constant 1597463007 : i32
      %sub3A_1180 = vector.broadcast %sub3A_1179 : i32 to vector<16xi32>
      %sub3A_1181 = arith.subi %sub3A_1180, %shift_right_arithmetic3A_1178 : vector<16xi32>
      %bitcast3A_1182 = vector.bitcast %sub3A_1181 : vector<16xi32> to vector<16xf32>
      %mul3A_1183 = arith.constant 5.000000e-01 : f32
      %mul3A_1184 = vector.broadcast %mul3A_1183 : f32 to vector<16xf32>
      %mul3A_1185 = arith.mulf %mul3A_1184, %add3A_1174 : vector<16xf32>
      %mul3A_1186 = arith.mulf %mul3A_1185, %bitcast3A_1182 : vector<16xf32>
      %mul3A_1187 = arith.mulf %mul3A_1186, %bitcast3A_1182 : vector<16xf32>
      %sub3A_1188 = arith.constant 1.500000e+00 : f32
      %sub3A_1189 = vector.broadcast %sub3A_1188 : f32 to vector<16xf32>
      %sub3A_1190 = arith.subf %sub3A_1189, %mul3A_1187 : vector<16xf32>
      %mul3A_1191 = arith.mulf %bitcast3A_1182, %sub3A_1190 : vector<16xf32>
      %mul3A_1192 = arith.constant 5.000000e-01 : f32
      %mul3A_1193 = vector.broadcast %mul3A_1192 : f32 to vector<16xf32>
      %mul3A_1194 = arith.mulf %mul3A_1193, %add3A_1174 : vector<16xf32>
      %mul3A_1195 = arith.mulf %mul3A_1194, %mul3A_1191 : vector<16xf32>
      %mul3A_1196 = arith.mulf %mul3A_1195, %mul3A_1191 : vector<16xf32>
      %sub3A_1197 = arith.constant 1.500000e+00 : f32
      %sub3A_1198 = vector.broadcast %sub3A_1197 : f32 to vector<16xf32>
      %sub3A_1199 = arith.subf %sub3A_1198, %mul3A_1196 : vector<16xf32>
      %mul3A_1200 = arith.mulf %mul3A_1191, %sub3A_1199 : vector<16xf32>
      %mul3A_1201 = arith.constant 5.000000e-01 : f32
      %mul3A_1202 = vector.broadcast %mul3A_1201 : f32 to vector<16xf32>
      %mul3A_1203 = arith.mulf %mul3A_1202, %add3A_1174 : vector<16xf32>
      %mul3A_1204 = arith.mulf %mul3A_1203, %mul3A_1200 : vector<16xf32>
      %mul3A_1205 = arith.mulf %mul3A_1204, %mul3A_1200 : vector<16xf32>
      %sub3A_1206 = arith.constant 1.500000e+00 : f32
      %sub3A_1207 = vector.broadcast %sub3A_1206 : f32 to vector<16xf32>
      %sub3A_1208 = arith.subf %sub3A_1207, %mul3A_1205 : vector<16xf32>
      %mul3A_1209 = arith.mulf %mul3A_1200, %sub3A_1208 : vector<16xf32>
      %swap3A_1210 = arith.constant 3 : i32
      %swap3A_1211 = arith.index_cast %swap3A_1210 : i32 to index
      %swap3A_1212 = arith.constant 0 : index
      %swap3A_1213 = tpu.vector_load %arg8[%swap3A_1211, %swap3A_1212] {strides = array<i32>} : memref<8x128xf32, #tpu.memory_space<vmem>>, vector<16xf32>,
      tpu.vector_store %arg8[%swap3A_1211, %swap3A_1212], %mul3A_1209 {strides = array<i32>} : memref<8x128xf32, #tpu.memory_space<vmem>>, vector<16xf32>,
      %get3A_1214 = arith.constant 3 : i32
      %get3A_1215 = arith.index_cast %get3A_1214 : i32 to index
      %get3A_1216 = arith.constant 16 : index
      %get3A_1217 = tpu.vector_load %arg8[%get3A_1215, %get3A_1216] {strides = array<i32>} : memref<8x128xf32, #tpu.memory_space<vmem>>, vector<16xf32>,
      %add3A_1218 = arith.constant 1.000000e+00 : f32
      %add3A_1219 = vector.broadcast %add3A_1218 : f32 to vector<16xf32>
      %add3A_1220 = arith.addf %add3A_1219, %get3A_1217 : vector<16xf32>
      %bitcast3A_1221 = vector.bitcast %add3A_1220 : vector<16xf32> to vector<16xi32>
      %shift_right_arithmetic3A_1222 = arith.constant 1 : i32
      %shift_right_arithmetic3A_1223 = vector.broadcast %shift_right_arithmetic3A_1222 : i32 to vector<16xi32>
      %shift_right_arithmetic3A_1224 = arith.shrsi %bitcast3A_1221, %shift_right_arithmetic3A_1223 : vector<16xi32>
      %sub3A_1225 = arith.constant 1597463007 : i32
      %sub3A_1226 = vector.broadcast %sub3A_1225 : i32 to vector<16xi32>
      %sub3A_1227 = arith.subi %sub3A_1226, %shift_right_arithmetic3A_1224 : vector<16xi32>
      %bitcast3A_1228 = vector.bitcast %sub3A_1227 : vector<16xi32> to vector<16xf32>
      %mul3A_1229 = arith.constant 5.000000e-01 : f32
      %mul3A_1230 = vector.broadcast %mul3A_1229 : f32 to vector<16xf32>
      %mul3A_1231 = arith.mulf %mul3A_1230, %add3A_1220 : vector<16xf32>
      %mul3A_1232 = arith.mulf %mul3A_1231, %bitcast3A_1228 : vector<16xf32>
      %mul3A_1233 = arith.mulf %mul3A_1232, %bitcast3A_1228 : vector<16xf32>
      %sub3A_1234 = arith.constant 1.500000e+00 : f32
      %sub3A_1235 = vector.broadcast %sub3A_1234 : f32 to vector<16xf32>
      %sub3A_1236 = arith.subf %sub3A_1235, %mul3A_1233 : vector<16xf32>
      %mul3A_1237 = arith.mulf %bitcast3A_1228, %sub3A_1236 : vector<16xf32>
      %mul3A_1238 = arith.constant 5.000000e-01 : f32
      %mul3A_1239 = vector.broadcast %mul3A_1238 : f32 to vector<16xf32>
      %mul3A_1240 = arith.mulf %mul3A_1239, %add3A_1220 : vector<16xf32>
      %mul3A_1241 = arith.mulf %mul3A_1240, %mul3A_1237 : vector<16xf32>
      %mul3A_1242 = arith.mulf %mul3A_1241, %mul3A_1237 : vector<16xf32>
      %sub3A_1243 = arith.constant 1.500000e+00 : f32
      %sub3A_1244 = vector.broadcast %sub3A_1243 : f32 to vector<16xf32>
      %sub3A_1245 = arith.subf %sub3A_1244, %mul3A_1242 : vector<16xf32>
      %mul3A_1246 = arith.mulf %mul3A_1237, %sub3A_1245 : vector<16xf32>
      %mul3A_1247 = arith.constant 5.000000e-01 : f32
      %mul3A_1248 = vector.broadcast %mul3A_1247 : f32 to vector<16xf32>
      %mul3A_1249 = arith.mulf %mul3A_1248, %add3A_1220 : vector<16xf32>
      %mul3A_1250 = arith.mulf %mul3A_1249, %mul3A_1246 : vector<16xf32>
      %mul3A_1251 = arith.mulf %mul3A_1250, %mul3A_1246 : vector<16xf32>
      %sub3A_1252 = arith.constant 1.500000e+00 : f32
      %sub3A_1253 = vector.broadcast %sub3A_1252 : f32 to vector<16xf32>
      %sub3A_1254 = arith.subf %sub3A_1253, %mul3A_1251 : vector<16xf32>
      %mul3A_1255 = arith.mulf %mul3A_1246, %sub3A_1254 : vector<16xf32>
      %swap3A_1256 = arith.constant 3 : i32
      %swap3A_1257 = arith.index_cast %swap3A_1256 : i32 to index
      %swap3A_1258 = arith.constant 16 : index
      %swap3A_1259 = tpu.vector_load %arg8[%swap3A_1257, %swap3A_1258] {strides = array<i32>} : memref<8x128xf32, #tpu.memory_space<vmem>>, vector<16xf32>,
      tpu.vector_store %arg8[%swap3A_1257, %swap3A_1258], %mul3A_1255 {strides = array<i32>} : memref<8x128xf32, #tpu.memory_space<vmem>>, vector<16xf32>,
      %get3A_1260 = arith.constant 3 : i32
      %get3A_1261 = arith.index_cast %get3A_1260 : i32 to index
      %get3A_1262 = arith.constant 32 : index
      %get3A_1263 = tpu.vector_load %arg8[%get3A_1261, %get3A_1262] {strides = array<i32>} : memref<8x128xf32, #tpu.memory_space<vmem>>, vector<16xf32>,
      %add3A_1264 = arith.constant 1.000000e+00 : f32
      %add3A_1265 = vector.broadcast %add3A_1264 : f32 to vector<16xf32>
      %add3A_1266 = arith.addf %add3A_1265, %get3A_1263 : vector<16xf32>
      %bitcast3A_1267 = vector.bitcast %add3A_1266 : vector<16xf32> to vector<16xi32>
      %shift_right_arithmetic3A_1268 = arith.constant 1 : i32
      %shift_right_arithmetic3A_1269 = vector.broadcast %shift_right_arithmetic3A_1268 : i32 to vector<16xi32>
      %shift_right_arithmetic3A_1270 = arith.shrsi %bitcast3A_1267, %shift_right_arithmetic3A_1269 : vector<16xi32>
      %sub3A_1271 = arith.constant 1597463007 : i32
      %sub3A_1272 = vector.broadcast %sub3A_1271 : i32 to vector<16xi32>
      %sub3A_1273 = arith.subi %sub3A_1272, %shift_right_arithmetic3A_1270 : vector<16xi32>
      %bitcast3A_1274 = vector.bitcast %sub3A_1273 : vector<16xi32> to vector<16xf32>
      %mul3A_1275 = arith.constant 5.000000e-01 : f32
      %mul3A_1276 = vector.broadcast %mul3A_1275 : f32 to vector<16xf32>
      %mul3A_1277 = arith.mulf %mul3A_1276, %add3A_1266 : vector<16xf32>
      %mul3A_1278 = arith.mulf %mul3A_1277, %bitcast3A_1274 : vector<16xf32>
      %mul3A_1279 = arith.mulf %mul3A_1278, %bitcast3A_1274 : vector<16xf32>
      %sub3A_1280 = arith.constant 1.500000e+00 : f32
      %sub3A_1281 = vector.broadcast %sub3A_1280 : f32 to vector<16xf32>
      %sub3A_1282 = arith.subf %sub3A_1281, %mul3A_1279 : vector<16xf32>
      %mul3A_1283 = arith.mulf %bitcast3A_1274, %sub3A_1282 : vector<16xf32>
      %mul3A_1284 = arith.constant 5.000000e-01 : f32
      %mul3A_1285 = vector.broadcast %mul3A_1284 : f32 to vector<16xf32>
      %mul3A_1286 = arith.mulf %mul3A_1285, %add3A_1266 : vector<16xf32>
      %mul3A_1287 = arith.mulf %mul3A_1286, %mul3A_1283 : vector<16xf32>
      %mul3A_1288 = arith.mulf %mul3A_1287, %mul3A_1283 : vector<16xf32>
      %sub3A_1289 = arith.constant 1.500000e+00 : f32
      %sub3A_1290 = vector.broadcast %sub3A_1289 : f32 to vector<16xf32>
      %sub3A_1291 = arith.subf %sub3A_1290, %mul3A_1288 : vector<16xf32>
      %mul3A_1292 = arith.mulf %mul3A_1283, %sub3A_1291 : vector<16xf32>
      %mul3A_1293 = arith.constant 5.000000e-01 : f32
      %mul3A_1294 = vector.broadcast %mul3A_1293 : f32 to vector<16xf32>
      %mul3A_1295 = arith.mulf %mul3A_1294, %add3A_1266 : vector<16xf32>
      %mul3A_1296 = arith.mulf %mul3A_1295, %mul3A_1292 : vector<16xf32>
      %mul3A_1297 = arith.mulf %mul3A_1296, %mul3A_1292 : vector<16xf32>
      %sub3A_1298 = arith.constant 1.500000e+00 : f32
      %sub3A_1299 = vector.broadcast %sub3A_1298 : f32 to vector<16xf32>
      %sub3A_1300 = arith.subf %sub3A_1299, %mul3A_1297 : vector<16xf32>
      %mul3A_1301 = arith.mulf %mul3A_1292, %sub3A_1300 : vector<16xf32>
      %swap3A_1302 = arith.constant 3 : i32
      %swap3A_1303 = arith.index_cast %swap3A_1302 : i32 to index
      %swap3A_1304 = arith.constant 32 : index
      %swap3A_1305 = tpu.vector_load %arg8[%swap3A_1303, %swap3A_1304] {strides = array<i32>} : memref<8x128xf32, #tpu.memory_space<vmem>>, vector<16xf32>,
      tpu.vector_store %arg8[%swap3A_1303, %swap3A_1304], %mul3A_1301 {strides = array<i32>} : memref<8x128xf32, #tpu.memory_space<vmem>>, vector<16xf32>,
      %get3A_1306 = arith.constant 3 : i32
      %get3A_1307 = arith.index_cast %get3A_1306 : i32 to index
      %get3A_1308 = arith.constant 48 : index
      %get3A_1309 = tpu.vector_load %arg8[%get3A_1307, %get3A_1308] {strides = array<i32>} : memref<8x128xf32, #tpu.memory_space<vmem>>, vector<16xf32>,
      %add3A_1310 = arith.constant 1.000000e+00 : f32
      %add3A_1311 = vector.broadcast %add3A_1310 : f32 to vector<16xf32>
      %add3A_1312 = arith.addf %add3A_1311, %get3A_1309 : vector<16xf32>
      %bitcast3A_1313 = vector.bitcast %add3A_1312 : vector<16xf32> to vector<16xi32>
      %shift_right_arithmetic3A_1314 = arith.constant 1 : i32
      %shift_right_arithmetic3A_1315 = vector.broadcast %shift_right_arithmetic3A_1314 : i32 to vector<16xi32>
      %shift_right_arithmetic3A_1316 = arith.shrsi %bitcast3A_1313, %shift_right_arithmetic3A_1315 : vector<16xi32>
      %sub3A_1317 = arith.constant 1597463007 : i32
      %sub3A_1318 = vector.broadcast %sub3A_1317 : i32 to vector<16xi32>
      %sub3A_1319 = arith.subi %sub3A_1318, %shift_right_arithmetic3A_1316 : vector<16xi32>
      %bitcast3A_1320 = vector.bitcast %sub3A_1319 : vector<16xi32> to vector<16xf32>
      %mul3A_1321 = arith.constant 5.000000e-01 : f32
      %mul3A_1322 = vector.broadcast %mul3A_1321 : f32 to vector<16xf32>
      %mul3A_1323 = arith.mulf %mul3A_1322, %add3A_1312 : vector<16xf32>
      %mul3A_1324 = arith.mulf %mul3A_1323, %bitcast3A_1320 : vector<16xf32>
      %mul3A_1325 = arith.mulf %mul3A_1324, %bitcast3A_1320 : vector<16xf32>
      %sub3A_1326 = arith.constant 1.500000e+00 : f32
      %sub3A_1327 = vector.broadcast %sub3A_1326 : f32 to vector<16xf32>
      %sub3A_1328 = arith.subf %sub3A_1327, %mul3A_1325 : vector<16xf32>
      %mul3A_1329 = arith.mulf %bitcast3A_1320, %sub3A_1328 : vector<16xf32>
      %mul3A_1330 = arith.constant 5.000000e-01 : f32
      %mul3A_1331 = vector.broadcast %mul3A_1330 : f32 to vector<16xf32>
      %mul3A_1332 = arith.mulf %mul3A_1331, %add3A_1312 : vector<16xf32>
      %mul3A_1333 = arith.mulf %mul3A_1332, %mul3A_1329 : vector<16xf32>
      %mul3A_1334 = arith.mulf %mul3A_1333, %mul3A_1329 : vector<16xf32>
      %sub3A_1335 = arith.constant 1.500000e+00 : f32
      %sub3A_1336 = vector.broadcast %sub3A_1335 : f32 to vector<16xf32>
      %sub3A_1337 = arith.subf %sub3A_1336, %mul3A_1334 : vector<16xf32>
      %mul3A_1338 = arith.mulf %mul3A_1329, %sub3A_1337 : vector<16xf32>
      %mul3A_1339 = arith.constant 5.000000e-01 : f32
      %mul3A_1340 = vector.broadcast %mul3A_1339 : f32 to vector<16xf32>
      %mul3A_1341 = arith.mulf %mul3A_1340, %add3A_1312 : vector<16xf32>
      %mul3A_1342 = arith.mulf %mul3A_1341, %mul3A_1338 : vector<16xf32>
      %mul3A_1343 = arith.mulf %mul3A_1342, %mul3A_1338 : vector<16xf32>
      %sub3A_1344 = arith.constant 1.500000e+00 : f32
      %sub3A_1345 = vector.broadcast %sub3A_1344 : f32 to vector<16xf32>
      %sub3A_1346 = arith.subf %sub3A_1345, %mul3A_1343 : vector<16xf32>
      %mul3A_1347 = arith.mulf %mul3A_1338, %sub3A_1346 : vector<16xf32>
      %swap3A_1348 = arith.constant 3 : i32
      %swap3A_1349 = arith.index_cast %swap3A_1348 : i32 to index
      %swap3A_1350 = arith.constant 48 : index
      %swap3A_1351 = tpu.vector_load %arg8[%swap3A_1349, %swap3A_1350] {strides = array<i32>} : memref<8x128xf32, #tpu.memory_space<vmem>>, vector<16xf32>,
      tpu.vector_store %arg8[%swap3A_1349, %swap3A_1350], %mul3A_1347 {strides = array<i32>} : memref<8x128xf32, #tpu.memory_space<vmem>>, vector<16xf32>,
      %get3A_1352 = arith.constant 3 : i32
      %get3A_1353 = arith.index_cast %get3A_1352 : i32 to index
      %get3A_1354 = arith.constant 64 : index
      %get3A_1355 = tpu.vector_load %arg8[%get3A_1353, %get3A_1354] {strides = array<i32>} : memref<8x128xf32, #tpu.memory_space<vmem>>, vector<16xf32>,
      %add3A_1356 = arith.constant 1.000000e+00 : f32
      %add3A_1357 = vector.broadcast %add3A_1356 : f32 to vector<16xf32>
      %add3A_1358 = arith.addf %add3A_1357, %get3A_1355 : vector<16xf32>
      %bitcast3A_1359 = vector.bitcast %add3A_1358 : vector<16xf32> to vector<16xi32>
      %shift_right_arithmetic3A_1360 = arith.constant 1 : i32
      %shift_right_arithmetic3A_1361 = vector.broadcast %shift_right_arithmetic3A_1360 : i32 to vector<16xi32>
      %shift_right_arithmetic3A_1362 = arith.shrsi %bitcast3A_1359, %shift_right_arithmetic3A_1361 : vector<16xi32>
      %sub3A_1363 = arith.constant 1597463007 : i32
      %sub3A_1364 = vector.broadcast %sub3A_1363 : i32 to vector<16xi32>
      %sub3A_1365 = arith.subi %sub3A_1364, %shift_right_arithmetic3A_1362 : vector<16xi32>
      %bitcast3A_1366 = vector.bitcast %sub3A_1365 : vector<16xi32> to vector<16xf32>
      %mul3A_1367 = arith.constant 5.000000e-01 : f32
      %mul3A_1368 = vector.broadcast %mul3A_1367 : f32 to vector<16xf32>
      %mul3A_1369 = arith.mulf %mul3A_1368, %add3A_1358 : vector<16xf32>
      %mul3A_1370 = arith.mulf %mul3A_1369, %bitcast3A_1366 : vector<16xf32>
      %mul3A_1371 = arith.mulf %mul3A_1370, %bitcast3A_1366 : vector<16xf32>
      %sub3A_1372 = arith.constant 1.500000e+00 : f32
      %sub3A_1373 = vector.broadcast %sub3A_1372 : f32 to vector<16xf32>
      %sub3A_1374 = arith.subf %sub3A_1373, %mul3A_1371 : vector<16xf32>
      %mul3A_1375 = arith.mulf %bitcast3A_1366, %sub3A_1374 : vector<16xf32>
      %mul3A_1376 = arith.constant 5.000000e-01 : f32
      %mul3A_1377 = vector.broadcast %mul3A_1376 : f32 to vector<16xf32>
      %mul3A_1378 = arith.mulf %mul3A_1377, %add3A_1358 : vector<16xf32>
      %mul3A_1379 = arith.mulf %mul3A_1378, %mul3A_1375 : vector<16xf32>
      %mul3A_1380 = arith.mulf %mul3A_1379, %mul3A_1375 : vector<16xf32>
      %sub3A_1381 = arith.constant 1.500000e+00 : f32
      %sub3A_1382 = vector.broadcast %sub3A_1381 : f32 to vector<16xf32>
      %sub3A_1383 = arith.subf %sub3A_1382, %mul3A_1380 : vector<16xf32>
      %mul3A_1384 = arith.mulf %mul3A_1375, %sub3A_1383 : vector<16xf32>
      %mul3A_1385 = arith.constant 5.000000e-01 : f32
      %mul3A_1386 = vector.broadcast %mul3A_1385 : f32 to vector<16xf32>
      %mul3A_1387 = arith.mulf %mul3A_1386, %add3A_1358 : vector<16xf32>
      %mul3A_1388 = arith.mulf %mul3A_1387, %mul3A_1384 : vector<16xf32>
      %mul3A_1389 = arith.mulf %mul3A_1388, %mul3A_1384 : vector<16xf32>
      %sub3A_1390 = arith.constant 1.500000e+00 : f32
      %sub3A_1391 = vector.broadcast %sub3A_1390 : f32 to vector<16xf32>
      %sub3A_1392 = arith.subf %sub3A_1391, %mul3A_1389 : vector<16xf32>
      %mul3A_1393 = arith.mulf %mul3A_1384, %sub3A_1392 : vector<16xf32>
      %swap3A_1394 = arith.constant 3 : i32
      %swap3A_1395 = arith.index_cast %swap3A_1394 : i32 to index
      %swap3A_1396 = arith.constant 64 : index
      %swap3A_1397 = tpu.vector_load %arg8[%swap3A_1395, %swap3A_1396] {strides = array<i32>} : memref<8x128xf32, #tpu.memory_space<vmem>>, vector<16xf32>,
      tpu.vector_store %arg8[%swap3A_1395, %swap3A_1396], %mul3A_1393 {strides = array<i32>} : memref<8x128xf32, #tpu.memory_space<vmem>>, vector<16xf32>,
      %get3A_1398 = arith.constant 3 : i32
      %get3A_1399 = arith.index_cast %get3A_1398 : i32 to index
      %get3A_1400 = arith.constant 80 : index
      %get3A_1401 = tpu.vector_load %arg8[%get3A_1399, %get3A_1400] {strides = array<i32>} : memref<8x128xf32, #tpu.memory_space<vmem>>, vector<16xf32>,
      %add3A_1402 = arith.constant 1.000000e+00 : f32
      %add3A_1403 = vector.broadcast %add3A_1402 : f32 to vector<16xf32>
      %add3A_1404 = arith.addf %add3A_1403, %get3A_1401 : vector<16xf32>
      %bitcast3A_1405 = vector.bitcast %add3A_1404 : vector<16xf32> to vector<16xi32>
      %shift_right_arithmetic3A_1406 = arith.constant 1 : i32
      %shift_right_arithmetic3A_1407 = vector.broadcast %shift_right_arithmetic3A_1406 : i32 to vector<16xi32>
      %shift_right_arithmetic3A_1408 = arith.shrsi %bitcast3A_1405, %shift_right_arithmetic3A_1407 : vector<16xi32>
      %sub3A_1409 = arith.constant 1597463007 : i32
      %sub3A_1410 = vector.broadcast %sub3A_1409 : i32 to vector<16xi32>
      %sub3A_1411 = arith.subi %sub3A_1410, %shift_right_arithmetic3A_1408 : vector<16xi32>
      %bitcast3A_1412 = vector.bitcast %sub3A_1411 : vector<16xi32> to vector<16xf32>
      %mul3A_1413 = arith.constant 5.000000e-01 : f32
      %mul3A_1414 = vector.broadcast %mul3A_1413 : f32 to vector<16xf32>
      %mul3A_1415 = arith.mulf %mul3A_1414, %add3A_1404 : vector<16xf32>
      %mul3A_1416 = arith.mulf %mul3A_1415, %bitcast3A_1412 : vector<16xf32>
      %mul3A_1417 = arith.mulf %mul3A_1416, %bitcast3A_1412 : vector<16xf32>
      %sub3A_1418 = arith.constant 1.500000e+00 : f32
      %sub3A_1419 = vector.broadcast %sub3A_1418 : f32 to vector<16xf32>
      %sub3A_1420 = arith.subf %sub3A_1419, %mul3A_1417 : vector<16xf32>
      %mul3A_1421 = arith.mulf %bitcast3A_1412, %sub3A_1420 : vector<16xf32>
      %mul3A_1422 = arith.constant 5.000000e-01 : f32
      %mul3A_1423 = vector.broadcast %mul3A_1422 : f32 to vector<16xf32>
      %mul3A_1424 = arith.mulf %mul3A_1423, %add3A_1404 : vector<16xf32>
      %mul3A_1425 = arith.mulf %mul3A_1424, %mul3A_1421 : vector<16xf32>
      %mul3A_1426 = arith.mulf %mul3A_1425, %mul3A_1421 : vector<16xf32>
      %sub3A_1427 = arith.constant 1.500000e+00 : f32
      %sub3A_1428 = vector.broadcast %sub3A_1427 : f32 to vector<16xf32>
      %sub3A_1429 = arith.subf %sub3A_1428, %mul3A_1426 : vector<16xf32>
      %mul3A_1430 = arith.mulf %mul3A_1421, %sub3A_1429 : vector<16xf32>
      %mul3A_1431 = arith.constant 5.000000e-01 : f32
      %mul3A_1432 = vector.broadcast %mul3A_1431 : f32 to vector<16xf32>
      %mul3A_1433 = arith.mulf %mul3A_1432, %add3A_1404 : vector<16xf32>
      %mul3A_1434 = arith.mulf %mul3A_1433, %mul3A_1430 : vector<16xf32>
      %mul3A_1435 = arith.mulf %mul3A_1434, %mul3A_1430 : vector<16xf32>
      %sub3A_1436 = arith.constant 1.500000e+00 : f32
      %sub3A_1437 = vector.broadcast %sub3A_1436 : f32 to vector<16xf32>
      %sub3A_1438 = arith.subf %sub3A_1437, %mul3A_1435 : vector<16xf32>
      %mul3A_1439 = arith.mulf %mul3A_1430, %sub3A_1438 : vector<16xf32>
      %swap3A_1440 = arith.constant 3 : i32
      %swap3A_1441 = arith.index_cast %swap3A_1440 : i32 to index
      %swap3A_1442 = arith.constant 80 : index
      %swap3A_1443 = tpu.vector_load %arg8[%swap3A_1441, %swap3A_1442] {strides = array<i32>} : memref<8x128xf32, #tpu.memory_space<vmem>>, vector<16xf32>,
      tpu.vector_store %arg8[%swap3A_1441, %swap3A_1442], %mul3A_1439 {strides = array<i32>} : memref<8x128xf32, #tpu.memory_space<vmem>>, vector<16xf32>,
      %get3A_1444 = arith.constant 3 : i32
      %get3A_1445 = arith.index_cast %get3A_1444 : i32 to index
      %get3A_1446 = arith.constant 96 : index
      %get3A_1447 = tpu.vector_load %arg8[%get3A_1445, %get3A_1446] {strides = array<i32>} : memref<8x128xf32, #tpu.memory_space<vmem>>, vector<16xf32>,
      %add3A_1448 = arith.constant 1.000000e+00 : f32
      %add3A_1449 = vector.broadcast %add3A_1448 : f32 to vector<16xf32>
      %add3A_1450 = arith.addf %add3A_1449, %get3A_1447 : vector<16xf32>
      %bitcast3A_1451 = vector.bitcast %add3A_1450 : vector<16xf32> to vector<16xi32>
      %shift_right_arithmetic3A_1452 = arith.constant 1 : i32
      %shift_right_arithmetic3A_1453 = vector.broadcast %shift_right_arithmetic3A_1452 : i32 to vector<16xi32>
      %shift_right_arithmetic3A_1454 = arith.shrsi %bitcast3A_1451, %shift_right_arithmetic3A_1453 : vector<16xi32>
      %sub3A_1455 = arith.constant 1597463007 : i32
      %sub3A_1456 = vector.broadcast %sub3A_1455 : i32 to vector<16xi32>
      %sub3A_1457 = arith.subi %sub3A_1456, %shift_right_arithmetic3A_1454 : vector<16xi32>
      %bitcast3A_1458 = vector.bitcast %sub3A_1457 : vector<16xi32> to vector<16xf32>
      %mul3A_1459 = arith.constant 5.000000e-01 : f32
      %mul3A_1460 = vector.broadcast %mul3A_1459 : f32 to vector<16xf32>
      %mul3A_1461 = arith.mulf %mul3A_1460, %add3A_1450 : vector<16xf32>
      %mul3A_1462 = arith.mulf %mul3A_1461, %bitcast3A_1458 : vector<16xf32>
      %mul3A_1463 = arith.mulf %mul3A_1462, %bitcast3A_1458 : vector<16xf32>
      %sub3A_1464 = arith.constant 1.500000e+00 : f32
      %sub3A_1465 = vector.broadcast %sub3A_1464 : f32 to vector<16xf32>
      %sub3A_1466 = arith.subf %sub3A_1465, %mul3A_1463 : vector<16xf32>
      %mul3A_1467 = arith.mulf %bitcast3A_1458, %sub3A_1466 : vector<16xf32>
      %mul3A_1468 = arith.constant 5.000000e-01 : f32
      %mul3A_1469 = vector.broadcast %mul3A_1468 : f32 to vector<16xf32>
      %mul3A_1470 = arith.mulf %mul3A_1469, %add3A_1450 : vector<16xf32>
      %mul3A_1471 = arith.mulf %mul3A_1470, %mul3A_1467 : vector<16xf32>
      %mul3A_1472 = arith.mulf %mul3A_1471, %mul3A_1467 : vector<16xf32>
      %sub3A_1473 = arith.constant 1.500000e+00 : f32
      %sub3A_1474 = vector.broadcast %sub3A_1473 : f32 to vector<16xf32>
      %sub3A_1475 = arith.subf %sub3A_1474, %mul3A_1472 : vector<16xf32>
      %mul3A_1476 = arith.mulf %mul3A_1467, %sub3A_1475 : vector<16xf32>
      %mul3A_1477 = arith.constant 5.000000e-01 : f32
      %mul3A_1478 = vector.broadcast %mul3A_1477 : f32 to vector<16xf32>
      %mul3A_1479 = arith.mulf %mul3A_1478, %add3A_1450 : vector<16xf32>
      %mul3A_1480 = arith.mulf %mul3A_1479, %mul3A_1476 : vector<16xf32>
      %mul3A_1481 = arith.mulf %mul3A_1480, %mul3A_1476 : vector<16xf32>
      %sub3A_1482 = arith.constant 1.500000e+00 : f32
      %sub3A_1483 = vector.broadcast %sub3A_1482 : f32 to vector<16xf32>
      %sub3A_1484 = arith.subf %sub3A_1483, %mul3A_1481 : vector<16xf32>
      %mul3A_1485 = arith.mulf %mul3A_1476, %sub3A_1484 : vector<16xf32>
      %swap3A_1486 = arith.constant 3 : i32
      %swap3A_1487 = arith.index_cast %swap3A_1486 : i32 to index
      %swap3A_1488 = arith.constant 96 : index
      %swap3A_1489 = tpu.vector_load %arg8[%swap3A_1487, %swap3A_1488] {strides = array<i32>} : memref<8x128xf32, #tpu.memory_space<vmem>>, vector<16xf32>,
      tpu.vector_store %arg8[%swap3A_1487, %swap3A_1488], %mul3A_1485 {strides = array<i32>} : memref<8x128xf32, #tpu.memory_space<vmem>>, vector<16xf32>,
      %get3A_1490 = arith.constant 3 : i32
      %get3A_1491 = arith.index_cast %get3A_1490 : i32 to index
      %get3A_1492 = arith.constant 112 : index
      %get3A_1493 = tpu.vector_load %arg8[%get3A_1491, %get3A_1492] {strides = array<i32>} : memref<8x128xf32, #tpu.memory_space<vmem>>, vector<16xf32>,
      %add3A_1494 = arith.constant 1.000000e+00 : f32
      %add3A_1495 = vector.broadcast %add3A_1494 : f32 to vector<16xf32>
      %add3A_1496 = arith.addf %add3A_1495, %get3A_1493 : vector<16xf32>
      %bitcast3A_1497 = vector.bitcast %add3A_1496 : vector<16xf32> to vector<16xi32>
      %shift_right_arithmetic3A_1498 = arith.constant 1 : i32
      %shift_right_arithmetic3A_1499 = vector.broadcast %shift_right_arithmetic3A_1498 : i32 to vector<16xi32>
      %shift_right_arithmetic3A_1500 = arith.shrsi %bitcast3A_1497, %shift_right_arithmetic3A_1499 : vector<16xi32>
      %sub3A_1501 = arith.constant 1597463007 : i32
      %sub3A_1502 = vector.broadcast %sub3A_1501 : i32 to vector<16xi32>
      %sub3A_1503 = arith.subi %sub3A_1502, %shift_right_arithmetic3A_1500 : vector<16xi32>
      %bitcast3A_1504 = vector.bitcast %sub3A_1503 : vector<16xi32> to vector<16xf32>
      %mul3A_1505 = arith.constant 5.000000e-01 : f32
      %mul3A_1506 = vector.broadcast %mul3A_1505 : f32 to vector<16xf32>
      %mul3A_1507 = arith.mulf %mul3A_1506, %add3A_1496 : vector<16xf32>
      %mul3A_1508 = arith.mulf %mul3A_1507, %bitcast3A_1504 : vector<16xf32>
      %mul3A_1509 = arith.mulf %mul3A_1508, %bitcast3A_1504 : vector<16xf32>
      %sub3A_1510 = arith.constant 1.500000e+00 : f32
      %sub3A_1511 = vector.broadcast %sub3A_1510 : f32 to vector<16xf32>
      %sub3A_1512 = arith.subf %sub3A_1511, %mul3A_1509 : vector<16xf32>
      %mul3A_1513 = arith.mulf %bitcast3A_1504, %sub3A_1512 : vector<16xf32>
      %mul3A_1514 = arith.constant 5.000000e-01 : f32
      %mul3A_1515 = vector.broadcast %mul3A_1514 : f32 to vector<16xf32>
      %mul3A_1516 = arith.mulf %mul3A_1515, %add3A_1496 : vector<16xf32>
      %mul3A_1517 = arith.mulf %mul3A_1516, %mul3A_1513 : vector<16xf32>
      %mul3A_1518 = arith.mulf %mul3A_1517, %mul3A_1513 : vector<16xf32>
      %sub3A_1519 = arith.constant 1.500000e+00 : f32
      %sub3A_1520 = vector.broadcast %sub3A_1519 : f32 to vector<16xf32>
      %sub3A_1521 = arith.subf %sub3A_1520, %mul3A_1518 : vector<16xf32>
      %mul3A_1522 = arith.mulf %mul3A_1513, %sub3A_1521 : vector<16xf32>
      %mul3A_1523 = arith.constant 5.000000e-01 : f32
      %mul3A_1524 = vector.broadcast %mul3A_1523 : f32 to vector<16xf32>
      %mul3A_1525 = arith.mulf %mul3A_1524, %add3A_1496 : vector<16xf32>
      %mul3A_1526 = arith.mulf %mul3A_1525, %mul3A_1522 : vector<16xf32>
      %mul3A_1527 = arith.mulf %mul3A_1526, %mul3A_1522 : vector<16xf32>
      %sub3A_1528 = arith.constant 1.500000e+00 : f32
      %sub3A_1529 = vector.broadcast %sub3A_1528 : f32 to vector<16xf32>
      %sub3A_1530 = arith.subf %sub3A_1529, %mul3A_1527 : vector<16xf32>
      %mul3A_1531 = arith.mulf %mul3A_1522, %sub3A_1530 : vector<16xf32>
      %swap3A_1532 = arith.constant 3 : i32
      %swap3A_1533 = arith.index_cast %swap3A_1532 : i32 to index
      %swap3A_1534 = arith.constant 112 : index
      %swap3A_1535 = tpu.vector_load %arg8[%swap3A_1533, %swap3A_1534] {strides = array<i32>} : memref<8x128xf32, #tpu.memory_space<vmem>>, vector<16xf32>,
      tpu.vector_store %arg8[%swap3A_1533, %swap3A_1534], %mul3A_1531 {strides = array<i32>} : memref<8x128xf32, #tpu.memory_space<vmem>>, vector<16xf32>,
      %get3A_1536 = arith.constant 4 : i32
      %get3A_1537 = arith.index_cast %get3A_1536 : i32 to index
      %get3A_1538 = arith.constant 0 : index
      %get3A_1539 = tpu.vector_load %arg8[%get3A_1537, %get3A_1538] {strides = array<i32>} : memref<8x128xf32, #tpu.memory_space<vmem>>, vector<16xf32>,
      %add3A_1540 = arith.constant 1.000000e+00 : f32
      %add3A_1541 = vector.broadcast %add3A_1540 : f32 to vector<16xf32>
      %add3A_1542 = arith.addf %add3A_1541, %get3A_1539 : vector<16xf32>
      %bitcast3A_1543 = vector.bitcast %add3A_1542 : vector<16xf32> to vector<16xi32>
      %shift_right_arithmetic3A_1544 = arith.constant 1 : i32
      %shift_right_arithmetic3A_1545 = vector.broadcast %shift_right_arithmetic3A_1544 : i32 to vector<16xi32>
      %shift_right_arithmetic3A_1546 = arith.shrsi %bitcast3A_1543, %shift_right_arithmetic3A_1545 : vector<16xi32>
      %sub3A_1547 = arith.constant 1597463007 : i32
      %sub3A_1548 = vector.broadcast %sub3A_1547 : i32 to vector<16xi32>
      %sub3A_1549 = arith.subi %sub3A_1548, %shift_right_arithmetic3A_1546 : vector<16xi32>
      %bitcast3A_1550 = vector.bitcast %sub3A_1549 : vector<16xi32> to vector<16xf32>
      %mul3A_1551 = arith.constant 5.000000e-01 : f32
      %mul3A_1552 = vector.broadcast %mul3A_1551 : f32 to vector<16xf32>
      %mul3A_1553 = arith.mulf %mul3A_1552, %add3A_1542 : vector<16xf32>
      %mul3A_1554 = arith.mulf %mul3A_1553, %bitcast3A_1550 : vector<16xf32>
      %mul3A_1555 = arith.mulf %mul3A_1554, %bitcast3A_1550 : vector<16xf32>
      %sub3A_1556 = arith.constant 1.500000e+00 : f32
      %sub3A_1557 = vector.broadcast %sub3A_1556 : f32 to vector<16xf32>
      %sub3A_1558 = arith.subf %sub3A_1557, %mul3A_1555 : vector<16xf32>
      %mul3A_1559 = arith.mulf %bitcast3A_1550, %sub3A_1558 : vector<16xf32>
      %mul3A_1560 = arith.constant 5.000000e-01 : f32
      %mul3A_1561 = vector.broadcast %mul3A_1560 : f32 to vector<16xf32>
      %mul3A_1562 = arith.mulf %mul3A_1561, %add3A_1542 : vector<16xf32>
      %mul3A_1563 = arith.mulf %mul3A_1562, %mul3A_1559 : vector<16xf32>
      %mul3A_1564 = arith.mulf %mul3A_1563, %mul3A_1559 : vector<16xf32>
      %sub3A_1565 = arith.constant 1.500000e+00 : f32
      %sub3A_1566 = vector.broadcast %sub3A_1565 : f32 to vector<16xf32>
      %sub3A_1567 = arith.subf %sub3A_1566, %mul3A_1564 : vector<16xf32>
      %mul3A_1568 = arith.mulf %mul3A_1559, %sub3A_1567 : vector<16xf32>
      %mul3A_1569 = arith.constant 5.000000e-01 : f32
      %mul3A_1570 = vector.broadcast %mul3A_1569 : f32 to vector<16xf32>
      %mul3A_1571 = arith.mulf %mul3A_1570, %add3A_1542 : vector<16xf32>
      %mul3A_1572 = arith.mulf %mul3A_1571, %mul3A_1568 : vector<16xf32>
      %mul3A_1573 = arith.mulf %mul3A_1572, %mul3A_1568 : vector<16xf32>
      %sub3A_1574 = arith.constant 1.500000e+00 : f32
      %sub3A_1575 = vector.broadcast %sub3A_1574 : f32 to vector<16xf32>
      %sub3A_1576 = arith.subf %sub3A_1575, %mul3A_1573 : vector<16xf32>
      %mul3A_1577 = arith.mulf %mul3A_1568, %sub3A_1576 : vector<16xf32>
      %swap3A_1578 = arith.constant 4 : i32
      %swap3A_1579 = arith.index_cast %swap3A_1578 : i32 to index
      %swap3A_1580 = arith.constant 0 : index
      %swap3A_1581 = tpu.vector_load %arg8[%swap3A_1579, %swap3A_1580] {strides = array<i32>} : memref<8x128xf32, #tpu.memory_space<vmem>>, vector<16xf32>,
      tpu.vector_store %arg8[%swap3A_1579, %swap3A_1580], %mul3A_1577 {strides = array<i32>} : memref<8x128xf32, #tpu.memory_space<vmem>>, vector<16xf32>,
      %get3A_1582 = arith.constant 4 : i32
      %get3A_1583 = arith.index_cast %get3A_1582 : i32 to index
      %get3A_1584 = arith.constant 16 : index
      %get3A_1585 = tpu.vector_load %arg8[%get3A_1583, %get3A_1584] {strides = array<i32>} : memref<8x128xf32, #tpu.memory_space<vmem>>, vector<16xf32>,
      %add3A_1586 = arith.constant 1.000000e+00 : f32
      %add3A_1587 = vector.broadcast %add3A_1586 : f32 to vector<16xf32>
      %add3A_1588 = arith.addf %add3A_1587, %get3A_1585 : vector<16xf32>
      %bitcast3A_1589 = vector.bitcast %add3A_1588 : vector<16xf32> to vector<16xi32>
      %shift_right_arithmetic3A_1590 = arith.constant 1 : i32
      %shift_right_arithmetic3A_1591 = vector.broadcast %shift_right_arithmetic3A_1590 : i32 to vector<16xi32>
      %shift_right_arithmetic3A_1592 = arith.shrsi %bitcast3A_1589, %shift_right_arithmetic3A_1591 : vector<16xi32>
      %sub3A_1593 = arith.constant 1597463007 : i32
      %sub3A_1594 = vector.broadcast %sub3A_1593 : i32 to vector<16xi32>
      %sub3A_1595 = arith.subi %sub3A_1594, %shift_right_arithmetic3A_1592 : vector<16xi32>
      %bitcast3A_1596 = vector.bitcast %sub3A_1595 : vector<16xi32> to vector<16xf32>
      %mul3A_1597 = arith.constant 5.000000e-01 : f32
      %mul3A_1598 = vector.broadcast %mul3A_1597 : f32 to vector<16xf32>
      %mul3A_1599 = arith.mulf %mul3A_1598, %add3A_1588 : vector<16xf32>
      %mul3A_1600 = arith.mulf %mul3A_1599, %bitcast3A_1596 : vector<16xf32>
      %mul3A_1601 = arith.mulf %mul3A_1600, %bitcast3A_1596 : vector<16xf32>
      %sub3A_1602 = arith.constant 1.500000e+00 : f32
      %sub3A_1603 = vector.broadcast %sub3A_1602 : f32 to vector<16xf32>
      %sub3A_1604 = arith.subf %sub3A_1603, %mul3A_1601 : vector<16xf32>
      %mul3A_1605 = arith.mulf %bitcast3A_1596, %sub3A_1604 : vector<16xf32>
      %mul3A_1606 = arith.constant 5.000000e-01 : f32
      %mul3A_1607 = vector.broadcast %mul3A_1606 : f32 to vector<16xf32>
      %mul3A_1608 = arith.mulf %mul3A_1607, %add3A_1588 : vector<16xf32>
      %mul3A_1609 = arith.mulf %mul3A_1608, %mul3A_1605 : vector<16xf32>
      %mul3A_1610 = arith.mulf %mul3A_1609, %mul3A_1605 : vector<16xf32>
      %sub3A_1611 = arith.constant 1.500000e+00 : f32
      %sub3A_1612 = vector.broadcast %sub3A_1611 : f32 to vector<16xf32>
      %sub3A_1613 = arith.subf %sub3A_1612, %mul3A_1610 : vector<16xf32>
      %mul3A_1614 = arith.mulf %mul3A_1605, %sub3A_1613 : vector<16xf32>
      %mul3A_1615 = arith.constant 5.000000e-01 : f32
      %mul3A_1616 = vector.broadcast %mul3A_1615 : f32 to vector<16xf32>
      %mul3A_1617 = arith.mulf %mul3A_1616, %add3A_1588 : vector<16xf32>
      %mul3A_1618 = arith.mulf %mul3A_1617, %mul3A_1614 : vector<16xf32>
      %mul3A_1619 = arith.mulf %mul3A_1618, %mul3A_1614 : vector<16xf32>
      %sub3A_1620 = arith.constant 1.500000e+00 : f32
      %sub3A_1621 = vector.broadcast %sub3A_1620 : f32 to vector<16xf32>
      %sub3A_1622 = arith.subf %sub3A_1621, %mul3A_1619 : vector<16xf32>
      %mul3A_1623 = arith.mulf %mul3A_1614, %sub3A_1622 : vector<16xf32>
      %swap3A_1624 = arith.constant 4 : i32
      %swap3A_1625 = arith.index_cast %swap3A_1624 : i32 to index
      %swap3A_1626 = arith.constant 16 : index
      %swap3A_1627 = tpu.vector_load %arg8[%swap3A_1625, %swap3A_1626] {strides = array<i32>} : memref<8x128xf32, #tpu.memory_space<vmem>>, vector<16xf32>,
      tpu.vector_store %arg8[%swap3A_1625, %swap3A_1626], %mul3A_1623 {strides = array<i32>} : memref<8x128xf32, #tpu.memory_space<vmem>>, vector<16xf32>,
      %get3A_1628 = arith.constant 4 : i32
      %get3A_1629 = arith.index_cast %get3A_1628 : i32 to index
      %get3A_1630 = arith.constant 32 : index
      %get3A_1631 = tpu.vector_load %arg8[%get3A_1629, %get3A_1630] {strides = array<i32>} : memref<8x128xf32, #tpu.memory_space<vmem>>, vector<16xf32>,
      %add3A_1632 = arith.constant 1.000000e+00 : f32
      %add3A_1633 = vector.broadcast %add3A_1632 : f32 to vector<16xf32>
      %add3A_1634 = arith.addf %add3A_1633, %get3A_1631 : vector<16xf32>
      %bitcast3A_1635 = vector.bitcast %add3A_1634 : vector<16xf32> to vector<16xi32>
      %shift_right_arithmetic3A_1636 = arith.constant 1 : i32
      %shift_right_arithmetic3A_1637 = vector.broadcast %shift_right_arithmetic3A_1636 : i32 to vector<16xi32>
      %shift_right_arithmetic3A_1638 = arith.shrsi %bitcast3A_1635, %shift_right_arithmetic3A_1637 : vector<16xi32>
      %sub3A_1639 = arith.constant 1597463007 : i32
      %sub3A_1640 = vector.broadcast %sub3A_1639 : i32 to vector<16xi32>
      %sub3A_1641 = arith.subi %sub3A_1640, %shift_right_arithmetic3A_1638 : vector<16xi32>
      %bitcast3A_1642 = vector.bitcast %sub3A_1641 : vector<16xi32> to vector<16xf32>
      %mul3A_1643 = arith.constant 5.000000e-01 : f32
      %mul3A_1644 = vector.broadcast %mul3A_1643 : f32 to vector<16xf32>
      %mul3A_1645 = arith.mulf %mul3A_1644, %add3A_1634 : vector<16xf32>
      %mul3A_1646 = arith.mulf %mul3A_1645, %bitcast3A_1642 : vector<16xf32>
      %mul3A_1647 = arith.mulf %mul3A_1646, %bitcast3A_1642 : vector<16xf32>
      %sub3A_1648 = arith.constant 1.500000e+00 : f32
      %sub3A_1649 = vector.broadcast %sub3A_1648 : f32 to vector<16xf32>
      %sub3A_1650 = arith.subf %sub3A_1649, %mul3A_1647 : vector<16xf32>
      %mul3A_1651 = arith.mulf %bitcast3A_1642, %sub3A_1650 : vector<16xf32>
      %mul3A_1652 = arith.constant 5.000000e-01 : f32
      %mul3A_1653 = vector.broadcast %mul3A_1652 : f32 to vector<16xf32>
      %mul3A_1654 = arith.mulf %mul3A_1653, %add3A_1634 : vector<16xf32>
      %mul3A_1655 = arith.mulf %mul3A_1654, %mul3A_1651 : vector<16xf32>
      %mul3A_1656 = arith.mulf %mul3A_1655, %mul3A_1651 : vector<16xf32>
      %sub3A_1657 = arith.constant 1.500000e+00 : f32
      %sub3A_1658 = vector.broadcast %sub3A_1657 : f32 to vector<16xf32>
      %sub3A_1659 = arith.subf %sub3A_1658, %mul3A_1656 : vector<16xf32>
      %mul3A_1660 = arith.mulf %mul3A_1651, %sub3A_1659 : vector<16xf32>
      %mul3A_1661 = arith.constant 5.000000e-01 : f32
      %mul3A_1662 = vector.broadcast %mul3A_1661 : f32 to vector<16xf32>
      %mul3A_1663 = arith.mulf %mul3A_1662, %add3A_1634 : vector<16xf32>
      %mul3A_1664 = arith.mulf %mul3A_1663, %mul3A_1660 : vector<16xf32>
      %mul3A_1665 = arith.mulf %mul3A_1664, %mul3A_1660 : vector<16xf32>
      %sub3A_1666 = arith.constant 1.500000e+00 : f32
      %sub3A_1667 = vector.broadcast %sub3A_1666 : f32 to vector<16xf32>
      %sub3A_1668 = arith.subf %sub3A_1667, %mul3A_1665 : vector<16xf32>
      %mul3A_1669 = arith.mulf %mul3A_1660, %sub3A_1668 : vector<16xf32>
      %swap3A_1670 = arith.constant 4 : i32
      %swap3A_1671 = arith.index_cast %swap3A_1670 : i32 to index
      %swap3A_1672 = arith.constant 32 : index
      %swap3A_1673 = tpu.vector_load %arg8[%swap3A_1671, %swap3A_1672] {strides = array<i32>} : memref<8x128xf32, #tpu.memory_space<vmem>>, vector<16xf32>,
      tpu.vector_store %arg8[%swap3A_1671, %swap3A_1672], %mul3A_1669 {strides = array<i32>} : memref<8x128xf32, #tpu.memory_space<vmem>>, vector<16xf32>,
      %get3A_1674 = arith.constant 4 : i32
      %get3A_1675 = arith.index_cast %get3A_1674 : i32 to index
      %get3A_1676 = arith.constant 48 : index
      %get3A_1677 = tpu.vector_load %arg8[%get3A_1675, %get3A_1676] {strides = array<i32>} : memref<8x128xf32, #tpu.memory_space<vmem>>, vector<16xf32>,
      %add3A_1678 = arith.constant 1.000000e+00 : f32
      %add3A_1679 = vector.broadcast %add3A_1678 : f32 to vector<16xf32>
      %add3A_1680 = arith.addf %add3A_1679, %get3A_1677 : vector<16xf32>
      %bitcast3A_1681 = vector.bitcast %add3A_1680 : vector<16xf32> to vector<16xi32>
      %shift_right_arithmetic3A_1682 = arith.constant 1 : i32
      %shift_right_arithmetic3A_1683 = vector.broadcast %shift_right_arithmetic3A_1682 : i32 to vector<16xi32>
      %shift_right_arithmetic3A_1684 = arith.shrsi %bitcast3A_1681, %shift_right_arithmetic3A_1683 : vector<16xi32>
      %sub3A_1685 = arith.constant 1597463007 : i32
      %sub3A_1686 = vector.broadcast %sub3A_1685 : i32 to vector<16xi32>
      %sub3A_1687 = arith.subi %sub3A_1686, %shift_right_arithmetic3A_1684 : vector<16xi32>
      %bitcast3A_1688 = vector.bitcast %sub3A_1687 : vector<16xi32> to vector<16xf32>
      %mul3A_1689 = arith.constant 5.000000e-01 : f32
      %mul3A_1690 = vector.broadcast %mul3A_1689 : f32 to vector<16xf32>
      %mul3A_1691 = arith.mulf %mul3A_1690, %add3A_1680 : vector<16xf32>
      %mul3A_1692 = arith.mulf %mul3A_1691, %bitcast3A_1688 : vector<16xf32>
      %mul3A_1693 = arith.mulf %mul3A_1692, %bitcast3A_1688 : vector<16xf32>
      %sub3A_1694 = arith.constant 1.500000e+00 : f32
      %sub3A_1695 = vector.broadcast %sub3A_1694 : f32 to vector<16xf32>
      %sub3A_1696 = arith.subf %sub3A_1695, %mul3A_1693 : vector<16xf32>
      %mul3A_1697 = arith.mulf %bitcast3A_1688, %sub3A_1696 : vector<16xf32>
      %mul3A_1698 = arith.constant 5.000000e-01 : f32
      %mul3A_1699 = vector.broadcast %mul3A_1698 : f32 to vector<16xf32>
      %mul3A_1700 = arith.mulf %mul3A_1699, %add3A_1680 : vector<16xf32>
      %mul3A_1701 = arith.mulf %mul3A_1700, %mul3A_1697 : vector<16xf32>
      %mul3A_1702 = arith.mulf %mul3A_1701, %mul3A_1697 : vector<16xf32>
      %sub3A_1703 = arith.constant 1.500000e+00 : f32
      %sub3A_1704 = vector.broadcast %sub3A_1703 : f32 to vector<16xf32>
      %sub3A_1705 = arith.subf %sub3A_1704, %mul3A_1702 : vector<16xf32>
      %mul3A_1706 = arith.mulf %mul3A_1697, %sub3A_1705 : vector<16xf32>
      %mul3A_1707 = arith.constant 5.000000e-01 : f32
      %mul3A_1708 = vector.broadcast %mul3A_1707 : f32 to vector<16xf32>
      %mul3A_1709 = arith.mulf %mul3A_1708, %add3A_1680 : vector<16xf32>
      %mul3A_1710 = arith.mulf %mul3A_1709, %mul3A_1706 : vector<16xf32>
      %mul3A_1711 = arith.mulf %mul3A_1710, %mul3A_1706 : vector<16xf32>
      %sub3A_1712 = arith.constant 1.500000e+00 : f32
      %sub3A_1713 = vector.broadcast %sub3A_1712 : f32 to vector<16xf32>
      %sub3A_1714 = arith.subf %sub3A_1713, %mul3A_1711 : vector<16xf32>
      %mul3A_1715 = arith.mulf %mul3A_1706, %sub3A_1714 : vector<16xf32>
      %swap3A_1716 = arith.constant 4 : i32
      %swap3A_1717 = arith.index_cast %swap3A_1716 : i32 to index
      %swap3A_1718 = arith.constant 48 : index
      %swap3A_1719 = tpu.vector_load %arg8[%swap3A_1717, %swap3A_1718] {strides = array<i32>} : memref<8x128xf32, #tpu.memory_space<vmem>>, vector<16xf32>,
      tpu.vector_store %arg8[%swap3A_1717, %swap3A_1718], %mul3A_1715 {strides = array<i32>} : memref<8x128xf32, #tpu.memory_space<vmem>>, vector<16xf32>,
      %get3A_1720 = arith.constant 4 : i32
      %get3A_1721 = arith.index_cast %get3A_1720 : i32 to index
      %get3A_1722 = arith.constant 64 : index
      %get3A_1723 = tpu.vector_load %arg8[%get3A_1721, %get3A_1722] {strides = array<i32>} : memref<8x128xf32, #tpu.memory_space<vmem>>, vector<16xf32>,
      %add3A_1724 = arith.constant 1.000000e+00 : f32
      %add3A_1725 = vector.broadcast %add3A_1724 : f32 to vector<16xf32>
      %add3A_1726 = arith.addf %add3A_1725, %get3A_1723 : vector<16xf32>
      %bitcast3A_1727 = vector.bitcast %add3A_1726 : vector<16xf32> to vector<16xi32>
      %shift_right_arithmetic3A_1728 = arith.constant 1 : i32
      %shift_right_arithmetic3A_1729 = vector.broadcast %shift_right_arithmetic3A_1728 : i32 to vector<16xi32>
      %shift_right_arithmetic3A_1730 = arith.shrsi %bitcast3A_1727, %shift_right_arithmetic3A_1729 : vector<16xi32>
      %sub3A_1731 = arith.constant 1597463007 : i32
      %sub3A_1732 = vector.broadcast %sub3A_1731 : i32 to vector<16xi32>
      %sub3A_1733 = arith.subi %sub3A_1732, %shift_right_arithmetic3A_1730 : vector<16xi32>
      %bitcast3A_1734 = vector.bitcast %sub3A_1733 : vector<16xi32> to vector<16xf32>
      %mul3A_1735 = arith.constant 5.000000e-01 : f32
      %mul3A_1736 = vector.broadcast %mul3A_1735 : f32 to vector<16xf32>
      %mul3A_1737 = arith.mulf %mul3A_1736, %add3A_1726 : vector<16xf32>
      %mul3A_1738 = arith.mulf %mul3A_1737, %bitcast3A_1734 : vector<16xf32>
      %mul3A_1739 = arith.mulf %mul3A_1738, %bitcast3A_1734 : vector<16xf32>
      %sub3A_1740 = arith.constant 1.500000e+00 : f32
      %sub3A_1741 = vector.broadcast %sub3A_1740 : f32 to vector<16xf32>
      %sub3A_1742 = arith.subf %sub3A_1741, %mul3A_1739 : vector<16xf32>
      %mul3A_1743 = arith.mulf %bitcast3A_1734, %sub3A_1742 : vector<16xf32>
      %mul3A_1744 = arith.constant 5.000000e-01 : f32
      %mul3A_1745 = vector.broadcast %mul3A_1744 : f32 to vector<16xf32>
      %mul3A_1746 = arith.mulf %mul3A_1745, %add3A_1726 : vector<16xf32>
      %mul3A_1747 = arith.mulf %mul3A_1746, %mul3A_1743 : vector<16xf32>
      %mul3A_1748 = arith.mulf %mul3A_1747, %mul3A_1743 : vector<16xf32>
      %sub3A_1749 = arith.constant 1.500000e+00 : f32
      %sub3A_1750 = vector.broadcast %sub3A_1749 : f32 to vector<16xf32>
      %sub3A_1751 = arith.subf %sub3A_1750, %mul3A_1748 : vector<16xf32>
      %mul3A_1752 = arith.mulf %mul3A_1743, %sub3A_1751 : vector<16xf32>
      %mul3A_1753 = arith.constant 5.000000e-01 : f32
      %mul3A_1754 = vector.broadcast %mul3A_1753 : f32 to vector<16xf32>
      %mul3A_1755 = arith.mulf %mul3A_1754, %add3A_1726 : vector<16xf32>
      %mul3A_1756 = arith.mulf %mul3A_1755, %mul3A_1752 : vector<16xf32>
      %mul3A_1757 = arith.mulf %mul3A_1756, %mul3A_1752 : vector<16xf32>
      %sub3A_1758 = arith.constant 1.500000e+00 : f32
      %sub3A_1759 = vector.broadcast %sub3A_1758 : f32 to vector<16xf32>
      %sub3A_1760 = arith.subf %sub3A_1759, %mul3A_1757 : vector<16xf32>
      %mul3A_1761 = arith.mulf %mul3A_1752, %sub3A_1760 : vector<16xf32>
      %swap3A_1762 = arith.constant 4 : i32
      %swap3A_1763 = arith.index_cast %swap3A_1762 : i32 to index
      %swap3A_1764 = arith.constant 64 : index
      %swap3A_1765 = tpu.vector_load %arg8[%swap3A_1763, %swap3A_1764] {strides = array<i32>} : memref<8x128xf32, #tpu.memory_space<vmem>>, vector<16xf32>,
      tpu.vector_store %arg8[%swap3A_1763, %swap3A_1764], %mul3A_1761 {strides = array<i32>} : memref<8x128xf32, #tpu.memory_space<vmem>>, vector<16xf32>,
      %get3A_1766 = arith.constant 4 : i32
      %get3A_1767 = arith.index_cast %get3A_1766 : i32 to index
      %get3A_1768 = arith.constant 80 : index
      %get3A_1769 = tpu.vector_load %arg8[%get3A_1767, %get3A_1768] {strides = array<i32>} : memref<8x128xf32, #tpu.memory_space<vmem>>, vector<16xf32>,
      %add3A_1770 = arith.constant 1.000000e+00 : f32
      %add3A_1771 = vector.broadcast %add3A_1770 : f32 to vector<16xf32>
      %add3A_1772 = arith.addf %add3A_1771, %get3A_1769 : vector<16xf32>
      %bitcast3A_1773 = vector.bitcast %add3A_1772 : vector<16xf32> to vector<16xi32>
      %shift_right_arithmetic3A_1774 = arith.constant 1 : i32
      %shift_right_arithmetic3A_1775 = vector.broadcast %shift_right_arithmetic3A_1774 : i32 to vector<16xi32>
      %shift_right_arithmetic3A_1776 = arith.shrsi %bitcast3A_1773, %shift_right_arithmetic3A_1775 : vector<16xi32>
      %sub3A_1777 = arith.constant 1597463007 : i32
      %sub3A_1778 = vector.broadcast %sub3A_1777 : i32 to vector<16xi32>
      %sub3A_1779 = arith.subi %sub3A_1778, %shift_right_arithmetic3A_1776 : vector<16xi32>
      %bitcast3A_1780 = vector.bitcast %sub3A_1779 : vector<16xi32> to vector<16xf32>
      %mul3A_1781 = arith.constant 5.000000e-01 : f32
      %mul3A_1782 = vector.broadcast %mul3A_1781 : f32 to vector<16xf32>
      %mul3A_1783 = arith.mulf %mul3A_1782, %add3A_1772 : vector<16xf32>
      %mul3A_1784 = arith.mulf %mul3A_1783, %bitcast3A_1780 : vector<16xf32>
      %mul3A_1785 = arith.mulf %mul3A_1784, %bitcast3A_1780 : vector<16xf32>
      %sub3A_1786 = arith.constant 1.500000e+00 : f32
      %sub3A_1787 = vector.broadcast %sub3A_1786 : f32 to vector<16xf32>
      %sub3A_1788 = arith.subf %sub3A_1787, %mul3A_1785 : vector<16xf32>
      %mul3A_1789 = arith.mulf %bitcast3A_1780, %sub3A_1788 : vector<16xf32>
      %mul3A_1790 = arith.constant 5.000000e-01 : f32
      %mul3A_1791 = vector.broadcast %mul3A_1790 : f32 to vector<16xf32>
      %mul3A_1792 = arith.mulf %mul3A_1791, %add3A_1772 : vector<16xf32>
      %mul3A_1793 = arith.mulf %mul3A_1792, %mul3A_1789 : vector<16xf32>
      %mul3A_1794 = arith.mulf %mul3A_1793, %mul3A_1789 : vector<16xf32>
      %sub3A_1795 = arith.constant 1.500000e+00 : f32
      %sub3A_1796 = vector.broadcast %sub3A_1795 : f32 to vector<16xf32>
      %sub3A_1797 = arith.subf %sub3A_1796, %mul3A_1794 : vector<16xf32>
      %mul3A_1798 = arith.mulf %mul3A_1789, %sub3A_1797 : vector<16xf32>
      %mul3A_1799 = arith.constant 5.000000e-01 : f32
      %mul3A_1800 = vector.broadcast %mul3A_1799 : f32 to vector<16xf32>
      %mul3A_1801 = arith.mulf %mul3A_1800, %add3A_1772 : vector<16xf32>
      %mul3A_1802 = arith.mulf %mul3A_1801, %mul3A_1798 : vector<16xf32>
      %mul3A_1803 = arith.mulf %mul3A_1802, %mul3A_1798 : vector<16xf32>
      %sub3A_1804 = arith.constant 1.500000e+00 : f32
      %sub3A_1805 = vector.broadcast %sub3A_1804 : f32 to vector<16xf32>
      %sub3A_1806 = arith.subf %sub3A_1805, %mul3A_1803 : vector<16xf32>
      %mul3A_1807 = arith.mulf %mul3A_1798, %sub3A_1806 : vector<16xf32>
      %swap3A_1808 = arith.constant 4 : i32
      %swap3A_1809 = arith.index_cast %swap3A_1808 : i32 to index
      %swap3A_1810 = arith.constant 80 : index
      %swap3A_1811 = tpu.vector_load %arg8[%swap3A_1809, %swap3A_1810] {strides = array<i32>} : memref<8x128xf32, #tpu.memory_space<vmem>>, vector<16xf32>,
      tpu.vector_store %arg8[%swap3A_1809, %swap3A_1810], %mul3A_1807 {strides = array<i32>} : memref<8x128xf32, #tpu.memory_space<vmem>>, vector<16xf32>,
      %get3A_1812 = arith.constant 4 : i32
      %get3A_1813 = arith.index_cast %get3A_1812 : i32 to index
      %get3A_1814 = arith.constant 96 : index
      %get3A_1815 = tpu.vector_load %arg8[%get3A_1813, %get3A_1814] {strides = array<i32>} : memref<8x128xf32, #tpu.memory_space<vmem>>, vector<16xf32>,
      %add3A_1816 = arith.constant 1.000000e+00 : f32
      %add3A_1817 = vector.broadcast %add3A_1816 : f32 to vector<16xf32>
      %add3A_1818 = arith.addf %add3A_1817, %get3A_1815 : vector<16xf32>
      %bitcast3A_1819 = vector.bitcast %add3A_1818 : vector<16xf32> to vector<16xi32>
      %shift_right_arithmetic3A_1820 = arith.constant 1 : i32
      %shift_right_arithmetic3A_1821 = vector.broadcast %shift_right_arithmetic3A_1820 : i32 to vector<16xi32>
      %shift_right_arithmetic3A_1822 = arith.shrsi %bitcast3A_1819, %shift_right_arithmetic3A_1821 : vector<16xi32>
      %sub3A_1823 = arith.constant 1597463007 : i32
      %sub3A_1824 = vector.broadcast %sub3A_1823 : i32 to vector<16xi32>
      %sub3A_1825 = arith.subi %sub3A_1824, %shift_right_arithmetic3A_1822 : vector<16xi32>
      %bitcast3A_1826 = vector.bitcast %sub3A_1825 : vector<16xi32> to vector<16xf32>
      %mul3A_1827 = arith.constant 5.000000e-01 : f32
      %mul3A_1828 = vector.broadcast %mul3A_1827 : f32 to vector<16xf32>
      %mul3A_1829 = arith.mulf %mul3A_1828, %add3A_1818 : vector<16xf32>
      %mul3A_1830 = arith.mulf %mul3A_1829, %bitcast3A_1826 : vector<16xf32>
      %mul3A_1831 = arith.mulf %mul3A_1830, %bitcast3A_1826 : vector<16xf32>
      %sub3A_1832 = arith.constant 1.500000e+00 : f32
      %sub3A_1833 = vector.broadcast %sub3A_1832 : f32 to vector<16xf32>
      %sub3A_1834 = arith.subf %sub3A_1833, %mul3A_1831 : vector<16xf32>
      %mul3A_1835 = arith.mulf %bitcast3A_1826, %sub3A_1834 : vector<16xf32>
      %mul3A_1836 = arith.constant 5.000000e-01 : f32
      %mul3A_1837 = vector.broadcast %mul3A_1836 : f32 to vector<16xf32>
      %mul3A_1838 = arith.mulf %mul3A_1837, %add3A_1818 : vector<16xf32>
      %mul3A_1839 = arith.mulf %mul3A_1838, %mul3A_1835 : vector<16xf32>
      %mul3A_1840 = arith.mulf %mul3A_1839, %mul3A_1835 : vector<16xf32>
      %sub3A_1841 = arith.constant 1.500000e+00 : f32
      %sub3A_1842 = vector.broadcast %sub3A_1841 : f32 to vector<16xf32>
      %sub3A_1843 = arith.subf %sub3A_1842, %mul3A_1840 : vector<16xf32>
      %mul3A_1844 = arith.mulf %mul3A_1835, %sub3A_1843 : vector<16xf32>
      %mul3A_1845 = arith.constant 5.000000e-01 : f32
      %mul3A_1846 = vector.broadcast %mul3A_1845 : f32 to vector<16xf32>
      %mul3A_1847 = arith.mulf %mul3A_1846, %add3A_1818 : vector<16xf32>
      %mul3A_1848 = arith.mulf %mul3A_1847, %mul3A_1844 : vector<16xf32>
      %mul3A_1849 = arith.mulf %mul3A_1848, %mul3A_1844 : vector<16xf32>
      %sub3A_1850 = arith.constant 1.500000e+00 : f32
      %sub3A_1851 = vector.broadcast %sub3A_1850 : f32 to vector<16xf32>
      %sub3A_1852 = arith.subf %sub3A_1851, %mul3A_1849 : vector<16xf32>
      %mul3A_1853 = arith.mulf %mul3A_1844, %sub3A_1852 : vector<16xf32>
      %swap3A_1854 = arith.constant 4 : i32
      %swap3A_1855 = arith.index_cast %swap3A_1854 : i32 to index
      %swap3A_1856 = arith.constant 96 : index
      %swap3A_1857 = tpu.vector_load %arg8[%swap3A_1855, %swap3A_1856] {strides = array<i32>} : memref<8x128xf32, #tpu.memory_space<vmem>>, vector<16xf32>,
      tpu.vector_store %arg8[%swap3A_1855, %swap3A_1856], %mul3A_1853 {strides = array<i32>} : memref<8x128xf32, #tpu.memory_space<vmem>>, vector<16xf32>,
      %get3A_1858 = arith.constant 4 : i32
      %get3A_1859 = arith.index_cast %get3A_1858 : i32 to index
      %get3A_1860 = arith.constant 112 : index
      %get3A_1861 = tpu.vector_load %arg8[%get3A_1859, %get3A_1860] {strides = array<i32>} : memref<8x128xf32, #tpu.memory_space<vmem>>, vector<16xf32>,
      %add3A_1862 = arith.constant 1.000000e+00 : f32
      %add3A_1863 = vector.broadcast %add3A_1862 : f32 to vector<16xf32>
      %add3A_1864 = arith.addf %add3A_1863, %get3A_1861 : vector<16xf32>
      %bitcast3A_1865 = vector.bitcast %add3A_1864 : vector<16xf32> to vector<16xi32>
      %shift_right_arithmetic3A_1866 = arith.constant 1 : i32
      %shift_right_arithmetic3A_1867 = vector.broadcast %shift_right_arithmetic3A_1866 : i32 to vector<16xi32>
      %shift_right_arithmetic3A_1868 = arith.shrsi %bitcast3A_1865, %shift_right_arithmetic3A_1867 : vector<16xi32>
      %sub3A_1869 = arith.constant 1597463007 : i32
      %sub3A_1870 = vector.broadcast %sub3A_1869 : i32 to vector<16xi32>
      %sub3A_1871 = arith.subi %sub3A_1870, %shift_right_arithmetic3A_1868 : vector<16xi32>
      %bitcast3A_1872 = vector.bitcast %sub3A_1871 : vector<16xi32> to vector<16xf32>
      %mul3A_1873 = arith.constant 5.000000e-01 : f32
      %mul3A_1874 = vector.broadcast %mul3A_1873 : f32 to vector<16xf32>
      %mul3A_1875 = arith.mulf %mul3A_1874, %add3A_1864 : vector<16xf32>
      %mul3A_1876 = arith.mulf %mul3A_1875, %bitcast3A_1872 : vector<16xf32>
      %mul3A_1877 = arith.mulf %mul3A_1876, %bitcast3A_1872 : vector<16xf32>
      %sub3A_1878 = arith.constant 1.500000e+00 : f32
      %sub3A_1879 = vector.broadcast %sub3A_1878 : f32 to vector<16xf32>
      %sub3A_1880 = arith.subf %sub3A_1879, %mul3A_1877 : vector<16xf32>
      %mul3A_1881 = arith.mulf %bitcast3A_1872, %sub3A_1880 : vector<16xf32>
      %mul3A_1882 = arith.constant 5.000000e-01 : f32
      %mul3A_1883 = vector.broadcast %mul3A_1882 : f32 to vector<16xf32>
      %mul3A_1884 = arith.mulf %mul3A_1883, %add3A_1864 : vector<16xf32>
      %mul3A_1885 = arith.mulf %mul3A_1884, %mul3A_1881 : vector<16xf32>
      %mul3A_1886 = arith.mulf %mul3A_1885, %mul3A_1881 : vector<16xf32>
      %sub3A_1887 = arith.constant 1.500000e+00 : f32
      %sub3A_1888 = vector.broadcast %sub3A_1887 : f32 to vector<16xf32>
      %sub3A_1889 = arith.subf %sub3A_1888, %mul3A_1886 : vector<16xf32>
      %mul3A_1890 = arith.mulf %mul3A_1881, %sub3A_1889 : vector<16xf32>
      %mul3A_1891 = arith.constant 5.000000e-01 : f32
      %mul3A_1892 = vector.broadcast %mul3A_1891 : f32 to vector<16xf32>
      %mul3A_1893 = arith.mulf %mul3A_1892, %add3A_1864 : vector<16xf32>
      %mul3A_1894 = arith.mulf %mul3A_1893, %mul3A_1890 : vector<16xf32>
      %mul3A_1895 = arith.mulf %mul3A_1894, %mul3A_1890 : vector<16xf32>
      %sub3A_1896 = arith.constant 1.500000e+00 : f32
      %sub3A_1897 = vector.broadcast %sub3A_1896 : f32 to vector<16xf32>
      %sub3A_1898 = arith.subf %sub3A_1897, %mul3A_1895 : vector<16xf32>
      %mul3A_1899 = arith.mulf %mul3A_1890, %sub3A_1898 : vector<16xf32>
      %swap3A_1900 = arith.constant 4 : i32
      %swap3A_1901 = arith.index_cast %swap3A_1900 : i32 to index
      %swap3A_1902 = arith.constant 112 : index
      %swap3A_1903 = tpu.vector_load %arg8[%swap3A_1901, %swap3A_1902] {strides = array<i32>} : memref<8x128xf32, #tpu.memory_space<vmem>>, vector<16xf32>,
      tpu.vector_store %arg8[%swap3A_1901, %swap3A_1902], %mul3A_1899 {strides = array<i32>} : memref<8x128xf32, #tpu.memory_space<vmem>>, vector<16xf32>,
      %get3A_1904 = arith.constant 5 : i32
      %get3A_1905 = arith.index_cast %get3A_1904 : i32 to index
      %get3A_1906 = arith.constant 0 : index
      %get3A_1907 = tpu.vector_load %arg8[%get3A_1905, %get3A_1906] {strides = array<i32>} : memref<8x128xf32, #tpu.memory_space<vmem>>, vector<16xf32>,
      %add3A_1908 = arith.constant 1.000000e+00 : f32
      %add3A_1909 = vector.broadcast %add3A_1908 : f32 to vector<16xf32>
      %add3A_1910 = arith.addf %add3A_1909, %get3A_1907 : vector<16xf32>
      %bitcast3A_1911 = vector.bitcast %add3A_1910 : vector<16xf32> to vector<16xi32>
      %shift_right_arithmetic3A_1912 = arith.constant 1 : i32
      %shift_right_arithmetic3A_1913 = vector.broadcast %shift_right_arithmetic3A_1912 : i32 to vector<16xi32>
      %shift_right_arithmetic3A_1914 = arith.shrsi %bitcast3A_1911, %shift_right_arithmetic3A_1913 : vector<16xi32>
      %sub3A_1915 = arith.constant 1597463007 : i32
      %sub3A_1916 = vector.broadcast %sub3A_1915 : i32 to vector<16xi32>
      %sub3A_1917 = arith.subi %sub3A_1916, %shift_right_arithmetic3A_1914 : vector<16xi32>
      %bitcast3A_1918 = vector.bitcast %sub3A_1917 : vector<16xi32> to vector<16xf32>
      %mul3A_1919 = arith.constant 5.000000e-01 : f32
      %mul3A_1920 = vector.broadcast %mul3A_1919 : f32 to vector<16xf32>
      %mul3A_1921 = arith.mulf %mul3A_1920, %add3A_1910 : vector<16xf32>
      %mul3A_1922 = arith.mulf %mul3A_1921, %bitcast3A_1918 : vector<16xf32>
      %mul3A_1923 = arith.mulf %mul3A_1922, %bitcast3A_1918 : vector<16xf32>
      %sub3A_1924 = arith.constant 1.500000e+00 : f32
      %sub3A_1925 = vector.broadcast %sub3A_1924 : f32 to vector<16xf32>
      %sub3A_1926 = arith.subf %sub3A_1925, %mul3A_1923 : vector<16xf32>
      %mul3A_1927 = arith.mulf %bitcast3A_1918, %sub3A_1926 : vector<16xf32>
      %mul3A_1928 = arith.constant 5.000000e-01 : f32
      %mul3A_1929 = vector.broadcast %mul3A_1928 : f32 to vector<16xf32>
      %mul3A_1930 = arith.mulf %mul3A_1929, %add3A_1910 : vector<16xf32>
      %mul3A_1931 = arith.mulf %mul3A_1930, %mul3A_1927 : vector<16xf32>
      %mul3A_1932 = arith.mulf %mul3A_1931, %mul3A_1927 : vector<16xf32>
      %sub3A_1933 = arith.constant 1.500000e+00 : f32
      %sub3A_1934 = vector.broadcast %sub3A_1933 : f32 to vector<16xf32>
      %sub3A_1935 = arith.subf %sub3A_1934, %mul3A_1932 : vector<16xf32>
      %mul3A_1936 = arith.mulf %mul3A_1927, %sub3A_1935 : vector<16xf32>
      %mul3A_1937 = arith.constant 5.000000e-01 : f32
      %mul3A_1938 = vector.broadcast %mul3A_1937 : f32 to vector<16xf32>
      %mul3A_1939 = arith.mulf %mul3A_1938, %add3A_1910 : vector<16xf32>
      %mul3A_1940 = arith.mulf %mul3A_1939, %mul3A_1936 : vector<16xf32>
      %mul3A_1941 = arith.mulf %mul3A_1940, %mul3A_1936 : vector<16xf32>
      %sub3A_1942 = arith.constant 1.500000e+00 : f32
      %sub3A_1943 = vector.broadcast %sub3A_1942 : f32 to vector<16xf32>
      %sub3A_1944 = arith.subf %sub3A_1943, %mul3A_1941 : vector<16xf32>
      %mul3A_1945 = arith.mulf %mul3A_1936, %sub3A_1944 : vector<16xf32>
      %swap3A_1946 = arith.constant 5 : i32
      %swap3A_1947 = arith.index_cast %swap3A_1946 : i32 to index
      %swap3A_1948 = arith.constant 0 : index
      %swap3A_1949 = tpu.vector_load %arg8[%swap3A_1947, %swap3A_1948] {strides = array<i32>} : memref<8x128xf32, #tpu.memory_space<vmem>>, vector<16xf32>,
      tpu.vector_store %arg8[%swap3A_1947, %swap3A_1948], %mul3A_1945 {strides = array<i32>} : memref<8x128xf32, #tpu.memory_space<vmem>>, vector<16xf32>,
      %get3A_1950 = arith.constant 5 : i32
      %get3A_1951 = arith.index_cast %get3A_1950 : i32 to index
      %get3A_1952 = arith.constant 16 : index
      %get3A_1953 = tpu.vector_load %arg8[%get3A_1951, %get3A_1952] {strides = array<i32>} : memref<8x128xf32, #tpu.memory_space<vmem>>, vector<16xf32>,
      %add3A_1954 = arith.constant 1.000000e+00 : f32
      %add3A_1955 = vector.broadcast %add3A_1954 : f32 to vector<16xf32>
      %add3A_1956 = arith.addf %add3A_1955, %get3A_1953 : vector<16xf32>
      %bitcast3A_1957 = vector.bitcast %add3A_1956 : vector<16xf32> to vector<16xi32>
      %shift_right_arithmetic3A_1958 = arith.constant 1 : i32
      %shift_right_arithmetic3A_1959 = vector.broadcast %shift_right_arithmetic3A_1958 : i32 to vector<16xi32>
      %shift_right_arithmetic3A_1960 = arith.shrsi %bitcast3A_1957, %shift_right_arithmetic3A_1959 : vector<16xi32>
      %sub3A_1961 = arith.constant 1597463007 : i32
      %sub3A_1962 = vector.broadcast %sub3A_1961 : i32 to vector<16xi32>
      %sub3A_1963 = arith.subi %sub3A_1962, %shift_right_arithmetic3A_1960 : vector<16xi32>
      %bitcast3A_1964 = vector.bitcast %sub3A_1963 : vector<16xi32> to vector<16xf32>
      %mul3A_1965 = arith.constant 5.000000e-01 : f32
      %mul3A_1966 = vector.broadcast %mul3A_1965 : f32 to vector<16xf32>
      %mul3A_1967 = arith.mulf %mul3A_1966, %add3A_1956 : vector<16xf32>
      %mul3A_1968 = arith.mulf %mul3A_1967, %bitcast3A_1964 : vector<16xf32>
      %mul3A_1969 = arith.mulf %mul3A_1968, %bitcast3A_1964 : vector<16xf32>
      %sub3A_1970 = arith.constant 1.500000e+00 : f32
      %sub3A_1971 = vector.broadcast %sub3A_1970 : f32 to vector<16xf32>
      %sub3A_1972 = arith.subf %sub3A_1971, %mul3A_1969 : vector<16xf32>
      %mul3A_1973 = arith.mulf %bitcast3A_1964, %sub3A_1972 : vector<16xf32>
      %mul3A_1974 = arith.constant 5.000000e-01 : f32
      %mul3A_1975 = vector.broadcast %mul3A_1974 : f32 to vector<16xf32>
      %mul3A_1976 = arith.mulf %mul3A_1975, %add3A_1956 : vector<16xf32>
      %mul3A_1977 = arith.mulf %mul3A_1976, %mul3A_1973 : vector<16xf32>
      %mul3A_1978 = arith.mulf %mul3A_1977, %mul3A_1973 : vector<16xf32>
      %sub3A_1979 = arith.constant 1.500000e+00 : f32
      %sub3A_1980 = vector.broadcast %sub3A_1979 : f32 to vector<16xf32>
      %sub3A_1981 = arith.subf %sub3A_1980, %mul3A_1978 : vector<16xf32>
      %mul3A_1982 = arith.mulf %mul3A_1973, %sub3A_1981 : vector<16xf32>
      %mul3A_1983 = arith.constant 5.000000e-01 : f32
      %mul3A_1984 = vector.broadcast %mul3A_1983 : f32 to vector<16xf32>
      %mul3A_1985 = arith.mulf %mul3A_1984, %add3A_1956 : vector<16xf32>
      %mul3A_1986 = arith.mulf %mul3A_1985, %mul3A_1982 : vector<16xf32>
      %mul3A_1987 = arith.mulf %mul3A_1986, %mul3A_1982 : vector<16xf32>
      %sub3A_1988 = arith.constant 1.500000e+00 : f32
      %sub3A_1989 = vector.broadcast %sub3A_1988 : f32 to vector<16xf32>
      %sub3A_1990 = arith.subf %sub3A_1989, %mul3A_1987 : vector<16xf32>
      %mul3A_1991 = arith.mulf %mul3A_1982, %sub3A_1990 : vector<16xf32>
      %swap3A_1992 = arith.constant 5 : i32
      %swap3A_1993 = arith.index_cast %swap3A_1992 : i32 to index
      %swap3A_1994 = arith.constant 16 : index
      %swap3A_1995 = tpu.vector_load %arg8[%swap3A_1993, %swap3A_1994] {strides = array<i32>} : memref<8x128xf32, #tpu.memory_space<vmem>>, vector<16xf32>,
      tpu.vector_store %arg8[%swap3A_1993, %swap3A_1994], %mul3A_1991 {strides = array<i32>} : memref<8x128xf32, #tpu.memory_space<vmem>>, vector<16xf32>,
      %get3A_1996 = arith.constant 5 : i32
      %get3A_1997 = arith.index_cast %get3A_1996 : i32 to index
      %get3A_1998 = arith.constant 32 : index
      %get3A_1999 = tpu.vector_load %arg8[%get3A_1997, %get3A_1998] {strides = array<i32>} : memref<8x128xf32, #tpu.memory_space<vmem>>, vector<16xf32>,
      %add3A_2000 = arith.constant 1.000000e+00 : f32
      %add3A_2001 = vector.broadcast %add3A_2000 : f32 to vector<16xf32>
      %add3A_2002 = arith.addf %add3A_2001, %get3A_1999 : vector<16xf32>
      %bitcast3A_2003 = vector.bitcast %add3A_2002 : vector<16xf32> to vector<16xi32>
      %shift_right_arithmetic3A_2004 = arith.constant 1 : i32
      %shift_right_arithmetic3A_2005 = vector.broadcast %shift_right_arithmetic3A_2004 : i32 to vector<16xi32>
      %shift_right_arithmetic3A_2006 = arith.shrsi %bitcast3A_2003, %shift_right_arithmetic3A_2005 : vector<16xi32>
      %sub3A_2007 = arith.constant 1597463007 : i32
      %sub3A_2008 = vector.broadcast %sub3A_2007 : i32 to vector<16xi32>
      %sub3A_2009 = arith.subi %sub3A_2008, %shift_right_arithmetic3A_2006 : vector<16xi32>
      %bitcast3A_2010 = vector.bitcast %sub3A_2009 : vector<16xi32> to vector<16xf32>
      %mul3A_2011 = arith.constant 5.000000e-01 : f32
      %mul3A_2012 = vector.broadcast %mul3A_2011 : f32 to vector<16xf32>
      %mul3A_2013 = arith.mulf %mul3A_2012, %add3A_2002 : vector<16xf32>
      %mul3A_2014 = arith.mulf %mul3A_2013, %bitcast3A_2010 : vector<16xf32>
      %mul3A_2015 = arith.mulf %mul3A_2014, %bitcast3A_2010 : vector<16xf32>
      %sub3A_2016 = arith.constant 1.500000e+00 : f32
      %sub3A_2017 = vector.broadcast %sub3A_2016 : f32 to vector<16xf32>
      %sub3A_2018 = arith.subf %sub3A_2017, %mul3A_2015 : vector<16xf32>
      %mul3A_2019 = arith.mulf %bitcast3A_2010, %sub3A_2018 : vector<16xf32>
      %mul3A_2020 = arith.constant 5.000000e-01 : f32
      %mul3A_2021 = vector.broadcast %mul3A_2020 : f32 to vector<16xf32>
      %mul3A_2022 = arith.mulf %mul3A_2021, %add3A_2002 : vector<16xf32>
      %mul3A_2023 = arith.mulf %mul3A_2022, %mul3A_2019 : vector<16xf32>
      %mul3A_2024 = arith.mulf %mul3A_2023, %mul3A_2019 : vector<16xf32>
      %sub3A_2025 = arith.constant 1.500000e+00 : f32
      %sub3A_2026 = vector.broadcast %sub3A_2025 : f32 to vector<16xf32>
      %sub3A_2027 = arith.subf %sub3A_2026, %mul3A_2024 : vector<16xf32>
      %mul3A_2028 = arith.mulf %mul3A_2019, %sub3A_2027 : vector<16xf32>
      %mul3A_2029 = arith.constant 5.000000e-01 : f32
      %mul3A_2030 = vector.broadcast %mul3A_2029 : f32 to vector<16xf32>
      %mul3A_2031 = arith.mulf %mul3A_2030, %add3A_2002 : vector<16xf32>
      %mul3A_2032 = arith.mulf %mul3A_2031, %mul3A_2028 : vector<16xf32>
      %mul3A_2033 = arith.mulf %mul3A_2032, %mul3A_2028 : vector<16xf32>
      %sub3A_2034 = arith.constant 1.500000e+00 : f32
      %sub3A_2035 = vector.broadcast %sub3A_2034 : f32 to vector<16xf32>
      %sub3A_2036 = arith.subf %sub3A_2035, %mul3A_2033 : vector<16xf32>
      %mul3A_2037 = arith.mulf %mul3A_2028, %sub3A_2036 : vector<16xf32>
      %swap3A_2038 = arith.constant 5 : i32
      %swap3A_2039 = arith.index_cast %swap3A_2038 : i32 to index
      %swap3A_2040 = arith.constant 32 : index
      %swap3A_2041 = tpu.vector_load %arg8[%swap3A_2039, %swap3A_2040] {strides = array<i32>} : memref<8x128xf32, #tpu.memory_space<vmem>>, vector<16xf32>,
      tpu.vector_store %arg8[%swap3A_2039, %swap3A_2040], %mul3A_2037 {strides = array<i32>} : memref<8x128xf32, #tpu.memory_space<vmem>>, vector<16xf32>,
      %get3A_2042 = arith.constant 5 : i32
      %get3A_2043 = arith.index_cast %get3A_2042 : i32 to index
      %get3A_2044 = arith.constant 48 : index
      %get3A_2045 = tpu.vector_load %arg8[%get3A_2043, %get3A_2044] {strides = array<i32>} : memref<8x128xf32, #tpu.memory_space<vmem>>, vector<16xf32>,
      %add3A_2046 = arith.constant 1.000000e+00 : f32
      %add3A_2047 = vector.broadcast %add3A_2046 : f32 to vector<16xf32>
      %add3A_2048 = arith.addf %add3A_2047, %get3A_2045 : vector<16xf32>
      %bitcast3A_2049 = vector.bitcast %add3A_2048 : vector<16xf32> to vector<16xi32>
      %shift_right_arithmetic3A_2050 = arith.constant 1 : i32
      %shift_right_arithmetic3A_2051 = vector.broadcast %shift_right_arithmetic3A_2050 : i32 to vector<16xi32>
      %shift_right_arithmetic3A_2052 = arith.shrsi %bitcast3A_2049, %shift_right_arithmetic3A_2051 : vector<16xi32>
      %sub3A_2053 = arith.constant 1597463007 : i32
      %sub3A_2054 = vector.broadcast %sub3A_2053 : i32 to vector<16xi32>
      %sub3A_2055 = arith.subi %sub3A_2054, %shift_right_arithmetic3A_2052 : vector<16xi32>
      %bitcast3A_2056 = vector.bitcast %sub3A_2055 : vector<16xi32> to vector<16xf32>
      %mul3A_2057 = arith.constant 5.000000e-01 : f32
      %mul3A_2058 = vector.broadcast %mul3A_2057 : f32 to vector<16xf32>
      %mul3A_2059 = arith.mulf %mul3A_2058, %add3A_2048 : vector<16xf32>
      %mul3A_2060 = arith.mulf %mul3A_2059, %bitcast3A_2056 : vector<16xf32>
      %mul3A_2061 = arith.mulf %mul3A_2060, %bitcast3A_2056 : vector<16xf32>
      %sub3A_2062 = arith.constant 1.500000e+00 : f32
      %sub3A_2063 = vector.broadcast %sub3A_2062 : f32 to vector<16xf32>
      %sub3A_2064 = arith.subf %sub3A_2063, %mul3A_2061 : vector<16xf32>
      %mul3A_2065 = arith.mulf %bitcast3A_2056, %sub3A_2064 : vector<16xf32>
      %mul3A_2066 = arith.constant 5.000000e-01 : f32
      %mul3A_2067 = vector.broadcast %mul3A_2066 : f32 to vector<16xf32>
      %mul3A_2068 = arith.mulf %mul3A_2067, %add3A_2048 : vector<16xf32>
      %mul3A_2069 = arith.mulf %mul3A_2068, %mul3A_2065 : vector<16xf32>
      %mul3A_2070 = arith.mulf %mul3A_2069, %mul3A_2065 : vector<16xf32>
      %sub3A_2071 = arith.constant 1.500000e+00 : f32
      %sub3A_2072 = vector.broadcast %sub3A_2071 : f32 to vector<16xf32>
      %sub3A_2073 = arith.subf %sub3A_2072, %mul3A_2070 : vector<16xf32>
      %mul3A_2074 = arith.mulf %mul3A_2065, %sub3A_2073 : vector<16xf32>
      %mul3A_2075 = arith.constant 5.000000e-01 : f32
      %mul3A_2076 = vector.broadcast %mul3A_2075 : f32 to vector<16xf32>
      %mul3A_2077 = arith.mulf %mul3A_2076, %add3A_2048 : vector<16xf32>
      %mul3A_2078 = arith.mulf %mul3A_2077, %mul3A_2074 : vector<16xf32>
      %mul3A_2079 = arith.mulf %mul3A_2078, %mul3A_2074 : vector<16xf32>
      %sub3A_2080 = arith.constant 1.500000e+00 : f32
      %sub3A_2081 = vector.broadcast %sub3A_2080 : f32 to vector<16xf32>
      %sub3A_2082 = arith.subf %sub3A_2081, %mul3A_2079 : vector<16xf32>
      %mul3A_2083 = arith.mulf %mul3A_2074, %sub3A_2082 : vector<16xf32>
      %swap3A_2084 = arith.constant 5 : i32
      %swap3A_2085 = arith.index_cast %swap3A_2084 : i32 to index
      %swap3A_2086 = arith.constant 48 : index
      %swap3A_2087 = tpu.vector_load %arg8[%swap3A_2085, %swap3A_2086] {strides = array<i32>} : memref<8x128xf32, #tpu.memory_space<vmem>>, vector<16xf32>,
      tpu.vector_store %arg8[%swap3A_2085, %swap3A_2086], %mul3A_2083 {strides = array<i32>} : memref<8x128xf32, #tpu.memory_space<vmem>>, vector<16xf32>,
      %get3A_2088 = arith.constant 5 : i32
      %get3A_2089 = arith.index_cast %get3A_2088 : i32 to index
      %get3A_2090 = arith.constant 64 : index
      %get3A_2091 = tpu.vector_load %arg8[%get3A_2089, %get3A_2090] {strides = array<i32>} : memref<8x128xf32, #tpu.memory_space<vmem>>, vector<16xf32>,
      %add3A_2092 = arith.constant 1.000000e+00 : f32
      %add3A_2093 = vector.broadcast %add3A_2092 : f32 to vector<16xf32>
      %add3A_2094 = arith.addf %add3A_2093, %get3A_2091 : vector<16xf32>
      %bitcast3A_2095 = vector.bitcast %add3A_2094 : vector<16xf32> to vector<16xi32>
      %shift_right_arithmetic3A_2096 = arith.constant 1 : i32
      %shift_right_arithmetic3A_2097 = vector.broadcast %shift_right_arithmetic3A_2096 : i32 to vector<16xi32>
      %shift_right_arithmetic3A_2098 = arith.shrsi %bitcast3A_2095, %shift_right_arithmetic3A_2097 : vector<16xi32>
      %sub3A_2099 = arith.constant 1597463007 : i32
      %sub3A_2100 = vector.broadcast %sub3A_2099 : i32 to vector<16xi32>
      %sub3A_2101 = arith.subi %sub3A_2100, %shift_right_arithmetic3A_2098 : vector<16xi32>
      %bitcast3A_2102 = vector.bitcast %sub3A_2101 : vector<16xi32> to vector<16xf32>
      %mul3A_2103 = arith.constant 5.000000e-01 : f32
      %mul3A_2104 = vector.broadcast %mul3A_2103 : f32 to vector<16xf32>
      %mul3A_2105 = arith.mulf %mul3A_2104, %add3A_2094 : vector<16xf32>
      %mul3A_2106 = arith.mulf %mul3A_2105, %bitcast3A_2102 : vector<16xf32>
      %mul3A_2107 = arith.mulf %mul3A_2106, %bitcast3A_2102 : vector<16xf32>
      %sub3A_2108 = arith.constant 1.500000e+00 : f32
      %sub3A_2109 = vector.broadcast %sub3A_2108 : f32 to vector<16xf32>
      %sub3A_2110 = arith.subf %sub3A_2109, %mul3A_2107 : vector<16xf32>
      %mul3A_2111 = arith.mulf %bitcast3A_2102, %sub3A_2110 : vector<16xf32>
      %mul3A_2112 = arith.constant 5.000000e-01 : f32
      %mul3A_2113 = vector.broadcast %mul3A_2112 : f32 to vector<16xf32>
      %mul3A_2114 = arith.mulf %mul3A_2113, %add3A_2094 : vector<16xf32>
      %mul3A_2115 = arith.mulf %mul3A_2114, %mul3A_2111 : vector<16xf32>
      %mul3A_2116 = arith.mulf %mul3A_2115, %mul3A_2111 : vector<16xf32>
      %sub3A_2117 = arith.constant 1.500000e+00 : f32
      %sub3A_2118 = vector.broadcast %sub3A_2117 : f32 to vector<16xf32>
      %sub3A_2119 = arith.subf %sub3A_2118, %mul3A_2116 : vector<16xf32>
      %mul3A_2120 = arith.mulf %mul3A_2111, %sub3A_2119 : vector<16xf32>
      %mul3A_2121 = arith.constant 5.000000e-01 : f32
      %mul3A_2122 = vector.broadcast %mul3A_2121 : f32 to vector<16xf32>
      %mul3A_2123 = arith.mulf %mul3A_2122, %add3A_2094 : vector<16xf32>
      %mul3A_2124 = arith.mulf %mul3A_2123, %mul3A_2120 : vector<16xf32>
      %mul3A_2125 = arith.mulf %mul3A_2124, %mul3A_2120 : vector<16xf32>
      %sub3A_2126 = arith.constant 1.500000e+00 : f32
      %sub3A_2127 = vector.broadcast %sub3A_2126 : f32 to vector<16xf32>
      %sub3A_2128 = arith.subf %sub3A_2127, %mul3A_2125 : vector<16xf32>
      %mul3A_2129 = arith.mulf %mul3A_2120, %sub3A_2128 : vector<16xf32>
      %swap3A_2130 = arith.constant 5 : i32
      %swap3A_2131 = arith.index_cast %swap3A_2130 : i32 to index
      %swap3A_2132 = arith.constant 64 : index
      %swap3A_2133 = tpu.vector_load %arg8[%swap3A_2131, %swap3A_2132] {strides = array<i32>} : memref<8x128xf32, #tpu.memory_space<vmem>>, vector<16xf32>,
      tpu.vector_store %arg8[%swap3A_2131, %swap3A_2132], %mul3A_2129 {strides = array<i32>} : memref<8x128xf32, #tpu.memory_space<vmem>>, vector<16xf32>,
      %get3A_2134 = arith.constant 5 : i32
      %get3A_2135 = arith.index_cast %get3A_2134 : i32 to index
      %get3A_2136 = arith.constant 80 : index
      %get3A_2137 = tpu.vector_load %arg8[%get3A_2135, %get3A_2136] {strides = array<i32>} : memref<8x128xf32, #tpu.memory_space<vmem>>, vector<16xf32>,
      %add3A_2138 = arith.constant 1.000000e+00 : f32
      %add3A_2139 = vector.broadcast %add3A_2138 : f32 to vector<16xf32>
      %add3A_2140 = arith.addf %add3A_2139, %get3A_2137 : vector<16xf32>
      %bitcast3A_2141 = vector.bitcast %add3A_2140 : vector<16xf32> to vector<16xi32>
      %shift_right_arithmetic3A_2142 = arith.constant 1 : i32
      %shift_right_arithmetic3A_2143 = vector.broadcast %shift_right_arithmetic3A_2142 : i32 to vector<16xi32>
      %shift_right_arithmetic3A_2144 = arith.shrsi %bitcast3A_2141, %shift_right_arithmetic3A_2143 : vector<16xi32>
      %sub3A_2145 = arith.constant 1597463007 : i32
      %sub3A_2146 = vector.broadcast %sub3A_2145 : i32 to vector<16xi32>
      %sub3A_2147 = arith.subi %sub3A_2146, %shift_right_arithmetic3A_2144 : vector<16xi32>
      %bitcast3A_2148 = vector.bitcast %sub3A_2147 : vector<16xi32> to vector<16xf32>
      %mul3A_2149 = arith.constant 5.000000e-01 : f32
      %mul3A_2150 = vector.broadcast %mul3A_2149 : f32 to vector<16xf32>
      %mul3A_2151 = arith.mulf %mul3A_2150, %add3A_2140 : vector<16xf32>
      %mul3A_2152 = arith.mulf %mul3A_2151, %bitcast3A_2148 : vector<16xf32>
      %mul3A_2153 = arith.mulf %mul3A_2152, %bitcast3A_2148 : vector<16xf32>
      %sub3A_2154 = arith.constant 1.500000e+00 : f32
      %sub3A_2155 = vector.broadcast %sub3A_2154 : f32 to vector<16xf32>
      %sub3A_2156 = arith.subf %sub3A_2155, %mul3A_2153 : vector<16xf32>
      %mul3A_2157 = arith.mulf %bitcast3A_2148, %sub3A_2156 : vector<16xf32>
      %mul3A_2158 = arith.constant 5.000000e-01 : f32
      %mul3A_2159 = vector.broadcast %mul3A_2158 : f32 to vector<16xf32>
      %mul3A_2160 = arith.mulf %mul3A_2159, %add3A_2140 : vector<16xf32>
      %mul3A_2161 = arith.mulf %mul3A_2160, %mul3A_2157 : vector<16xf32>
      %mul3A_2162 = arith.mulf %mul3A_2161, %mul3A_2157 : vector<16xf32>
      %sub3A_2163 = arith.constant 1.500000e+00 : f32
      %sub3A_2164 = vector.broadcast %sub3A_2163 : f32 to vector<16xf32>
      %sub3A_2165 = arith.subf %sub3A_2164, %mul3A_2162 : vector<16xf32>
      %mul3A_2166 = arith.mulf %mul3A_2157, %sub3A_2165 : vector<16xf32>
      %mul3A_2167 = arith.constant 5.000000e-01 : f32
      %mul3A_2168 = vector.broadcast %mul3A_2167 : f32 to vector<16xf32>
      %mul3A_2169 = arith.mulf %mul3A_2168, %add3A_2140 : vector<16xf32>
      %mul3A_2170 = arith.mulf %mul3A_2169, %mul3A_2166 : vector<16xf32>
      %mul3A_2171 = arith.mulf %mul3A_2170, %mul3A_2166 : vector<16xf32>
      %sub3A_2172 = arith.constant 1.500000e+00 : f32
      %sub3A_2173 = vector.broadcast %sub3A_2172 : f32 to vector<16xf32>
      %sub3A_2174 = arith.subf %sub3A_2173, %mul3A_2171 : vector<16xf32>
      %mul3A_2175 = arith.mulf %mul3A_2166, %sub3A_2174 : vector<16xf32>
      %swap3A_2176 = arith.constant 5 : i32
      %swap3A_2177 = arith.index_cast %swap3A_2176 : i32 to index
      %swap3A_2178 = arith.constant 80 : index
      %swap3A_2179 = tpu.vector_load %arg8[%swap3A_2177, %swap3A_2178] {strides = array<i32>} : memref<8x128xf32, #tpu.memory_space<vmem>>, vector<16xf32>,
      tpu.vector_store %arg8[%swap3A_2177, %swap3A_2178], %mul3A_2175 {strides = array<i32>} : memref<8x128xf32, #tpu.memory_space<vmem>>, vector<16xf32>,
      %get3A_2180 = arith.constant 5 : i32
      %get3A_2181 = arith.index_cast %get3A_2180 : i32 to index
      %get3A_2182 = arith.constant 96 : index
      %get3A_2183 = tpu.vector_load %arg8[%get3A_2181, %get3A_2182] {strides = array<i32>} : memref<8x128xf32, #tpu.memory_space<vmem>>, vector<16xf32>,
      %add3A_2184 = arith.constant 1.000000e+00 : f32
      %add3A_2185 = vector.broadcast %add3A_2184 : f32 to vector<16xf32>
      %add3A_2186 = arith.addf %add3A_2185, %get3A_2183 : vector<16xf32>
      %bitcast3A_2187 = vector.bitcast %add3A_2186 : vector<16xf32> to vector<16xi32>
      %shift_right_arithmetic3A_2188 = arith.constant 1 : i32
      %shift_right_arithmetic3A_2189 = vector.broadcast %shift_right_arithmetic3A_2188 : i32 to vector<16xi32>
      %shift_right_arithmetic3A_2190 = arith.shrsi %bitcast3A_2187, %shift_right_arithmetic3A_2189 : vector<16xi32>
      %sub3A_2191 = arith.constant 1597463007 : i32
      %sub3A_2192 = vector.broadcast %sub3A_2191 : i32 to vector<16xi32>
      %sub3A_2193 = arith.subi %sub3A_2192, %shift_right_arithmetic3A_2190 : vector<16xi32>
      %bitcast3A_2194 = vector.bitcast %sub3A_2193 : vector<16xi32> to vector<16xf32>
      %mul3A_2195 = arith.constant 5.000000e-01 : f32
      %mul3A_2196 = vector.broadcast %mul3A_2195 : f32 to vector<16xf32>
      %mul3A_2197 = arith.mulf %mul3A_2196, %add3A_2186 : vector<16xf32>
      %mul3A_2198 = arith.mulf %mul3A_2197, %bitcast3A_2194 : vector<16xf32>
      %mul3A_2199 = arith.mulf %mul3A_2198, %bitcast3A_2194 : vector<16xf32>
      %sub3A_2200 = arith.constant 1.500000e+00 : f32
      %sub3A_2201 = vector.broadcast %sub3A_2200 : f32 to vector<16xf32>
      %sub3A_2202 = arith.subf %sub3A_2201, %mul3A_2199 : vector<16xf32>
      %mul3A_2203 = arith.mulf %bitcast3A_2194, %sub3A_2202 : vector<16xf32>
      %mul3A_2204 = arith.constant 5.000000e-01 : f32
      %mul3A_2205 = vector.broadcast %mul3A_2204 : f32 to vector<16xf32>
      %mul3A_2206 = arith.mulf %mul3A_2205, %add3A_2186 : vector<16xf32>
      %mul3A_2207 = arith.mulf %mul3A_2206, %mul3A_2203 : vector<16xf32>
      %mul3A_2208 = arith.mulf %mul3A_2207, %mul3A_2203 : vector<16xf32>
      %sub3A_2209 = arith.constant 1.500000e+00 : f32
      %sub3A_2210 = vector.broadcast %sub3A_2209 : f32 to vector<16xf32>
      %sub3A_2211 = arith.subf %sub3A_2210, %mul3A_2208 : vector<16xf32>
      %mul3A_2212 = arith.mulf %mul3A_2203, %sub3A_2211 : vector<16xf32>
      %mul3A_2213 = arith.constant 5.000000e-01 : f32
      %mul3A_2214 = vector.broadcast %mul3A_2213 : f32 to vector<16xf32>
      %mul3A_2215 = arith.mulf %mul3A_2214, %add3A_2186 : vector<16xf32>
      %mul3A_2216 = arith.mulf %mul3A_2215, %mul3A_2212 : vector<16xf32>
      %mul3A_2217 = arith.mulf %mul3A_2216, %mul3A_2212 : vector<16xf32>
      %sub3A_2218 = arith.constant 1.500000e+00 : f32
      %sub3A_2219 = vector.broadcast %sub3A_2218 : f32 to vector<16xf32>
      %sub3A_2220 = arith.subf %sub3A_2219, %mul3A_2217 : vector<16xf32>
      %mul3A_2221 = arith.mulf %mul3A_2212, %sub3A_2220 : vector<16xf32>
      %swap3A_2222 = arith.constant 5 : i32
      %swap3A_2223 = arith.index_cast %swap3A_2222 : i32 to index
      %swap3A_2224 = arith.constant 96 : index
      %swap3A_2225 = tpu.vector_load %arg8[%swap3A_2223, %swap3A_2224] {strides = array<i32>} : memref<8x128xf32, #tpu.memory_space<vmem>>, vector<16xf32>,
      tpu.vector_store %arg8[%swap3A_2223, %swap3A_2224], %mul3A_2221 {strides = array<i32>} : memref<8x128xf32, #tpu.memory_space<vmem>>, vector<16xf32>,
      %get3A_2226 = arith.constant 5 : i32
      %get3A_2227 = arith.index_cast %get3A_2226 : i32 to index
      %get3A_2228 = arith.constant 112 : index
      %get3A_2229 = tpu.vector_load %arg8[%get3A_2227, %get3A_2228] {strides = array<i32>} : memref<8x128xf32, #tpu.memory_space<vmem>>, vector<16xf32>,
      %add3A_2230 = arith.constant 1.000000e+00 : f32
      %add3A_2231 = vector.broadcast %add3A_2230 : f32 to vector<16xf32>
      %add3A_2232 = arith.addf %add3A_2231, %get3A_2229 : vector<16xf32>
      %bitcast3A_2233 = vector.bitcast %add3A_2232 : vector<16xf32> to vector<16xi32>
      %shift_right_arithmetic3A_2234 = arith.constant 1 : i32
      %shift_right_arithmetic3A_2235 = vector.broadcast %shift_right_arithmetic3A_2234 : i32 to vector<16xi32>
      %shift_right_arithmetic3A_2236 = arith.shrsi %bitcast3A_2233, %shift_right_arithmetic3A_2235 : vector<16xi32>
      %sub3A_2237 = arith.constant 1597463007 : i32
      %sub3A_2238 = vector.broadcast %sub3A_2237 : i32 to vector<16xi32>
      %sub3A_2239 = arith.subi %sub3A_2238, %shift_right_arithmetic3A_2236 : vector<16xi32>
      %bitcast3A_2240 = vector.bitcast %sub3A_2239 : vector<16xi32> to vector<16xf32>
      %mul3A_2241 = arith.constant 5.000000e-01 : f32
      %mul3A_2242 = vector.broadcast %mul3A_2241 : f32 to vector<16xf32>
      %mul3A_2243 = arith.mulf %mul3A_2242, %add3A_2232 : vector<16xf32>
      %mul3A_2244 = arith.mulf %mul3A_2243, %bitcast3A_2240 : vector<16xf32>
      %mul3A_2245 = arith.mulf %mul3A_2244, %bitcast3A_2240 : vector<16xf32>
      %sub3A_2246 = arith.constant 1.500000e+00 : f32
      %sub3A_2247 = vector.broadcast %sub3A_2246 : f32 to vector<16xf32>
      %sub3A_2248 = arith.subf %sub3A_2247, %mul3A_2245 : vector<16xf32>
      %mul3A_2249 = arith.mulf %bitcast3A_2240, %sub3A_2248 : vector<16xf32>
      %mul3A_2250 = arith.constant 5.000000e-01 : f32
      %mul3A_2251 = vector.broadcast %mul3A_2250 : f32 to vector<16xf32>
      %mul3A_2252 = arith.mulf %mul3A_2251, %add3A_2232 : vector<16xf32>
      %mul3A_2253 = arith.mulf %mul3A_2252, %mul3A_2249 : vector<16xf32>
      %mul3A_2254 = arith.mulf %mul3A_2253, %mul3A_2249 : vector<16xf32>
      %sub3A_2255 = arith.constant 1.500000e+00 : f32
      %sub3A_2256 = vector.broadcast %sub3A_2255 : f32 to vector<16xf32>
      %sub3A_2257 = arith.subf %sub3A_2256, %mul3A_2254 : vector<16xf32>
      %mul3A_2258 = arith.mulf %mul3A_2249, %sub3A_2257 : vector<16xf32>
      %mul3A_2259 = arith.constant 5.000000e-01 : f32
      %mul3A_2260 = vector.broadcast %mul3A_2259 : f32 to vector<16xf32>
      %mul3A_2261 = arith.mulf %mul3A_2260, %add3A_2232 : vector<16xf32>
      %mul3A_2262 = arith.mulf %mul3A_2261, %mul3A_2258 : vector<16xf32>
      %mul3A_2263 = arith.mulf %mul3A_2262, %mul3A_2258 : vector<16xf32>
      %sub3A_2264 = arith.constant 1.500000e+00 : f32
      %sub3A_2265 = vector.broadcast %sub3A_2264 : f32 to vector<16xf32>
      %sub3A_2266 = arith.subf %sub3A_2265, %mul3A_2263 : vector<16xf32>
      %mul3A_2267 = arith.mulf %mul3A_2258, %sub3A_2266 : vector<16xf32>
      %swap3A_2268 = arith.constant 5 : i32
      %swap3A_2269 = arith.index_cast %swap3A_2268 : i32 to index
      %swap3A_2270 = arith.constant 112 : index
      %swap3A_2271 = tpu.vector_load %arg8[%swap3A_2269, %swap3A_2270] {strides = array<i32>} : memref<8x128xf32, #tpu.memory_space<vmem>>, vector<16xf32>,
      tpu.vector_store %arg8[%swap3A_2269, %swap3A_2270], %mul3A_2267 {strides = array<i32>} : memref<8x128xf32, #tpu.memory_space<vmem>>, vector<16xf32>,
      %get3A_2272 = arith.constant 6 : i32
      %get3A_2273 = arith.index_cast %get3A_2272 : i32 to index
      %get3A_2274 = arith.constant 0 : index
      %get3A_2275 = tpu.vector_load %arg8[%get3A_2273, %get3A_2274] {strides = array<i32>} : memref<8x128xf32, #tpu.memory_space<vmem>>, vector<16xf32>,
      %add3A_2276 = arith.constant 1.000000e+00 : f32
      %add3A_2277 = vector.broadcast %add3A_2276 : f32 to vector<16xf32>
      %add3A_2278 = arith.addf %add3A_2277, %get3A_2275 : vector<16xf32>
      %bitcast3A_2279 = vector.bitcast %add3A_2278 : vector<16xf32> to vector<16xi32>
      %shift_right_arithmetic3A_2280 = arith.constant 1 : i32
      %shift_right_arithmetic3A_2281 = vector.broadcast %shift_right_arithmetic3A_2280 : i32 to vector<16xi32>
      %shift_right_arithmetic3A_2282 = arith.shrsi %bitcast3A_2279, %shift_right_arithmetic3A_2281 : vector<16xi32>
      %sub3A_2283 = arith.constant 1597463007 : i32
      %sub3A_2284 = vector.broadcast %sub3A_2283 : i32 to vector<16xi32>
      %sub3A_2285 = arith.subi %sub3A_2284, %shift_right_arithmetic3A_2282 : vector<16xi32>
      %bitcast3A_2286 = vector.bitcast %sub3A_2285 : vector<16xi32> to vector<16xf32>
      %mul3A_2287 = arith.constant 5.000000e-01 : f32
      %mul3A_2288 = vector.broadcast %mul3A_2287 : f32 to vector<16xf32>
      %mul3A_2289 = arith.mulf %mul3A_2288, %add3A_2278 : vector<16xf32>
      %mul3A_2290 = arith.mulf %mul3A_2289, %bitcast3A_2286 : vector<16xf32>
      %mul3A_2291 = arith.mulf %mul3A_2290, %bitcast3A_2286 : vector<16xf32>
      %sub3A_2292 = arith.constant 1.500000e+00 : f32
      %sub3A_2293 = vector.broadcast %sub3A_2292 : f32 to vector<16xf32>
      %sub3A_2294 = arith.subf %sub3A_2293, %mul3A_2291 : vector<16xf32>
      %mul3A_2295 = arith.mulf %bitcast3A_2286, %sub3A_2294 : vector<16xf32>
      %mul3A_2296 = arith.constant 5.000000e-01 : f32
      %mul3A_2297 = vector.broadcast %mul3A_2296 : f32 to vector<16xf32>
      %mul3A_2298 = arith.mulf %mul3A_2297, %add3A_2278 : vector<16xf32>
      %mul3A_2299 = arith.mulf %mul3A_2298, %mul3A_2295 : vector<16xf32>
      %mul3A_2300 = arith.mulf %mul3A_2299, %mul3A_2295 : vector<16xf32>
      %sub3A_2301 = arith.constant 1.500000e+00 : f32
      %sub3A_2302 = vector.broadcast %sub3A_2301 : f32 to vector<16xf32>
      %sub3A_2303 = arith.subf %sub3A_2302, %mul3A_2300 : vector<16xf32>
      %mul3A_2304 = arith.mulf %mul3A_2295, %sub3A_2303 : vector<16xf32>
      %mul3A_2305 = arith.constant 5.000000e-01 : f32
      %mul3A_2306 = vector.broadcast %mul3A_2305 : f32 to vector<16xf32>
      %mul3A_2307 = arith.mulf %mul3A_2306, %add3A_2278 : vector<16xf32>
      %mul3A_2308 = arith.mulf %mul3A_2307, %mul3A_2304 : vector<16xf32>
      %mul3A_2309 = arith.mulf %mul3A_2308, %mul3A_2304 : vector<16xf32>
      %sub3A_2310 = arith.constant 1.500000e+00 : f32
      %sub3A_2311 = vector.broadcast %sub3A_2310 : f32 to vector<16xf32>
      %sub3A_2312 = arith.subf %sub3A_2311, %mul3A_2309 : vector<16xf32>
      %mul3A_2313 = arith.mulf %mul3A_2304, %sub3A_2312 : vector<16xf32>
      %swap3A_2314 = arith.constant 6 : i32
      %swap3A_2315 = arith.index_cast %swap3A_2314 : i32 to index
      %swap3A_2316 = arith.constant 0 : index
      %swap3A_2317 = tpu.vector_load %arg8[%swap3A_2315, %swap3A_2316] {strides = array<i32>} : memref<8x128xf32, #tpu.memory_space<vmem>>, vector<16xf32>,
      tpu.vector_store %arg8[%swap3A_2315, %swap3A_2316], %mul3A_2313 {strides = array<i32>} : memref<8x128xf32, #tpu.memory_space<vmem>>, vector<16xf32>,
      %get3A_2318 = arith.constant 6 : i32
      %get3A_2319 = arith.index_cast %get3A_2318 : i32 to index
      %get3A_2320 = arith.constant 16 : index
      %get3A_2321 = tpu.vector_load %arg8[%get3A_2319, %get3A_2320] {strides = array<i32>} : memref<8x128xf32, #tpu.memory_space<vmem>>, vector<16xf32>,
      %add3A_2322 = arith.constant 1.000000e+00 : f32
      %add3A_2323 = vector.broadcast %add3A_2322 : f32 to vector<16xf32>
      %add3A_2324 = arith.addf %add3A_2323, %get3A_2321 : vector<16xf32>
      %bitcast3A_2325 = vector.bitcast %add3A_2324 : vector<16xf32> to vector<16xi32>
      %shift_right_arithmetic3A_2326 = arith.constant 1 : i32
      %shift_right_arithmetic3A_2327 = vector.broadcast %shift_right_arithmetic3A_2326 : i32 to vector<16xi32>
      %shift_right_arithmetic3A_2328 = arith.shrsi %bitcast3A_2325, %shift_right_arithmetic3A_2327 : vector<16xi32>
      %sub3A_2329 = arith.constant 1597463007 : i32
      %sub3A_2330 = vector.broadcast %sub3A_2329 : i32 to vector<16xi32>
      %sub3A_2331 = arith.subi %sub3A_2330, %shift_right_arithmetic3A_2328 : vector<16xi32>
      %bitcast3A_2332 = vector.bitcast %sub3A_2331 : vector<16xi32> to vector<16xf32>
      %mul3A_2333 = arith.constant 5.000000e-01 : f32
      %mul3A_2334 = vector.broadcast %mul3A_2333 : f32 to vector<16xf32>
      %mul3A_2335 = arith.mulf %mul3A_2334, %add3A_2324 : vector<16xf32>
      %mul3A_2336 = arith.mulf %mul3A_2335, %bitcast3A_2332 : vector<16xf32>
      %mul3A_2337 = arith.mulf %mul3A_2336, %bitcast3A_2332 : vector<16xf32>
      %sub3A_2338 = arith.constant 1.500000e+00 : f32
      %sub3A_2339 = vector.broadcast %sub3A_2338 : f32 to vector<16xf32>
      %sub3A_2340 = arith.subf %sub3A_2339, %mul3A_2337 : vector<16xf32>
      %mul3A_2341 = arith.mulf %bitcast3A_2332, %sub3A_2340 : vector<16xf32>
      %mul3A_2342 = arith.constant 5.000000e-01 : f32
      %mul3A_2343 = vector.broadcast %mul3A_2342 : f32 to vector<16xf32>
      %mul3A_2344 = arith.mulf %mul3A_2343, %add3A_2324 : vector<16xf32>
      %mul3A_2345 = arith.mulf %mul3A_2344, %mul3A_2341 : vector<16xf32>
      %mul3A_2346 = arith.mulf %mul3A_2345, %mul3A_2341 : vector<16xf32>
      %sub3A_2347 = arith.constant 1.500000e+00 : f32
      %sub3A_2348 = vector.broadcast %sub3A_2347 : f32 to vector<16xf32>
      %sub3A_2349 = arith.subf %sub3A_2348, %mul3A_2346 : vector<16xf32>
      %mul3A_2350 = arith.mulf %mul3A_2341, %sub3A_2349 : vector<16xf32>
      %mul3A_2351 = arith.constant 5.000000e-01 : f32
      %mul3A_2352 = vector.broadcast %mul3A_2351 : f32 to vector<16xf32>
      %mul3A_2353 = arith.mulf %mul3A_2352, %add3A_2324 : vector<16xf32>
      %mul3A_2354 = arith.mulf %mul3A_2353, %mul3A_2350 : vector<16xf32>
      %mul3A_2355 = arith.mulf %mul3A_2354, %mul3A_2350 : vector<16xf32>
      %sub3A_2356 = arith.constant 1.500000e+00 : f32
      %sub3A_2357 = vector.broadcast %sub3A_2356 : f32 to vector<16xf32>
      %sub3A_2358 = arith.subf %sub3A_2357, %mul3A_2355 : vector<16xf32>
      %mul3A_2359 = arith.mulf %mul3A_2350, %sub3A_2358 : vector<16xf32>
      %swap3A_2360 = arith.constant 6 : i32
      %swap3A_2361 = arith.index_cast %swap3A_2360 : i32 to index
      %swap3A_2362 = arith.constant 16 : index
      %swap3A_2363 = tpu.vector_load %arg8[%swap3A_2361, %swap3A_2362] {strides = array<i32>} : memref<8x128xf32, #tpu.memory_space<vmem>>, vector<16xf32>,
      tpu.vector_store %arg8[%swap3A_2361, %swap3A_2362], %mul3A_2359 {strides = array<i32>} : memref<8x128xf32, #tpu.memory_space<vmem>>, vector<16xf32>,
      %get3A_2364 = arith.constant 6 : i32
      %get3A_2365 = arith.index_cast %get3A_2364 : i32 to index
      %get3A_2366 = arith.constant 32 : index
      %get3A_2367 = tpu.vector_load %arg8[%get3A_2365, %get3A_2366] {strides = array<i32>} : memref<8x128xf32, #tpu.memory_space<vmem>>, vector<16xf32>,
      %add3A_2368 = arith.constant 1.000000e+00 : f32
      %add3A_2369 = vector.broadcast %add3A_2368 : f32 to vector<16xf32>
      %add3A_2370 = arith.addf %add3A_2369, %get3A_2367 : vector<16xf32>
      %bitcast3A_2371 = vector.bitcast %add3A_2370 : vector<16xf32> to vector<16xi32>
      %shift_right_arithmetic3A_2372 = arith.constant 1 : i32
      %shift_right_arithmetic3A_2373 = vector.broadcast %shift_right_arithmetic3A_2372 : i32 to vector<16xi32>
      %shift_right_arithmetic3A_2374 = arith.shrsi %bitcast3A_2371, %shift_right_arithmetic3A_2373 : vector<16xi32>
      %sub3A_2375 = arith.constant 1597463007 : i32
      %sub3A_2376 = vector.broadcast %sub3A_2375 : i32 to vector<16xi32>
      %sub3A_2377 = arith.subi %sub3A_2376, %shift_right_arithmetic3A_2374 : vector<16xi32>
      %bitcast3A_2378 = vector.bitcast %sub3A_2377 : vector<16xi32> to vector<16xf32>
      %mul3A_2379 = arith.constant 5.000000e-01 : f32
      %mul3A_2380 = vector.broadcast %mul3A_2379 : f32 to vector<16xf32>
      %mul3A_2381 = arith.mulf %mul3A_2380, %add3A_2370 : vector<16xf32>
      %mul3A_2382 = arith.mulf %mul3A_2381, %bitcast3A_2378 : vector<16xf32>
      %mul3A_2383 = arith.mulf %mul3A_2382, %bitcast3A_2378 : vector<16xf32>
      %sub3A_2384 = arith.constant 1.500000e+00 : f32
      %sub3A_2385 = vector.broadcast %sub3A_2384 : f32 to vector<16xf32>
      %sub3A_2386 = arith.subf %sub3A_2385, %mul3A_2383 : vector<16xf32>
      %mul3A_2387 = arith.mulf %bitcast3A_2378, %sub3A_2386 : vector<16xf32>
      %mul3A_2388 = arith.constant 5.000000e-01 : f32
      %mul3A_2389 = vector.broadcast %mul3A_2388 : f32 to vector<16xf32>
      %mul3A_2390 = arith.mulf %mul3A_2389, %add3A_2370 : vector<16xf32>
      %mul3A_2391 = arith.mulf %mul3A_2390, %mul3A_2387 : vector<16xf32>
      %mul3A_2392 = arith.mulf %mul3A_2391, %mul3A_2387 : vector<16xf32>
      %sub3A_2393 = arith.constant 1.500000e+00 : f32
      %sub3A_2394 = vector.broadcast %sub3A_2393 : f32 to vector<16xf32>
      %sub3A_2395 = arith.subf %sub3A_2394, %mul3A_2392 : vector<16xf32>
      %mul3A_2396 = arith.mulf %mul3A_2387, %sub3A_2395 : vector<16xf32>
      %mul3A_2397 = arith.constant 5.000000e-01 : f32
      %mul3A_2398 = vector.broadcast %mul3A_2397 : f32 to vector<16xf32>
      %mul3A_2399 = arith.mulf %mul3A_2398, %add3A_2370 : vector<16xf32>
      %mul3A_2400 = arith.mulf %mul3A_2399, %mul3A_2396 : vector<16xf32>
      %mul3A_2401 = arith.mulf %mul3A_2400, %mul3A_2396 : vector<16xf32>
      %sub3A_2402 = arith.constant 1.500000e+00 : f32
      %sub3A_2403 = vector.broadcast %sub3A_2402 : f32 to vector<16xf32>
      %sub3A_2404 = arith.subf %sub3A_2403, %mul3A_2401 : vector<16xf32>
      %mul3A_2405 = arith.mulf %mul3A_2396, %sub3A_2404 : vector<16xf32>
      %swap3A_2406 = arith.constant 6 : i32
      %swap3A_2407 = arith.index_cast %swap3A_2406 : i32 to index
      %swap3A_2408 = arith.constant 32 : index
      %swap3A_2409 = tpu.vector_load %arg8[%swap3A_2407, %swap3A_2408] {strides = array<i32>} : memref<8x128xf32, #tpu.memory_space<vmem>>, vector<16xf32>,
      tpu.vector_store %arg8[%swap3A_2407, %swap3A_2408], %mul3A_2405 {strides = array<i32>} : memref<8x128xf32, #tpu.memory_space<vmem>>, vector<16xf32>,
      %get3A_2410 = arith.constant 6 : i32
      %get3A_2411 = arith.index_cast %get3A_2410 : i32 to index
      %get3A_2412 = arith.constant 48 : index
      %get3A_2413 = tpu.vector_load %arg8[%get3A_2411, %get3A_2412] {strides = array<i32>} : memref<8x128xf32, #tpu.memory_space<vmem>>, vector<16xf32>,
      %add3A_2414 = arith.constant 1.000000e+00 : f32
      %add3A_2415 = vector.broadcast %add3A_2414 : f32 to vector<16xf32>
      %add3A_2416 = arith.addf %add3A_2415, %get3A_2413 : vector<16xf32>
      %bitcast3A_2417 = vector.bitcast %add3A_2416 : vector<16xf32> to vector<16xi32>
      %shift_right_arithmetic3A_2418 = arith.constant 1 : i32
      %shift_right_arithmetic3A_2419 = vector.broadcast %shift_right_arithmetic3A_2418 : i32 to vector<16xi32>
      %shift_right_arithmetic3A_2420 = arith.shrsi %bitcast3A_2417, %shift_right_arithmetic3A_2419 : vector<16xi32>
      %sub3A_2421 = arith.constant 1597463007 : i32
      %sub3A_2422 = vector.broadcast %sub3A_2421 : i32 to vector<16xi32>
      %sub3A_2423 = arith.subi %sub3A_2422, %shift_right_arithmetic3A_2420 : vector<16xi32>
      %bitcast3A_2424 = vector.bitcast %sub3A_2423 : vector<16xi32> to vector<16xf32>
      %mul3A_2425 = arith.constant 5.000000e-01 : f32
      %mul3A_2426 = vector.broadcast %mul3A_2425 : f32 to vector<16xf32>
      %mul3A_2427 = arith.mulf %mul3A_2426, %add3A_2416 : vector<16xf32>
      %mul3A_2428 = arith.mulf %mul3A_2427, %bitcast3A_2424 : vector<16xf32>
      %mul3A_2429 = arith.mulf %mul3A_2428, %bitcast3A_2424 : vector<16xf32>
      %sub3A_2430 = arith.constant 1.500000e+00 : f32
      %sub3A_2431 = vector.broadcast %sub3A_2430 : f32 to vector<16xf32>
      %sub3A_2432 = arith.subf %sub3A_2431, %mul3A_2429 : vector<16xf32>
      %mul3A_2433 = arith.mulf %bitcast3A_2424, %sub3A_2432 : vector<16xf32>
      %mul3A_2434 = arith.constant 5.000000e-01 : f32
      %mul3A_2435 = vector.broadcast %mul3A_2434 : f32 to vector<16xf32>
      %mul3A_2436 = arith.mulf %mul3A_2435, %add3A_2416 : vector<16xf32>
      %mul3A_2437 = arith.mulf %mul3A_2436, %mul3A_2433 : vector<16xf32>
      %mul3A_2438 = arith.mulf %mul3A_2437, %mul3A_2433 : vector<16xf32>
      %sub3A_2439 = arith.constant 1.500000e+00 : f32
      %sub3A_2440 = vector.broadcast %sub3A_2439 : f32 to vector<16xf32>
      %sub3A_2441 = arith.subf %sub3A_2440, %mul3A_2438 : vector<16xf32>
      %mul3A_2442 = arith.mulf %mul3A_2433, %sub3A_2441 : vector<16xf32>
      %mul3A_2443 = arith.constant 5.000000e-01 : f32
      %mul3A_2444 = vector.broadcast %mul3A_2443 : f32 to vector<16xf32>
      %mul3A_2445 = arith.mulf %mul3A_2444, %add3A_2416 : vector<16xf32>
      %mul3A_2446 = arith.mulf %mul3A_2445, %mul3A_2442 : vector<16xf32>
      %mul3A_2447 = arith.mulf %mul3A_2446, %mul3A_2442 : vector<16xf32>
      %sub3A_2448 = arith.constant 1.500000e+00 : f32
      %sub3A_2449 = vector.broadcast %sub3A_2448 : f32 to vector<16xf32>
      %sub3A_2450 = arith.subf %sub3A_2449, %mul3A_2447 : vector<16xf32>
      %mul3A_2451 = arith.mulf %mul3A_2442, %sub3A_2450 : vector<16xf32>
      %swap3A_2452 = arith.constant 6 : i32
      %swap3A_2453 = arith.index_cast %swap3A_2452 : i32 to index
      %swap3A_2454 = arith.constant 48 : index
      %swap3A_2455 = tpu.vector_load %arg8[%swap3A_2453, %swap3A_2454] {strides = array<i32>} : memref<8x128xf32, #tpu.memory_space<vmem>>, vector<16xf32>,
      tpu.vector_store %arg8[%swap3A_2453, %swap3A_2454], %mul3A_2451 {strides = array<i32>} : memref<8x128xf32, #tpu.memory_space<vmem>>, vector<16xf32>,
      %get3A_2456 = arith.constant 6 : i32
      %get3A_2457 = arith.index_cast %get3A_2456 : i32 to index
      %get3A_2458 = arith.constant 64 : index
      %get3A_2459 = tpu.vector_load %arg8[%get3A_2457, %get3A_2458] {strides = array<i32>} : memref<8x128xf32, #tpu.memory_space<vmem>>, vector<16xf32>,
      %add3A_2460 = arith.constant 1.000000e+00 : f32
      %add3A_2461 = vector.broadcast %add3A_2460 : f32 to vector<16xf32>
      %add3A_2462 = arith.addf %add3A_2461, %get3A_2459 : vector<16xf32>
      %bitcast3A_2463 = vector.bitcast %add3A_2462 : vector<16xf32> to vector<16xi32>
      %shift_right_arithmetic3A_2464 = arith.constant 1 : i32
      %shift_right_arithmetic3A_2465 = vector.broadcast %shift_right_arithmetic3A_2464 : i32 to vector<16xi32>
      %shift_right_arithmetic3A_2466 = arith.shrsi %bitcast3A_2463, %shift_right_arithmetic3A_2465 : vector<16xi32>
      %sub3A_2467 = arith.constant 1597463007 : i32
      %sub3A_2468 = vector.broadcast %sub3A_2467 : i32 to vector<16xi32>
      %sub3A_2469 = arith.subi %sub3A_2468, %shift_right_arithmetic3A_2466 : vector<16xi32>
      %bitcast3A_2470 = vector.bitcast %sub3A_2469 : vector<16xi32> to vector<16xf32>
      %mul3A_2471 = arith.constant 5.000000e-01 : f32
      %mul3A_2472 = vector.broadcast %mul3A_2471 : f32 to vector<16xf32>
      %mul3A_2473 = arith.mulf %mul3A_2472, %add3A_2462 : vector<16xf32>
      %mul3A_2474 = arith.mulf %mul3A_2473, %bitcast3A_2470 : vector<16xf32>
      %mul3A_2475 = arith.mulf %mul3A_2474, %bitcast3A_2470 : vector<16xf32>
      %sub3A_2476 = arith.constant 1.500000e+00 : f32
      %sub3A_2477 = vector.broadcast %sub3A_2476 : f32 to vector<16xf32>
      %sub3A_2478 = arith.subf %sub3A_2477, %mul3A_2475 : vector<16xf32>
      %mul3A_2479 = arith.mulf %bitcast3A_2470, %sub3A_2478 : vector<16xf32>
      %mul3A_2480 = arith.constant 5.000000e-01 : f32
      %mul3A_2481 = vector.broadcast %mul3A_2480 : f32 to vector<16xf32>
      %mul3A_2482 = arith.mulf %mul3A_2481, %add3A_2462 : vector<16xf32>
      %mul3A_2483 = arith.mulf %mul3A_2482, %mul3A_2479 : vector<16xf32>
      %mul3A_2484 = arith.mulf %mul3A_2483, %mul3A_2479 : vector<16xf32>
      %sub3A_2485 = arith.constant 1.500000e+00 : f32
      %sub3A_2486 = vector.broadcast %sub3A_2485 : f32 to vector<16xf32>
      %sub3A_2487 = arith.subf %sub3A_2486, %mul3A_2484 : vector<16xf32>
      %mul3A_2488 = arith.mulf %mul3A_2479, %sub3A_2487 : vector<16xf32>
      %mul3A_2489 = arith.constant 5.000000e-01 : f32
      %mul3A_2490 = vector.broadcast %mul3A_2489 : f32 to vector<16xf32>
      %mul3A_2491 = arith.mulf %mul3A_2490, %add3A_2462 : vector<16xf32>
      %mul3A_2492 = arith.mulf %mul3A_2491, %mul3A_2488 : vector<16xf32>
      %mul3A_2493 = arith.mulf %mul3A_2492, %mul3A_2488 : vector<16xf32>
      %sub3A_2494 = arith.constant 1.500000e+00 : f32
      %sub3A_2495 = vector.broadcast %sub3A_2494 : f32 to vector<16xf32>
      %sub3A_2496 = arith.subf %sub3A_2495, %mul3A_2493 : vector<16xf32>
      %mul3A_2497 = arith.mulf %mul3A_2488, %sub3A_2496 : vector<16xf32>
      %swap3A_2498 = arith.constant 6 : i32
      %swap3A_2499 = arith.index_cast %swap3A_2498 : i32 to index
      %swap3A_2500 = arith.constant 64 : index
      %swap3A_2501 = tpu.vector_load %arg8[%swap3A_2499, %swap3A_2500] {strides = array<i32>} : memref<8x128xf32, #tpu.memory_space<vmem>>, vector<16xf32>,
      tpu.vector_store %arg8[%swap3A_2499, %swap3A_2500], %mul3A_2497 {strides = array<i32>} : memref<8x128xf32, #tpu.memory_space<vmem>>, vector<16xf32>,
      %get3A_2502 = arith.constant 6 : i32
      %get3A_2503 = arith.index_cast %get3A_2502 : i32 to index
      %get3A_2504 = arith.constant 80 : index
      %get3A_2505 = tpu.vector_load %arg8[%get3A_2503, %get3A_2504] {strides = array<i32>} : memref<8x128xf32, #tpu.memory_space<vmem>>, vector<16xf32>,
      %add3A_2506 = arith.constant 1.000000e+00 : f32
      %add3A_2507 = vector.broadcast %add3A_2506 : f32 to vector<16xf32>
      %add3A_2508 = arith.addf %add3A_2507, %get3A_2505 : vector<16xf32>
      %bitcast3A_2509 = vector.bitcast %add3A_2508 : vector<16xf32> to vector<16xi32>
      %shift_right_arithmetic3A_2510 = arith.constant 1 : i32
      %shift_right_arithmetic3A_2511 = vector.broadcast %shift_right_arithmetic3A_2510 : i32 to vector<16xi32>
      %shift_right_arithmetic3A_2512 = arith.shrsi %bitcast3A_2509, %shift_right_arithmetic3A_2511 : vector<16xi32>
      %sub3A_2513 = arith.constant 1597463007 : i32
      %sub3A_2514 = vector.broadcast %sub3A_2513 : i32 to vector<16xi32>
      %sub3A_2515 = arith.subi %sub3A_2514, %shift_right_arithmetic3A_2512 : vector<16xi32>
      %bitcast3A_2516 = vector.bitcast %sub3A_2515 : vector<16xi32> to vector<16xf32>
      %mul3A_2517 = arith.constant 5.000000e-01 : f32
      %mul3A_2518 = vector.broadcast %mul3A_2517 : f32 to vector<16xf32>
      %mul3A_2519 = arith.mulf %mul3A_2518, %add3A_2508 : vector<16xf32>
      %mul3A_2520 = arith.mulf %mul3A_2519, %bitcast3A_2516 : vector<16xf32>
      %mul3A_2521 = arith.mulf %mul3A_2520, %bitcast3A_2516 : vector<16xf32>
      %sub3A_2522 = arith.constant 1.500000e+00 : f32
      %sub3A_2523 = vector.broadcast %sub3A_2522 : f32 to vector<16xf32>
      %sub3A_2524 = arith.subf %sub3A_2523, %mul3A_2521 : vector<16xf32>
      %mul3A_2525 = arith.mulf %bitcast3A_2516, %sub3A_2524 : vector<16xf32>
      %mul3A_2526 = arith.constant 5.000000e-01 : f32
      %mul3A_2527 = vector.broadcast %mul3A_2526 : f32 to vector<16xf32>
      %mul3A_2528 = arith.mulf %mul3A_2527, %add3A_2508 : vector<16xf32>
      %mul3A_2529 = arith.mulf %mul3A_2528, %mul3A_2525 : vector<16xf32>
      %mul3A_2530 = arith.mulf %mul3A_2529, %mul3A_2525 : vector<16xf32>
      %sub3A_2531 = arith.constant 1.500000e+00 : f32
      %sub3A_2532 = vector.broadcast %sub3A_2531 : f32 to vector<16xf32>
      %sub3A_2533 = arith.subf %sub3A_2532, %mul3A_2530 : vector<16xf32>
      %mul3A_2534 = arith.mulf %mul3A_2525, %sub3A_2533 : vector<16xf32>
      %mul3A_2535 = arith.constant 5.000000e-01 : f32
      %mul3A_2536 = vector.broadcast %mul3A_2535 : f32 to vector<16xf32>
      %mul3A_2537 = arith.mulf %mul3A_2536, %add3A_2508 : vector<16xf32>
      %mul3A_2538 = arith.mulf %mul3A_2537, %mul3A_2534 : vector<16xf32>
      %mul3A_2539 = arith.mulf %mul3A_2538, %mul3A_2534 : vector<16xf32>
      %sub3A_2540 = arith.constant 1.500000e+00 : f32
      %sub3A_2541 = vector.broadcast %sub3A_2540 : f32 to vector<16xf32>
      %sub3A_2542 = arith.subf %sub3A_2541, %mul3A_2539 : vector<16xf32>
      %mul3A_2543 = arith.mulf %mul3A_2534, %sub3A_2542 : vector<16xf32>
      %swap3A_2544 = arith.constant 6 : i32
      %swap3A_2545 = arith.index_cast %swap3A_2544 : i32 to index
      %swap3A_2546 = arith.constant 80 : index
      %swap3A_2547 = tpu.vector_load %arg8[%swap3A_2545, %swap3A_2546] {strides = array<i32>} : memref<8x128xf32, #tpu.memory_space<vmem>>, vector<16xf32>,
      tpu.vector_store %arg8[%swap3A_2545, %swap3A_2546], %mul3A_2543 {strides = array<i32>} : memref<8x128xf32, #tpu.memory_space<vmem>>, vector<16xf32>,
      %get3A_2548 = arith.constant 6 : i32
      %get3A_2549 = arith.index_cast %get3A_2548 : i32 to index
      %get3A_2550 = arith.constant 96 : index
      %get3A_2551 = tpu.vector_load %arg8[%get3A_2549, %get3A_2550] {strides = array<i32>} : memref<8x128xf32, #tpu.memory_space<vmem>>, vector<16xf32>,
      %add3A_2552 = arith.constant 1.000000e+00 : f32
      %add3A_2553 = vector.broadcast %add3A_2552 : f32 to vector<16xf32>
      %add3A_2554 = arith.addf %add3A_2553, %get3A_2551 : vector<16xf32>
      %bitcast3A_2555 = vector.bitcast %add3A_2554 : vector<16xf32> to vector<16xi32>
      %shift_right_arithmetic3A_2556 = arith.constant 1 : i32
      %shift_right_arithmetic3A_2557 = vector.broadcast %shift_right_arithmetic3A_2556 : i32 to vector<16xi32>
      %shift_right_arithmetic3A_2558 = arith.shrsi %bitcast3A_2555, %shift_right_arithmetic3A_2557 : vector<16xi32>
      %sub3A_2559 = arith.constant 1597463007 : i32
      %sub3A_2560 = vector.broadcast %sub3A_2559 : i32 to vector<16xi32>
      %sub3A_2561 = arith.subi %sub3A_2560, %shift_right_arithmetic3A_2558 : vector<16xi32>
      %bitcast3A_2562 = vector.bitcast %sub3A_2561 : vector<16xi32> to vector<16xf32>
      %mul3A_2563 = arith.constant 5.000000e-01 : f32
      %mul3A_2564 = vector.broadcast %mul3A_2563 : f32 to vector<16xf32>
      %mul3A_2565 = arith.mulf %mul3A_2564, %add3A_2554 : vector<16xf32>
      %mul3A_2566 = arith.mulf %mul3A_2565, %bitcast3A_2562 : vector<16xf32>
      %mul3A_2567 = arith.mulf %mul3A_2566, %bitcast3A_2562 : vector<16xf32>
      %sub3A_2568 = arith.constant 1.500000e+00 : f32
      %sub3A_2569 = vector.broadcast %sub3A_2568 : f32 to vector<16xf32>
      %sub3A_2570 = arith.subf %sub3A_2569, %mul3A_2567 : vector<16xf32>
      %mul3A_2571 = arith.mulf %bitcast3A_2562, %sub3A_2570 : vector<16xf32>
      %mul3A_2572 = arith.constant 5.000000e-01 : f32
      %mul3A_2573 = vector.broadcast %mul3A_2572 : f32 to vector<16xf32>
      %mul3A_2574 = arith.mulf %mul3A_2573, %add3A_2554 : vector<16xf32>
      %mul3A_2575 = arith.mulf %mul3A_2574, %mul3A_2571 : vector<16xf32>
      %mul3A_2576 = arith.mulf %mul3A_2575, %mul3A_2571 : vector<16xf32>
      %sub3A_2577 = arith.constant 1.500000e+00 : f32
      %sub3A_2578 = vector.broadcast %sub3A_2577 : f32 to vector<16xf32>
      %sub3A_2579 = arith.subf %sub3A_2578, %mul3A_2576 : vector<16xf32>
      %mul3A_2580 = arith.mulf %mul3A_2571, %sub3A_2579 : vector<16xf32>
      %mul3A_2581 = arith.constant 5.000000e-01 : f32
      %mul3A_2582 = vector.broadcast %mul3A_2581 : f32 to vector<16xf32>
      %mul3A_2583 = arith.mulf %mul3A_2582, %add3A_2554 : vector<16xf32>
      %mul3A_2584 = arith.mulf %mul3A_2583, %mul3A_2580 : vector<16xf32>
      %mul3A_2585 = arith.mulf %mul3A_2584, %mul3A_2580 : vector<16xf32>
      %sub3A_2586 = arith.constant 1.500000e+00 : f32
      %sub3A_2587 = vector.broadcast %sub3A_2586 : f32 to vector<16xf32>
      %sub3A_2588 = arith.subf %sub3A_2587, %mul3A_2585 : vector<16xf32>
      %mul3A_2589 = arith.mulf %mul3A_2580, %sub3A_2588 : vector<16xf32>
      %swap3A_2590 = arith.constant 6 : i32
      %swap3A_2591 = arith.index_cast %swap3A_2590 : i32 to index
      %swap3A_2592 = arith.constant 96 : index
      %swap3A_2593 = tpu.vector_load %arg8[%swap3A_2591, %swap3A_2592] {strides = array<i32>} : memref<8x128xf32, #tpu.memory_space<vmem>>, vector<16xf32>,
      tpu.vector_store %arg8[%swap3A_2591, %swap3A_2592], %mul3A_2589 {strides = array<i32>} : memref<8x128xf32, #tpu.memory_space<vmem>>, vector<16xf32>,
      %get3A_2594 = arith.constant 6 : i32
      %get3A_2595 = arith.index_cast %get3A_2594 : i32 to index
      %get3A_2596 = arith.constant 112 : index
      %get3A_2597 = tpu.vector_load %arg8[%get3A_2595, %get3A_2596] {strides = array<i32>} : memref<8x128xf32, #tpu.memory_space<vmem>>, vector<16xf32>,
      %add3A_2598 = arith.constant 1.000000e+00 : f32
      %add3A_2599 = vector.broadcast %add3A_2598 : f32 to vector<16xf32>
      %add3A_2600 = arith.addf %add3A_2599, %get3A_2597 : vector<16xf32>
      %bitcast3A_2601 = vector.bitcast %add3A_2600 : vector<16xf32> to vector<16xi32>
      %shift_right_arithmetic3A_2602 = arith.constant 1 : i32
      %shift_right_arithmetic3A_2603 = vector.broadcast %shift_right_arithmetic3A_2602 : i32 to vector<16xi32>
      %shift_right_arithmetic3A_2604 = arith.shrsi %bitcast3A_2601, %shift_right_arithmetic3A_2603 : vector<16xi32>
      %sub3A_2605 = arith.constant 1597463007 : i32
      %sub3A_2606 = vector.broadcast %sub3A_2605 : i32 to vector<16xi32>
      %sub3A_2607 = arith.subi %sub3A_2606, %shift_right_arithmetic3A_2604 : vector<16xi32>
      %bitcast3A_2608 = vector.bitcast %sub3A_2607 : vector<16xi32> to vector<16xf32>
      %mul3A_2609 = arith.constant 5.000000e-01 : f32
      %mul3A_2610 = vector.broadcast %mul3A_2609 : f32 to vector<16xf32>
      %mul3A_2611 = arith.mulf %mul3A_2610, %add3A_2600 : vector<16xf32>
      %mul3A_2612 = arith.mulf %mul3A_2611, %bitcast3A_2608 : vector<16xf32>
      %mul3A_2613 = arith.mulf %mul3A_2612, %bitcast3A_2608 : vector<16xf32>
      %sub3A_2614 = arith.constant 1.500000e+00 : f32
      %sub3A_2615 = vector.broadcast %sub3A_2614 : f32 to vector<16xf32>
      %sub3A_2616 = arith.subf %sub3A_2615, %mul3A_2613 : vector<16xf32>
      %mul3A_2617 = arith.mulf %bitcast3A_2608, %sub3A_2616 : vector<16xf32>
      %mul3A_2618 = arith.constant 5.000000e-01 : f32
      %mul3A_2619 = vector.broadcast %mul3A_2618 : f32 to vector<16xf32>
      %mul3A_2620 = arith.mulf %mul3A_2619, %add3A_2600 : vector<16xf32>
      %mul3A_2621 = arith.mulf %mul3A_2620, %mul3A_2617 : vector<16xf32>
      %mul3A_2622 = arith.mulf %mul3A_2621, %mul3A_2617 : vector<16xf32>
      %sub3A_2623 = arith.constant 1.500000e+00 : f32
      %sub3A_2624 = vector.broadcast %sub3A_2623 : f32 to vector<16xf32>
      %sub3A_2625 = arith.subf %sub3A_2624, %mul3A_2622 : vector<16xf32>
      %mul3A_2626 = arith.mulf %mul3A_2617, %sub3A_2625 : vector<16xf32>
      %mul3A_2627 = arith.constant 5.000000e-01 : f32
      %mul3A_2628 = vector.broadcast %mul3A_2627 : f32 to vector<16xf32>
      %mul3A_2629 = arith.mulf %mul3A_2628, %add3A_2600 : vector<16xf32>
      %mul3A_2630 = arith.mulf %mul3A_2629, %mul3A_2626 : vector<16xf32>
      %mul3A_2631 = arith.mulf %mul3A_2630, %mul3A_2626 : vector<16xf32>
      %sub3A_2632 = arith.constant 1.500000e+00 : f32
      %sub3A_2633 = vector.broadcast %sub3A_2632 : f32 to vector<16xf32>
      %sub3A_2634 = arith.subf %sub3A_2633, %mul3A_2631 : vector<16xf32>
      %mul3A_2635 = arith.mulf %mul3A_2626, %sub3A_2634 : vector<16xf32>
      %swap3A_2636 = arith.constant 6 : i32
      %swap3A_2637 = arith.index_cast %swap3A_2636 : i32 to index
      %swap3A_2638 = arith.constant 112 : index
      %swap3A_2639 = tpu.vector_load %arg8[%swap3A_2637, %swap3A_2638] {strides = array<i32>} : memref<8x128xf32, #tpu.memory_space<vmem>>, vector<16xf32>,
      tpu.vector_store %arg8[%swap3A_2637, %swap3A_2638], %mul3A_2635 {strides = array<i32>} : memref<8x128xf32, #tpu.memory_space<vmem>>, vector<16xf32>,
      %get3A_2640 = arith.constant 7 : i32
      %get3A_2641 = arith.index_cast %get3A_2640 : i32 to index
      %get3A_2642 = arith.constant 0 : index
      %get3A_2643 = tpu.vector_load %arg8[%get3A_2641, %get3A_2642] {strides = array<i32>} : memref<8x128xf32, #tpu.memory_space<vmem>>, vector<16xf32>,
      %add3A_2644 = arith.constant 1.000000e+00 : f32
      %add3A_2645 = vector.broadcast %add3A_2644 : f32 to vector<16xf32>
      %add3A_2646 = arith.addf %add3A_2645, %get3A_2643 : vector<16xf32>
      %bitcast3A_2647 = vector.bitcast %add3A_2646 : vector<16xf32> to vector<16xi32>
      %shift_right_arithmetic3A_2648 = arith.constant 1 : i32
      %shift_right_arithmetic3A_2649 = vector.broadcast %shift_right_arithmetic3A_2648 : i32 to vector<16xi32>
      %shift_right_arithmetic3A_2650 = arith.shrsi %bitcast3A_2647, %shift_right_arithmetic3A_2649 : vector<16xi32>
      %sub3A_2651 = arith.constant 1597463007 : i32
      %sub3A_2652 = vector.broadcast %sub3A_2651 : i32 to vector<16xi32>
      %sub3A_2653 = arith.subi %sub3A_2652, %shift_right_arithmetic3A_2650 : vector<16xi32>
      %bitcast3A_2654 = vector.bitcast %sub3A_2653 : vector<16xi32> to vector<16xf32>
      %mul3A_2655 = arith.constant 5.000000e-01 : f32
      %mul3A_2656 = vector.broadcast %mul3A_2655 : f32 to vector<16xf32>
      %mul3A_2657 = arith.mulf %mul3A_2656, %add3A_2646 : vector<16xf32>
      %mul3A_2658 = arith.mulf %mul3A_2657, %bitcast3A_2654 : vector<16xf32>
      %mul3A_2659 = arith.mulf %mul3A_2658, %bitcast3A_2654 : vector<16xf32>
      %sub3A_2660 = arith.constant 1.500000e+00 : f32
      %sub3A_2661 = vector.broadcast %sub3A_2660 : f32 to vector<16xf32>
      %sub3A_2662 = arith.subf %sub3A_2661, %mul3A_2659 : vector<16xf32>
      %mul3A_2663 = arith.mulf %bitcast3A_2654, %sub3A_2662 : vector<16xf32>
      %mul3A_2664 = arith.constant 5.000000e-01 : f32
      %mul3A_2665 = vector.broadcast %mul3A_2664 : f32 to vector<16xf32>
      %mul3A_2666 = arith.mulf %mul3A_2665, %add3A_2646 : vector<16xf32>
      %mul3A_2667 = arith.mulf %mul3A_2666, %mul3A_2663 : vector<16xf32>
      %mul3A_2668 = arith.mulf %mul3A_2667, %mul3A_2663 : vector<16xf32>
      %sub3A_2669 = arith.constant 1.500000e+00 : f32
      %sub3A_2670 = vector.broadcast %sub3A_2669 : f32 to vector<16xf32>
      %sub3A_2671 = arith.subf %sub3A_2670, %mul3A_2668 : vector<16xf32>
      %mul3A_2672 = arith.mulf %mul3A_2663, %sub3A_2671 : vector<16xf32>
      %mul3A_2673 = arith.constant 5.000000e-01 : f32
      %mul3A_2674 = vector.broadcast %mul3A_2673 : f32 to vector<16xf32>
      %mul3A_2675 = arith.mulf %mul3A_2674, %add3A_2646 : vector<16xf32>
      %mul3A_2676 = arith.mulf %mul3A_2675, %mul3A_2672 : vector<16xf32>
      %mul3A_2677 = arith.mulf %mul3A_2676, %mul3A_2672 : vector<16xf32>
      %sub3A_2678 = arith.constant 1.500000e+00 : f32
      %sub3A_2679 = vector.broadcast %sub3A_2678 : f32 to vector<16xf32>
      %sub3A_2680 = arith.subf %sub3A_2679, %mul3A_2677 : vector<16xf32>
      %mul3A_2681 = arith.mulf %mul3A_2672, %sub3A_2680 : vector<16xf32>
      %swap3A_2682 = arith.constant 7 : i32
      %swap3A_2683 = arith.index_cast %swap3A_2682 : i32 to index
      %swap3A_2684 = arith.constant 0 : index
      %swap3A_2685 = tpu.vector_load %arg8[%swap3A_2683, %swap3A_2684] {strides = array<i32>} : memref<8x128xf32, #tpu.memory_space<vmem>>, vector<16xf32>,
      tpu.vector_store %arg8[%swap3A_2683, %swap3A_2684], %mul3A_2681 {strides = array<i32>} : memref<8x128xf32, #tpu.memory_space<vmem>>, vector<16xf32>,
      %get3A_2686 = arith.constant 7 : i32
      %get3A_2687 = arith.index_cast %get3A_2686 : i32 to index
      %get3A_2688 = arith.constant 16 : index
      %get3A_2689 = tpu.vector_load %arg8[%get3A_2687, %get3A_2688] {strides = array<i32>} : memref<8x128xf32, #tpu.memory_space<vmem>>, vector<16xf32>,
      %add3A_2690 = arith.constant 1.000000e+00 : f32
      %add3A_2691 = vector.broadcast %add3A_2690 : f32 to vector<16xf32>
      %add3A_2692 = arith.addf %add3A_2691, %get3A_2689 : vector<16xf32>
      %bitcast3A_2693 = vector.bitcast %add3A_2692 : vector<16xf32> to vector<16xi32>
      %shift_right_arithmetic3A_2694 = arith.constant 1 : i32
      %shift_right_arithmetic3A_2695 = vector.broadcast %shift_right_arithmetic3A_2694 : i32 to vector<16xi32>
      %shift_right_arithmetic3A_2696 = arith.shrsi %bitcast3A_2693, %shift_right_arithmetic3A_2695 : vector<16xi32>
      %sub3A_2697 = arith.constant 1597463007 : i32
      %sub3A_2698 = vector.broadcast %sub3A_2697 : i32 to vector<16xi32>
      %sub3A_2699 = arith.subi %sub3A_2698, %shift_right_arithmetic3A_2696 : vector<16xi32>
      %bitcast3A_2700 = vector.bitcast %sub3A_2699 : vector<16xi32> to vector<16xf32>
      %mul3A_2701 = arith.constant 5.000000e-01 : f32
      %mul3A_2702 = vector.broadcast %mul3A_2701 : f32 to vector<16xf32>
      %mul3A_2703 = arith.mulf %mul3A_2702, %add3A_2692 : vector<16xf32>
      %mul3A_2704 = arith.mulf %mul3A_2703, %bitcast3A_2700 : vector<16xf32>
      %mul3A_2705 = arith.mulf %mul3A_2704, %bitcast3A_2700 : vector<16xf32>
      %sub3A_2706 = arith.constant 1.500000e+00 : f32
      %sub3A_2707 = vector.broadcast %sub3A_2706 : f32 to vector<16xf32>
      %sub3A_2708 = arith.subf %sub3A_2707, %mul3A_2705 : vector<16xf32>
      %mul3A_2709 = arith.mulf %bitcast3A_2700, %sub3A_2708 : vector<16xf32>
      %mul3A_2710 = arith.constant 5.000000e-01 : f32
      %mul3A_2711 = vector.broadcast %mul3A_2710 : f32 to vector<16xf32>
      %mul3A_2712 = arith.mulf %mul3A_2711, %add3A_2692 : vector<16xf32>
      %mul3A_2713 = arith.mulf %mul3A_2712, %mul3A_2709 : vector<16xf32>
      %mul3A_2714 = arith.mulf %mul3A_2713, %mul3A_2709 : vector<16xf32>
      %sub3A_2715 = arith.constant 1.500000e+00 : f32
      %sub3A_2716 = vector.broadcast %sub3A_2715 : f32 to vector<16xf32>
      %sub3A_2717 = arith.subf %sub3A_2716, %mul3A_2714 : vector<16xf32>
      %mul3A_2718 = arith.mulf %mul3A_2709, %sub3A_2717 : vector<16xf32>
      %mul3A_2719 = arith.constant 5.000000e-01 : f32
      %mul3A_2720 = vector.broadcast %mul3A_2719 : f32 to vector<16xf32>
      %mul3A_2721 = arith.mulf %mul3A_2720, %add3A_2692 : vector<16xf32>
      %mul3A_2722 = arith.mulf %mul3A_2721, %mul3A_2718 : vector<16xf32>
      %mul3A_2723 = arith.mulf %mul3A_2722, %mul3A_2718 : vector<16xf32>
      %sub3A_2724 = arith.constant 1.500000e+00 : f32
      %sub3A_2725 = vector.broadcast %sub3A_2724 : f32 to vector<16xf32>
      %sub3A_2726 = arith.subf %sub3A_2725, %mul3A_2723 : vector<16xf32>
      %mul3A_2727 = arith.mulf %mul3A_2718, %sub3A_2726 : vector<16xf32>
      %swap3A_2728 = arith.constant 7 : i32
      %swap3A_2729 = arith.index_cast %swap3A_2728 : i32 to index
      %swap3A_2730 = arith.constant 16 : index
      %swap3A_2731 = tpu.vector_load %arg8[%swap3A_2729, %swap3A_2730] {strides = array<i32>} : memref<8x128xf32, #tpu.memory_space<vmem>>, vector<16xf32>,
      tpu.vector_store %arg8[%swap3A_2729, %swap3A_2730], %mul3A_2727 {strides = array<i32>} : memref<8x128xf32, #tpu.memory_space<vmem>>, vector<16xf32>,
      %get3A_2732 = arith.constant 7 : i32
      %get3A_2733 = arith.index_cast %get3A_2732 : i32 to index
      %get3A_2734 = arith.constant 32 : index
      %get3A_2735 = tpu.vector_load %arg8[%get3A_2733, %get3A_2734] {strides = array<i32>} : memref<8x128xf32, #tpu.memory_space<vmem>>, vector<16xf32>,
      %add3A_2736 = arith.constant 1.000000e+00 : f32
      %add3A_2737 = vector.broadcast %add3A_2736 : f32 to vector<16xf32>
      %add3A_2738 = arith.addf %add3A_2737, %get3A_2735 : vector<16xf32>
      %bitcast3A_2739 = vector.bitcast %add3A_2738 : vector<16xf32> to vector<16xi32>
      %shift_right_arithmetic3A_2740 = arith.constant 1 : i32
      %shift_right_arithmetic3A_2741 = vector.broadcast %shift_right_arithmetic3A_2740 : i32 to vector<16xi32>
      %shift_right_arithmetic3A_2742 = arith.shrsi %bitcast3A_2739, %shift_right_arithmetic3A_2741 : vector<16xi32>
      %sub3A_2743 = arith.constant 1597463007 : i32
      %sub3A_2744 = vector.broadcast %sub3A_2743 : i32 to vector<16xi32>
      %sub3A_2745 = arith.subi %sub3A_2744, %shift_right_arithmetic3A_2742 : vector<16xi32>
      %bitcast3A_2746 = vector.bitcast %sub3A_2745 : vector<16xi32> to vector<16xf32>
      %mul3A_2747 = arith.constant 5.000000e-01 : f32
      %mul3A_2748 = vector.broadcast %mul3A_2747 : f32 to vector<16xf32>
      %mul3A_2749 = arith.mulf %mul3A_2748, %add3A_2738 : vector<16xf32>
      %mul3A_2750 = arith.mulf %mul3A_2749, %bitcast3A_2746 : vector<16xf32>
      %mul3A_2751 = arith.mulf %mul3A_2750, %bitcast3A_2746 : vector<16xf32>
      %sub3A_2752 = arith.constant 1.500000e+00 : f32
      %sub3A_2753 = vector.broadcast %sub3A_2752 : f32 to vector<16xf32>
      %sub3A_2754 = arith.subf %sub3A_2753, %mul3A_2751 : vector<16xf32>
      %mul3A_2755 = arith.mulf %bitcast3A_2746, %sub3A_2754 : vector<16xf32>
      %mul3A_2756 = arith.constant 5.000000e-01 : f32
      %mul3A_2757 = vector.broadcast %mul3A_2756 : f32 to vector<16xf32>
      %mul3A_2758 = arith.mulf %mul3A_2757, %add3A_2738 : vector<16xf32>
      %mul3A_2759 = arith.mulf %mul3A_2758, %mul3A_2755 : vector<16xf32>
      %mul3A_2760 = arith.mulf %mul3A_2759, %mul3A_2755 : vector<16xf32>
      %sub3A_2761 = arith.constant 1.500000e+00 : f32
      %sub3A_2762 = vector.broadcast %sub3A_2761 : f32 to vector<16xf32>
      %sub3A_2763 = arith.subf %sub3A_2762, %mul3A_2760 : vector<16xf32>
      %mul3A_2764 = arith.mulf %mul3A_2755, %sub3A_2763 : vector<16xf32>
      %mul3A_2765 = arith.constant 5.000000e-01 : f32
      %mul3A_2766 = vector.broadcast %mul3A_2765 : f32 to vector<16xf32>
      %mul3A_2767 = arith.mulf %mul3A_2766, %add3A_2738 : vector<16xf32>
      %mul3A_2768 = arith.mulf %mul3A_2767, %mul3A_2764 : vector<16xf32>
      %mul3A_2769 = arith.mulf %mul3A_2768, %mul3A_2764 : vector<16xf32>
      %sub3A_2770 = arith.constant 1.500000e+00 : f32
      %sub3A_2771 = vector.broadcast %sub3A_2770 : f32 to vector<16xf32>
      %sub3A_2772 = arith.subf %sub3A_2771, %mul3A_2769 : vector<16xf32>
      %mul3A_2773 = arith.mulf %mul3A_2764, %sub3A_2772 : vector<16xf32>
      %swap3A_2774 = arith.constant 7 : i32
      %swap3A_2775 = arith.index_cast %swap3A_2774 : i32 to index
      %swap3A_2776 = arith.constant 32 : index
      %swap3A_2777 = tpu.vector_load %arg8[%swap3A_2775, %swap3A_2776] {strides = array<i32>} : memref<8x128xf32, #tpu.memory_space<vmem>>, vector<16xf32>,
      tpu.vector_store %arg8[%swap3A_2775, %swap3A_2776], %mul3A_2773 {strides = array<i32>} : memref<8x128xf32, #tpu.memory_space<vmem>>, vector<16xf32>,
      %get3A_2778 = arith.constant 7 : i32
      %get3A_2779 = arith.index_cast %get3A_2778 : i32 to index
      %get3A_2780 = arith.constant 48 : index
      %get3A_2781 = tpu.vector_load %arg8[%get3A_2779, %get3A_2780] {strides = array<i32>} : memref<8x128xf32, #tpu.memory_space<vmem>>, vector<16xf32>,
      %add3A_2782 = arith.constant 1.000000e+00 : f32
      %add3A_2783 = vector.broadcast %add3A_2782 : f32 to vector<16xf32>
      %add3A_2784 = arith.addf %add3A_2783, %get3A_2781 : vector<16xf32>
      %bitcast3A_2785 = vector.bitcast %add3A_2784 : vector<16xf32> to vector<16xi32>
      %shift_right_arithmetic3A_2786 = arith.constant 1 : i32
      %shift_right_arithmetic3A_2787 = vector.broadcast %shift_right_arithmetic3A_2786 : i32 to vector<16xi32>
      %shift_right_arithmetic3A_2788 = arith.shrsi %bitcast3A_2785, %shift_right_arithmetic3A_2787 : vector<16xi32>
      %sub3A_2789 = arith.constant 1597463007 : i32
      %sub3A_2790 = vector.broadcast %sub3A_2789 : i32 to vector<16xi32>
      %sub3A_2791 = arith.subi %sub3A_2790, %shift_right_arithmetic3A_2788 : vector<16xi32>
      %bitcast3A_2792 = vector.bitcast %sub3A_2791 : vector<16xi32> to vector<16xf32>
      %mul3A_2793 = arith.constant 5.000000e-01 : f32
      %mul3A_2794 = vector.broadcast %mul3A_2793 : f32 to vector<16xf32>
      %mul3A_2795 = arith.mulf %mul3A_2794, %add3A_2784 : vector<16xf32>
      %mul3A_2796 = arith.mulf %mul3A_2795, %bitcast3A_2792 : vector<16xf32>
      %mul3A_2797 = arith.mulf %mul3A_2796, %bitcast3A_2792 : vector<16xf32>
      %sub3A_2798 = arith.constant 1.500000e+00 : f32
      %sub3A_2799 = vector.broadcast %sub3A_2798 : f32 to vector<16xf32>
      %sub3A_2800 = arith.subf %sub3A_2799, %mul3A_2797 : vector<16xf32>
      %mul3A_2801 = arith.mulf %bitcast3A_2792, %sub3A_2800 : vector<16xf32>
      %mul3A_2802 = arith.constant 5.000000e-01 : f32
      %mul3A_2803 = vector.broadcast %mul3A_2802 : f32 to vector<16xf32>
      %mul3A_2804 = arith.mulf %mul3A_2803, %add3A_2784 : vector<16xf32>
      %mul3A_2805 = arith.mulf %mul3A_2804, %mul3A_2801 : vector<16xf32>
      %mul3A_2806 = arith.mulf %mul3A_2805, %mul3A_2801 : vector<16xf32>
      %sub3A_2807 = arith.constant 1.500000e+00 : f32
      %sub3A_2808 = vector.broadcast %sub3A_2807 : f32 to vector<16xf32>
      %sub3A_2809 = arith.subf %sub3A_2808, %mul3A_2806 : vector<16xf32>
      %mul3A_2810 = arith.mulf %mul3A_2801, %sub3A_2809 : vector<16xf32>
      %mul3A_2811 = arith.constant 5.000000e-01 : f32
      %mul3A_2812 = vector.broadcast %mul3A_2811 : f32 to vector<16xf32>
      %mul3A_2813 = arith.mulf %mul3A_2812, %add3A_2784 : vector<16xf32>
      %mul3A_2814 = arith.mulf %mul3A_2813, %mul3A_2810 : vector<16xf32>
      %mul3A_2815 = arith.mulf %mul3A_2814, %mul3A_2810 : vector<16xf32>
      %sub3A_2816 = arith.constant 1.500000e+00 : f32
      %sub3A_2817 = vector.broadcast %sub3A_2816 : f32 to vector<16xf32>
      %sub3A_2818 = arith.subf %sub3A_2817, %mul3A_2815 : vector<16xf32>
      %mul3A_2819 = arith.mulf %mul3A_2810, %sub3A_2818 : vector<16xf32>
      %swap3A_2820 = arith.constant 7 : i32
      %swap3A_2821 = arith.index_cast %swap3A_2820 : i32 to index
      %swap3A_2822 = arith.constant 48 : index
      %swap3A_2823 = tpu.vector_load %arg8[%swap3A_2821, %swap3A_2822] {strides = array<i32>} : memref<8x128xf32, #tpu.memory_space<vmem>>, vector<16xf32>,
      tpu.vector_store %arg8[%swap3A_2821, %swap3A_2822], %mul3A_2819 {strides = array<i32>} : memref<8x128xf32, #tpu.memory_space<vmem>>, vector<16xf32>,
      %get3A_2824 = arith.constant 7 : i32
      %get3A_2825 = arith.index_cast %get3A_2824 : i32 to index
      %get3A_2826 = arith.constant 64 : index
      %get3A_2827 = tpu.vector_load %arg8[%get3A_2825, %get3A_2826] {strides = array<i32>} : memref<8x128xf32, #tpu.memory_space<vmem>>, vector<16xf32>,
      %add3A_2828 = arith.constant 1.000000e+00 : f32
      %add3A_2829 = vector.broadcast %add3A_2828 : f32 to vector<16xf32>
      %add3A_2830 = arith.addf %add3A_2829, %get3A_2827 : vector<16xf32>
      %bitcast3A_2831 = vector.bitcast %add3A_2830 : vector<16xf32> to vector<16xi32>
      %shift_right_arithmetic3A_2832 = arith.constant 1 : i32
      %shift_right_arithmetic3A_2833 = vector.broadcast %shift_right_arithmetic3A_2832 : i32 to vector<16xi32>
      %shift_right_arithmetic3A_2834 = arith.shrsi %bitcast3A_2831, %shift_right_arithmetic3A_2833 : vector<16xi32>
      %sub3A_2835 = arith.constant 1597463007 : i32
      %sub3A_2836 = vector.broadcast %sub3A_2835 : i32 to vector<16xi32>
      %sub3A_2837 = arith.subi %sub3A_2836, %shift_right_arithmetic3A_2834 : vector<16xi32>
      %bitcast3A_2838 = vector.bitcast %sub3A_2837 : vector<16xi32> to vector<16xf32>
      %mul3A_2839 = arith.constant 5.000000e-01 : f32
      %mul3A_2840 = vector.broadcast %mul3A_2839 : f32 to vector<16xf32>
      %mul3A_2841 = arith.mulf %mul3A_2840, %add3A_2830 : vector<16xf32>
      %mul3A_2842 = arith.mulf %mul3A_2841, %bitcast3A_2838 : vector<16xf32>
      %mul3A_2843 = arith.mulf %mul3A_2842, %bitcast3A_2838 : vector<16xf32>
      %sub3A_2844 = arith.constant 1.500000e+00 : f32
      %sub3A_2845 = vector.broadcast %sub3A_2844 : f32 to vector<16xf32>
      %sub3A_2846 = arith.subf %sub3A_2845, %mul3A_2843 : vector<16xf32>
      %mul3A_2847 = arith.mulf %bitcast3A_2838, %sub3A_2846 : vector<16xf32>
      %mul3A_2848 = arith.constant 5.000000e-01 : f32
      %mul3A_2849 = vector.broadcast %mul3A_2848 : f32 to vector<16xf32>
      %mul3A_2850 = arith.mulf %mul3A_2849, %add3A_2830 : vector<16xf32>
      %mul3A_2851 = arith.mulf %mul3A_2850, %mul3A_2847 : vector<16xf32>
      %mul3A_2852 = arith.mulf %mul3A_2851, %mul3A_2847 : vector<16xf32>
      %sub3A_2853 = arith.constant 1.500000e+00 : f32
      %sub3A_2854 = vector.broadcast %sub3A_2853 : f32 to vector<16xf32>
      %sub3A_2855 = arith.subf %sub3A_2854, %mul3A_2852 : vector<16xf32>
      %mul3A_2856 = arith.mulf %mul3A_2847, %sub3A_2855 : vector<16xf32>
      %mul3A_2857 = arith.constant 5.000000e-01 : f32
      %mul3A_2858 = vector.broadcast %mul3A_2857 : f32 to vector<16xf32>
      %mul3A_2859 = arith.mulf %mul3A_2858, %add3A_2830 : vector<16xf32>
      %mul3A_2860 = arith.mulf %mul3A_2859, %mul3A_2856 : vector<16xf32>
      %mul3A_2861 = arith.mulf %mul3A_2860, %mul3A_2856 : vector<16xf32>
      %sub3A_2862 = arith.constant 1.500000e+00 : f32
      %sub3A_2863 = vector.broadcast %sub3A_2862 : f32 to vector<16xf32>
      %sub3A_2864 = arith.subf %sub3A_2863, %mul3A_2861 : vector<16xf32>
      %mul3A_2865 = arith.mulf %mul3A_2856, %sub3A_2864 : vector<16xf32>
      %swap3A_2866 = arith.constant 7 : i32
      %swap3A_2867 = arith.index_cast %swap3A_2866 : i32 to index
      %swap3A_2868 = arith.constant 64 : index
      %swap3A_2869 = tpu.vector_load %arg8[%swap3A_2867, %swap3A_2868] {strides = array<i32>} : memref<8x128xf32, #tpu.memory_space<vmem>>, vector<16xf32>,
      tpu.vector_store %arg8[%swap3A_2867, %swap3A_2868], %mul3A_2865 {strides = array<i32>} : memref<8x128xf32, #tpu.memory_space<vmem>>, vector<16xf32>,
      %get3A_2870 = arith.constant 7 : i32
      %get3A_2871 = arith.index_cast %get3A_2870 : i32 to index
      %get3A_2872 = arith.constant 80 : index
      %get3A_2873 = tpu.vector_load %arg8[%get3A_2871, %get3A_2872] {strides = array<i32>} : memref<8x128xf32, #tpu.memory_space<vmem>>, vector<16xf32>,
      %add3A_2874 = arith.constant 1.000000e+00 : f32
      %add3A_2875 = vector.broadcast %add3A_2874 : f32 to vector<16xf32>
      %add3A_2876 = arith.addf %add3A_2875, %get3A_2873 : vector<16xf32>
      %bitcast3A_2877 = vector.bitcast %add3A_2876 : vector<16xf32> to vector<16xi32>
      %shift_right_arithmetic3A_2878 = arith.constant 1 : i32
      %shift_right_arithmetic3A_2879 = vector.broadcast %shift_right_arithmetic3A_2878 : i32 to vector<16xi32>
      %shift_right_arithmetic3A_2880 = arith.shrsi %bitcast3A_2877, %shift_right_arithmetic3A_2879 : vector<16xi32>
      %sub3A_2881 = arith.constant 1597463007 : i32
      %sub3A_2882 = vector.broadcast %sub3A_2881 : i32 to vector<16xi32>
      %sub3A_2883 = arith.subi %sub3A_2882, %shift_right_arithmetic3A_2880 : vector<16xi32>
      %bitcast3A_2884 = vector.bitcast %sub3A_2883 : vector<16xi32> to vector<16xf32>
      %mul3A_2885 = arith.constant 5.000000e-01 : f32
      %mul3A_2886 = vector.broadcast %mul3A_2885 : f32 to vector<16xf32>
      %mul3A_2887 = arith.mulf %mul3A_2886, %add3A_2876 : vector<16xf32>
      %mul3A_2888 = arith.mulf %mul3A_2887, %bitcast3A_2884 : vector<16xf32>
      %mul3A_2889 = arith.mulf %mul3A_2888, %bitcast3A_2884 : vector<16xf32>
      %sub3A_2890 = arith.constant 1.500000e+00 : f32
      %sub3A_2891 = vector.broadcast %sub3A_2890 : f32 to vector<16xf32>
      %sub3A_2892 = arith.subf %sub3A_2891, %mul3A_2889 : vector<16xf32>
      %mul3A_2893 = arith.mulf %bitcast3A_2884, %sub3A_2892 : vector<16xf32>
      %mul3A_2894 = arith.constant 5.000000e-01 : f32
      %mul3A_2895 = vector.broadcast %mul3A_2894 : f32 to vector<16xf32>
      %mul3A_2896 = arith.mulf %mul3A_2895, %add3A_2876 : vector<16xf32>
      %mul3A_2897 = arith.mulf %mul3A_2896, %mul3A_2893 : vector<16xf32>
      %mul3A_2898 = arith.mulf %mul3A_2897, %mul3A_2893 : vector<16xf32>
      %sub3A_2899 = arith.constant 1.500000e+00 : f32
      %sub3A_2900 = vector.broadcast %sub3A_2899 : f32 to vector<16xf32>
      %sub3A_2901 = arith.subf %sub3A_2900, %mul3A_2898 : vector<16xf32>
      %mul3A_2902 = arith.mulf %mul3A_2893, %sub3A_2901 : vector<16xf32>
      %mul3A_2903 = arith.constant 5.000000e-01 : f32
      %mul3A_2904 = vector.broadcast %mul3A_2903 : f32 to vector<16xf32>
      %mul3A_2905 = arith.mulf %mul3A_2904, %add3A_2876 : vector<16xf32>
      %mul3A_2906 = arith.mulf %mul3A_2905, %mul3A_2902 : vector<16xf32>
      %mul3A_2907 = arith.mulf %mul3A_2906, %mul3A_2902 : vector<16xf32>
      %sub3A_2908 = arith.constant 1.500000e+00 : f32
      %sub3A_2909 = vector.broadcast %sub3A_2908 : f32 to vector<16xf32>
      %sub3A_2910 = arith.subf %sub3A_2909, %mul3A_2907 : vector<16xf32>
      %mul3A_2911 = arith.mulf %mul3A_2902, %sub3A_2910 : vector<16xf32>
      %swap3A_2912 = arith.constant 7 : i32
      %swap3A_2913 = arith.index_cast %swap3A_2912 : i32 to index
      %swap3A_2914 = arith.constant 80 : index
      %swap3A_2915 = tpu.vector_load %arg8[%swap3A_2913, %swap3A_2914] {strides = array<i32>} : memref<8x128xf32, #tpu.memory_space<vmem>>, vector<16xf32>,
      tpu.vector_store %arg8[%swap3A_2913, %swap3A_2914], %mul3A_2911 {strides = array<i32>} : memref<8x128xf32, #tpu.memory_space<vmem>>, vector<16xf32>,
      %get3A_2916 = arith.constant 7 : i32
      %get3A_2917 = arith.index_cast %get3A_2916 : i32 to index
      %get3A_2918 = arith.constant 96 : index
      %get3A_2919 = tpu.vector_load %arg8[%get3A_2917, %get3A_2918] {strides = array<i32>} : memref<8x128xf32, #tpu.memory_space<vmem>>, vector<16xf32>,
      %add3A_2920 = arith.constant 1.000000e+00 : f32
      %add3A_2921 = vector.broadcast %add3A_2920 : f32 to vector<16xf32>
      %add3A_2922 = arith.addf %add3A_2921, %get3A_2919 : vector<16xf32>
      %bitcast3A_2923 = vector.bitcast %add3A_2922 : vector<16xf32> to vector<16xi32>
      %shift_right_arithmetic3A_2924 = arith.constant 1 : i32
      %shift_right_arithmetic3A_2925 = vector.broadcast %shift_right_arithmetic3A_2924 : i32 to vector<16xi32>
      %shift_right_arithmetic3A_2926 = arith.shrsi %bitcast3A_2923, %shift_right_arithmetic3A_2925 : vector<16xi32>
      %sub3A_2927 = arith.constant 1597463007 : i32
      %sub3A_2928 = vector.broadcast %sub3A_2927 : i32 to vector<16xi32>
      %sub3A_2929 = arith.subi %sub3A_2928, %shift_right_arithmetic3A_2926 : vector<16xi32>
      %bitcast3A_2930 = vector.bitcast %sub3A_2929 : vector<16xi32> to vector<16xf32>
      %mul3A_2931 = arith.constant 5.000000e-01 : f32
      %mul3A_2932 = vector.broadcast %mul3A_2931 : f32 to vector<16xf32>
      %mul3A_2933 = arith.mulf %mul3A_2932, %add3A_2922 : vector<16xf32>
      %mul3A_2934 = arith.mulf %mul3A_2933, %bitcast3A_2930 : vector<16xf32>
      %mul3A_2935 = arith.mulf %mul3A_2934, %bitcast3A_2930 : vector<16xf32>
      %sub3A_2936 = arith.constant 1.500000e+00 : f32
      %sub3A_2937 = vector.broadcast %sub3A_2936 : f32 to vector<16xf32>
      %sub3A_2938 = arith.subf %sub3A_2937, %mul3A_2935 : vector<16xf32>
      %mul3A_2939 = arith.mulf %bitcast3A_2930, %sub3A_2938 : vector<16xf32>
      %mul3A_2940 = arith.constant 5.000000e-01 : f32
      %mul3A_2941 = vector.broadcast %mul3A_2940 : f32 to vector<16xf32>
      %mul3A_2942 = arith.mulf %mul3A_2941, %add3A_2922 : vector<16xf32>
      %mul3A_2943 = arith.mulf %mul3A_2942, %mul3A_2939 : vector<16xf32>
      %mul3A_2944 = arith.mulf %mul3A_2943, %mul3A_2939 : vector<16xf32>
      %sub3A_2945 = arith.constant 1.500000e+00 : f32
      %sub3A_2946 = vector.broadcast %sub3A_2945 : f32 to vector<16xf32>
      %sub3A_2947 = arith.subf %sub3A_2946, %mul3A_2944 : vector<16xf32>
      %mul3A_2948 = arith.mulf %mul3A_2939, %sub3A_2947 : vector<16xf32>
      %mul3A_2949 = arith.constant 5.000000e-01 : f32
      %mul3A_2950 = vector.broadcast %mul3A_2949 : f32 to vector<16xf32>
      %mul3A_2951 = arith.mulf %mul3A_2950, %add3A_2922 : vector<16xf32>
      %mul3A_2952 = arith.mulf %mul3A_2951, %mul3A_2948 : vector<16xf32>
      %mul3A_2953 = arith.mulf %mul3A_2952, %mul3A_2948 : vector<16xf32>
      %sub3A_2954 = arith.constant 1.500000e+00 : f32
      %sub3A_2955 = vector.broadcast %sub3A_2954 : f32 to vector<16xf32>
      %sub3A_2956 = arith.subf %sub3A_2955, %mul3A_2953 : vector<16xf32>
      %mul3A_2957 = arith.mulf %mul3A_2948, %sub3A_2956 : vector<16xf32>
      %swap3A_2958 = arith.constant 7 : i32
      %swap3A_2959 = arith.index_cast %swap3A_2958 : i32 to index
      %swap3A_2960 = arith.constant 96 : index
      %swap3A_2961 = tpu.vector_load %arg8[%swap3A_2959, %swap3A_2960] {strides = array<i32>} : memref<8x128xf32, #tpu.memory_space<vmem>>, vector<16xf32>,
      tpu.vector_store %arg8[%swap3A_2959, %swap3A_2960], %mul3A_2957 {strides = array<i32>} : memref<8x128xf32, #tpu.memory_space<vmem>>, vector<16xf32>,
      %get3A_2962 = arith.constant 7 : i32
      %get3A_2963 = arith.index_cast %get3A_2962 : i32 to index
      %get3A_2964 = arith.constant 112 : index
      %get3A_2965 = tpu.vector_load %arg8[%get3A_2963, %get3A_2964] {strides = array<i32>} : memref<8x128xf32, #tpu.memory_space<vmem>>, vector<16xf32>,
      %add3A_2966 = arith.constant 1.000000e+00 : f32
      %add3A_2967 = vector.broadcast %add3A_2966 : f32 to vector<16xf32>
      %add3A_2968 = arith.addf %add3A_2967, %get3A_2965 : vector<16xf32>
      %bitcast3A_2969 = vector.bitcast %add3A_2968 : vector<16xf32> to vector<16xi32>
      %shift_right_arithmetic3A_2970 = arith.constant 1 : i32
      %shift_right_arithmetic3A_2971 = vector.broadcast %shift_right_arithmetic3A_2970 : i32 to vector<16xi32>
      %shift_right_arithmetic3A_2972 = arith.shrsi %bitcast3A_2969, %shift_right_arithmetic3A_2971 : vector<16xi32>
      %sub3A_2973 = arith.constant 1597463007 : i32
      %sub3A_2974 = vector.broadcast %sub3A_2973 : i32 to vector<16xi32>
      %sub3A_2975 = arith.subi %sub3A_2974, %shift_right_arithmetic3A_2972 : vector<16xi32>
      %bitcast3A_2976 = vector.bitcast %sub3A_2975 : vector<16xi32> to vector<16xf32>
      %mul3A_2977 = arith.constant 5.000000e-01 : f32
      %mul3A_2978 = vector.broadcast %mul3A_2977 : f32 to vector<16xf32>
      %mul3A_2979 = arith.mulf %mul3A_2978, %add3A_2968 : vector<16xf32>
      %mul3A_2980 = arith.mulf %mul3A_2979, %bitcast3A_2976 : vector<16xf32>
      %mul3A_2981 = arith.mulf %mul3A_2980, %bitcast3A_2976 : vector<16xf32>
      %sub3A_2982 = arith.constant 1.500000e+00 : f32
      %sub3A_2983 = vector.broadcast %sub3A_2982 : f32 to vector<16xf32>
      %sub3A_2984 = arith.subf %sub3A_2983, %mul3A_2981 : vector<16xf32>
      %mul3A_2985 = arith.mulf %bitcast3A_2976, %sub3A_2984 : vector<16xf32>
      %mul3A_2986 = arith.constant 5.000000e-01 : f32
      %mul3A_2987 = vector.broadcast %mul3A_2986 : f32 to vector<16xf32>
      %mul3A_2988 = arith.mulf %mul3A_2987, %add3A_2968 : vector<16xf32>
      %mul3A_2989 = arith.mulf %mul3A_2988, %mul3A_2985 : vector<16xf32>
      %mul3A_2990 = arith.mulf %mul3A_2989, %mul3A_2985 : vector<16xf32>
      %sub3A_2991 = arith.constant 1.500000e+00 : f32
      %sub3A_2992 = vector.broadcast %sub3A_2991 : f32 to vector<16xf32>
      %sub3A_2993 = arith.subf %sub3A_2992, %mul3A_2990 : vector<16xf32>
      %mul3A_2994 = arith.mulf %mul3A_2985, %sub3A_2993 : vector<16xf32>
      %mul3A_2995 = arith.constant 5.000000e-01 : f32
      %mul3A_2996 = vector.broadcast %mul3A_2995 : f32 to vector<16xf32>
      %mul3A_2997 = arith.mulf %mul3A_2996, %add3A_2968 : vector<16xf32>
      %mul3A_2998 = arith.mulf %mul3A_2997, %mul3A_2994 : vector<16xf32>
      %mul3A_2999 = arith.mulf %mul3A_2998, %mul3A_2994 : vector<16xf32>
      %sub3A_3000 = arith.constant 1.500000e+00 : f32
      %sub3A_3001 = vector.broadcast %sub3A_3000 : f32 to vector<16xf32>
      %sub3A_3002 = arith.subf %sub3A_3001, %mul3A_2999 : vector<16xf32>
      %mul3A_3003 = arith.mulf %mul3A_2994, %sub3A_3002 : vector<16xf32>
      %swap3A_3004 = arith.constant 7 : i32
      %swap3A_3005 = arith.index_cast %swap3A_3004 : i32 to index
      %swap3A_3006 = arith.constant 112 : index
      %swap3A_3007 = tpu.vector_load %arg8[%swap3A_3005, %swap3A_3006] {strides = array<i32>} : memref<8x128xf32, #tpu.memory_space<vmem>>, vector<16xf32>,
      tpu.vector_store %arg8[%swap3A_3005, %swap3A_3006], %mul3A_3003 {strides = array<i32>} : memref<8x128xf32, #tpu.memory_space<vmem>>, vector<16xf32>,
      "tpu.region"() ({
        %run_scoped3A = tpu.sem_alloc : memref<!tpu.dma_semaphore, #tpu.memory_space<semaphore_mem>>
        %dma_start3A = arith.constant 0 : i32
        %dma_start3A_3008 = tpu.memref_slice %arg4[%mul3A_0, %dma_start3A] : memref<128x128xf32, #tpu.memory_space<hbm>> -> memref<8x128xf32, #tpu.memory_space<hbm>>
        %dma_start3A_3009 = arith.constant 0 : i32
        %dma_start3A_3010 = tpu.memref_slice %arg4[%mul3A_0, %dma_start3A_3009] : memref<128x128xf32, #tpu.memory_space<hbm>> -> memref<8x128xf32, #tpu.memory_space<hbm>>
        tpu.enqueue_dma source(%arg8 : memref<8x128xf32, #tpu.memory_space<vmem>>) target(%dma_start3A_3010 : memref<8x128xf32, #tpu.memory_space<hbm>>) target_semaphore(%run_scoped3A : memref<!tpu.dma_semaphore, #tpu.memory_space<semaphore_mem>>)
        %dma_wait3A = arith.constant 0 : i32
        %dma_wait3A_3011 = tpu.memref_slice %arg4[%mul3A_0, %dma_wait3A] : memref<128x128xf32, #tpu.memory_space<hbm>> -> memref<8x128xf32, #tpu.memory_space<hbm>>
        %dma_wait3A_3012 = arith.constant 0 : i32
        %dma_wait3A_3013 = tpu.memref_slice %arg4[%mul3A_0, %dma_wait3A_3012] : memref<128x128xf32, #tpu.memory_space<hbm>> -> memref<8x128xf32, #tpu.memory_space<hbm>>
        tpu.wait_dma2 semaphore(%run_scoped3A : memref<!tpu.dma_semaphore, #tpu.memory_space<semaphore_mem>>) src(%arg8 : memref<8x128xf32, #tpu.memory_space<vmem>>) dst(%dma_wait3A_3013 : memref<8x128xf32, #tpu.memory_space<hbm>>)
        tpu.yield
      }) : () -> ()
    } else {
    }
    return
  }
}

#map = affine_map<(d0, d1) -> (0, 0)>
module attributes {stable_mosaic.version = 14 : i64} {
  func.func @_msg_body(%arg0: i32, %arg1: i32, %arg2: memref<10240x128xbf16, #tpu.memory_space<hbm>>, %arg3: memref<2560x128xi32, #tpu.memory_space<hbm>>, %arg4: memref<2560x128xi32, #tpu.memory_space<hbm>>, %arg5: memref<128x128xbf16, #tpu.memory_space<hbm>>, %arg6: memref<20480x128xbf16, #tpu.memory_space<hbm>>, %arg7: memref<80x128xi32, #tpu.memory_space<vmem>>, %arg8: memref<80x128xi32, #tpu.memory_space<vmem>>, %arg9: memref<2x128x128xbf16, #tpu.memory_space<vmem>>, %arg10: memref<2x!tpu.dma_semaphore, #tpu.memory_space<semaphore_mem>>, %arg11: memref<10240x128xbf16, #tpu.memory_space<vmem_shared>>, %arg12: memref<10240x128xbf16, #tpu.memory_space<vmem_shared>>) attributes {dimension_semantics = [#tpu.dimension_semantics<core_parallel>, #tpu.dimension_semantics<subcore_parallel>], iteration_bounds = array<i64: 2, 16>, scalar_prefetch = 0 : i64, scratch_operands = 6 : i64, tpu.core_type = #tpu.core_type<sc_vector_subcore>, window_params = [{transform_indices = #map}, {transform_indices = #map}, {transform_indices = #map}, {transform_indices = #map}, {transform_indices = #map}]} {
    %mul3A = arith.constant 2 : i32
    %mul3A_0 = arith.muli %arg1, %mul3A : i32
    %add3A = arith.addi %mul3A_0, %arg0 : i32
    %mul3A_1 = arith.constant 640 : i32
    %mul3A_2 = arith.muli %arg1, %mul3A_1 : i32
    %add3A_3 = arith.constant 0 : i32
    %add3A_4 = arith.addi %mul3A_2, %add3A_3 : i32
    "tpu.region"() ({
      %run_scoped3A = tpu.sem_alloc : memref<!tpu.dma_semaphore, #tpu.memory_space<semaphore_mem>>
      %dma_start3A_57 = arith.constant 0 : i32
      %dma_start3A_58 = tpu.memref_slice %arg12[%add3A_4, %dma_start3A_57] : memref<10240x128xbf16, #tpu.memory_space<vmem_shared>> -> memref<128x128xbf16, #tpu.memory_space<vmem_shared>>
      tpu.enqueue_dma source(%arg5 : memref<128x128xbf16, #tpu.memory_space<hbm>>) target(%dma_start3A_58 : memref<128x128xbf16, #tpu.memory_space<vmem_shared>>) target_semaphore(%run_scoped3A : memref<!tpu.dma_semaphore, #tpu.memory_space<semaphore_mem>>)
      %dma_wait3A = arith.constant 0 : i32
      %dma_wait3A_59 = tpu.memref_slice %arg12[%add3A_4, %dma_wait3A] : memref<10240x128xbf16, #tpu.memory_space<vmem_shared>> -> memref<128x128xbf16, #tpu.memory_space<vmem_shared>>
      tpu.wait_dma2 semaphore(%run_scoped3A : memref<!tpu.dma_semaphore, #tpu.memory_space<semaphore_mem>>) src(%arg5 : memref<128x128xbf16, #tpu.memory_space<hbm>>) dst(%dma_wait3A_59 : memref<128x128xbf16, #tpu.memory_space<vmem_shared>>)
      tpu.yield
    }) : () -> ()
    %add3A_5 = arith.constant 128 : i32
    %add3A_6 = arith.addi %mul3A_2, %add3A_5 : i32
    "tpu.region"() ({
      %run_scoped3A = tpu.sem_alloc : memref<!tpu.dma_semaphore, #tpu.memory_space<semaphore_mem>>
      %dma_start3A_57 = arith.constant 0 : i32
      %dma_start3A_58 = tpu.memref_slice %arg12[%add3A_6, %dma_start3A_57] : memref<10240x128xbf16, #tpu.memory_space<vmem_shared>> -> memref<128x128xbf16, #tpu.memory_space<vmem_shared>>
      tpu.enqueue_dma source(%arg5 : memref<128x128xbf16, #tpu.memory_space<hbm>>) target(%dma_start3A_58 : memref<128x128xbf16, #tpu.memory_space<vmem_shared>>) target_semaphore(%run_scoped3A : memref<!tpu.dma_semaphore, #tpu.memory_space<semaphore_mem>>)
      %dma_wait3A = arith.constant 0 : i32
      %dma_wait3A_59 = tpu.memref_slice %arg12[%add3A_6, %dma_wait3A] : memref<10240x128xbf16, #tpu.memory_space<vmem_shared>> -> memref<128x128xbf16, #tpu.memory_space<vmem_shared>>
      tpu.wait_dma2 semaphore(%run_scoped3A : memref<!tpu.dma_semaphore, #tpu.memory_space<semaphore_mem>>) src(%arg5 : memref<128x128xbf16, #tpu.memory_space<hbm>>) dst(%dma_wait3A_59 : memref<128x128xbf16, #tpu.memory_space<vmem_shared>>)
      tpu.yield
    }) : () -> ()
    %add3A_7 = arith.constant 256 : i32
    %add3A_8 = arith.addi %mul3A_2, %add3A_7 : i32
    "tpu.region"() ({
      %run_scoped3A = tpu.sem_alloc : memref<!tpu.dma_semaphore, #tpu.memory_space<semaphore_mem>>
      %dma_start3A_57 = arith.constant 0 : i32
      %dma_start3A_58 = tpu.memref_slice %arg12[%add3A_8, %dma_start3A_57] : memref<10240x128xbf16, #tpu.memory_space<vmem_shared>> -> memref<128x128xbf16, #tpu.memory_space<vmem_shared>>
      tpu.enqueue_dma source(%arg5 : memref<128x128xbf16, #tpu.memory_space<hbm>>) target(%dma_start3A_58 : memref<128x128xbf16, #tpu.memory_space<vmem_shared>>) target_semaphore(%run_scoped3A : memref<!tpu.dma_semaphore, #tpu.memory_space<semaphore_mem>>)
      %dma_wait3A = arith.constant 0 : i32
      %dma_wait3A_59 = tpu.memref_slice %arg12[%add3A_8, %dma_wait3A] : memref<10240x128xbf16, #tpu.memory_space<vmem_shared>> -> memref<128x128xbf16, #tpu.memory_space<vmem_shared>>
      tpu.wait_dma2 semaphore(%run_scoped3A : memref<!tpu.dma_semaphore, #tpu.memory_space<semaphore_mem>>) src(%arg5 : memref<128x128xbf16, #tpu.memory_space<hbm>>) dst(%dma_wait3A_59 : memref<128x128xbf16, #tpu.memory_space<vmem_shared>>)
      tpu.yield
    }) : () -> ()
    %add3A_9 = arith.constant 384 : i32
    %add3A_10 = arith.addi %mul3A_2, %add3A_9 : i32
    "tpu.region"() ({
      %run_scoped3A = tpu.sem_alloc : memref<!tpu.dma_semaphore, #tpu.memory_space<semaphore_mem>>
      %dma_start3A_57 = arith.constant 0 : i32
      %dma_start3A_58 = tpu.memref_slice %arg12[%add3A_10, %dma_start3A_57] : memref<10240x128xbf16, #tpu.memory_space<vmem_shared>> -> memref<128x128xbf16, #tpu.memory_space<vmem_shared>>
      tpu.enqueue_dma source(%arg5 : memref<128x128xbf16, #tpu.memory_space<hbm>>) target(%dma_start3A_58 : memref<128x128xbf16, #tpu.memory_space<vmem_shared>>) target_semaphore(%run_scoped3A : memref<!tpu.dma_semaphore, #tpu.memory_space<semaphore_mem>>)
      %dma_wait3A = arith.constant 0 : i32
      %dma_wait3A_59 = tpu.memref_slice %arg12[%add3A_10, %dma_wait3A] : memref<10240x128xbf16, #tpu.memory_space<vmem_shared>> -> memref<128x128xbf16, #tpu.memory_space<vmem_shared>>
      tpu.wait_dma2 semaphore(%run_scoped3A : memref<!tpu.dma_semaphore, #tpu.memory_space<semaphore_mem>>) src(%arg5 : memref<128x128xbf16, #tpu.memory_space<hbm>>) dst(%dma_wait3A_59 : memref<128x128xbf16, #tpu.memory_space<vmem_shared>>)
      tpu.yield
    }) : () -> ()
    %add3A_11 = arith.constant 512 : i32
    %add3A_12 = arith.addi %mul3A_2, %add3A_11 : i32
    "tpu.region"() ({
      %run_scoped3A = tpu.sem_alloc : memref<!tpu.dma_semaphore, #tpu.memory_space<semaphore_mem>>
      %dma_start3A_57 = arith.constant 0 : i32
      %dma_start3A_58 = tpu.memref_slice %arg12[%add3A_12, %dma_start3A_57] : memref<10240x128xbf16, #tpu.memory_space<vmem_shared>> -> memref<128x128xbf16, #tpu.memory_space<vmem_shared>>
      tpu.enqueue_dma source(%arg5 : memref<128x128xbf16, #tpu.memory_space<hbm>>) target(%dma_start3A_58 : memref<128x128xbf16, #tpu.memory_space<vmem_shared>>) target_semaphore(%run_scoped3A : memref<!tpu.dma_semaphore, #tpu.memory_space<semaphore_mem>>)
      %dma_wait3A = arith.constant 0 : i32
      %dma_wait3A_59 = tpu.memref_slice %arg12[%add3A_12, %dma_wait3A] : memref<10240x128xbf16, #tpu.memory_space<vmem_shared>> -> memref<128x128xbf16, #tpu.memory_space<vmem_shared>>
      tpu.wait_dma2 semaphore(%run_scoped3A : memref<!tpu.dma_semaphore, #tpu.memory_space<semaphore_mem>>) src(%arg5 : memref<128x128xbf16, #tpu.memory_space<hbm>>) dst(%dma_wait3A_59 : memref<128x128xbf16, #tpu.memory_space<vmem_shared>>)
      tpu.yield
    }) : () -> ()
    "tpu.region"() ({
      %run_scoped3A = tpu.sem_alloc : memref<!tpu.dma_semaphore, #tpu.memory_space<semaphore_mem>>
      %dma_start3A_57 = arith.constant 0 : i32
      %dma_start3A_58 = tpu.memref_slice %arg11[%mul3A_2, %dma_start3A_57] : memref<10240x128xbf16, #tpu.memory_space<vmem_shared>> -> memref<640x128xbf16, #tpu.memory_space<vmem_shared>>
      %dma_start3A_59 = arith.constant 0 : i32
      %dma_start3A_60 = tpu.memref_slice %arg2[%mul3A_2, %dma_start3A_59] : memref<10240x128xbf16, #tpu.memory_space<hbm>> -> memref<640x128xbf16, #tpu.memory_space<hbm>>
      tpu.enqueue_dma source(%dma_start3A_60 : memref<640x128xbf16, #tpu.memory_space<hbm>>) target(%dma_start3A_58 : memref<640x128xbf16, #tpu.memory_space<vmem_shared>>) target_semaphore(%run_scoped3A : memref<!tpu.dma_semaphore, #tpu.memory_space<semaphore_mem>>)
      %dma_wait3A = arith.constant 0 : i32
      %dma_wait3A_61 = tpu.memref_slice %arg11[%mul3A_2, %dma_wait3A] : memref<10240x128xbf16, #tpu.memory_space<vmem_shared>> -> memref<640x128xbf16, #tpu.memory_space<vmem_shared>>
      %dma_wait3A_62 = arith.constant 0 : i32
      %dma_wait3A_63 = tpu.memref_slice %arg2[%mul3A_2, %dma_wait3A_62] : memref<10240x128xbf16, #tpu.memory_space<hbm>> -> memref<640x128xbf16, #tpu.memory_space<hbm>>
      tpu.wait_dma2 semaphore(%run_scoped3A : memref<!tpu.dma_semaphore, #tpu.memory_space<semaphore_mem>>) src(%dma_wait3A_63 : memref<640x128xbf16, #tpu.memory_space<hbm>>) dst(%dma_wait3A_61 : memref<640x128xbf16, #tpu.memory_space<vmem_shared>>)
      tpu.yield
    }) : () -> ()
    %barrier3A = arith.constant 0 : index
    tpu.barrier barrier_id(%barrier3A)
    %mul3A_13 = arith.constant 80 : i32
    %mul3A_14 = arith.muli %add3A, %mul3A_13 : i32
    %add3A_15 = arith.constant 0 : i32
    %add3A_16 = arith.addi %mul3A_14, %add3A_15 : i32
    "tpu.region"() ({
      %run_scoped3A = tpu.sem_alloc : memref<!tpu.dma_semaphore, #tpu.memory_space<semaphore_mem>>
      %dma_start3A_57 = arith.constant 0 : i32
      %dma_start3A_58 = tpu.memref_slice %arg3[%add3A_16, %dma_start3A_57] : memref<2560x128xi32, #tpu.memory_space<hbm>> -> memref<80x128xi32, #tpu.memory_space<hbm>>
      %dma_start3A_59 = arith.constant 0 : i32
      %dma_start3A_60 = tpu.memref_slice %arg3[%add3A_16, %dma_start3A_59] : memref<2560x128xi32, #tpu.memory_space<hbm>> -> memref<80x128xi32, #tpu.memory_space<hbm>>
      tpu.enqueue_dma source(%dma_start3A_60 : memref<80x128xi32, #tpu.memory_space<hbm>>) target(%arg7 : memref<80x128xi32, #tpu.memory_space<vmem>>) target_semaphore(%run_scoped3A : memref<!tpu.dma_semaphore, #tpu.memory_space<semaphore_mem>>)
      %dma_wait3A = arith.constant 0 : i32
      %dma_wait3A_61 = tpu.memref_slice %arg3[%add3A_16, %dma_wait3A] : memref<2560x128xi32, #tpu.memory_space<hbm>> -> memref<80x128xi32, #tpu.memory_space<hbm>>
      %dma_wait3A_62 = arith.constant 0 : i32
      %dma_wait3A_63 = tpu.memref_slice %arg3[%add3A_16, %dma_wait3A_62] : memref<2560x128xi32, #tpu.memory_space<hbm>> -> memref<80x128xi32, #tpu.memory_space<hbm>>
      tpu.wait_dma2 semaphore(%run_scoped3A : memref<!tpu.dma_semaphore, #tpu.memory_space<semaphore_mem>>) src(%dma_wait3A_63 : memref<80x128xi32, #tpu.memory_space<hbm>>) dst(%arg7 : memref<80x128xi32, #tpu.memory_space<vmem>>)
      tpu.yield
    }) : () -> ()
    "tpu.region"() ({
      %run_scoped3A = tpu.sem_alloc : memref<!tpu.dma_semaphore, #tpu.memory_space<semaphore_mem>>
      %dma_start3A_57 = arith.constant 0 : i32
      %dma_start3A_58 = tpu.memref_slice %arg4[%add3A_16, %dma_start3A_57] : memref<2560x128xi32, #tpu.memory_space<hbm>> -> memref<80x128xi32, #tpu.memory_space<hbm>>
      %dma_start3A_59 = arith.constant 0 : i32
      %dma_start3A_60 = tpu.memref_slice %arg4[%add3A_16, %dma_start3A_59] : memref<2560x128xi32, #tpu.memory_space<hbm>> -> memref<80x128xi32, #tpu.memory_space<hbm>>
      tpu.enqueue_dma source(%dma_start3A_60 : memref<80x128xi32, #tpu.memory_space<hbm>>) target(%arg8 : memref<80x128xi32, #tpu.memory_space<vmem>>) target_semaphore(%run_scoped3A : memref<!tpu.dma_semaphore, #tpu.memory_space<semaphore_mem>>)
      %dma_wait3A = arith.constant 0 : i32
      %dma_wait3A_61 = tpu.memref_slice %arg4[%add3A_16, %dma_wait3A] : memref<2560x128xi32, #tpu.memory_space<hbm>> -> memref<80x128xi32, #tpu.memory_space<hbm>>
      %dma_wait3A_62 = arith.constant 0 : i32
      %dma_wait3A_63 = tpu.memref_slice %arg4[%add3A_16, %dma_wait3A_62] : memref<2560x128xi32, #tpu.memory_space<hbm>> -> memref<80x128xi32, #tpu.memory_space<hbm>>
      tpu.wait_dma2 semaphore(%run_scoped3A : memref<!tpu.dma_semaphore, #tpu.memory_space<semaphore_mem>>) src(%dma_wait3A_63 : memref<80x128xi32, #tpu.memory_space<hbm>>) dst(%arg8 : memref<80x128xi32, #tpu.memory_space<vmem>>)
      tpu.yield
    }) : () -> ()
    %dma_start3A = arith.constant 0 : i32
    %dma_start3A_17 = arith.constant 0 : i32
    %dma_start3A_18 = arith.constant 0 : i32
    %dma_start3A_19 = arith.constant 0 : i32
    %dma_start3A_20 = arith.constant 0 : i32
    %dma_start3A_21 = tpu.memref_slice %arg9[%dma_start3A_17, %dma_start3A_19, %dma_start3A_20] : memref<2x128x128xbf16, #tpu.memory_space<vmem>> -> memref<1x128x128xbf16, #tpu.memory_space<vmem>>
    %dma_start3A_22 = tpu.memref_squeeze %dma_start3A_21 : memref<1x128x128xbf16, #tpu.memory_space<vmem>> -> memref<128x128xbf16, #tpu.memory_space<vmem>>
    %dma_start3A_23 = arith.constant 0 : i32
    %dma_start3A_24 = tpu.memref_slice %arg7[%dma_start3A, %dma_start3A_23] : memref<80x128xi32, #tpu.memory_space<vmem>> -> memref<1x128xi32, #tpu.memory_space<vmem>>
    %dma_start3A_25 = tpu.memref_squeeze %dma_start3A_24 : memref<1x128xi32, #tpu.memory_space<vmem>> -> memref<128xi32, #tpu.memory_space<vmem>>
    %dma_start3A_26 = arith.constant 0 : i32
    %dma_start3A_27 = arith.constant 0 : i32
    %dma_start3A_28 = tpu.memref_slice %arg11[%dma_start3A_26, %dma_start3A_27] : memref<10240x128xbf16, #tpu.memory_space<vmem_shared>> -> memref<10240x128xbf16, #tpu.memory_space<vmem_shared>>
    %dma_start3A_29 = tpu.memref_slice %arg10[%dma_start3A_18] : memref<2x!tpu.dma_semaphore, #tpu.memory_space<semaphore_mem>> -> memref<1x!tpu.dma_semaphore, #tpu.memory_space<semaphore_mem>>
    %dma_start3A_30 = tpu.memref_squeeze %dma_start3A_29 : memref<1x!tpu.dma_semaphore, #tpu.memory_space<semaphore_mem>> -> memref<!tpu.dma_semaphore, #tpu.memory_space<semaphore_mem>>
    tpu.enqueue_indirect_dma source(%dma_start3A_28 : memref<10240x128xbf16, #tpu.memory_space<vmem_shared>>) target(%dma_start3A_22 : memref<128x128xbf16, #tpu.memory_space<vmem>>) offsets(%dma_start3A_25 : memref<128xi32, #tpu.memory_space<vmem>>) semaphore(%dma_start3A_30 : memref<!tpu.dma_semaphore, #tpu.memory_space<semaphore_mem>>)
    %dma_start3A_31 = arith.constant 1 : i32
    %dma_start3A_32 = arith.constant 1 : i32
    %dma_start3A_33 = arith.constant 1 : i32
    %dma_start3A_34 = arith.constant 0 : i32
    %dma_start3A_35 = arith.constant 0 : i32
    %dma_start3A_36 = tpu.memref_slice %arg9[%dma_start3A_32, %dma_start3A_34, %dma_start3A_35] : memref<2x128x128xbf16, #tpu.memory_space<vmem>> -> memref<1x128x128xbf16, #tpu.memory_space<vmem>>
    %dma_start3A_37 = tpu.memref_squeeze %dma_start3A_36 : memref<1x128x128xbf16, #tpu.memory_space<vmem>> -> memref<128x128xbf16, #tpu.memory_space<vmem>>
    %dma_start3A_38 = arith.constant 0 : i32
    %dma_start3A_39 = tpu.memref_slice %arg7[%dma_start3A_31, %dma_start3A_38] : memref<80x128xi32, #tpu.memory_space<vmem>> -> memref<1x128xi32, #tpu.memory_space<vmem>>
    %dma_start3A_40 = tpu.memref_squeeze %dma_start3A_39 : memref<1x128xi32, #tpu.memory_space<vmem>> -> memref<128xi32, #tpu.memory_space<vmem>>
    %dma_start3A_41 = arith.constant 0 : i32
    %dma_start3A_42 = arith.constant 0 : i32
    %dma_start3A_43 = tpu.memref_slice %arg11[%dma_start3A_41, %dma_start3A_42] : memref<10240x128xbf16, #tpu.memory_space<vmem_shared>> -> memref<10240x128xbf16, #tpu.memory_space<vmem_shared>>
    %dma_start3A_44 = tpu.memref_slice %arg10[%dma_start3A_33] : memref<2x!tpu.dma_semaphore, #tpu.memory_space<semaphore_mem>> -> memref<1x!tpu.dma_semaphore, #tpu.memory_space<semaphore_mem>>
    %dma_start3A_45 = tpu.memref_squeeze %dma_start3A_44 : memref<1x!tpu.dma_semaphore, #tpu.memory_space<semaphore_mem>> -> memref<!tpu.dma_semaphore, #tpu.memory_space<semaphore_mem>>
    tpu.enqueue_indirect_dma source(%dma_start3A_43 : memref<10240x128xbf16, #tpu.memory_space<vmem_shared>>) target(%dma_start3A_37 : memref<128x128xbf16, #tpu.memory_space<vmem>>) offsets(%dma_start3A_40 : memref<128xi32, #tpu.memory_space<vmem>>) semaphore(%dma_start3A_45 : memref<!tpu.dma_semaphore, #tpu.memory_space<semaphore_mem>>)
    %scan3A = arith.constant 0 : i32
    %scan3A_46 = arith.constant 0 : i32
    %scan3A_47 = arith.constant 40 : i32
    %scan3A_48 = arith.addi %scan3A_46, %scan3A_47 : i32
    %scan3A_49 = arith.constant 1 : i32
    scf.for %scan3A_57 = %scan3A_46 to %scan3A_48 step %scan3A_49  : i32 {
      %mul3A_58 = arith.constant 2 : i32
      %mul3A_59 = arith.muli %scan3A_57, %mul3A_58 : i32
      %add3A_60 = arith.constant 0 : i32
      %add3A_61 = arith.addi %mul3A_59, %add3A_60 : i32
      %dma_wait3A = arith.constant 0 : i32
      %dma_wait3A_62 = arith.constant 0 : i32
      %dma_wait3A_63 = arith.constant 0 : i32
      %dma_wait3A_64 = arith.constant 0 : i32
      %dma_wait3A_65 = tpu.memref_slice %arg9[%dma_wait3A, %dma_wait3A_63, %dma_wait3A_64] : memref<2x128x128xbf16, #tpu.memory_space<vmem>> -> memref<1x128x128xbf16, #tpu.memory_space<vmem>>
      %dma_wait3A_66 = tpu.memref_squeeze %dma_wait3A_65 : memref<1x128x128xbf16, #tpu.memory_space<vmem>> -> memref<128x128xbf16, #tpu.memory_space<vmem>>
      %dma_wait3A_67 = arith.constant 0 : i32
      %dma_wait3A_68 = tpu.memref_slice %arg7[%add3A_61, %dma_wait3A_67] : memref<80x128xi32, #tpu.memory_space<vmem>> -> memref<1x128xi32, #tpu.memory_space<vmem>>
      %dma_wait3A_69 = tpu.memref_squeeze %dma_wait3A_68 : memref<1x128xi32, #tpu.memory_space<vmem>> -> memref<128xi32, #tpu.memory_space<vmem>>
      %dma_wait3A_70 = arith.constant 0 : i32
      %dma_wait3A_71 = arith.constant 0 : i32
      %dma_wait3A_72 = tpu.memref_slice %arg11[%dma_wait3A_70, %dma_wait3A_71] : memref<10240x128xbf16, #tpu.memory_space<vmem_shared>> -> memref<10240x128xbf16, #tpu.memory_space<vmem_shared>>
      %dma_wait3A_73 = tpu.memref_slice %arg10[%dma_wait3A_62] : memref<2x!tpu.dma_semaphore, #tpu.memory_space<semaphore_mem>> -> memref<1x!tpu.dma_semaphore, #tpu.memory_space<semaphore_mem>>
      %dma_wait3A_74 = tpu.memref_squeeze %dma_wait3A_73 : memref<1x!tpu.dma_semaphore, #tpu.memory_space<semaphore_mem>> -> memref<!tpu.dma_semaphore, #tpu.memory_space<semaphore_mem>>
      tpu.wait_indirect_dma semaphore(%dma_wait3A_74 : memref<!tpu.dma_semaphore, #tpu.memory_space<semaphore_mem>>) src(%dma_wait3A_72 : memref<10240x128xbf16, #tpu.memory_space<vmem_shared>>) dst(%dma_wait3A_66 : memref<128x128xbf16, #tpu.memory_space<vmem>>)
      %run_scoped3A = arith.constant 0 : i32
      "tpu.region"() ({
        %run_scoped3A_105 = tpu.sem_alloc : memref<!tpu.dma_semaphore, #tpu.memory_space<semaphore_mem>>
        %dma_start3A_106 = arith.constant 0 : i32
        %dma_start3A_107 = arith.constant 0 : i32
        %dma_start3A_108 = tpu.memref_slice %arg9[%run_scoped3A, %dma_start3A_106, %dma_start3A_107] : memref<2x128x128xbf16, #tpu.memory_space<vmem>> -> memref<1x128x128xbf16, #tpu.memory_space<vmem>>
        %dma_start3A_109 = tpu.memref_squeeze %dma_start3A_108 : memref<1x128x128xbf16, #tpu.memory_space<vmem>> -> memref<128x128xbf16, #tpu.memory_space<vmem>>
        %dma_start3A_110 = arith.constant 0 : i32
        %dma_start3A_111 = tpu.memref_slice %arg8[%add3A_61, %dma_start3A_110] : memref<80x128xi32, #tpu.memory_space<vmem>> -> memref<1x128xi32, #tpu.memory_space<vmem>>
        %dma_start3A_112 = tpu.memref_squeeze %dma_start3A_111 : memref<1x128xi32, #tpu.memory_space<vmem>> -> memref<128xi32, #tpu.memory_space<vmem>>
        %dma_start3A_113 = arith.constant 0 : i32
        %dma_start3A_114 = arith.constant 0 : i32
        %dma_start3A_115 = tpu.memref_slice %arg12[%dma_start3A_113, %dma_start3A_114] : memref<10240x128xbf16, #tpu.memory_space<vmem_shared>> -> memref<10240x128xbf16, #tpu.memory_space<vmem_shared>>
        tpu.enqueue_indirect_dma source(%dma_start3A_109 : memref<128x128xbf16, #tpu.memory_space<vmem>>) target(%dma_start3A_115 : memref<10240x128xbf16, #tpu.memory_space<vmem_shared>>) offsets(%dma_start3A_112 : memref<128xi32, #tpu.memory_space<vmem>>) semaphore(%run_scoped3A_105 : memref<!tpu.dma_semaphore, #tpu.memory_space<semaphore_mem>>) {add = true}
        %dma_wait3A_116 = arith.constant 0 : i32
        %dma_wait3A_117 = arith.constant 0 : i32
        %dma_wait3A_118 = tpu.memref_slice %arg9[%run_scoped3A, %dma_wait3A_116, %dma_wait3A_117] : memref<2x128x128xbf16, #tpu.memory_space<vmem>> -> memref<1x128x128xbf16, #tpu.memory_space<vmem>>
        %dma_wait3A_119 = tpu.memref_squeeze %dma_wait3A_118 : memref<1x128x128xbf16, #tpu.memory_space<vmem>> -> memref<128x128xbf16, #tpu.memory_space<vmem>>
        %dma_wait3A_120 = arith.constant 0 : i32
        %dma_wait3A_121 = tpu.memref_slice %arg8[%add3A_61, %dma_wait3A_120] : memref<80x128xi32, #tpu.memory_space<vmem>> -> memref<1x128xi32, #tpu.memory_space<vmem>>
        %dma_wait3A_122 = tpu.memref_squeeze %dma_wait3A_121 : memref<1x128xi32, #tpu.memory_space<vmem>> -> memref<128xi32, #tpu.memory_space<vmem>>
        %dma_wait3A_123 = arith.constant 0 : i32
        %dma_wait3A_124 = arith.constant 0 : i32
        %dma_wait3A_125 = tpu.memref_slice %arg12[%dma_wait3A_123, %dma_wait3A_124] : memref<10240x128xbf16, #tpu.memory_space<vmem_shared>> -> memref<10240x128xbf16, #tpu.memory_space<vmem_shared>>
        tpu.wait_indirect_dma semaphore(%run_scoped3A_105 : memref<!tpu.dma_semaphore, #tpu.memory_space<semaphore_mem>>) src(%dma_wait3A_119 : memref<128x128xbf16, #tpu.memory_space<vmem>>) dst(%dma_wait3A_125 : memref<10240x128xbf16, #tpu.memory_space<vmem_shared>>)
        tpu.yield
      }) : () -> ()
      %add3A_75 = arith.constant 2 : i32
      %add3A_76 = arith.addi %add3A_61, %add3A_75 : i32
      %lt3A = arith.constant 80 : i32
      %lt3A_77 = arith.cmpi slt, %add3A_76, %lt3A : i32
      %convert_element_type3A = arith.extui %lt3A_77 : i1 to i32
      %cond3A = arith.constant 0 : i32
      %cond3A_78 = arith.cmpi ne, %convert_element_type3A, %cond3A : i32
      scf.if %cond3A_78 {
        %dma_start3A_105 = arith.constant 0 : i32
        %dma_start3A_106 = arith.constant 0 : i32
        %dma_start3A_107 = arith.constant 0 : i32
        %dma_start3A_108 = arith.constant 0 : i32
        %dma_start3A_109 = tpu.memref_slice %arg9[%dma_start3A_105, %dma_start3A_107, %dma_start3A_108] : memref<2x128x128xbf16, #tpu.memory_space<vmem>> -> memref<1x128x128xbf16, #tpu.memory_space<vmem>>
        %dma_start3A_110 = tpu.memref_squeeze %dma_start3A_109 : memref<1x128x128xbf16, #tpu.memory_space<vmem>> -> memref<128x128xbf16, #tpu.memory_space<vmem>>
        %dma_start3A_111 = arith.constant 0 : i32
        %dma_start3A_112 = tpu.memref_slice %arg7[%add3A_76, %dma_start3A_111] : memref<80x128xi32, #tpu.memory_space<vmem>> -> memref<1x128xi32, #tpu.memory_space<vmem>>
        %dma_start3A_113 = tpu.memref_squeeze %dma_start3A_112 : memref<1x128xi32, #tpu.memory_space<vmem>> -> memref<128xi32, #tpu.memory_space<vmem>>
        %dma_start3A_114 = arith.constant 0 : i32
        %dma_start3A_115 = arith.constant 0 : i32
        %dma_start3A_116 = tpu.memref_slice %arg11[%dma_start3A_114, %dma_start3A_115] : memref<10240x128xbf16, #tpu.memory_space<vmem_shared>> -> memref<10240x128xbf16, #tpu.memory_space<vmem_shared>>
        %dma_start3A_117 = tpu.memref_slice %arg10[%dma_start3A_106] : memref<2x!tpu.dma_semaphore, #tpu.memory_space<semaphore_mem>> -> memref<1x!tpu.dma_semaphore, #tpu.memory_space<semaphore_mem>>
        %dma_start3A_118 = tpu.memref_squeeze %dma_start3A_117 : memref<1x!tpu.dma_semaphore, #tpu.memory_space<semaphore_mem>> -> memref<!tpu.dma_semaphore, #tpu.memory_space<semaphore_mem>>
        tpu.enqueue_indirect_dma source(%dma_start3A_116 : memref<10240x128xbf16, #tpu.memory_space<vmem_shared>>) target(%dma_start3A_110 : memref<128x128xbf16, #tpu.memory_space<vmem>>) offsets(%dma_start3A_113 : memref<128xi32, #tpu.memory_space<vmem>>) semaphore(%dma_start3A_118 : memref<!tpu.dma_semaphore, #tpu.memory_space<semaphore_mem>>)
      } else {
      }
      %mul3A_79 = arith.constant 2 : i32
      %mul3A_80 = arith.muli %scan3A_57, %mul3A_79 : i32
      %add3A_81 = arith.constant 1 : i32
      %add3A_82 = arith.addi %mul3A_80, %add3A_81 : i32
      %dma_wait3A_83 = arith.constant 1 : i32
      %dma_wait3A_84 = arith.constant 1 : i32
      %dma_wait3A_85 = arith.constant 0 : i32
      %dma_wait3A_86 = arith.constant 0 : i32
      %dma_wait3A_87 = tpu.memref_slice %arg9[%dma_wait3A_83, %dma_wait3A_85, %dma_wait3A_86] : memref<2x128x128xbf16, #tpu.memory_space<vmem>> -> memref<1x128x128xbf16, #tpu.memory_space<vmem>>
      %dma_wait3A_88 = tpu.memref_squeeze %dma_wait3A_87 : memref<1x128x128xbf16, #tpu.memory_space<vmem>> -> memref<128x128xbf16, #tpu.memory_space<vmem>>
      %dma_wait3A_89 = arith.constant 0 : i32
      %dma_wait3A_90 = tpu.memref_slice %arg7[%add3A_82, %dma_wait3A_89] : memref<80x128xi32, #tpu.memory_space<vmem>> -> memref<1x128xi32, #tpu.memory_space<vmem>>
      %dma_wait3A_91 = tpu.memref_squeeze %dma_wait3A_90 : memref<1x128xi32, #tpu.memory_space<vmem>> -> memref<128xi32, #tpu.memory_space<vmem>>
      %dma_wait3A_92 = arith.constant 0 : i32
      %dma_wait3A_93 = arith.constant 0 : i32
      %dma_wait3A_94 = tpu.memref_slice %arg11[%dma_wait3A_92, %dma_wait3A_93] : memref<10240x128xbf16, #tpu.memory_space<vmem_shared>> -> memref<10240x128xbf16, #tpu.memory_space<vmem_shared>>
      %dma_wait3A_95 = tpu.memref_slice %arg10[%dma_wait3A_84] : memref<2x!tpu.dma_semaphore, #tpu.memory_space<semaphore_mem>> -> memref<1x!tpu.dma_semaphore, #tpu.memory_space<semaphore_mem>>
      %dma_wait3A_96 = tpu.memref_squeeze %dma_wait3A_95 : memref<1x!tpu.dma_semaphore, #tpu.memory_space<semaphore_mem>> -> memref<!tpu.dma_semaphore, #tpu.memory_space<semaphore_mem>>
      tpu.wait_indirect_dma semaphore(%dma_wait3A_96 : memref<!tpu.dma_semaphore, #tpu.memory_space<semaphore_mem>>) src(%dma_wait3A_94 : memref<10240x128xbf16, #tpu.memory_space<vmem_shared>>) dst(%dma_wait3A_88 : memref<128x128xbf16, #tpu.memory_space<vmem>>)
      %run_scoped3A_97 = arith.constant 1 : i32
      "tpu.region"() ({
        %run_scoped3A_105 = tpu.sem_alloc : memref<!tpu.dma_semaphore, #tpu.memory_space<semaphore_mem>>
        %dma_start3A_106 = arith.constant 0 : i32
        %dma_start3A_107 = arith.constant 0 : i32
        %dma_start3A_108 = tpu.memref_slice %arg9[%run_scoped3A_97, %dma_start3A_106, %dma_start3A_107] : memref<2x128x128xbf16, #tpu.memory_space<vmem>> -> memref<1x128x128xbf16, #tpu.memory_space<vmem>>
        %dma_start3A_109 = tpu.memref_squeeze %dma_start3A_108 : memref<1x128x128xbf16, #tpu.memory_space<vmem>> -> memref<128x128xbf16, #tpu.memory_space<vmem>>
        %dma_start3A_110 = arith.constant 0 : i32
        %dma_start3A_111 = tpu.memref_slice %arg8[%add3A_82, %dma_start3A_110] : memref<80x128xi32, #tpu.memory_space<vmem>> -> memref<1x128xi32, #tpu.memory_space<vmem>>
        %dma_start3A_112 = tpu.memref_squeeze %dma_start3A_111 : memref<1x128xi32, #tpu.memory_space<vmem>> -> memref<128xi32, #tpu.memory_space<vmem>>
        %dma_start3A_113 = arith.constant 0 : i32
        %dma_start3A_114 = arith.constant 0 : i32
        %dma_start3A_115 = tpu.memref_slice %arg12[%dma_start3A_113, %dma_start3A_114] : memref<10240x128xbf16, #tpu.memory_space<vmem_shared>> -> memref<10240x128xbf16, #tpu.memory_space<vmem_shared>>
        tpu.enqueue_indirect_dma source(%dma_start3A_109 : memref<128x128xbf16, #tpu.memory_space<vmem>>) target(%dma_start3A_115 : memref<10240x128xbf16, #tpu.memory_space<vmem_shared>>) offsets(%dma_start3A_112 : memref<128xi32, #tpu.memory_space<vmem>>) semaphore(%run_scoped3A_105 : memref<!tpu.dma_semaphore, #tpu.memory_space<semaphore_mem>>) {add = true}
        %dma_wait3A_116 = arith.constant 0 : i32
        %dma_wait3A_117 = arith.constant 0 : i32
        %dma_wait3A_118 = tpu.memref_slice %arg9[%run_scoped3A_97, %dma_wait3A_116, %dma_wait3A_117] : memref<2x128x128xbf16, #tpu.memory_space<vmem>> -> memref<1x128x128xbf16, #tpu.memory_space<vmem>>
        %dma_wait3A_119 = tpu.memref_squeeze %dma_wait3A_118 : memref<1x128x128xbf16, #tpu.memory_space<vmem>> -> memref<128x128xbf16, #tpu.memory_space<vmem>>
        %dma_wait3A_120 = arith.constant 0 : i32
        %dma_wait3A_121 = tpu.memref_slice %arg8[%add3A_82, %dma_wait3A_120] : memref<80x128xi32, #tpu.memory_space<vmem>> -> memref<1x128xi32, #tpu.memory_space<vmem>>
        %dma_wait3A_122 = tpu.memref_squeeze %dma_wait3A_121 : memref<1x128xi32, #tpu.memory_space<vmem>> -> memref<128xi32, #tpu.memory_space<vmem>>
        %dma_wait3A_123 = arith.constant 0 : i32
        %dma_wait3A_124 = arith.constant 0 : i32
        %dma_wait3A_125 = tpu.memref_slice %arg12[%dma_wait3A_123, %dma_wait3A_124] : memref<10240x128xbf16, #tpu.memory_space<vmem_shared>> -> memref<10240x128xbf16, #tpu.memory_space<vmem_shared>>
        tpu.wait_indirect_dma semaphore(%run_scoped3A_105 : memref<!tpu.dma_semaphore, #tpu.memory_space<semaphore_mem>>) src(%dma_wait3A_119 : memref<128x128xbf16, #tpu.memory_space<vmem>>) dst(%dma_wait3A_125 : memref<10240x128xbf16, #tpu.memory_space<vmem_shared>>)
        tpu.yield
      }) : () -> ()
      %add3A_98 = arith.constant 2 : i32
      %add3A_99 = arith.addi %add3A_82, %add3A_98 : i32
      %lt3A_100 = arith.constant 80 : i32
      %lt3A_101 = arith.cmpi slt, %add3A_99, %lt3A_100 : i32
      %convert_element_type3A_102 = arith.extui %lt3A_101 : i1 to i32
      %cond3A_103 = arith.constant 0 : i32
      %cond3A_104 = arith.cmpi ne, %convert_element_type3A_102, %cond3A_103 : i32
      scf.if %cond3A_104 {
        %dma_start3A_105 = arith.constant 1 : i32
        %dma_start3A_106 = arith.constant 1 : i32
        %dma_start3A_107 = arith.constant 0 : i32
        %dma_start3A_108 = arith.constant 0 : i32
        %dma_start3A_109 = tpu.memref_slice %arg9[%dma_start3A_105, %dma_start3A_107, %dma_start3A_108] : memref<2x128x128xbf16, #tpu.memory_space<vmem>> -> memref<1x128x128xbf16, #tpu.memory_space<vmem>>
        %dma_start3A_110 = tpu.memref_squeeze %dma_start3A_109 : memref<1x128x128xbf16, #tpu.memory_space<vmem>> -> memref<128x128xbf16, #tpu.memory_space<vmem>>
        %dma_start3A_111 = arith.constant 0 : i32
        %dma_start3A_112 = tpu.memref_slice %arg7[%add3A_99, %dma_start3A_111] : memref<80x128xi32, #tpu.memory_space<vmem>> -> memref<1x128xi32, #tpu.memory_space<vmem>>
        %dma_start3A_113 = tpu.memref_squeeze %dma_start3A_112 : memref<1x128xi32, #tpu.memory_space<vmem>> -> memref<128xi32, #tpu.memory_space<vmem>>
        %dma_start3A_114 = arith.constant 0 : i32
        %dma_start3A_115 = arith.constant 0 : i32
        %dma_start3A_116 = tpu.memref_slice %arg11[%dma_start3A_114, %dma_start3A_115] : memref<10240x128xbf16, #tpu.memory_space<vmem_shared>> -> memref<10240x128xbf16, #tpu.memory_space<vmem_shared>>
        %dma_start3A_117 = tpu.memref_slice %arg10[%dma_start3A_106] : memref<2x!tpu.dma_semaphore, #tpu.memory_space<semaphore_mem>> -> memref<1x!tpu.dma_semaphore, #tpu.memory_space<semaphore_mem>>
        %dma_start3A_118 = tpu.memref_squeeze %dma_start3A_117 : memref<1x!tpu.dma_semaphore, #tpu.memory_space<semaphore_mem>> -> memref<!tpu.dma_semaphore, #tpu.memory_space<semaphore_mem>>
        tpu.enqueue_indirect_dma source(%dma_start3A_116 : memref<10240x128xbf16, #tpu.memory_space<vmem_shared>>) target(%dma_start3A_110 : memref<128x128xbf16, #tpu.memory_space<vmem>>) offsets(%dma_start3A_113 : memref<128xi32, #tpu.memory_space<vmem>>) semaphore(%dma_start3A_118 : memref<!tpu.dma_semaphore, #tpu.memory_space<semaphore_mem>>)
      } else {
      }
    }
    %scan3A_50 = arith.constant 40 : i32
    %barrier3A_51 = arith.constant 0 : index
    tpu.barrier barrier_id(%barrier3A_51)
    %add3A_52 = arith.constant 0 : i32
    %add3A_53 = arith.addi %add3A_52, %arg0 : i32
    %mul3A_54 = arith.constant 10240 : i32
    %mul3A_55 = arith.muli %add3A_53, %mul3A_54 : i32
    %add3A_56 = arith.addi %mul3A_55, %mul3A_2 : i32
    "tpu.region"() ({
      %run_scoped3A = tpu.sem_alloc : memref<!tpu.dma_semaphore, #tpu.memory_space<semaphore_mem>>
      %dma_start3A_57 = arith.constant 0 : i32
      %dma_start3A_58 = tpu.memref_slice %arg6[%add3A_56, %dma_start3A_57] : memref<20480x128xbf16, #tpu.memory_space<hbm>> -> memref<640x128xbf16, #tpu.memory_space<hbm>>
      %dma_start3A_59 = arith.constant 0 : i32
      %dma_start3A_60 = tpu.memref_slice %arg12[%mul3A_2, %dma_start3A_59] : memref<10240x128xbf16, #tpu.memory_space<vmem_shared>> -> memref<640x128xbf16, #tpu.memory_space<vmem_shared>>
      tpu.enqueue_dma source(%dma_start3A_60 : memref<640x128xbf16, #tpu.memory_space<vmem_shared>>) target(%dma_start3A_58 : memref<640x128xbf16, #tpu.memory_space<hbm>>) target_semaphore(%run_scoped3A : memref<!tpu.dma_semaphore, #tpu.memory_space<semaphore_mem>>)
      %dma_wait3A = arith.constant 0 : i32
      %dma_wait3A_61 = tpu.memref_slice %arg6[%add3A_56, %dma_wait3A] : memref<20480x128xbf16, #tpu.memory_space<hbm>> -> memref<640x128xbf16, #tpu.memory_space<hbm>>
      %dma_wait3A_62 = arith.constant 0 : i32
      %dma_wait3A_63 = tpu.memref_slice %arg12[%mul3A_2, %dma_wait3A_62] : memref<10240x128xbf16, #tpu.memory_space<vmem_shared>> -> memref<640x128xbf16, #tpu.memory_space<vmem_shared>>
      tpu.wait_dma2 semaphore(%run_scoped3A : memref<!tpu.dma_semaphore, #tpu.memory_space<semaphore_mem>>) src(%dma_wait3A_63 : memref<640x128xbf16, #tpu.memory_space<vmem_shared>>) dst(%dma_wait3A_61 : memref<640x128xbf16, #tpu.memory_space<hbm>>)
      tpu.yield
    }) : () -> ()
    return
  }
}

module attributes {stable_mosaic.version = 14 : i64} {
  func.func @_mm_scale_body(%arg0: i32, %arg1: memref<1024x128xf32, #tpu.memory_space<vmem>>, %arg2: memref<128x128xf32, #tpu.memory_space<vmem>>, %arg3: memref<1024x1xf32, #tpu.memory_space<vmem>>, %arg4: memref<1024x128xbf16, #tpu.memory_space<vmem>>) attributes {dimension_semantics = [#tpu.dimension_semantics<arbitrary>], iteration_bounds = array<i64: 10>, scalar_prefetch = 0 : i64, scratch_operands = 0 : i64, tpu.core_type = #tpu.core_type<tc>, window_params = [{transform_indices = @transform_0, window_bounds = array<i64: 1024, 128>}, {pipeline_mode = #tpu.pipeline_mode<synchronous>, transform_indices = @transform_1, window_bounds = array<i64: 128, 128>}, {transform_indices = @transform_2, window_bounds = array<i64: 1024, 1>}, {transform_indices = @transform_3, window_bounds = array<i64: 1024, 128>}]} {
    %get3A = arith.constant 0 : index
    %get3A_0 = arith.constant 0 : index
    %get3A_1 = vector.load %arg3[%get3A, %get3A_0] : memref<1024x1xf32, #tpu.memory_space<vmem>>, vector<1024x1xf32>
    %get3A_2 = arith.constant 0 : index
    %get3A_3 = arith.constant 0 : index
    %get3A_4 = vector.load %arg1[%get3A_2, %get3A_3] : memref<1024x128xf32, #tpu.memory_space<vmem>>, vector<1024x128xf32>
    %mul3A = vector.broadcast %get3A_1 : vector<1024x1xf32> to vector<1024x128xf32>
    %mul3A_5 = arith.mulf %mul3A, %get3A_4 : vector<1024x128xf32>
    %get3A_6 = arith.constant 0 : index
    %get3A_7 = arith.constant 0 : index
    %get3A_8 = vector.load %arg2[%get3A_6, %get3A_7] : memref<128x128xf32, #tpu.memory_space<vmem>>, vector<128x128xf32>
    %dot_general3A = arith.constant dense<0.000000e+00> : vector<1024x128xf32>
    %dot_general3A_9 = tpu.matmul %mul3A_5, %get3A_8, %dot_general3A {dimension_numbers = #tpu.dot_dimension_numbers<[1], [0], [0], [1], [0, 0, 1, 1], [], []>, transpose_lhs_hint = false} : vector<1024x128xf32>, vector<128x128xf32>, vector<1024x128xf32> -> vector<1024x128xf32>
    %convert_element_type3A = arith.truncf %dot_general3A_9 : vector<1024x128xf32> to vector<1024x128xbf16>
    %swap3A = arith.constant 0 : index
    %swap3A_10 = arith.constant 0 : index
    %swap3A_11 = vector.load %arg4[%swap3A, %swap3A_10] : memref<1024x128xbf16, #tpu.memory_space<vmem>>, vector<1024x128xbf16>
    tpu.vector_store %arg4[%swap3A, %swap3A_10], %convert_element_type3A {strides = array<i32>} : memref<1024x128xbf16, #tpu.memory_space<vmem>>, vector<1024x128xbf16>,
    return
  }
  func.func @transform_0(%arg0: i32) -> (i32, i32) {
    %c0_i32 = arith.constant 0 : i32
    %c0_i32_0 = arith.constant 0 : i32
    return %arg0, %c0_i32 : i32, i32
  }
  func.func @transform_1(%arg0: i32) -> (i32, i32) {
    %c0_i32 = arith.constant 0 : i32
    %c0_i32_0 = arith.constant 0 : i32
    %c0_i32_1 = arith.constant 0 : i32
    return %c0_i32, %c0_i32_0 : i32, i32
  }
  func.func @transform_2(%arg0: i32) -> (i32, i32) {
    %c0_i32 = arith.constant 0 : i32
    %c0_i32_0 = arith.constant 0 : i32
    return %arg0, %c0_i32 : i32, i32
  }
  func.func @transform_3(%arg0: i32) -> (i32, i32) {
    %c0_i32 = arith.constant 0 : i32
    %c0_i32_0 = arith.constant 0 : i32
    return %arg0, %c0_i32 : i32, i32
  }
}

module attributes {stable_mosaic.version = 14 : i64} {
  func.func @_layer2_body(%arg0: i32, %arg1: memref<1024x128xbf16, #tpu.memory_space<vmem>>, %arg2: memref<1024x128xbf16, #tpu.memory_space<vmem>>, %arg3: memref<1024x128xbf16, #tpu.memory_space<vmem>>, %arg4: memref<1024x1xf32, #tpu.memory_space<vmem>>, %arg5: memref<1x128xf32, #tpu.memory_space<vmem>>, %arg6: memref<128x64xf32, #tpu.memory_space<vmem>>, %arg7: memref<1024x64xbf16, #tpu.memory_space<vmem>>) attributes {dimension_semantics = [#tpu.dimension_semantics<arbitrary>], iteration_bounds = array<i64: 10>, scalar_prefetch = 0 : i64, scratch_operands = 0 : i64, tpu.core_type = #tpu.core_type<tc>, window_params = [{transform_indices = @transform_0, window_bounds = array<i64: 1024, 128>}, {transform_indices = @transform_1, window_bounds = array<i64: 1024, 128>}, {transform_indices = @transform_2, window_bounds = array<i64: 1024, 128>}, {transform_indices = @transform_3, window_bounds = array<i64: 1024, 1>}, {pipeline_mode = #tpu.pipeline_mode<synchronous>, transform_indices = @transform_4, window_bounds = array<i64: 1, 128>}, {pipeline_mode = #tpu.pipeline_mode<synchronous>, transform_indices = @transform_5, window_bounds = array<i64: 128, 64>}, {transform_indices = @transform_6, window_bounds = array<i64: 1024, 64>}]} {
    %get3A = arith.constant 0 : index
    %get3A_0 = arith.constant 0 : index
    %get3A_1 = vector.load %arg4[%get3A, %get3A_0] : memref<1024x1xf32, #tpu.memory_space<vmem>>, vector<1024x1xf32>
    %get3A_2 = arith.constant 0 : index
    %get3A_3 = arith.constant 0 : index
    %get3A_4 = vector.load %arg1[%get3A_2, %get3A_3] : memref<1024x128xbf16, #tpu.memory_space<vmem>>, vector<1024x128xbf16>
    %convert_element_type3A = arith.extf %get3A_4 : vector<1024x128xbf16> to vector<1024x128xf32>
    %get3A_5 = arith.constant 0 : index
    %get3A_6 = arith.constant 0 : index
    %get3A_7 = vector.load %arg2[%get3A_5, %get3A_6] : memref<1024x128xbf16, #tpu.memory_space<vmem>>, vector<1024x128xbf16>
    %convert_element_type3A_8 = arith.extf %get3A_7 : vector<1024x128xbf16> to vector<1024x128xf32>
    %add3A = arith.addf %convert_element_type3A, %convert_element_type3A_8 : vector<1024x128xf32>
    %get3A_9 = arith.constant 0 : index
    %get3A_10 = arith.constant 0 : index
    %get3A_11 = vector.load %arg3[%get3A_9, %get3A_10] : memref<1024x128xbf16, #tpu.memory_space<vmem>>, vector<1024x128xbf16>
    %convert_element_type3A_12 = arith.extf %get3A_11 : vector<1024x128xbf16> to vector<1024x128xf32>
    %add3A_13 = arith.addf %add3A, %convert_element_type3A_12 : vector<1024x128xf32>
    %mul3A = vector.broadcast %get3A_1 : vector<1024x1xf32> to vector<1024x128xf32>
    %mul3A_14 = arith.mulf %mul3A, %add3A_13 : vector<1024x128xf32>
    %get3A_15 = arith.constant 0 : index
    %get3A_16 = arith.constant 0 : index
    %get3A_17 = vector.load %arg5[%get3A_15, %get3A_16] : memref<1x128xf32, #tpu.memory_space<vmem>>, vector<1x128xf32>
    %add3A_18 = vector.broadcast %get3A_17 : vector<1x128xf32> to vector<1024x128xf32>
    %add3A_19 = arith.addf %mul3A_14, %add3A_18 : vector<1024x128xf32>
    %max3A = arith.constant 0.000000e+00 : f32
    %max3A_20 = vector.broadcast %max3A : f32 to vector<1024x128xf32>
    %max3A_21 = arith.maximumf %add3A_19, %max3A_20 : vector<1024x128xf32>
    %get3A_22 = arith.constant 0 : index
    %get3A_23 = arith.constant 0 : index
    %get3A_24 = vector.load %arg6[%get3A_22, %get3A_23] : memref<128x64xf32, #tpu.memory_space<vmem>>, vector<128x64xf32>
    %dot_general3A = arith.constant dense<0.000000e+00> : vector<1024x64xf32>
    %dot_general3A_25 = tpu.matmul %max3A_21, %get3A_24, %dot_general3A {dimension_numbers = #tpu.dot_dimension_numbers<[1], [0], [0], [1], [0, 0, 1, 1], [], []>, transpose_lhs_hint = false} : vector<1024x128xf32>, vector<128x64xf32>, vector<1024x64xf32> -> vector<1024x64xf32>
    %mul3A_26 = vector.broadcast %get3A_1 : vector<1024x1xf32> to vector<1024x64xf32>
    %mul3A_27 = arith.mulf %mul3A_26, %dot_general3A_25 : vector<1024x64xf32>
    %convert_element_type3A_28 = arith.truncf %mul3A_27 : vector<1024x64xf32> to vector<1024x64xbf16>
    %swap3A = arith.constant 0 : index
    %swap3A_29 = arith.constant 0 : index
    %swap3A_30 = vector.load %arg7[%swap3A, %swap3A_29] : memref<1024x64xbf16, #tpu.memory_space<vmem>>, vector<1024x64xbf16>
    tpu.vector_store %arg7[%swap3A, %swap3A_29], %convert_element_type3A_28 {strides = array<i32>} : memref<1024x64xbf16, #tpu.memory_space<vmem>>, vector<1024x64xbf16>,
    return
  }
  func.func @transform_0(%arg0: i32) -> (i32, i32) {
    %add3A = arith.constant 0 : i32
    %add3A_0 = arith.addi %add3A, %arg0 : i32
    %c0_i32 = arith.constant 0 : i32
    %c0_i32_1 = arith.constant 0 : i32
    return %add3A_0, %c0_i32 : i32, i32
  }
  func.func @transform_1(%arg0: i32) -> (i32, i32) {
    %add3A = arith.constant 10 : i32
    %add3A_0 = arith.addi %add3A, %arg0 : i32
    %c0_i32 = arith.constant 0 : i32
    %c0_i32_1 = arith.constant 0 : i32
    return %add3A_0, %c0_i32 : i32, i32
  }
  func.func @transform_2(%arg0: i32) -> (i32, i32) {
    %c0_i32 = arith.constant 0 : i32
    %c0_i32_0 = arith.constant 0 : i32
    return %arg0, %c0_i32 : i32, i32
  }
  func.func @transform_3(%arg0: i32) -> (i32, i32) {
    %c0_i32 = arith.constant 0 : i32
    %c0_i32_0 = arith.constant 0 : i32
    return %arg0, %c0_i32 : i32, i32
  }
  func.func @transform_4(%arg0: i32) -> (i32, i32) {
    %c0_i32 = arith.constant 0 : i32
    %c0_i32_0 = arith.constant 0 : i32
    %c0_i32_1 = arith.constant 0 : i32
    return %c0_i32, %c0_i32_0 : i32, i32
  }
  func.func @transform_5(%arg0: i32) -> (i32, i32) {
    %c0_i32 = arith.constant 0 : i32
    %c0_i32_0 = arith.constant 0 : i32
    %c0_i32_1 = arith.constant 0 : i32
    return %c0_i32, %c0_i32_0 : i32, i32
  }
  func.func @transform_6(%arg0: i32) -> (i32, i32) {
    %c0_i32 = arith.constant 0 : i32
    %c0_i32_0 = arith.constant 0 : i32
    return %arg0, %c0_i32 : i32, i32
  }
}

module attributes {stable_mosaic.version = 14 : i64} {
  func.func @_final_body(%arg0: i32, %arg1: memref<1024x64xbf16, #tpu.memory_space<vmem>>, %arg2: memref<1024x64xbf16, #tpu.memory_space<vmem>>, %arg3: memref<1024x64xbf16, #tpu.memory_space<vmem>>, %arg4: memref<1024x1xf32, #tpu.memory_space<vmem>>, %arg5: memref<1x64xf32, #tpu.memory_space<vmem>>, %arg6: memref<1024x40xf32, #tpu.memory_space<vmem>>) attributes {dimension_semantics = [#tpu.dimension_semantics<arbitrary>], iteration_bounds = array<i64: 10>, scalar_prefetch = 0 : i64, scratch_operands = 0 : i64, tpu.core_type = #tpu.core_type<tc>, window_params = [{transform_indices = @transform_0, window_bounds = array<i64: 1024, 64>}, {transform_indices = @transform_1, window_bounds = array<i64: 1024, 64>}, {transform_indices = @transform_2, window_bounds = array<i64: 1024, 64>}, {transform_indices = @transform_3, window_bounds = array<i64: 1024, 1>}, {pipeline_mode = #tpu.pipeline_mode<synchronous>, transform_indices = @transform_4, window_bounds = array<i64: 1, 64>}, {transform_indices = @transform_5, window_bounds = array<i64: 1024, 40>}]} {
    %get3A = arith.constant 0 : index
    %get3A_0 = arith.constant 0 : index
    %get3A_1 = vector.load %arg1[%get3A, %get3A_0] : memref<1024x64xbf16, #tpu.memory_space<vmem>>, vector<1024x64xbf16>
    %convert_element_type3A = arith.extf %get3A_1 : vector<1024x64xbf16> to vector<1024x64xf32>
    %get3A_2 = arith.constant 0 : index
    %get3A_3 = arith.constant 0 : index
    %get3A_4 = vector.load %arg2[%get3A_2, %get3A_3] : memref<1024x64xbf16, #tpu.memory_space<vmem>>, vector<1024x64xbf16>
    %convert_element_type3A_5 = arith.extf %get3A_4 : vector<1024x64xbf16> to vector<1024x64xf32>
    %add3A = arith.addf %convert_element_type3A, %convert_element_type3A_5 : vector<1024x64xf32>
    %get3A_6 = arith.constant 0 : index
    %get3A_7 = arith.constant 0 : index
    %get3A_8 = vector.load %arg3[%get3A_6, %get3A_7] : memref<1024x64xbf16, #tpu.memory_space<vmem>>, vector<1024x64xbf16>
    %convert_element_type3A_9 = arith.extf %get3A_8 : vector<1024x64xbf16> to vector<1024x64xf32>
    %add3A_10 = arith.addf %add3A, %convert_element_type3A_9 : vector<1024x64xf32>
    %get3A_11 = arith.constant 0 : index
    %get3A_12 = arith.constant 0 : index
    %get3A_13 = vector.load %arg4[%get3A_11, %get3A_12] : memref<1024x1xf32, #tpu.memory_space<vmem>>, vector<1024x1xf32>
    %mul3A = vector.broadcast %get3A_13 : vector<1024x1xf32> to vector<1024x64xf32>
    %mul3A_14 = arith.mulf %mul3A, %add3A_10 : vector<1024x64xf32>
    %get3A_15 = arith.constant 0 : index
    %get3A_16 = arith.constant 0 : index
    %get3A_17 = vector.load %arg5[%get3A_15, %get3A_16] : memref<1x64xf32, #tpu.memory_space<vmem>>, vector<1x64xf32>
    %add3A_18 = vector.broadcast %get3A_17 : vector<1x64xf32> to vector<1024x64xf32>
    %add3A_19 = arith.addf %mul3A_14, %add3A_18 : vector<1024x64xf32>
    %slice3A = vector.extract_strided_slice %add3A_19 {offsets = [0, 0], sizes = [1024, 40], strides = [1, 1]} : vector<1024x64xf32> to vector<1024x40xf32>
    %reduce_max3A = arith.constant dense<0xFF800000> : vector<1024xf32>
    %reduce_max3A_20 = vector.multi_reduction <maximumf>, %slice3A, %reduce_max3A [1] : vector<1024x40xf32> to vector<1024xf32>
    %broadcast_in_dim3A = vector.shape_cast %reduce_max3A_20 : vector<1024xf32> to vector<1024x1xf32>
    %sub3A = vector.broadcast %broadcast_in_dim3A : vector<1024x1xf32> to vector<1024x40xf32>
    %sub3A_21 = arith.subf %slice3A, %sub3A : vector<1024x40xf32>
    %exp3A = math.exp %sub3A_21 : vector<1024x40xf32>
    %reduce_sum3A = arith.constant dense<0.000000e+00> : vector<1024xf32>
    %reduce_sum3A_22 = vector.multi_reduction <add>, %exp3A, %reduce_sum3A [1] : vector<1024x40xf32> to vector<1024xf32>
    %broadcast_in_dim3A_23 = vector.shape_cast %reduce_sum3A_22 : vector<1024xf32> to vector<1024x1xf32>
    %log3A = math.log %broadcast_in_dim3A_23 : vector<1024x1xf32>
    %sub3A_24 = vector.broadcast %log3A : vector<1024x1xf32> to vector<1024x40xf32>
    %sub3A_25 = arith.subf %sub3A_21, %sub3A_24 : vector<1024x40xf32>
    %swap3A = arith.constant 0 : index
    %swap3A_26 = arith.constant 0 : index
    %swap3A_27 = vector.load %arg6[%swap3A, %swap3A_26] : memref<1024x40xf32, #tpu.memory_space<vmem>>, vector<1024x40xf32>
    tpu.vector_store %arg6[%swap3A, %swap3A_26], %sub3A_25 {strides = array<i32>} : memref<1024x40xf32, #tpu.memory_space<vmem>>, vector<1024x40xf32>,
    return
  }
  func.func @transform_0(%arg0: i32) -> (i32, i32) {
    %add3A = arith.constant 0 : i32
    %add3A_0 = arith.addi %add3A, %arg0 : i32
    %c0_i32 = arith.constant 0 : i32
    %c0_i32_1 = arith.constant 0 : i32
    return %add3A_0, %c0_i32 : i32, i32
  }
  func.func @transform_1(%arg0: i32) -> (i32, i32) {
    %add3A = arith.constant 10 : i32
    %add3A_0 = arith.addi %add3A, %arg0 : i32
    %c0_i32 = arith.constant 0 : i32
    %c0_i32_1 = arith.constant 0 : i32
    return %add3A_0, %c0_i32 : i32, i32
  }
  func.func @transform_2(%arg0: i32) -> (i32, i32) {
    %c0_i32 = arith.constant 0 : i32
    %c0_i32_0 = arith.constant 0 : i32
    return %arg0, %c0_i32 : i32, i32
  }
  func.func @transform_3(%arg0: i32) -> (i32, i32) {
    %c0_i32 = arith.constant 0 : i32
    %c0_i32_0 = arith.constant 0 : i32
    return %arg0, %c0_i32 : i32, i32
  }
  func.func @transform_4(%arg0: i32) -> (i32, i32) {
    %c0_i32 = arith.constant 0 : i32
    %c0_i32_0 = arith.constant 0 : i32
    %c0_i32_1 = arith.constant 0 : i32
    return %c0_i32, %c0_i32_0 : i32, i32
  }
  func.func @transform_5(%arg0: i32) -> (i32, i32) {
    %c0_i32 = arith.constant 0 : i32
    %c0_i32_0 = arith.constant 0 : i32
    return %arg0, %c0_i32 : i32, i32
  }
}

</mosaic_0001>

<sc_bundles>
// kernel: kernel.11.cloned.1.call-start
scs
__scs_entry_jumppad:
0x0: {  	(pc) =	sbr.rel $0x88, $3  }
0x1: {  	(tag) =	ssettag $0x0;
	lr =	simm.s32 $0x1  }
0x2: {  	[smem:$0x3F9B] =	sst lr;
	_ =	strace $0xD0000000  }
0x3: {  	_ = 	snop  }
0x4: {  	_ = 	snop  }
0x5: {  	_ = 	snop  }
0x6: {  	_ = 	snop  }
0x7: {  	_ = 	snop  }
__scs_overlays_trampoline_lowered:
0x8: {  	[smem:$0x3FAA] =	sst s0  }
0x9: {  	[smem:$0x3FAB] =	sst s1  }
0xa: {  	[smem:$0x3FAC] =	sst s2  }
0xb: {  	[smem:$0x3FAD] =	sst s3  }
0xc: {  	[smem:$0x3FAE] =	sst s4  }
0xd: {  	[smem:$0x3FAF] =	sst s5  }
0xe: {  	[smem:$0x3FB0] =	sst s6  }
0xf: {  	[smem:$0x3FB1] =	sst s7  }
0x10: {  	[smem:$0x3FB2] =	sst s8  }
0x11: {  	[smem:$0x3FB3] =	sst s9;
	s0 =	simm.s32 @!p0 $0x0  }
0x12: {  	s1 =	sld [smem:$0x3F99];
	s0 =	simm.s32 @p0 $0x1  }
0x13: {  	[smem:$0x3FB4] =	sst s0;
	s0 =	simm.s32 @!p1 $0x0  }
0x14: {  	s2 =	sld [smem:$0x3F98];
	s0 =	simm.s32 @p1 $0x1  }
0x15: {  	[smem:$0x3FB5] =	sst s0;
	s0 =	simm.s32 @!p2 $0x0  }
0x16: {  	s3 =	sld [smem:$0x3FDB];
	s0 =	simm.s32 @p2 $0x1  }
0x17: {  	s4 =	simm.s32 $0x1BF5;
	[smem:$0x3FB7] =	sst s0  }
0x18: {  	s0 =	sld [smem:$0x3F9A];
	_ =	swait.ge [sflag:s4], $0x0  }
0x19: {  	s7 =	sld [smem:$0x3F9B]  }
0x1a: {  	s8 =	sadd.s32 $0xFFFFE003, lr  }
0x1b: {  	s9 =	sadd.s32 $0xFFFFFEF7, lr;
	s5 =	simm.s32 $0xFFFFFFFF;
	p2 =	slt.u32 s8, $0xFFFFF086  }
0x1c: {  	p1 =	slt.u32 s9, $0xF7A;
	s5 =	simm.s32 @!p2 $0x0  }
0x1d: {  	s5 =	simm.s32 @p1 $0x1;
	p0 =	seq.s32 s7, s2  }
0x1e: {  	s7 =	smul.u32 @!p0 $0xF7A, s2;
	p2 =	seq.s32 @!p0 s5, $0x0  }
0x1f: {  	s9 =	smul.u32 $0xF7A, s1;
	s8 =	simm.s32 @!p0 $0x1BF5;
	p2 =	por !p2, p0  }
0x20: {  	[sflag:s8] =	ssyncset.s32 @!p0 $0xFFFFF086;
	s6 =	sadd.s32 @!p0 s3, s7;
	s7 =	simm.s32 @!p0 $0x108  }
0x21: {  	s3 =	sadd.s32 s3, s9;
	s6 =	sadd.s32 @!p0 $0x88, s6;
	s7 =	simm.s32 @p2 $0x1082  }
0x22: {  	[simem:s7], [sflag:s8] =	dma.local @!p0 [hbm:s6], $0xF7A  }
0x23: {  	s9 =	sor.u32 $0xD0000000, s2;
	s6 =	simm.s32 $0x108;
	_ =	swait.ge @!p0 [sflag:s8], $0x0  }
0x24: {  	s3 =	sadd.s32 $0x88, s3;
	s6 =	simm.s32 @!p1 $0x1082;
	[sflag:s4] =	ssyncset.s32 $0xFFFFF086  }
0x25: {  	[simem:s6], [sflag:s4] =	dma.local [hbm:s3], $0xF7A  }
0x26: {  	[smem:$0x3F9B] =	sst s1;
	(tag) =	ssettag s2;
	_ =	strace s9  }
0x27: {  	s1 =	sld [smem:$0x3FAB]  }
0x28: {  	s2 =	sld [smem:$0x3FAC]  }
0x29: {  	s4 =	sld [smem:$0x3FAE]  }
0x2a: {  	p0 =	seq.s32 s5, $0x0;
	s5 =	sld [smem:$0x3FAF]  }
0x2b: {  	s6 =	sld [smem:$0x3FB0]  }
0x2c: {  	s7 =	sld [smem:$0x3FB1]  }
0x2d: {  	s3 =	simm.s32 $0x108;
	s8 =	sld [smem:$0x3FB2]  }
0x2e: {  	s3 =	simm.s32 @!p0 $0x1082;
	s9 =	sld [smem:$0x3FB3]  }
0x2f: {  	lr =	sadd.s32 s0, s3;
	s0 =	sld [smem:$0x3FAA]  }
0x30: {  	s3 =	sld [smem:$0x3FAD]  }
0x31: {  	[smem:$0x3FB6] =	sst s10  }
0x32: {  	s10 =	sld [smem:$0x3FB4];
	_ =	sdelay $0x3  }
0x33: {  	p0 =	seq.s32 s10, $0x1;
	s10 =	sld [smem:$0x3FB6];
	_ =	sdelay $0x3  }
0x34: {  	[smem:$0x3FB6] =	sst s10  }
0x35: {  	s10 =	sld [smem:$0x3FB5];
	_ =	sdelay $0x3  }
0x36: {  	p1 =	seq.s32 s10, $0x1;
	s10 =	sld [smem:$0x3FB6];
	_ =	sdelay $0x3  }
0x37: {  	[smem:$0x3FB6] =	sst s10  }
0x38: {  	s10 =	sld [smem:$0x3FB7]  }
0x39: {  	_ = 	snop;
	(pc) =	sbr.ind lr, $3  }
0x3a: {  	_ = 	snop  }
0x3b: {  	_ = 	snop  }
0x3c: {  	p2 =	seq.s32 s10, $0x1;
	s10 =	sld [smem:$0x3FB6]  }
0x3d: {  	_ =	shalt  }
0x3e: {  	_ =	shalt  }
0x3f: {  	_ =	shalt  }
0x40: {  	_ =	shalt  }
0x41: {  	_ =	shalt  }
0x42: {  	_ =	shalt  }
0x43: {  	_ =	shalt  }
0x44: {  	_ =	shalt  }
0x45: {  	_ =	shalt  }
0x46: {  	_ =	shalt  }
0x47: {  	_ =	shalt  }
0x48: {  	_ =	shalt  }
0x49: {  	_ =	shalt  }
0x4a: {  	_ =	shalt  }
0x4b: {  	_ =	shalt  }
0x4c: {  	_ =	shalt  }
0x4d: {  	_ =	shalt  }
0x4e: {  	_ =	shalt  }
0x4f: {  	_ =	shalt  }
0x50: {  	_ =	shalt  }
0x51: {  	_ =	shalt  }
0x52: {  	_ =	shalt  }
0x53: {  	_ =	shalt  }
0x54: {  	_ =	shalt  }
0x55: {  	_ =	shalt  }
0x56: {  	_ =	shalt  }
0x57: {  	_ =	shalt  }
0x58: {  	_ =	shalt  }
0x59: {  	_ =	shalt  }
0x5a: {  	_ =	shalt  }
0x5b: {  	_ =	shalt  }
0x5c: {  	_ =	shalt  }
0x5d: {  	_ =	shalt  }
0x5e: {  	_ =	shalt  }
0x5f: {  	_ =	shalt  }
0x60: {  	_ =	shalt  }
0x61: {  	_ =	shalt  }
0x62: {  	_ =	shalt  }
0x63: {  	_ =	shalt  }
0x64: {  	_ =	shalt  }
0x65: {  	_ =	shalt  }
0x66: {  	_ =	shalt  }
0x67: {  	_ =	shalt  }
0x68: {  	_ =	shalt  }
0x69: {  	_ =	shalt  }
0x6a: {  	_ =	shalt  }
0x6b: {  	_ =	shalt  }
0x6c: {  	_ =	shalt  }
0x6d: {  	_ =	shalt  }
0x6e: {  	_ =	shalt  }
0x6f: {  	_ =	shalt  }
0x70: {  	_ =	shalt  }
0x71: {  	_ =	shalt  }
0x72: {  	_ =	shalt  }
0x73: {  	_ =	shalt  }
0x74: {  	_ =	shalt  }
0x75: {  	_ =	shalt  }
0x76: {  	_ =	shalt  }
0x77: {  	_ =	shalt  }
0x78: {  	_ =	shalt  }
0x79: {  	_ =	shalt  }
0x7a: {  	_ =	shalt  }
0x7b: {  	_ =	shalt  }
0x7c: {  	_ =	shalt  }
0x7d: {  	_ =	shalt  }
0x7e: {  	_ =	shalt  }
0x7f: {  	_ =	shalt  }
0x80: {  	_ =	shalt  }
0x81: {  	_ =	shalt  }
0x82: {  	_ =	shalt  }
0x83: {  	_ =	shalt  }
0x84: {  	_ =	shalt  }
0x85: {  	_ =	shalt  }
0x86: {  	_ =	shalt  }
0x87: {  	_ =	shalt  }
.Lfunc_end0:
.L_simem_size_0:
called_computation.1_lowered:
.L_overlay_start_0:
0x88: {  	s2 =	sld [smem:$0x3FD9]  }
0x89: {  	s3 =	sld [smem:$0x3FFE];
	_ =	sdelay $0x1  }
0x8a: {  	s1 =	srdreg.scid  }
0x8b: {  	s0 =	sand.u32 $0x1, s1  }
0x8c: {  	s17 =	sshll.u32 s0, $0xA;
	s2 =	sadd.s32 s3, s2  }
0x8d: {  	s2 =	sadd.s32 s2, s17  }
0x8e: {  	[smem:$0x3FC2] =	sst s2  }
0x8f: {  	_ = 	snop  }
0x90: {  	s2 =	sld [smem:$0x3FD0];
	(tm) =	ssettm $0x1  }
0x91: {  	s18 =	sld [smem:$0x3FFB];
	_ =	sdelay $0x3  }
0x92: {  	_ =	strace s18  }
0x93: {  	s3 =	sld [smem:$0x3FFC];
	_ =	sdelay $0x3  }
0x94: {  	_ =	strace s3  }
0x95: {  	s3 =	sld [smem:$0x3FFD];
	_ =	sdelay $0x3  }
0x96: {  	_ =	strace s3  }
0x97: {  	_ =	strace $0x8FFFFFFF  }
0x98: {  	s19 =	sld [smem:$0x3FDB];
	_ =	sdelay $0x1  }
0x99: {  	s4 =	simm.s32 $_scs_section_size  }
0x9a: {  	s5 =	simm.s32 $_size__tile_overlayer_lowered;
	s6 =	simm.s32 $_tile_overlayer_lowered  }
0x9b: {  	s22 =	simm.s32 $0x1BFF;
	s21 =	sshll.u32 s6, $0x1;
	s3 =	sadd.s32 s4, s19  }
0x9c: {  	s7 =	simm.s32 $0x0;
	s20 =	sshll.u32 s5, $0x1;
	s5 =	sadd.s32 s21, s3  }
0x9d: {  	[timem:s7], [sflag:s22] =	dma.local [hbm:s5], s20  }
0x9e: {  	_ =	swait.ge [sflag:s22], s20  }
0x9f: {  	s4 =	ssub.s32 $0x0, s20;
	[sflag:s22] =	ssyncset.done $0x0  }
0xa0: {  	[sflag:s22] =	ssyncadd.s32 s4;
	_ =	sdelay $0x1  }
0xa1: {  	s23 =	simm.s32 $0x1B8B  }
0xa2: {  	_ =	swait.ge [sflag:s23], $0x1  }
0xa3: {  	[sflag:s23] =	ssyncset.done $0x0  }
0xa4: {  	s25 =	simm.s32 $0x1B8E;
	s24 =	sld [smem:$0x3FFE];
	[sflag:s23] =	ssyncadd.s32 $0xFFFFFFFF  }
0xa5: {  	s26 =	simm.s32 $execute0_lowered;
	[smem:$0x3FD2] =	sst s25  }
0xa6: {  	s5 =	sshll.u32 s26, $0x1;
	_ =	strace $0x80000049;
	[dreg:$0x1] =	wrdreg $0xFFFFFFFF  }
0xa7: {  	s28 =	simm.s32 $_size_execute0_lowered;
	s3 =	sadd.s32 s3, s5;
	[dreg:$0x0] =	wrdreg $0x0  }
0xa8: {  	s5 =	sshll.u32 s28, $0x1;
	[dreg:$0x2] =	wrdreg s3  }
0xa9: {  	[dreg:$0x3] =	wrdreg s5  }
0xaa: {  	[dreg:$0x4] =	wrdreg $0xC0  }
0xab: {  	_ =	task [dreg:s7], $0x5FFFF  }
0xac: {  	[dreg:$0x1] =	wrdreg $0xFFFFFFFF  }
0xad: {  	[dreg:$0x0] =	wrdreg $0x60  }
0xae: {  	[dreg:$0x2] =	wrdreg s24  }
0xaf: {  	[dreg:$0x3] =	wrdreg s2  }
0xb0: {  	[dreg:$0x4] =	wrdreg $0x130000  }
0xb1: {  	[dreg:$0x5] =	wrdreg $0x90000  }
0xb2: {  	[dreg:$0x6] =	wrdreg $0x9  }
0xb3: {  	_ =	task.clear_ibuf [dreg:s7], $0x7FFFF;
	_ =	strace $0x90000049  }
0xb4: {  	s29 =	simm.s32 $0x9;
	_ =	strace $0x8000004B  }
0xb5: {  	_ =	swait.ge [sflag:s29], $0x1  }
0xb6: {  	[sflag:s29] =	ssyncadd.s32 $0xFFFFFFFF  }
0xb7: {  	_ =	strace $0x9000004B  }
0xb8: {  	_ =	sfence  }
0xb9: {  	s30 =	sld [smem:$0x0];
	_ =	sdelay $0x2  }
0xba: {  	s31 =	sshll.u32 s1, $0xD;
	s1 =	sshrl.u32 s1, $0x2  }
0xbb: {  	s3 =	sand.u32 $0x4000, s31;
	s1 =	sadd.s32 s1, s30  }
0xbc: {  	s0 =	sor.u32 s3, s0;
	s1 =	sshll.u32 s1, $0x11  }
0xbd: {  	s0 =	sor.u32 s1, s0  }
0xbe: {  	s0 =	sadd.s32 $0x8F2B, s0  }
0xbf: {  	[sflag:s0] =	ssyncadd.remote.s32 $0x1  }
0xc0: {  	_ =	sfence.sel $0xFFFF  }
0xc1: {  	[dreg:$0x0] =	wrdreg $0xFFFFFFFF;
	(pc) =	sbr.abs _section_cstart, $3  }
0xc2: {  	[dreg:$0x1] =	wrdreg $0xFFFFFFFF  }
0xc3: {  	_ =	task.clear_ibuf [dreg:s7], $0x2FFFF;
	_ =	strace $0x9FFFFFFF  }
0xc4: {  	(tm) =	ssettm $0x7FFFFFFF  }
0xc5: {  	_ =	shalt  }
tec
execute0_lowered:
.L_overlay_start_1:
0x0: {  	(tag) =	ssettag $0x1  }
0x1: {  	s6 =	rddreg [dreg:$0x0]  }
0x2: {  	s0 =	stileid.u32;
	s9 =	rddreg [dreg:$0x1]  }
0x3: {  	s1 =	srdreg.scid;
	s2 =	rddreg [dreg:$0x2]  }
0x4: {  	s3 =	rddreg [dreg:$0x3];
	s4 =	simm.s32 $0x0;
	s22 =	simm.s32 $0x7000  }
0x5: {  	s23 =	simm.s32 $0x1;
	s28 =	simm.s32 $0x0;
	s7 =	smul.u32 $0x14000, s0  }
0x6: {  	s5 =	sand.u32 $0x1, s1;
	s24 =	sshll.u32 s0, $0x1;
	s8 =	smul.u32 $0x1400, s0  }
0x7: {  	[smem:$0x7FF] =	sst s4;
	s14 =	smul.u32 $0x28000, s0;
	s31 =	sshll.u32 s0, $0x6  }
0x8: {  	s1 =	sor.u32 s5, s24;
	s12 =	smul.u32 $0x14000, s5;
	s25 =	ssub.s32 $0x2, s5  }
0x9: {  	s5 =	sadd.s32 $0x1800, s6;
	s24 =	simm.s32 $0x2;
	s10 =	smul.u32 $0x500, s1  }
0xa: {  	s1 =	rddreg [dreg:$0x4];
	s11 =	sshrl.u32 s7, $0x4;
	_ =	strace $0x8000004A  }
0xb: {  	s26 =	sshrl.u32 s25, $0x1;
	s7 =	sshrl.u32 s7, $0x1;
	s29 =	sshrl.u32 s14, $0x2  }
0xc: {  	s11 =	sadd.s32 s11, s6;
	s8 =	sadd.s32 s8, s12;
	s12 =	ssub.s32 s25, s26  }
0xd: {  	s30 =	sadd.s32 s7, s2;
	s16 =	sadd.s32 s29, s2;
	s21 =	sadd.s32 s7, s3  }
0xe: {  	s25 =	simm.s32 $0x4F00;
	s26 =	simm.s32 $0x4F80;
	s13 =	sadd.s32 s10, s6  }
0xf: {  	s15 =	sadd.s32 s8, s6;
	s6 =	sor.u32 $0x1C03, s31;
	s17 =	sadd.s32 $0x2000, s16  }
0x10: {  	s18 =	sadd.s32 $0x4000, s16;
	s19 =	sadd.s32 $0x6000, s16;
	s20 =	sadd.s32 $0x8000, s16  }
0x11: {  	s7 =	sadd.s32 $0xBC00, s11;
	s9 =	sadd.s32 s9, s10;
	s11 =	smax.u32 s12, $0x1  }
0x12: {  	s12 =	sshrl.u32 s30, $0x3;
	s8 =	sadd.s32 $0x1C00, s13;
	s10 =	sadd.s32 $0x1FC00, s15  }
0x13: {  	s13 =	simm.s32 $0x3;
	s14 =	sshrl.u32 s17, $0x3;
	s15 =	sshrl.u32 s18, $0x3  }
0x14: {  	s16 =	sshrl.u32 s19, $0x3;
	s17 =	sshrl.u32 s20, $0x3;
	s18 =	sshrl.u32 s21, $0x3  }
0x15: {  	s19 =	simm.s32 $0x2800;
	s20 =	simm.s32 $0x80;
	s21 =	simm.s32 $0x5000  }
.LBB2_1:
0x16: {  	[spmem:s12], [sflag:s6] =	dma.local [hbm:s5], $0x400  }
0x17: {  	_ =	swait.ge [sflag:s13], $0x400  }
0x18: {  	[sflag:s13] =	ssyncset.done $0x0  }
0x19: {  	[sflag:s13] =	ssyncadd.s32 $0xFFFFFC00  }
0x1a: {  	[spmem:s14], [sflag:s6] =	dma.local [hbm:s5], $0x400  }
0x1b: {  	_ =	swait.ge [sflag:s13], $0x400  }
0x1c: {  	[sflag:s13] =	ssyncset.done $0x0  }
0x1d: {  	[sflag:s13] =	ssyncadd.s32 $0xFFFFFC00  }
0x1e: {  	[spmem:s15], [sflag:s6] =	dma.local [hbm:s5], $0x400  }
0x1f: {  	_ =	swait.ge [sflag:s13], $0x400  }
0x20: {  	[sflag:s13] =	ssyncset.done $0x0  }
0x21: {  	[sflag:s13] =	ssyncadd.s32 $0xFFFFFC00  }
0x22: {  	[spmem:s16], [sflag:s6] =	dma.local [hbm:s5], $0x400  }
0x23: {  	_ =	swait.ge [sflag:s13], $0x400  }
0x24: {  	[sflag:s13] =	ssyncset.done $0x0  }
0x25: {  	[sflag:s13] =	ssyncadd.s32 $0xFFFFFC00  }
0x26: {  	[spmem:s17], [sflag:s6] =	dma.local [hbm:s5], $0x400  }
0x27: {  	_ =	swait.ge [sflag:s13], $0x400  }
0x28: {  	[sflag:s13] =	ssyncset.done $0x0  }
0x29: {  	[sflag:s13] =	ssyncadd.s32 $0xFFFFFC00  }
0x2a: {  	[spmem:s18], [sflag:s6] =	dma.local [hbm:s7], $0x1400  }
0x2b: {  	_ =	swait.ge [sflag:s13], $0x1400  }
0x2c: {  	[sflag:s13] =	ssyncset.done $0x0  }
0x2d: {  	[sflag:s13] =	ssyncadd.s32 $0xFFFFEC00  }
0x2e: {  	[bflag:$0x0] =	sbarrier.arrive $0xFFFF  }
0x2f: {  	[tilespmem:s4], [sflag:$0x3] =	stream.linear.gather [hbm4b:s8+s4], $0x2800, $0x38;
	[tilespmem:$0x1D000] =	vst v63  }
0x30: {  	_ =	swait.ge [sflag:s13], $0x2800  }
0x31: {  	[sflag:s13] =	ssyncset.done $0x0  }
0x32: {  	[sflag:s13] =	ssyncadd.s32 $0xFFFFD800  }
0x33: {  	[tilespmem:s19], [sflag:$0x3] =	stream.linear.gather [hbm4b:s9+s4], $0x2800, $0x38;
	[tilespmem:$0x1D000] =	vst v63  }
0x34: {  	_ =	swait.ge [sflag:s13], $0x2800  }
0x35: {  	[sflag:s13] =	ssyncset.done $0x0  }
0x36: {  	[sflag:s13] =	ssyncadd.s32 $0xFFFFD800  }
0x37: {  	[tilespmem:s21], [sflag:$0x1] =	stream.indirect.gather [spmem:s3], $0x40, s4, s20, $0xb8;
	[tilespmem:$0x1D000] =	vst v63  }
0x38: {  	_ = 	snop  }
0x39: {  	[tilespmem:s22], [sflag:$0x2] =	stream.indirect.gather [spmem:s3], $0x40, s20, s20, $0xb8;
	[tilespmem:$0x1D000] =	vst v63  }
0x3a: {  	_ =	swait.ge [sflag:s23], $0x2000  }
0x3b: {  	[sflag:s23] =	ssyncset.done $0x0  }
0x3c: {  	s29 =	simm.s32 $0x2800;
	[sflag:s23] =	ssyncadd.s32 $0xFFFFE000  }
0x3d: {  	[spmem:s2] =	stream.indirect.scatter.add.bf16 [tilespmem:s21], [sflag:$0x3], $0x40, s29, s20, $0xb8;
	[tilespmem:$0x1D000] =	vst v63  }
0x3e: {  	_ =	swait.ge [sflag:s13], $0x2000  }
0x3f: {  	[sflag:s13] =	ssyncset.done $0x0  }
0x40: {  	s29 =	simm.s32 $0x100;
	[sflag:s13] =	ssyncadd.s32 $0xFFFFE000  }
0x41: {  	[tilespmem:s21], [sflag:$0x1] =	stream.indirect.gather [spmem:s3], $0x40, s29, s20, $0xb8;
	[tilespmem:$0x1D000] =	vst v63  }
0x42: {  	_ =	swait.ge [sflag:s24], $0x2000  }
0x43: {  	[sflag:s24] =	ssyncset.done $0x0  }
0x44: {  	s29 =	simm.s32 $0x2880;
	[sflag:s24] =	ssyncadd.s32 $0xFFFFE000  }
0x45: {  	[spmem:s2] =	stream.indirect.scatter.add.bf16 [tilespmem:s22], [sflag:$0x3], $0x40, s29, s20, $0xb8;
	[tilespmem:$0x1D000] =	vst v63  }
0x46: {  	_ =	swait.ge [sflag:s13], $0x2000  }
0x47: {  	[sflag:s13] =	ssyncset.done $0x0  }
0x48: {  	s30 =	simm.s32 $0x180;
	s29 =	simm.s32 $0x400;
	[sflag:s13] =	ssyncadd.s32 $0xFFFFE000  }
.LBB2_2:
0x49: {  	[tilespmem:s22], [sflag:$0x2] =	stream.indirect.gather [spmem:s3], $0x40, s30, s20, $0xb8;
	[tilespmem:$0x1D000] =	vst v63  }
0x4a: {  	s30 =	smov.u32 s29  }
0x4b: {  	p0 =	sne.s32 s29, $0x9800;
	s29 =	sadd.s32 $0x400, s29;
	_ =	swait.ge [sflag:s23], $0x2000  }
0x4c: {  	s30 =	sshra.s32 s30, $0x2;
	[sflag:s23] =	ssyncset.done $0x0  }
0x4d: {  	s31 =	sadd.s32 $0x2800, s30;
	[sflag:s23] =	ssyncadd.s32 $0xFFFFE000  }
0x4e: {  	[spmem:s2] =	stream.indirect.scatter.add.bf16 [tilespmem:s21], [sflag:$0x3], $0x40, s31, s20, $0xb8;
	[tilespmem:$0x1D000] =	vst v63  }
0x4f: {  	_ =	swait.ge [sflag:s13], $0x2000  }
0x50: {  	[sflag:s13] =	ssyncset.done $0x0  }
0x51: {  	s31 =	sadd.s32 $0x100, s30;
	[sflag:s13] =	ssyncadd.s32 $0xFFFFE000  }
0x52: {  	[tilespmem:s21], [sflag:$0x1] =	stream.indirect.gather [spmem:s3], $0x40, s31, s20, $0xb8;
	[tilespmem:$0x1D000] =	vst v63  }
0x53: {  	_ =	swait.ge [sflag:s24], $0x2000  }
0x54: {  	[sflag:s24] =	ssyncset.done $0x0  }
.Ltmp0:
0x55: {  	s31 =	sadd.s32 $0x2880, s30;
	[sflag:s24] =	ssyncadd.s32 $0xFFFFE000;
	(pc) =	sbr.rel @p0 .LBB2_2-.Ltmp0, $4  }
0x56: {  	[spmem:s2] =	stream.indirect.scatter.add.bf16 [tilespmem:s22], [sflag:$0x3], $0x40, s31, s20, $0xb8;
	[tilespmem:$0x1D000] =	vst v63  }
0x57: {  	_ =	swait.ge [sflag:s13], $0x2000  }
0x58: {  	[sflag:s13] =	ssyncset.done $0x0  }
0x59: {  	s30 =	sadd.s32 $0x180, s30;
	[sflag:s13] =	ssyncadd.s32 $0xFFFFE000  }
0x5a: {  	[tilespmem:s22], [sflag:$0x2] =	stream.indirect.gather [spmem:s3], $0x40, s30, s20, $0xb8;
	[tilespmem:$0x1D000] =	vst v63  }
0x5b: {  	_ =	swait.ge [sflag:s23], $0x2000  }
0x5c: {  	[sflag:s23] =	ssyncset.done $0x0  }
0x5d: {  	[sflag:s23] =	ssyncadd.s32 $0xFFFFE000  }
0x5e: {  	[spmem:s2] =	stream.indirect.scatter.add.bf16 [tilespmem:s21], [sflag:$0x3], $0x40, s25, s20, $0xb8;
	[tilespmem:$0x1D000] =	vst v63  }
0x5f: {  	_ =	swait.ge [sflag:s13], $0x2000  }
0x60: {  	[sflag:s13] =	ssyncset.done $0x0  }
0x61: {  	[sflag:s13] =	ssyncadd.s32 $0xFFFFE000  }
0x62: {  	_ =	swait.ge [sflag:s24], $0x2000  }
0x63: {  	[sflag:s24] =	ssyncset.done $0x0  }
0x64: {  	[sflag:s24] =	ssyncadd.s32 $0xFFFFE000  }
0x65: {  	[spmem:s2] =	stream.indirect.scatter.add.bf16 [tilespmem:s22], [sflag:$0x3], $0x40, s26, s20, $0xb8;
	[tilespmem:$0x1D000] =	vst v63  }
0x66: {  	_ =	swait.ge [sflag:s13], $0x2000  }
0x67: {  	s28 =	sadd.s32 $0x1, s28;
	[sflag:s13] =	ssyncset.done $0x0  }
0x68: {  	p0 =	sne.s32 s28, s11;
	[sflag:s13] =	ssyncadd.s32 $0xFFFFE000  }
.Ltmp1:
0x69: {  	[bflag:$0x0] =	sbarrier.arrive $0xFFFF;
	(pc) =	sbr.rel @p0 .LBB2_1-.Ltmp1, $4  }
0x6a: {  	[hbm:s10], [sflag:s6] =	dma.local [spmem:s12], $0x1400  }
0x6b: {  	_ =	swait.ge [sflag:s13], $0x1400  }
0x6c: {  	[sflag:s13] =	ssyncset.done $0x0  }
0x6d: {  	[sflag:s13] =	ssyncadd.s32 $0xFFFFEC00  }
0x6e: {  	_ =	sfence.sel $0x180000  }
0x6f: {  	[bflag:$0x0] =	sbarrier.arrive $0xFFFF  }
0x70: {  	p0 =	sne.s32 s0, $0x0;
	_ =	strace $0x9000004A  }
0x71: {  	s0 =	sadd.s32 @!p0 $0x100000, s1;
	[bflag:$0x2] =	sbarrier.arrive $0xFFFF  }
0x72: {  	[sflag:s0] =	ssyncadd.tile.s32 @!p0 $0x1;
	_ =	shalt  }
.Lfunc_end2:
_tile_overlayer_lowered:
.L_overlay_start_2:
0x73: {  	(tag) =	ssettag $0x2  }
0x74: {  	s0 =	rddreg [dreg:$0x0];
	s2 =	stileid.u32  }
0x75: {  	s1 =	rddreg [dreg:$0x1];
	p0 =	sne.s32 s2, $0x0  }
0x76: {  	s3 =	rddreg [dreg:$0x2];
	[bflag:$0x3] =	sbarrier.arrive $0xFFFF;
	s2 =	simm.s32 @!p0 $0x1C03  }
0x77: {  	[timem:s3], [sflag:s2] =	dma.local @!p0 [hbm:s0], s1  }
0x78: {  	s0 =	simm.s32 @!p0 $0x3  }
0x79: {  	_ =	swait.ge @!p0 [sflag:s0], s1  }
0x7a: {  	s1 =	ssub.s32 @!p0 $0x0, s1;
	[sflag:s0] =	ssyncset.done @!p0 $0x0  }
0x7b: {  	[sflag:s0] =	ssyncadd.s32 @!p0 s1  }
0x7c: {  	[bflag:$0x3] =	sbarrier.arrive $0xFFFF  }
0x7d: {  	_ =	shalt  }

// kernel: kernel.14.cloned.1.call-start
scs
__scs_entry_jumppad:
0x0: {  	(pc) =	sbr.rel $0x88, $3  }
0x1: {  	(tag) =	ssettag $0x0;
	lr =	simm.s32 $0x1  }
0x2: {  	[smem:$0x3F9B] =	sst lr;
	_ =	strace $0xD0000000  }
0x3: {  	_ = 	snop  }
0x4: {  	_ = 	snop  }
0x5: {  	_ = 	snop  }
0x6: {  	_ = 	snop  }
0x7: {  	_ = 	snop  }
__scs_overlays_trampoline_lowered:
0x8: {  	[smem:$0x3FAA] =	sst s0  }
0x9: {  	[smem:$0x3FAB] =	sst s1  }
0xa: {  	[smem:$0x3FAC] =	sst s2  }
0xb: {  	[smem:$0x3FAD] =	sst s3  }
0xc: {  	[smem:$0x3FAE] =	sst s4  }
0xd: {  	[smem:$0x3FAF] =	sst s5  }
0xe: {  	[smem:$0x3FB0] =	sst s6  }
0xf: {  	[smem:$0x3FB1] =	sst s7  }
0x10: {  	[smem:$0x3FB2] =	sst s8  }
0x11: {  	[smem:$0x3FB3] =	sst s9;
	s0 =	simm.s32 @!p0 $0x0  }
0x12: {  	s1 =	sld [smem:$0x3F99];
	s0 =	simm.s32 @p0 $0x1  }
0x13: {  	[smem:$0x3FB4] =	sst s0;
	s0 =	simm.s32 @!p1 $0x0  }
0x14: {  	s2 =	sld [smem:$0x3F98];
	s0 =	simm.s32 @p1 $0x1  }
0x15: {  	[smem:$0x3FB5] =	sst s0;
	s0 =	simm.s32 @!p2 $0x0  }
0x16: {  	s3 =	sld [smem:$0x3FDB];
	s0 =	simm.s32 @p2 $0x1  }
0x17: {  	s4 =	simm.s32 $0x1BF5;
	[smem:$0x3FB7] =	sst s0  }
0x18: {  	s0 =	sld [smem:$0x3F9A];
	_ =	swait.ge [sflag:s4], $0x0  }
0x19: {  	s7 =	sld [smem:$0x3F9B]  }
0x1a: {  	s8 =	sadd.s32 $0xFFFFE003, lr  }
0x1b: {  	s9 =	sadd.s32 $0xFFFFFEF7, lr;
	s5 =	simm.s32 $0xFFFFFFFF;
	p2 =	slt.u32 s8, $0xFFFFF086  }
0x1c: {  	p1 =	slt.u32 s9, $0xF7A;
	s5 =	simm.s32 @!p2 $0x0  }
0x1d: {  	s5 =	simm.s32 @p1 $0x1;
	p0 =	seq.s32 s7, s2  }
0x1e: {  	s7 =	smul.u32 @!p0 $0xF7A, s2;
	p2 =	seq.s32 @!p0 s5, $0x0  }
0x1f: {  	s9 =	smul.u32 $0xF7A, s1;
	s8 =	simm.s32 @!p0 $0x1BF5;
	p2 =	por !p2, p0  }
0x20: {  	[sflag:s8] =	ssyncset.s32 @!p0 $0xFFFFF086;
	s6 =	sadd.s32 @!p0 s3, s7;
	s7 =	simm.s32 @!p0 $0x108  }
0x21: {  	s3 =	sadd.s32 s3, s9;
	s6 =	sadd.s32 @!p0 $0x88, s6;
	s7 =	simm.s32 @p2 $0x1082  }
0x22: {  	[simem:s7], [sflag:s8] =	dma.local @!p0 [hbm:s6], $0xF7A  }
0x23: {  	s9 =	sor.u32 $0xD0000000, s2;
	s6 =	simm.s32 $0x108;
	_ =	swait.ge @!p0 [sflag:s8], $0x0  }
0x24: {  	s3 =	sadd.s32 $0x88, s3;
	s6 =	simm.s32 @!p1 $0x1082;
	[sflag:s4] =	ssyncset.s32 $0xFFFFF086  }
0x25: {  	[simem:s6], [sflag:s4] =	dma.local [hbm:s3], $0xF7A  }
0x26: {  	[smem:$0x3F9B] =	sst s1;
	(tag) =	ssettag s2;
	_ =	strace s9  }
0x27: {  	s1 =	sld [smem:$0x3FAB]  }
0x28: {  	s2 =	sld [smem:$0x3FAC]  }
0x29: {  	s4 =	sld [smem:$0x3FAE]  }
0x2a: {  	p0 =	seq.s32 s5, $0x0;
	s5 =	sld [smem:$0x3FAF]  }
0x2b: {  	s6 =	sld [smem:$0x3FB0]  }
0x2c: {  	s7 =	sld [smem:$0x3FB1]  }
0x2d: {  	s3 =	simm.s32 $0x108;
	s8 =	sld [smem:$0x3FB2]  }
0x2e: {  	s3 =	simm.s32 @!p0 $0x1082;
	s9 =	sld [smem:$0x3FB3]  }
0x2f: {  	lr =	sadd.s32 s0, s3;
	s0 =	sld [smem:$0x3FAA]  }
0x30: {  	s3 =	sld [smem:$0x3FAD]  }
0x31: {  	[smem:$0x3FB6] =	sst s10  }
0x32: {  	s10 =	sld [smem:$0x3FB4];
	_ =	sdelay $0x3  }
0x33: {  	p0 =	seq.s32 s10, $0x1;
	s10 =	sld [smem:$0x3FB6];
	_ =	sdelay $0x3  }
0x34: {  	[smem:$0x3FB6] =	sst s10  }
0x35: {  	s10 =	sld [smem:$0x3FB5];
	_ =	sdelay $0x3  }
0x36: {  	p1 =	seq.s32 s10, $0x1;
	s10 =	sld [smem:$0x3FB6];
	_ =	sdelay $0x3  }
0x37: {  	[smem:$0x3FB6] =	sst s10  }
0x38: {  	s10 =	sld [smem:$0x3FB7]  }
0x39: {  	_ = 	snop;
	(pc) =	sbr.ind lr, $3  }
0x3a: {  	_ = 	snop  }
0x3b: {  	_ = 	snop  }
0x3c: {  	p2 =	seq.s32 s10, $0x1;
	s10 =	sld [smem:$0x3FB6]  }
0x3d: {  	_ =	shalt  }
0x3e: {  	_ =	shalt  }
0x3f: {  	_ =	shalt  }
0x40: {  	_ =	shalt  }
0x41: {  	_ =	shalt  }
0x42: {  	_ =	shalt  }
0x43: {  	_ =	shalt  }
0x44: {  	_ =	shalt  }
0x45: {  	_ =	shalt  }
0x46: {  	_ =	shalt  }
0x47: {  	_ =	shalt  }
0x48: {  	_ =	shalt  }
0x49: {  	_ =	shalt  }
0x4a: {  	_ =	shalt  }
0x4b: {  	_ =	shalt  }
0x4c: {  	_ =	shalt  }
0x4d: {  	_ =	shalt  }
0x4e: {  	_ =	shalt  }
0x4f: {  	_ =	shalt  }
0x50: {  	_ =	shalt  }
0x51: {  	_ =	shalt  }
0x52: {  	_ =	shalt  }
0x53: {  	_ =	shalt  }
0x54: {  	_ =	shalt  }
0x55: {  	_ =	shalt  }
0x56: {  	_ =	shalt  }
0x57: {  	_ =	shalt  }
0x58: {  	_ =	shalt  }
0x59: {  	_ =	shalt  }
0x5a: {  	_ =	shalt  }
0x5b: {  	_ =	shalt  }
0x5c: {  	_ =	shalt  }
0x5d: {  	_ =	shalt  }
0x5e: {  	_ =	shalt  }
0x5f: {  	_ =	shalt  }
0x60: {  	_ =	shalt  }
0x61: {  	_ =	shalt  }
0x62: {  	_ =	shalt  }
0x63: {  	_ =	shalt  }
0x64: {  	_ =	shalt  }
0x65: {  	_ =	shalt  }
0x66: {  	_ =	shalt  }
0x67: {  	_ =	shalt  }
0x68: {  	_ =	shalt  }
0x69: {  	_ =	shalt  }
0x6a: {  	_ =	shalt  }
0x6b: {  	_ =	shalt  }
0x6c: {  	_ =	shalt  }
0x6d: {  	_ =	shalt  }
0x6e: {  	_ =	shalt  }
0x6f: {  	_ =	shalt  }
0x70: {  	_ =	shalt  }
0x71: {  	_ =	shalt  }
0x72: {  	_ =	shalt  }
0x73: {  	_ =	shalt  }
0x74: {  	_ =	shalt  }
0x75: {  	_ =	shalt  }
0x76: {  	_ =	shalt  }
0x77: {  	_ =	shalt  }
0x78: {  	_ =	shalt  }
0x79: {  	_ =	shalt  }
0x7a: {  	_ =	shalt  }
0x7b: {  	_ =	shalt  }
0x7c: {  	_ =	shalt  }
0x7d: {  	_ =	shalt  }
0x7e: {  	_ =	shalt  }
0x7f: {  	_ =	shalt  }
0x80: {  	_ =	shalt  }
0x81: {  	_ =	shalt  }
0x82: {  	_ =	shalt  }
0x83: {  	_ =	shalt  }
0x84: {  	_ =	shalt  }
0x85: {  	_ =	shalt  }
0x86: {  	_ =	shalt  }
0x87: {  	_ =	shalt  }
.Lfunc_end0:
.L_simem_size_0:
called_computation.2_lowered:
.L_overlay_start_0:
0x88: {  	s2 =	sld [smem:$0x3FD9]  }
0x89: {  	s3 =	sld [smem:$0x3FFE];
	_ =	sdelay $0x1  }
0x8a: {  	s1 =	srdreg.scid  }
0x8b: {  	s0 =	sand.u32 $0x1, s1  }
0x8c: {  	s17 =	sshll.u32 s0, $0xA;
	s2 =	sadd.s32 s3, s2  }
0x8d: {  	s2 =	sadd.s32 s2, s17  }
0x8e: {  	[smem:$0x3FC2] =	sst s2  }
0x8f: {  	_ = 	snop  }
0x90: {  	s2 =	sld [smem:$0x3FD0];
	(tm) =	ssettm $0x1  }
0x91: {  	s18 =	sld [smem:$0x3FFB];
	_ =	sdelay $0x3  }
0x92: {  	_ =	strace s18  }
0x93: {  	s3 =	sld [smem:$0x3FFC];
	_ =	sdelay $0x3  }
0x94: {  	_ =	strace s3  }
0x95: {  	s3 =	sld [smem:$0x3FFD];
	_ =	sdelay $0x3  }
0x96: {  	_ =	strace s3  }
0x97: {  	_ =	strace $0x8FFFFFFF  }
0x98: {  	s19 =	sld [smem:$0x3FDB];
	_ =	sdelay $0x1  }
0x99: {  	s4 =	simm.s32 $_scs_section_size  }
0x9a: {  	s5 =	simm.s32 $_size__tile_overlayer_lowered;
	s6 =	simm.s32 $_tile_overlayer_lowered  }
0x9b: {  	s22 =	simm.s32 $0x1BFF;
	s21 =	sshll.u32 s6, $0x1;
	s3 =	sadd.s32 s4, s19  }
0x9c: {  	s7 =	simm.s32 $0x0;
	s20 =	sshll.u32 s5, $0x1;
	s5 =	sadd.s32 s21, s3  }
0x9d: {  	[timem:s7], [sflag:s22] =	dma.local [hbm:s5], s20  }
0x9e: {  	_ =	swait.ge [sflag:s22], s20  }
0x9f: {  	s4 =	ssub.s32 $0x0, s20;
	[sflag:s22] =	ssyncset.done $0x0  }
0xa0: {  	[sflag:s22] =	ssyncadd.s32 s4;
	_ =	sdelay $0x1  }
0xa1: {  	s23 =	simm.s32 $0x1B8B  }
0xa2: {  	_ =	swait.ge [sflag:s23], $0x1  }
0xa3: {  	[sflag:s23] =	ssyncset.done $0x0  }
0xa4: {  	s25 =	simm.s32 $0x1B8E;
	s24 =	sld [smem:$0x3FFE];
	[sflag:s23] =	ssyncadd.s32 $0xFFFFFFFF  }
0xa5: {  	s26 =	simm.s32 $execute0_lowered;
	[smem:$0x3FD2] =	sst s25  }
0xa6: {  	s5 =	sshll.u32 s26, $0x1;
	_ =	strace $0x8000004C;
	[dreg:$0x1] =	wrdreg $0xFFFFFFFF  }
0xa7: {  	s28 =	simm.s32 $_size_execute0_lowered;
	s3 =	sadd.s32 s3, s5;
	[dreg:$0x0] =	wrdreg $0x0  }
0xa8: {  	s5 =	sshll.u32 s28, $0x1;
	[dreg:$0x2] =	wrdreg s3  }
0xa9: {  	[dreg:$0x3] =	wrdreg s5  }
0xaa: {  	[dreg:$0x4] =	wrdreg $0xC0  }
0xab: {  	_ =	task [dreg:s7], $0x5FFFF  }
0xac: {  	[dreg:$0x1] =	wrdreg $0xFFFFFFFF  }
0xad: {  	[dreg:$0x0] =	wrdreg $0x60  }
0xae: {  	[dreg:$0x2] =	wrdreg s24  }
0xaf: {  	[dreg:$0x3] =	wrdreg s2  }
0xb0: {  	[dreg:$0x4] =	wrdreg $0xE0000  }
0xb1: {  	[dreg:$0x5] =	wrdreg $0x90000  }
0xb2: {  	[dreg:$0x6] =	wrdreg $0x9  }
0xb3: {  	_ =	task.clear_ibuf [dreg:s7], $0x7FFFF;
	_ =	strace $0x9000004C  }
0xb4: {  	s29 =	simm.s32 $0x9;
	_ =	strace $0x8000004E  }
0xb5: {  	_ =	swait.ge [sflag:s29], $0x1  }
0xb6: {  	[sflag:s29] =	ssyncadd.s32 $0xFFFFFFFF  }
0xb7: {  	_ =	strace $0x9000004E  }
0xb8: {  	_ =	sfence  }
0xb9: {  	s30 =	sld [smem:$0x0];
	_ =	sdelay $0x2  }
0xba: {  	s31 =	sshll.u32 s1, $0xD;
	s1 =	sshrl.u32 s1, $0x2  }
0xbb: {  	s3 =	sand.u32 $0x4000, s31;
	s1 =	sadd.s32 s1, s30  }
0xbc: {  	s0 =	sor.u32 s3, s0;
	s1 =	sshll.u32 s1, $0x11  }
0xbd: {  	s0 =	sor.u32 s1, s0  }
0xbe: {  	s0 =	sadd.s32 $0x8F2B, s0  }
0xbf: {  	[sflag:s0] =	ssyncadd.remote.s32 $0x1  }
0xc0: {  	_ =	sfence.sel $0xFFFF  }
0xc1: {  	[dreg:$0x0] =	wrdreg $0xFFFFFFFF;
	(pc) =	sbr.abs _section_cstart, $3  }
0xc2: {  	[dreg:$0x1] =	wrdreg $0xFFFFFFFF  }
0xc3: {  	_ =	task.clear_ibuf [dreg:s7], $0x2FFFF;
	_ =	strace $0x9FFFFFFF  }
0xc4: {  	(tm) =	ssettm $0x7FFFFFFF  }
0xc5: {  	_ =	shalt  }
tec
execute0_lowered:
.L_overlay_start_1:
0x0: {  	(tag) =	ssettag $0x1  }
0x1: {  	s0 =	rddreg [dreg:$0x0]  }
0x2: {  	s1 =	rddreg [dreg:$0x1];
	s14 =	stileid.u32  }
0x3: {  	s3 =	srdreg.scid;
	s2 =	rddreg [dreg:$0x2];
	s28 =	simm.s32 $0x1  }
0x4: {  	s29 =	simm.s32 $0x2;
	s30 =	simm.s32 $0x3;
	s6 =	smul.u32 $0xA000, s14  }
0x5: {  	s31 =	simm.s32 $0x4;
	s5 =	sand.u32 $0x1, s3;
	s8 =	smul.u32 $0xA00, s14  }
0x6: {  	s4 =	sshll.u32 s14, $0x1;
	s3 =	rddreg [dreg:$0x3];
	s13 =	smul.u32 $0x14000, s14  }
0x7: {  	s24 =	sshll.u32 s14, $0x6;
	s7 =	sor.u32 s5, s4;
	s4 =	simm.s32 $0x0  }
0x8: {  	s10 =	smul.u32 $0xA000, s5;
	s12 =	ssub.s32 $0x2, s5;
	s5 =	sadd.s32 $0x800, s0  }
0x9: {  	s9 =	smul.u32 $0x500, s7;
	[smem:$0x7FF] =	sst s4;
	s20 =	sshrl.u32 s6, $0x4  }
0xa: {  	s21 =	sshrl.u32 s12, $0x1;
	s22 =	sshrl.u32 s13, $0x2;
	s23 =	sshrl.u32 s6, $0x1  }
0xb: {  	s6 =	sor.u32 $0x1C05, s24;
	s13 =	simm.s32 $0x5;
	s24 =	simm.s32 $0x7000  }
0xc: {  	_ =	strace $0x8000004D;
	s7 =	sadd.s32 s20, s0;
	s8 =	sadd.s32 s8, s10  }
0xd: {  	s12 =	ssub.s32 s12, s21;
	s25 =	sadd.s32 s23, s2;
	s18 =	sadd.s32 s23, s3  }
0xe: {  	s20 =	simm.s32 $0x80;
	s21 =	simm.s32 $0x5000;
	s23 =	simm.s32 $0x4F80  }
0xf: {  	s11 =	sadd.s32 s9, s0;
	s0 =	sadd.s32 s8, s0;
	s8 =	sadd.s32 s22, s2  }
0x10: {  	s7 =	sadd.s32 $0xBC00, s7;
	s9 =	sadd.s32 s1, s9;
	s18 =	sshrl.u32 s18, $0x3  }
0x11: {  	s22 =	simm.s32 $0x6000;
	s26 =	sadd.s32 $0x1000, s8;
	s15 =	sadd.s32 $0x2000, s8  }
0x12: {  	s16 =	sadd.s32 $0x3000, s8;
	s17 =	sadd.s32 $0x4000, s8;
	s8 =	sadd.s32 $0x1C00, s11  }
0x13: {  	s10 =	sadd.s32 $0x15C00, s0;
	s11 =	smax.u32 s12, $0x1;
	s12 =	sshrl.u32 s25, $0x3  }
0x14: {  	s25 =	simm.s32 $0x0;
	s14 =	sshrl.u32 s26, $0x3;
	s15 =	sshrl.u32 s15, $0x3  }
0x15: {  	s16 =	sshrl.u32 s16, $0x3;
	s17 =	sshrl.u32 s17, $0x3;
	s26 =	simm.s32 $0x8000  }
.LBB2_1:
0x16: {  	[spmem:s12], [sflag:s6] =	dma.local [hbm:s5], $0x200  }
0x17: {  	_ =	swait.ge [sflag:s13], $0x200  }
0x18: {  	[sflag:s13] =	ssyncset.done $0x0  }
0x19: {  	[sflag:s13] =	ssyncadd.s32 $0xFFFFFE00  }
0x1a: {  	[spmem:s14], [sflag:s6] =	dma.local [hbm:s5], $0x200  }
0x1b: {  	_ =	swait.ge [sflag:s13], $0x200  }
0x1c: {  	[sflag:s13] =	ssyncset.done $0x0  }
0x1d: {  	[sflag:s13] =	ssyncadd.s32 $0xFFFFFE00  }
0x1e: {  	[spmem:s15], [sflag:s6] =	dma.local [hbm:s5], $0x200  }
0x1f: {  	_ =	swait.ge [sflag:s13], $0x200  }
0x20: {  	[sflag:s13] =	ssyncset.done $0x0  }
0x21: {  	[sflag:s13] =	ssyncadd.s32 $0xFFFFFE00  }
0x22: {  	[spmem:s16], [sflag:s6] =	dma.local [hbm:s5], $0x200  }
0x23: {  	_ =	swait.ge [sflag:s13], $0x200  }
0x24: {  	[sflag:s13] =	ssyncset.done $0x0  }
0x25: {  	[sflag:s13] =	ssyncadd.s32 $0xFFFFFE00  }
0x26: {  	[spmem:s17], [sflag:s6] =	dma.local [hbm:s5], $0x200  }
0x27: {  	_ =	swait.ge [sflag:s13], $0x200  }
0x28: {  	[sflag:s13] =	ssyncset.done $0x0  }
0x29: {  	[sflag:s13] =	ssyncadd.s32 $0xFFFFFE00  }
0x2a: {  	[spmem:s18], [sflag:s6] =	dma.local [hbm:s7], $0xA00  }
0x2b: {  	_ =	swait.ge [sflag:s13], $0xA00  }
0x2c: {  	[sflag:s13] =	ssyncset.done $0x0  }
0x2d: {  	[sflag:s13] =	ssyncadd.s32 $0xFFFFF600  }
0x2e: {  	[bflag:$0x0] =	sbarrier.arrive $0xFFFF  }
0x2f: {  	[tilespmem:s4], [sflag:$0x5] =	stream.linear.gather [hbm4b:s8+s4], $0x2800, $0x38;
	[tilespmem:$0x13000] =	vst v63  }
0x30: {  	_ =	swait.ge [sflag:s13], $0x2800  }
0x31: {  	[sflag:s13] =	ssyncset.done $0x0  }
0x32: {  	s0 =	simm.s32 $0x2800;
	[sflag:s13] =	ssyncadd.s32 $0xFFFFD800  }
0x33: {  	[tilespmem:s0], [sflag:$0x5] =	stream.linear.gather [hbm4b:s9+s4], $0x2800, $0x38;
	[tilespmem:$0x13000] =	vst v63  }
0x34: {  	_ =	swait.ge [sflag:s13], $0x2800  }
0x35: {  	[sflag:s13] =	ssyncset.done $0x0  }
0x36: {  	[sflag:s13] =	ssyncadd.s32 $0xFFFFD800  }
0x37: {  	[tilespmem:s21], [sflag:$0x1] =	stream.indirect.gather [spmem:s3], $0x20, s4, s20, $0xb8;
	[tilespmem:$0x13000] =	vst v63  }
0x38: {  	_ = 	snop  }
0x39: {  	[tilespmem:s22], [sflag:$0x2] =	stream.indirect.gather [spmem:s3], $0x20, s20, s20, $0xb8;
	[tilespmem:$0x13000] =	vst v63  }
0x3a: {  	s19 =	simm.s32 $0x100  }
0x3b: {  	[tilespmem:s24], [sflag:$0x3] =	stream.indirect.gather [spmem:s3], $0x20, s19, s20, $0xb8;
	[tilespmem:$0x13000] =	vst v63  }
0x3c: {  	s1 =	simm.s32 $0x180  }
0x3d: {  	[tilespmem:s26], [sflag:$0x4] =	stream.indirect.gather [spmem:s3], $0x20, s1, s20, $0xb8;
	[tilespmem:$0x13000] =	vst v63  }
0x3e: {  	_ =	swait.ge [sflag:s28], $0x1000  }
0x3f: {  	[sflag:s28] =	ssyncset.done $0x0  }
0x40: {  	s19 =	simm.s32 $0x2800;
	[sflag:s28] =	ssyncadd.s32 $0xFFFFF000  }
0x41: {  	[spmem:s2] =	stream.indirect.scatter.add.bf16 [tilespmem:s21], [sflag:$0x5], $0x20, s19, s20, $0xb8;
	[tilespmem:$0x13000] =	vst v63  }
0x42: {  	_ =	swait.ge [sflag:s13], $0x1000  }
0x43: {  	[sflag:s13] =	ssyncset.done $0x0  }
0x44: {  	s1 =	simm.s32 $0x200;
	[sflag:s13] =	ssyncadd.s32 $0xFFFFF000  }
0x45: {  	[tilespmem:s21], [sflag:$0x1] =	stream.indirect.gather [spmem:s3], $0x20, s1, s20, $0xb8;
	[tilespmem:$0x13000] =	vst v63  }
0x46: {  	_ =	swait.ge [sflag:s29], $0x1000  }
0x47: {  	[sflag:s29] =	ssyncset.done $0x0  }
0x48: {  	s19 =	simm.s32 $0x2880;
	[sflag:s29] =	ssyncadd.s32 $0xFFFFF000  }
0x49: {  	[spmem:s2] =	stream.indirect.scatter.add.bf16 [tilespmem:s22], [sflag:$0x5], $0x20, s19, s20, $0xb8;
	[tilespmem:$0x13000] =	vst v63  }
0x4a: {  	_ =	swait.ge [sflag:s13], $0x1000  }
0x4b: {  	[sflag:s13] =	ssyncset.done $0x0  }
0x4c: {  	s1 =	simm.s32 $0x280;
	[sflag:s13] =	ssyncadd.s32 $0xFFFFF000  }
0x4d: {  	[tilespmem:s22], [sflag:$0x2] =	stream.indirect.gather [spmem:s3], $0x20, s1, s20, $0xb8;
	[tilespmem:$0x13000] =	vst v63  }
0x4e: {  	_ =	swait.ge [sflag:s30], $0x1000  }
0x4f: {  	[sflag:s30] =	ssyncset.done $0x0  }
0x50: {  	s19 =	simm.s32 $0x2900;
	[sflag:s30] =	ssyncadd.s32 $0xFFFFF000  }
0x51: {  	[spmem:s2] =	stream.indirect.scatter.add.bf16 [tilespmem:s24], [sflag:$0x5], $0x20, s19, s20, $0xb8;
	[tilespmem:$0x13000] =	vst v63  }
0x52: {  	_ =	swait.ge [sflag:s13], $0x1000  }
0x53: {  	[sflag:s13] =	ssyncset.done $0x0  }
0x54: {  	s1 =	simm.s32 $0x300;
	[sflag:s13] =	ssyncadd.s32 $0xFFFFF000  }
0x55: {  	[tilespmem:s24], [sflag:$0x3] =	stream.indirect.gather [spmem:s3], $0x20, s1, s20, $0xb8;
	[tilespmem:$0x13000] =	vst v63  }
0x56: {  	_ =	swait.ge [sflag:s31], $0x1000  }
0x57: {  	[sflag:s31] =	ssyncset.done $0x0  }
0x58: {  	s19 =	simm.s32 $0x2980;
	[sflag:s31] =	ssyncadd.s32 $0xFFFFF000  }
0x59: {  	[spmem:s2] =	stream.indirect.scatter.add.bf16 [tilespmem:s26], [sflag:$0x5], $0x20, s19, s20, $0xb8;
	[tilespmem:$0x13000] =	vst v63  }
0x5a: {  	_ =	swait.ge [sflag:s13], $0x1000  }
0x5b: {  	[sflag:s13] =	ssyncset.done $0x0  }
0x5c: {  	s0 =	simm.s32 $0x380;
	s1 =	simm.s32 $0x800;
	[sflag:s13] =	ssyncadd.s32 $0xFFFFF000  }
.LBB2_2:
0x5d: {  	[tilespmem:s26], [sflag:$0x4] =	stream.indirect.gather [spmem:s3], $0x20, s0, s20, $0xb8;
	[tilespmem:$0x13000] =	vst v63  }
0x5e: {  	s0 =	smov.u32 s1  }
0x5f: {  	p0 =	sne.s32 s1, $0x9000;
	s1 =	sadd.s32 $0x800, s1;
	_ =	swait.ge [sflag:s28], $0x1000  }
0x60: {  	s0 =	sshra.s32 s0, $0x2;
	[sflag:s28] =	ssyncset.done $0x0  }
0x61: {  	s19 =	sadd.s32 $0x2800, s0;
	[sflag:s28] =	ssyncadd.s32 $0xFFFFF000  }
0x62: {  	[spmem:s2] =	stream.indirect.scatter.add.bf16 [tilespmem:s21], [sflag:$0x5], $0x20, s19, s20, $0xb8;
	[tilespmem:$0x13000] =	vst v63  }
0x63: {  	_ =	swait.ge [sflag:s13], $0x1000  }
0x64: {  	[sflag:s13] =	ssyncset.done $0x0  }
0x65: {  	s19 =	sadd.s32 $0x200, s0;
	[sflag:s13] =	ssyncadd.s32 $0xFFFFF000  }
0x66: {  	[tilespmem:s21], [sflag:$0x1] =	stream.indirect.gather [spmem:s3], $0x20, s19, s20, $0xb8;
	[tilespmem:$0x13000] =	vst v63  }
0x67: {  	_ =	swait.ge [sflag:s29], $0x1000  }
0x68: {  	[sflag:s29] =	ssyncset.done $0x0  }
0x69: {  	s19 =	sadd.s32 $0x2880, s0;
	[sflag:s29] =	ssyncadd.s32 $0xFFFFF000  }
0x6a: {  	[spmem:s2] =	stream.indirect.scatter.add.bf16 [tilespmem:s22], [sflag:$0x5], $0x20, s19, s20, $0xb8;
	[tilespmem:$0x13000] =	vst v63  }
0x6b: {  	_ =	swait.ge [sflag:s13], $0x1000  }
0x6c: {  	[sflag:s13] =	ssyncset.done $0x0  }
0x6d: {  	s19 =	sadd.s32 $0x280, s0;
	[sflag:s13] =	ssyncadd.s32 $0xFFFFF000  }
0x6e: {  	[tilespmem:s22], [sflag:$0x2] =	stream.indirect.gather [spmem:s3], $0x20, s19, s20, $0xb8;
	[tilespmem:$0x13000] =	vst v63  }
0x6f: {  	_ =	swait.ge [sflag:s30], $0x1000  }
0x70: {  	[sflag:s30] =	ssyncset.done $0x0  }
0x71: {  	s19 =	sadd.s32 $0x2900, s0;
	[sflag:s30] =	ssyncadd.s32 $0xFFFFF000  }
0x72: {  	[spmem:s2] =	stream.indirect.scatter.add.bf16 [tilespmem:s24], [sflag:$0x5], $0x20, s19, s20, $0xb8;
	[tilespmem:$0x13000] =	vst v63  }
0x73: {  	_ =	swait.ge [sflag:s13], $0x1000  }
0x74: {  	[sflag:s13] =	ssyncset.done $0x0  }
0x75: {  	s19 =	sadd.s32 $0x300, s0;
	[sflag:s13] =	ssyncadd.s32 $0xFFFFF000  }
0x76: {  	[tilespmem:s24], [sflag:$0x3] =	stream.indirect.gather [spmem:s3], $0x20, s19, s20, $0xb8;
	[tilespmem:$0x13000] =	vst v63  }
0x77: {  	_ =	swait.ge [sflag:s31], $0x1000  }
0x78: {  	[sflag:s31] =	ssyncset.done $0x0  }
.Ltmp0:
0x79: {  	s19 =	sadd.s32 $0x2980, s0;
	[sflag:s31] =	ssyncadd.s32 $0xFFFFF000;
	(pc) =	sbr.rel @p0 .LBB2_2-.Ltmp0, $4  }
0x7a: {  	[spmem:s2] =	stream.indirect.scatter.add.bf16 [tilespmem:s26], [sflag:$0x5], $0x20, s19, s20, $0xb8;
	[tilespmem:$0x13000] =	vst v63  }
0x7b: {  	_ =	swait.ge [sflag:s13], $0x1000  }
0x7c: {  	[sflag:s13] =	ssyncset.done $0x0  }
0x7d: {  	s0 =	sadd.s32 $0x380, s0;
	[sflag:s13] =	ssyncadd.s32 $0xFFFFF000  }
0x7e: {  	[tilespmem:s26], [sflag:$0x4] =	stream.indirect.gather [spmem:s3], $0x20, s0, s20, $0xb8;
	[tilespmem:$0x13000] =	vst v63  }
0x7f: {  	_ =	swait.ge [sflag:s28], $0x1000  }
0x80: {  	[sflag:s28] =	ssyncset.done $0x0  }
0x81: {  	s19 =	simm.s32 $0x4E00;
	[sflag:s28] =	ssyncadd.s32 $0xFFFFF000  }
0x82: {  	[spmem:s2] =	stream.indirect.scatter.add.bf16 [tilespmem:s21], [sflag:$0x5], $0x20, s19, s20, $0xb8;
	[tilespmem:$0x13000] =	vst v63  }
0x83: {  	_ =	swait.ge [sflag:s13], $0x1000  }
0x84: {  	[sflag:s13] =	ssyncset.done $0x0  }
0x85: {  	[sflag:s13] =	ssyncadd.s32 $0xFFFFF000  }
0x86: {  	_ =	swait.ge [sflag:s29], $0x1000  }
0x87: {  	[sflag:s29] =	ssyncset.done $0x0  }
0x88: {  	s1 =	simm.s32 $0x4E80;
	[sflag:s29] =	ssyncadd.s32 $0xFFFFF000  }
0x89: {  	[spmem:s2] =	stream.indirect.scatter.add.bf16 [tilespmem:s22], [sflag:$0x5], $0x20, s1, s20, $0xb8;
	[tilespmem:$0x13000] =	vst v63  }
0x8a: {  	_ =	swait.ge [sflag:s13], $0x1000  }
0x8b: {  	[sflag:s13] =	ssyncset.done $0x0  }
0x8c: {  	[sflag:s13] =	ssyncadd.s32 $0xFFFFF000  }
0x8d: {  	_ =	swait.ge [sflag:s30], $0x1000  }
0x8e: {  	[sflag:s30] =	ssyncset.done $0x0  }
0x8f: {  	s19 =	simm.s32 $0x4F00;
	[sflag:s30] =	ssyncadd.s32 $0xFFFFF000  }
0x90: {  	[spmem:s2] =	stream.indirect.scatter.add.bf16 [tilespmem:s24], [sflag:$0x5], $0x20, s19, s20, $0xb8;
	[tilespmem:$0x13000] =	vst v63  }
0x91: {  	_ =	swait.ge [sflag:s13], $0x1000  }
0x92: {  	[sflag:s13] =	ssyncset.done $0x0  }
0x93: {  	[sflag:s13] =	ssyncadd.s32 $0xFFFFF000  }
0x94: {  	_ =	swait.ge [sflag:s31], $0x1000  }
0x95: {  	[sflag:s31] =	ssyncset.done $0x0  }
0x96: {  	[sflag:s31] =	ssyncadd.s32 $0xFFFFF000  }
0x97: {  	[spmem:s2] =	stream.indirect.scatter.add.bf16 [tilespmem:s26], [sflag:$0x5], $0x20, s23, s20, $0xb8;
	[tilespmem:$0x13000] =	vst v63  }
0x98: {  	_ =	swait.ge [sflag:s13], $0x1000  }
0x99: {  	s25 =	sadd.s32 $0x1, s25;
	[sflag:s13] =	ssyncset.done $0x0  }
0x9a: {  	p0 =	sne.s32 s25, s11;
	[sflag:s13] =	ssyncadd.s32 $0xFFFFF000  }
.Ltmp1:
0x9b: {  	[bflag:$0x0] =	sbarrier.arrive $0xFFFF;
	(pc) =	sbr.rel @p0 .LBB2_1-.Ltmp1, $4  }
0x9c: {  	[hbm:s10], [sflag:s6] =	dma.local [spmem:s12], $0xA00  }
0x9d: {  	_ =	swait.ge [sflag:s13], $0xA00  }
0x9e: {  	[sflag:s13] =	ssyncset.done $0x0  }
0x9f: {  	[sflag:s13] =	ssyncadd.s32 $0xFFFFF600  }
0xa0: {  	_ =	sfence.sel $0x180000  }
0xa1: {  	[bflag:$0x0] =	sbarrier.arrive $0xFFFF  }
0xa2: {  	_ =	strace $0x9000004D  }
0xa3: {  	s0 =	stileid.u32;
	[bflag:$0x2] =	sbarrier.arrive $0xFFFF  }
0xa4: {  	p0 =	sne.s32 s0, $0x0;
	s0 =	rddreg [dreg:$0x4]  }
0xa5: {  	s0 =	sadd.s32 @!p0 $0x100000, s0  }
0xa6: {  	[sflag:s0] =	ssyncadd.tile.s32 @!p0 $0x1;
	_ =	shalt  }
.Lfunc_end2:
_tile_overlayer_lowered:
.L_overlay_start_2:
0xa7: {  	(tag) =	ssettag $0x2  }
0xa8: {  	s0 =	rddreg [dreg:$0x0];
	s2 =	stileid.u32  }
0xa9: {  	s1 =	rddreg [dreg:$0x1];
	p0 =	sne.s32 s2, $0x0  }
0xaa: {  	s3 =	rddreg [dreg:$0x2];
	[bflag:$0x3] =	sbarrier.arrive $0xFFFF;
	s2 =	simm.s32 @!p0 $0x1C05  }
0xab: {  	[timem:s3], [sflag:s2] =	dma.local @!p0 [hbm:s0], s1  }
0xac: {  	s0 =	simm.s32 @!p0 $0x5  }
0xad: {  	_ =	swait.ge @!p0 [sflag:s0], s1  }
0xae: {  	s1 =	ssub.s32 @!p0 $0x0, s1;
	[sflag:s0] =	ssyncset.done @!p0 $0x0  }
0xaf: {  	[sflag:s0] =	ssyncadd.s32 @!p0 s1  }
0xb0: {  	[bflag:$0x3] =	sbarrier.arrive $0xFFFF  }
0xb1: {  	_ =	shalt  }

// kernel: kernel.8.cloned.1.call-start
scs
__scs_entry_jumppad:
0x0: {  	(pc) =	sbr.rel $0x88, $3  }
0x1: {  	(tag) =	ssettag $0x0;
	lr =	simm.s32 $0x1  }
0x2: {  	[smem:$0x3F9B] =	sst lr;
	_ =	strace $0xD0000000  }
0x3: {  	_ = 	snop  }
0x4: {  	_ = 	snop  }
0x5: {  	_ = 	snop  }
0x6: {  	_ = 	snop  }
0x7: {  	_ = 	snop  }
__scs_overlays_trampoline_lowered:
0x8: {  	[smem:$0x3FAA] =	sst s0  }
0x9: {  	[smem:$0x3FAB] =	sst s1  }
0xa: {  	[smem:$0x3FAC] =	sst s2  }
0xb: {  	[smem:$0x3FAD] =	sst s3  }
0xc: {  	[smem:$0x3FAE] =	sst s4  }
0xd: {  	[smem:$0x3FAF] =	sst s5  }
0xe: {  	[smem:$0x3FB0] =	sst s6  }
0xf: {  	[smem:$0x3FB1] =	sst s7  }
0x10: {  	[smem:$0x3FB2] =	sst s8  }
0x11: {  	[smem:$0x3FB3] =	sst s9;
	s0 =	simm.s32 @!p0 $0x0  }
0x12: {  	s1 =	sld [smem:$0x3F99];
	s0 =	simm.s32 @p0 $0x1  }
0x13: {  	[smem:$0x3FB4] =	sst s0;
	s0 =	simm.s32 @!p1 $0x0  }
0x14: {  	s2 =	sld [smem:$0x3F98];
	s0 =	simm.s32 @p1 $0x1  }
0x15: {  	[smem:$0x3FB5] =	sst s0;
	s0 =	simm.s32 @!p2 $0x0  }
0x16: {  	s3 =	sld [smem:$0x3FDB];
	s0 =	simm.s32 @p2 $0x1  }
0x17: {  	s4 =	simm.s32 $0x1BF5;
	[smem:$0x3FB7] =	sst s0  }
0x18: {  	s0 =	sld [smem:$0x3F9A];
	_ =	swait.ge [sflag:s4], $0x0  }
0x19: {  	s7 =	sld [smem:$0x3F9B]  }
0x1a: {  	s8 =	sadd.s32 $0xFFFFE003, lr  }
0x1b: {  	s9 =	sadd.s32 $0xFFFFFEF7, lr;
	s5 =	simm.s32 $0xFFFFFFFF;
	p2 =	slt.u32 s8, $0xFFFFF086  }
0x1c: {  	p1 =	slt.u32 s9, $0xF7A;
	s5 =	simm.s32 @!p2 $0x0  }
0x1d: {  	s5 =	simm.s32 @p1 $0x1;
	p0 =	seq.s32 s7, s2  }
0x1e: {  	s7 =	smul.u32 @!p0 $0xF7A, s2;
	p2 =	seq.s32 @!p0 s5, $0x0  }
0x1f: {  	s9 =	smul.u32 $0xF7A, s1;
	s8 =	simm.s32 @!p0 $0x1BF5;
	p2 =	por !p2, p0  }
0x20: {  	[sflag:s8] =	ssyncset.s32 @!p0 $0xFFFFF086;
	s6 =	sadd.s32 @!p0 s3, s7;
	s7 =	simm.s32 @!p0 $0x108  }
0x21: {  	s3 =	sadd.s32 s3, s9;
	s6 =	sadd.s32 @!p0 $0x88, s6;
	s7 =	simm.s32 @p2 $0x1082  }
0x22: {  	[simem:s7], [sflag:s8] =	dma.local @!p0 [hbm:s6], $0xF7A  }
0x23: {  	s9 =	sor.u32 $0xD0000000, s2;
	s6 =	simm.s32 $0x108;
	_ =	swait.ge @!p0 [sflag:s8], $0x0  }
0x24: {  	s3 =	sadd.s32 $0x88, s3;
	s6 =	simm.s32 @!p1 $0x1082;
	[sflag:s4] =	ssyncset.s32 $0xFFFFF086  }
0x25: {  	[simem:s6], [sflag:s4] =	dma.local [hbm:s3], $0xF7A  }
0x26: {  	[smem:$0x3F9B] =	sst s1;
	(tag) =	ssettag s2;
	_ =	strace s9  }
0x27: {  	s1 =	sld [smem:$0x3FAB]  }
0x28: {  	s2 =	sld [smem:$0x3FAC]  }
0x29: {  	s4 =	sld [smem:$0x3FAE]  }
0x2a: {  	p0 =	seq.s32 s5, $0x0;
	s5 =	sld [smem:$0x3FAF]  }
0x2b: {  	s6 =	sld [smem:$0x3FB0]  }
0x2c: {  	s7 =	sld [smem:$0x3FB1]  }
0x2d: {  	s3 =	simm.s32 $0x108;
	s8 =	sld [smem:$0x3FB2]  }
0x2e: {  	s3 =	simm.s32 @!p0 $0x1082;
	s9 =	sld [smem:$0x3FB3]  }
0x2f: {  	lr =	sadd.s32 s0, s3;
	s0 =	sld [smem:$0x3FAA]  }
0x30: {  	s3 =	sld [smem:$0x3FAD]  }
0x31: {  	[smem:$0x3FB6] =	sst s10  }
0x32: {  	s10 =	sld [smem:$0x3FB4];
	_ =	sdelay $0x3  }
0x33: {  	p0 =	seq.s32 s10, $0x1;
	s10 =	sld [smem:$0x3FB6];
	_ =	sdelay $0x3  }
0x34: {  	[smem:$0x3FB6] =	sst s10  }
0x35: {  	s10 =	sld [smem:$0x3FB5];
	_ =	sdelay $0x3  }
0x36: {  	p1 =	seq.s32 s10, $0x1;
	s10 =	sld [smem:$0x3FB6];
	_ =	sdelay $0x3  }
0x37: {  	[smem:$0x3FB6] =	sst s10  }
0x38: {  	s10 =	sld [smem:$0x3FB7]  }
0x39: {  	_ = 	snop;
	(pc) =	sbr.ind lr, $3  }
0x3a: {  	_ = 	snop  }
0x3b: {  	_ = 	snop  }
0x3c: {  	p2 =	seq.s32 s10, $0x1;
	s10 =	sld [smem:$0x3FB6]  }
0x3d: {  	_ =	shalt  }
0x3e: {  	_ =	shalt  }
0x3f: {  	_ =	shalt  }
0x40: {  	_ =	shalt  }
0x41: {  	_ =	shalt  }
0x42: {  	_ =	shalt  }
0x43: {  	_ =	shalt  }
0x44: {  	_ =	shalt  }
0x45: {  	_ =	shalt  }
0x46: {  	_ =	shalt  }
0x47: {  	_ =	shalt  }
0x48: {  	_ =	shalt  }
0x49: {  	_ =	shalt  }
0x4a: {  	_ =	shalt  }
0x4b: {  	_ =	shalt  }
0x4c: {  	_ =	shalt  }
0x4d: {  	_ =	shalt  }
0x4e: {  	_ =	shalt  }
0x4f: {  	_ =	shalt  }
0x50: {  	_ =	shalt  }
0x51: {  	_ =	shalt  }
0x52: {  	_ =	shalt  }
0x53: {  	_ =	shalt  }
0x54: {  	_ =	shalt  }
0x55: {  	_ =	shalt  }
0x56: {  	_ =	shalt  }
0x57: {  	_ =	shalt  }
0x58: {  	_ =	shalt  }
0x59: {  	_ =	shalt  }
0x5a: {  	_ =	shalt  }
0x5b: {  	_ =	shalt  }
0x5c: {  	_ =	shalt  }
0x5d: {  	_ =	shalt  }
0x5e: {  	_ =	shalt  }
0x5f: {  	_ =	shalt  }
0x60: {  	_ =	shalt  }
0x61: {  	_ =	shalt  }
0x62: {  	_ =	shalt  }
0x63: {  	_ =	shalt  }
0x64: {  	_ =	shalt  }
0x65: {  	_ =	shalt  }
0x66: {  	_ =	shalt  }
0x67: {  	_ =	shalt  }
0x68: {  	_ =	shalt  }
0x69: {  	_ =	shalt  }
0x6a: {  	_ =	shalt  }
0x6b: {  	_ =	shalt  }
0x6c: {  	_ =	shalt  }
0x6d: {  	_ =	shalt  }
0x6e: {  	_ =	shalt  }
0x6f: {  	_ =	shalt  }
0x70: {  	_ =	shalt  }
0x71: {  	_ =	shalt  }
0x72: {  	_ =	shalt  }
0x73: {  	_ =	shalt  }
0x74: {  	_ =	shalt  }
0x75: {  	_ =	shalt  }
0x76: {  	_ =	shalt  }
0x77: {  	_ =	shalt  }
0x78: {  	_ =	shalt  }
0x79: {  	_ =	shalt  }
0x7a: {  	_ =	shalt  }
0x7b: {  	_ =	shalt  }
0x7c: {  	_ =	shalt  }
0x7d: {  	_ =	shalt  }
0x7e: {  	_ =	shalt  }
0x7f: {  	_ =	shalt  }
0x80: {  	_ =	shalt  }
0x81: {  	_ =	shalt  }
0x82: {  	_ =	shalt  }
0x83: {  	_ =	shalt  }
0x84: {  	_ =	shalt  }
0x85: {  	_ =	shalt  }
0x86: {  	_ =	shalt  }
0x87: {  	_ =	shalt  }
.Lfunc_end0:
.L_simem_size_0:
called_computation_lowered:
.L_overlay_start_0:
0x88: {  	s2 =	sld [smem:$0x3FD9]  }
0x89: {  	s3 =	sld [smem:$0x3FFE];
	_ =	sdelay $0x1  }
0x8a: {  	s1 =	srdreg.scid  }
0x8b: {  	s0 =	sand.u32 $0x1, s1  }
0x8c: {  	s17 =	sshll.u32 s0, $0xA;
	s2 =	sadd.s32 s3, s2  }
0x8d: {  	s2 =	sadd.s32 s2, s17  }
0x8e: {  	[smem:$0x3FC2] =	sst s2  }
0x8f: {  	_ = 	snop  }
0x90: {  	s2 =	sld [smem:$0x3FD0];
	(tm) =	ssettm $0x1  }
0x91: {  	s18 =	sld [smem:$0x3FFB];
	_ =	sdelay $0x3  }
0x92: {  	_ =	strace s18  }
0x93: {  	s3 =	sld [smem:$0x3FFC];
	_ =	sdelay $0x3  }
0x94: {  	_ =	strace s3  }
0x95: {  	s3 =	sld [smem:$0x3FFD];
	_ =	sdelay $0x3  }
0x96: {  	_ =	strace s3  }
0x97: {  	_ =	strace $0x8FFFFFFF  }
0x98: {  	s19 =	sld [smem:$0x3FDB];
	_ =	sdelay $0x1  }
0x99: {  	s4 =	simm.s32 $_scs_section_size  }
0x9a: {  	s5 =	simm.s32 $_size__tile_overlayer_lowered;
	s6 =	simm.s32 $_tile_overlayer_lowered  }
0x9b: {  	s22 =	simm.s32 $0x1BFF;
	s21 =	sshll.u32 s6, $0x1;
	s3 =	sadd.s32 s4, s19  }
0x9c: {  	s7 =	simm.s32 $0x0;
	s20 =	sshll.u32 s5, $0x1;
	s5 =	sadd.s32 s21, s3  }
0x9d: {  	[timem:s7], [sflag:s22] =	dma.local [hbm:s5], s20  }
0x9e: {  	_ =	swait.ge [sflag:s22], s20  }
0x9f: {  	s4 =	ssub.s32 $0x0, s20;
	[sflag:s22] =	ssyncset.done $0x0  }
0xa0: {  	[sflag:s22] =	ssyncadd.s32 s4;
	_ =	sdelay $0x1  }
0xa1: {  	s23 =	simm.s32 $0x1B8B  }
0xa2: {  	_ =	swait.ge [sflag:s23], $0x1  }
0xa3: {  	[sflag:s23] =	ssyncset.done $0x0  }
0xa4: {  	s25 =	simm.s32 $0x1B8E;
	s24 =	sld [smem:$0x3FFE];
	[sflag:s23] =	ssyncadd.s32 $0xFFFFFFFF  }
0xa5: {  	s26 =	simm.s32 $execute0_lowered;
	[smem:$0x3FD2] =	sst s25  }
0xa6: {  	s5 =	sshll.u32 s26, $0x1;
	_ =	strace $0x80000046;
	[dreg:$0x1] =	wrdreg $0xFFFFFFFF  }
0xa7: {  	s28 =	simm.s32 $_size_execute0_lowered;
	s3 =	sadd.s32 s3, s5;
	[dreg:$0x0] =	wrdreg $0x0  }
0xa8: {  	s5 =	sshll.u32 s28, $0x1;
	[dreg:$0x2] =	wrdreg s3  }
0xa9: {  	[dreg:$0x3] =	wrdreg s5  }
0xaa: {  	[dreg:$0x4] =	wrdreg $0xC0  }
0xab: {  	_ =	task [dreg:s7], $0x5FFFF  }
0xac: {  	[dreg:$0x1] =	wrdreg $0xFFFFFFFF  }
0xad: {  	[dreg:$0x0] =	wrdreg $0x60  }
0xae: {  	[dreg:$0x2] =	wrdreg s2  }
0xaf: {  	[dreg:$0x3] =	wrdreg s24  }
0xb0: {  	[dreg:$0x4] =	wrdreg $0x94800  }
0xb1: {  	[dreg:$0x5] =	wrdreg $0x9  }
0xb2: {  	_ =	task.clear_ibuf [dreg:s7], $0x6FFFF;
	_ =	strace $0x90000046  }
0xb3: {  	s29 =	simm.s32 $0x9;
	_ =	strace $0x80000048  }
0xb4: {  	_ =	swait.ge [sflag:s29], $0x1  }
0xb5: {  	[sflag:s29] =	ssyncadd.s32 $0xFFFFFFFF  }
0xb6: {  	_ =	strace $0x90000048  }
0xb7: {  	_ =	sfence  }
0xb8: {  	s30 =	sld [smem:$0x0];
	_ =	sdelay $0x2  }
0xb9: {  	s31 =	sshll.u32 s1, $0xD;
	s1 =	sshrl.u32 s1, $0x2  }
0xba: {  	s3 =	sand.u32 $0x4000, s31;
	s1 =	sadd.s32 s1, s30  }
0xbb: {  	s0 =	sor.u32 s3, s0;
	s1 =	sshll.u32 s1, $0x11  }
0xbc: {  	s0 =	sor.u32 s1, s0  }
0xbd: {  	s0 =	sadd.s32 $0x8F2B, s0  }
0xbe: {  	[sflag:s0] =	ssyncadd.remote.s32 $0x1  }
0xbf: {  	_ =	sfence.sel $0xFFFF  }
0xc0: {  	[dreg:$0x0] =	wrdreg $0xFFFFFFFF;
	(pc) =	sbr.abs _section_cstart, $3  }
0xc1: {  	[dreg:$0x1] =	wrdreg $0xFFFFFFFF  }
0xc2: {  	_ =	task.clear_ibuf [dreg:s7], $0x2FFFF;
	_ =	strace $0x9FFFFFFF  }
0xc3: {  	(tm) =	ssettm $0x7FFFFFFF  }
tec
execute0_lowered:
.L_overlay_start_1:
0x0: {  	(tag) =	ssettag $0x1  }
0x1: {  	s6 =	rddreg [dreg:$0x0]  }
0x2: {  	s5 =	rddreg [dreg:$0x1]  }
0x3: {  	s1 =	rddreg [dreg:$0x2]  }
0x4: {  	s0 =	rddreg [dreg:$0x3];
	s2 =	simm.s32 $0x0;
	s7 =	srdreg.scid  }
0x5: {  	s3 =	stileid.u32;
	v0 =	vlaneseq.u32;
	s13 =	simm.s32 $0x80;
	s14 =	simm.s32 $0x9000  }
0x6: {  	s15 =	simm.s32 $0x9080;
	s16 =	simm.s32 $0x0;
	[smem:$0x7FF] =	sst s2;
	v1 =	vor.u32 $0x10, v0  }
0x7: {  	s4 =	sadd.s32 $0x800, s5;
	s9 =	sand.u32 $0x1, s7;
	v2 =	vor.u32 $0x20, v0;
	_ =	strace $0x80000047;
	[tilespmem:$0x1FF90] =	vst v1  }
0x8: {  	s29 =	sshll.u32 s3, $0x7;
	s10 =	smul.u32 $0xA00, s3;
	s11 =	sshll.u32 s3, $0xA;
	v3 =	vor.u32 $0x30, v0;
	[tilespmem:$0x1FFA0] =	vst v2  }
.Ltmp0:
0x9: {  	s31 =	sshll.u32 s3, $0x6;
	v4 =	vor.u32 $0x40, v0;
	s8 =	ssub.s32 $0x2, s9;
	[tilespmem:$0x1FFB0] =	vst v3;
	(pc) =	sbr.rel .LBB2_1-.Ltmp0, $4  }
0xa: {  	v5 =	vor.u32 $0x50, v0;
	s7 =	sadd.s32 s29, s5;
	s5 =	sadd.s32 s11, s1;
	p0 =	sne.s32 s9, $0x0;
	[tilespmem:$0x1FFC0] =	vst v4  }
0xb: {  	v6 =	vor.u32 $0x60, v0;
	s9 =	simm.s32 $0x5000;
	s11 =	sor.u32 $0x1C01, s31;
	[tilespmem:$0x1FFD0] =	vst v5;
	s30 =	sshrl.u32 s8, $0x1  }
0xc: {  	v7 =	vor.u32 $0x70, v0;
	[tilespmem:$0x1FFE0] =	vst v6;
	s6 =	sadd.s32 s6, s10;
	s7 =	sadd.s32 $0x1000, s7;
	s8 =	ssub.s32 s8, s30  }
0xd: {  	v8 =	vimm.f32 $1.000000000e+00;
	[tilespmem:$0x1FFF0] =	vst v7;
	s10 =	simm.s32 $0x1;
	s12 =	sshrl.u32 s5, $0x3;
	s8 =	smax.u32 s8, $0x1  }
.LBB2_7:
0xe: {  	[bflag:$0x0] =	sbarrier.arrive $0xFFFF  }
0xf: {  	[bflag:$0x0] =	sbarrier.arrive $0xFFFF  }
.LBB2_5:
0x10: {  	s16 =	sadd.s32 $0x1, s16  }
0x11: {  	p1 =	sne.s32 s16, s8  }
.Ltmp1:
0x12: {  	_ = 	snop;
	(pc) =	sbr.rel @!p1 .LBB2_6-.Ltmp1, $1  }
0x13: {  	_ =	sdelay $0x3  }
.LBB2_1:
0x14: {  	[tilespmem:$0x9000] =	vst v0  }
0x15: {  	[tilespmem:$0x9010] =	vst v1  }
0x16: {  	[tilespmem:$0x9020] =	vst v2  }
.Ltmp2:
0x17: {  	[tilespmem:$0x9030] =	vst v3;
	(pc) =	sbr.rel @p0 .LBB2_7-.Ltmp2, $4  }
0x18: {  	[tilespmem:$0x9040] =	vst v4  }
0x19: {  	[tilespmem:$0x9050] =	vst v5  }
0x1a: {  	[tilespmem:$0x9060] =	vst v6  }
0x1b: {  	[tilespmem:$0x9070] =	vst v7  }
0x1c: {  	s17 =	simm.s32 $0x0  }
0x1d: {  	[tilespmem:s9], [sflag:$0x1] =	stream.linear.gather [hbm4b:s4+s17], $0x4000, $0x38;
	[tilespmem:$0x9880] =	vst v63  }
0x1e: {  	_ =	swait.ge [sflag:s10], $0x4000  }
0x1f: {  	[sflag:s10] =	ssyncset.done $0x0  }
0x20: {  	[sflag:s10] =	ssyncadd.s32 $0xFFFFC000  }
0x21: {  	[spmem:s12], [sflag:s11] =	dma.local [hbm:s4], $0x80  }
0x22: {  	_ =	swait.ge [sflag:s10], $0x80  }
0x23: {  	[sflag:s10] =	ssyncset.done $0x0  }
0x24: {  	[sflag:s10] =	ssyncadd.s32 $0xFFFFFF80  }
0x25: {  	[tilespmem:s17], [sflag:$0x1] =	stream.linear.gather [hbm4b:s6+s17], $0x5000, $0x38;
	[tilespmem:$0x9880] =	vst v63  }
0x26: {  	_ =	swait.ge [sflag:s10], $0x5000  }
0x27: {  	[sflag:s10] =	ssyncset.done $0x0  }
0x28: {  	[sflag:s10] =	ssyncadd.s32 $0xFFFFB000  }
.LBB2_3:
0x29: {  	s18 =	sshra.s32 s17, $0x2  }
0x2a: {  	v9 =	vld [tilespmem:s18+$0x0];
	_ =	sdelay $0x7  }
0x2b: {  	[tilespmem:v9+s9+$0x0] =	vst.idx.add.f32.msk $0xffff, v8  }
0x2c: {  	v9 =	vld [tilespmem:s18+$0x10];
	_ =	sdelay $0x7  }
0x2d: {  	[tilespmem:v9+s9+$0x0] =	vst.idx.add.f32.msk $0xffff, v8  }
0x2e: {  	v9 =	vld [tilespmem:s18+$0x20];
	_ =	sdelay $0x7  }
0x2f: {  	[tilespmem:v9+s9+$0x0] =	vst.idx.add.f32.msk $0xffff, v8  }
0x30: {  	v9 =	vld [tilespmem:s18+$0x30];
	_ =	sdelay $0x2  }
0x31: {  	p1 =	seq.s32 s17, $0x13F00  }
.Ltmp3:
0x32: {  	_ = 	snop;
	(pc) =	sbr.rel @!p1 .LBB2_3-.Ltmp3, $2  }
0x33: {  	_ =	sdelay $0x2  }
0x34: {  	s17 =	sadd.s32 $0x100, s17;
	[tilespmem:v9+s9+$0x0] =	vst.idx.add.f32.msk $0xffff, v8  }
0x35: {  	[bflag:$0x0] =	sbarrier.arrive $0xFFFF  }
0x36: {  	[spmem:s1] =	stream.indirect.scatter.add.f32 [tilespmem:s9], [sflag:$0x1], $0x80, s14, s13, $0xb8;
	[tilespmem:$0x9880] =	vst v63  }
0x37: {  	_ =	swait.ge [sflag:s10], $0x4000  }
0x38: {  	[sflag:s10] =	ssyncset.done $0x0  }
0x39: {  	[sflag:s10] =	ssyncadd.s32 $0xFFFFC000  }
0x3a: {  	[bflag:$0x0] =	sbarrier.arrive $0xFFFF  }
0x3b: {  	[tilespmem:s15], [sflag:$0x1] =	stream.linear.gather [spmem:s5], $0x400, $0x38;
	[tilespmem:$0x9880] =	vst v63  }
0x3c: {  	_ =	swait.ge [sflag:s10], $0x400  }
0x3d: {  	[sflag:s10] =	ssyncset.done $0x0  }
0x3e: {  	[sflag:s10] =	ssyncadd.s32 $0xFFFFFC00  }
0x3f: {  	v9 =	vld [tilespmem:$0x9080]  }
0x40: {  	v10 =	vld [tilespmem:$0x9090];
	_ =	sdelay $0x3  }
0x41: {  	v9 =	vadd.f32 $1.000000000e+00, v9  }
0x42: {  	v10 =	vadd.f32 $1.000000000e+00, v10  }
0x43: {  	v15 =	vld [tilespmem:$0x90A0];
	v11 =	vshra.s32 v9, $0x1;
	v9 =	vmul.f32 $5.000000000e-01, v9  }
0x44: {  	v16 =	vld [tilespmem:$0x90B0];
	v13 =	vshra.s32 v10, $0x1;
	v10 =	vmul.f32 $5.000000000e-01, v10;
	v11 =	vsub.s32 $0x5F3759DF, v11  }
0x45: {  	v19 =	vld [tilespmem:$0x90C0];
	v13 =	vsub.s32 $0x5F3759DF, v13;
	v12 =	vmul.f32 v11, v9  }
0x46: {  	v20 =	vld [tilespmem:$0x90D0];
	v14 =	vmul.f32 v13, v10  }
0x47: {  	v63 =	vld [tilespmem:$0x90E0];
	v12 =	vmul.f32 v11, v12  }
0x48: {  	v14 =	vmul.f32 v13, v14  }
0x49: {  	v29 =	vld [tilespmem:$0x90F0];
	v12 =	vsub.f32 $1.500000000e+00, v12  }
0x4a: {  	v15 =	vadd.f32 $1.000000000e+00, v15;
	v49 =	vsub.f32 $1.500000000e+00, v14  }
0x4b: {  	v16 =	vadd.f32 $1.000000000e+00, v16;
	v56 =	vadd.f32 $1.000000000e+00, v19;
	v11 =	vmul.f32 v11, v12  }
0x4c: {  	v20 =	vadd.f32 $1.000000000e+00, v20;
	v28 =	vadd.f32 $1.000000000e+00, v63;
	v12 =	vmul.f32 v13, v49  }
0x4d: {  	v52 =	vshra.s32 v15, $0x1;
	v15 =	vmul.f32 $5.000000000e-01, v15;
	v50 =	vmul.f32 v11, v9  }
0x4e: {  	v36 =	vadd.f32 $1.000000000e+00, v29;
	v14 =	vsub.s32 $0x5F3759DF, v52;
	v17 =	vmul.f32 v12, v10  }
0x4f: {  	v34 =	vld [tilespmem:$0x9100];
	v54 =	vshra.s32 v16, $0x1;
	v18 =	vmul.f32 v14, v15;
	v51 =	vmul.f32 v50, v11  }
0x50: {  	v16 =	vmul.f32 $5.000000000e-01, v16;
	v58 =	vshra.s32 v20, $0x1;
	v17 =	vmul.f32 v17, v12  }
0x51: {  	v53 =	vmul.f32 v14, v18;
	v18 =	vsub.s32 $0x5F3759DF, v54;
	v13 =	vsub.f32 $1.500000000e+00, v51  }
0x52: {  	v20 =	vmul.f32 $5.000000000e-01, v20;
	v55 =	vmul.f32 v18, v16;
	v17 =	vsub.f32 $1.500000000e+00, v17  }
0x53: {  	v39 =	vmul.f32 $5.000000000e-01, v36;
	v11 =	vmul.f32 v13, v11;
	v13 =	vsub.f32 $1.500000000e+00, v53  }
0x54: {  	v38 =	vld [tilespmem:$0x9110];
	v42 =	vadd.f32 $1.000000000e+00, v34;
	v12 =	vmul.f32 v17, v12;
	v17 =	vmul.f32 v18, v55  }
0x55: {  	v21 =	vshra.s32 v56, $0x1;
	v9 =	vmul.f32 v11, v9;
	v13 =	vmul.f32 v14, v13  }
0x56: {  	v10 =	vmul.f32 v12, v10;
	v14 =	vmul.f32 $5.000000000e-01, v56;
	v17 =	vsub.f32 $1.500000000e+00, v17  }
0x57: {  	v21 =	vsub.s32 $0x5F3759DF, v21;
	v9 =	vmul.f32 v9, v11;
	v57 =	vmul.f32 v13, v15  }
0x58: {  	v22 =	vmul.f32 v21, v14;
	v17 =	vmul.f32 v18, v17;
	v18 =	vsub.s32 $0x5F3759DF, v58  }
0x59: {  	v45 =	vadd.f32 $1.000000000e+00, v38;
	v10 =	vmul.f32 v10, v12;
	v24 =	vmul.f32 v18, v20  }
0x5a: {  	v30 =	vshra.s32 v28, $0x1;
	v19 =	vmul.f32 v57, v13;
	v23 =	vmul.f32 v17, v16  }
0x5b: {  	v22 =	vmul.f32 v21, v22;
	v9 =	vsub.f32 $1.500000000e+00, v9;
	v10 =	vsub.f32 $1.500000000e+00, v10  }
0x5c: {  	v61 =	vmul.f32 v18, v24;
	v19 =	vsub.f32 $1.500000000e+00, v19;
	v60 =	vmul.f32 v23, v17  }
0x5d: {  	v59 =	vsub.f32 $1.500000000e+00, v22;
	v0 =	vmul.f32 v9, v11;
	v10 =	vmul.f32 v10, v12  }
0x5e: {  	v33 =	vsub.s32 $0x5F3759DF, v30;
	v22 =	vmul.f32 $5.000000000e-01, v28;
	v28 =	vmul.f32 $5.000000000e-01, v45  }
0x5f: {  	v62 =	vsub.f32 $1.500000000e+00, v61;
	v13 =	vmul.f32 v19, v13;
	v19 =	vmul.f32 v21, v59  }
0x60: {  	v11 =	vsub.f32 $1.500000000e+00, v60;
	v35 =	vmul.f32 v33, v22;
	v21 =	vshra.s32 v36, $0x1  }
0x61: {  	v18 =	vmul.f32 v18, v62;
	v41 =	vsub.s32 $0x5F3759DF, v21;
	v21 =	vmul.f32 $5.000000000e-01, v42  }
0x62: {  	v15 =	vmul.f32 v13, v15;
	v24 =	vmul.f32 v19, v14  }
0x63: {  	v17 =	vmul.f32 v11, v17;
	v37 =	vmul.f32 v33, v35  }
0x64: {  	v43 =	vmul.f32 v41, v39;
	v27 =	vmul.f32 v18, v20  }
0x65: {  	v44 =	vshra.s32 v42, $0x1;
	v15 =	vmul.f32 v15, v13;
	v25 =	vmul.f32 v24, v19  }
0x66: {  	v26 =	vmul.f32 v17, v16;
	v40 =	vsub.f32 $1.500000000e+00, v37;
	v23 =	vmul.f32 v41, v43  }
0x67: {  	v16 =	vmul.f32 v27, v18;
	v27 =	vshra.s32 v45, $0x1;
	v11 =	vsub.f32 $1.500000000e+00, v15  }
0x68: {  	v29 =	vld [tilespmem:$0x9120];
	v12 =	vsub.f32 $1.500000000e+00, v25;
	v15 =	vmul.f32 v26, v17;
	v25 =	vsub.s32 $0x5F3759DF, v44  }
0x69: {  	v27 =	vsub.s32 $0x5F3759DF, v27;
	v32 =	vsub.f32 $1.500000000e+00, v16;
	v16 =	vmul.f32 v33, v40  }
0x6a: {  	v26 =	vmul.f32 v25, v21;
	v47 =	vmul.f32 v27, v28  }
0x6b: {  	v23 =	vsub.f32 $1.500000000e+00, v23;
	v9 =	vmul.f32 v11, v13;
	v19 =	vmul.f32 v12, v19  }
0x6c: {  	v31 =	vsub.f32 $1.500000000e+00, v15;
	v15 =	vmul.f32 v32, v18;
	v46 =	vmul.f32 v16, v22  }
0x6d: {  	v52 =	vadd.f32 $1.000000000e+00, v29;
	v53 =	vld [tilespmem:$0x9130];
	v26 =	vmul.f32 v25, v26;
	v14 =	vmul.f32 v19, v14  }
0x6e: {  	v12 =	vmul.f32 v31, v17;
	v17 =	vmul.f32 v41, v23  }
0x6f: {  	v57 =	vshra.s32 v52, $0x1;
	v23 =	vmul.f32 v27, v47;
	v18 =	vmul.f32 v46, v16  }
0x70: {  	v20 =	vmul.f32 v15, v20;
	v49 =	vsub.f32 $1.500000000e+00, v26;
	v14 =	vmul.f32 v14, v19  }
0x71: {  	v50 =	vmul.f32 v17, v39;
	v55 =	vsub.f32 $1.500000000e+00, v23;
	v18 =	vsub.f32 $1.500000000e+00, v18  }
0x72: {  	v20 =	vmul.f32 v20, v15;
	v51 =	vmul.f32 v25, v49;
	v25 =	vadd.f32 $1.000000000e+00, v53  }
0x73: {  	v14 =	vsub.f32 $1.500000000e+00, v14;
	v54 =	vmul.f32 v50, v17;
	v16 =	vmul.f32 v18, v16  }
0x74: {  	v48 =	vsub.f32 $1.500000000e+00, v20;
	v56 =	vmul.f32 v51, v21;
	v20 =	vmul.f32 v27, v55  }
0x75: {  	v63 =	vshra.s32 v25, $0x1;
	v25 =	vmul.f32 $5.000000000e-01, v25;
	v13 =	vmul.f32 v14, v19  }
0x76: {  	v31 =	vld [tilespmem:$0x9150];
	v19 =	vmul.f32 $5.000000000e-01, v52;
	v18 =	vsub.f32 $1.500000000e+00, v54;
	v14 =	vmul.f32 v48, v15  }
0x77: {  	v33 =	vsub.s32 $0x5F3759DF, v63;
	v22 =	vmul.f32 v16, v22;
	v23 =	vmul.f32 v56, v51  }
0x78: {  	v26 =	vsub.s32 $0x5F3759DF, v57;
	v59 =	vmul.f32 v20, v28;
	v29 =	vmul.f32 v33, v25  }
0x79: {  	v58 =	vmul.f32 v26, v19;
	v17 =	vmul.f32 v18, v17  }
0x7a: {  	v22 =	vmul.f32 v22, v16;
	v60 =	vsub.f32 $1.500000000e+00, v23;
	v62 =	vmul.f32 v59, v20  }
0x7b: {  	v35 =	vld [tilespmem:$0x9140];
	v44 =	vadd.f32 $1.000000000e+00, v31;
	v34 =	vmul.f32 v33, v29;
	v61 =	vmul.f32 v26, v58  }
0x7c: {  	v24 =	vmul.f32 v17, v39;
	v18 =	vmul.f32 v60, v51;
	v27 =	vsub.f32 $1.500000000e+00, v62  }
0x7d: {  	v45 =	vshra.s32 v44, $0x1;
	v22 =	vsub.f32 $1.500000000e+00, v22;
	v30 =	vsub.f32 $1.500000000e+00, v34  }
0x7e: {  	v32 =	vsub.f32 $1.500000000e+00, v61;
	v24 =	vmul.f32 v24, v17;
	v21 =	vmul.f32 v18, v21  }
0x7f: {  	v40 =	vld [tilespmem:$0x9160];
	v29 =	vsub.s32 $0x5F3759DF, v45;
	v20 =	vmul.f32 v27, v20;
	v15 =	vmul.f32 v22, v16  }
0x80: {  	v23 =	vmul.f32 v33, v30;
	v27 =	vadd.f32 $1.000000000e+00, v35;
	v35 =	vld [tilespmem:$0x9180];
	v26 =	vmul.f32 v26, v32  }
0x81: {  	v37 =	vsub.f32 $1.500000000e+00, v24;
	v21 =	vmul.f32 v21, v18;
	v28 =	vmul.f32 v20, v28  }
0x82: {  	v42 =	vmul.f32 v23, v25;
	v43 =	vshra.s32 v27, $0x1;
	v36 =	vmul.f32 v26, v19  }
0x83: {  	v27 =	vmul.f32 $5.000000000e-01, v27;
	v17 =	vmul.f32 v37, v17;
	v24 =	vsub.s32 $0x5F3759DF, v43  }
0x84: {  	v21 =	vsub.f32 $1.500000000e+00, v21;
	v39 =	vmul.f32 v28, v20;
	v38 =	vmul.f32 v36, v26  }
0x85: {  	v33 =	vld [tilespmem:$0x9170];
	v28 =	vadd.f32 $1.000000000e+00, v40;
	v46 =	vmul.f32 v24, v27;
	v43 =	vadd.f32 $1.000000000e+00, v35  }
0x86: {  	v16 =	vmul.f32 v21, v18;
	v21 =	vmul.f32 v42, v23;
	v22 =	vsub.f32 $1.500000000e+00, v38  }
0x87: {  	v32 =	vshra.s32 v28, $0x1;
	v28 =	vmul.f32 $5.000000000e-01, v28;
	v48 =	vmul.f32 v24, v46  }
0x88: {  	v41 =	vsub.f32 $1.500000000e+00, v39;
	v22 =	vmul.f32 v22, v26;
	v26 =	vmul.f32 $5.000000000e-01, v44  }
0x89: {  	v49 =	vsub.s32 $0x5F3759DF, v32;
	v30 =	vmul.f32 $5.000000000e-01, v43;
	v21 =	vsub.f32 $1.500000000e+00, v21  }
0x8a: {  	v54 =	vadd.f32 $1.000000000e+00, v33;
	v32 =	vmul.f32 v49, v28;
	v47 =	vmul.f32 v29, v26  }
0x8b: {  	v18 =	vmul.f32 v41, v20;
	v50 =	vsub.f32 $1.500000000e+00, v48;
	v21 =	vmul.f32 v21, v23  }
0x8c: {  	v62 =	vld [tilespmem:$0x9190];
	v57 =	vshra.s32 v54, $0x1;
	v53 =	vmul.f32 v49, v32;
	v31 =	vmul.f32 v29, v47  }
0x8d: {  	v59 =	vsub.s32 $0x5F3759DF, v57;
	v20 =	vmul.f32 v24, v50;
	v24 =	vmul.f32 $5.000000000e-01, v54  }
0x8e: {  	v19 =	vmul.f32 v22, v19;
	v51 =	vmul.f32 v21, v25;
	v52 =	vsub.f32 $1.500000000e+00, v31  }
0x8f: {  	v55 =	vsub.f32 $1.500000000e+00, v53;
	v56 =	vmul.f32 v20, v27;
	v32 =	vmul.f32 v59, v24  }
0x90: {  	v45 =	vshra.s32 v43, $0x1;
	v19 =	vmul.f32 v19, v22;
	v25 =	vmul.f32 v29, v52  }
0x91: {  	v44 =	vadd.f32 $1.000000000e+00, v62;
	v32 =	vmul.f32 v59, v32;
	v29 =	vmul.f32 v49, v55  }
0x92: {  	v31 =	vmul.f32 v56, v20;
	v19 =	vsub.f32 $1.500000000e+00, v19;
	v58 =	vmul.f32 v25, v26  }
0x93: {  	v23 =	vmul.f32 v51, v21;
	v61 =	vsub.f32 $1.500000000e+00, v32;
	v34 =	vmul.f32 v29, v28  }
0x94: {  	v31 =	vsub.f32 $1.500000000e+00, v31;
	v19 =	vmul.f32 v19, v22;
	v33 =	vmul.f32 v58, v25  }
0x95: {  	v48 =	vld [tilespmem:$0x91A0];
	v32 =	vsub.s32 $0x5F3759DF, v45;
	v40 =	vmul.f32 v59, v61;
	v34 =	vmul.f32 v34, v29  }
0x96: {  	v47 =	vmul.f32 v32, v30;
	v60 =	vmul.f32 v31, v20;
	v33 =	vsub.f32 $1.500000000e+00, v33  }
0x97: {  	v31 =	vmul.f32 $5.000000000e-01, v44;
	v42 =	vmul.f32 v40, v24;
	v38 =	vsub.f32 $1.500000000e+00, v34  }
0x98: {  	v46 =	vshra.s32 v44, $0x1;
	v49 =	vmul.f32 v32, v47;
	v63 =	vmul.f32 v33, v25  }
0x99: {  	v29 =	vmul.f32 v38, v29;
	v25 =	vmul.f32 v42, v40;
	v33 =	vsub.s32 $0x5F3759DF, v46  }
0x9a: {  	v53 =	vadd.f32 $1.000000000e+00, v48;
	v36 =	vmul.f32 v33, v31;
	v26 =	vmul.f32 v63, v26  }
0x9b: {  	v39 =	vmul.f32 v60, v27;
	v28 =	vmul.f32 v29, v28;
	v25 =	vsub.f32 $1.500000000e+00, v25  }
0x9c: {  	v23 =	vsub.f32 $1.500000000e+00, v23;
	v50 =	vmul.f32 v33, v36;
	v26 =	vmul.f32 v26, v63  }
0x9d: {  	v51 =	vsub.f32 $1.500000000e+00, v49;
	v28 =	vmul.f32 v28, v29;
	v25 =	vmul.f32 v25, v40  }
0x9e: {  	v54 =	vld [tilespmem:$0x91B0];
	v20 =	vmul.f32 v23, v21;
	v52 =	vsub.f32 $1.500000000e+00, v50;
	v26 =	vsub.f32 $1.500000000e+00, v26  }
0x9f: {  	v41 =	vmul.f32 v39, v60;
	v28 =	vsub.f32 $1.500000000e+00, v28;
	v24 =	vmul.f32 v25, v24  }
0xa0: {  	v55 =	vshra.s32 v53, $0x1;
	v27 =	vmul.f32 v33, v52;
	v22 =	vmul.f32 v26, v63  }
0xa1: {  	v23 =	vsub.f32 $1.500000000e+00, v41;
	v21 =	vmul.f32 v28, v29;
	v26 =	vmul.f32 v32, v51  }
0xa2: {  	v24 =	vmul.f32 v24, v25;
	v28 =	vmul.f32 $5.000000000e-01, v53;
	v32 =	vsub.s32 $0x5F3759DF, v55  }
0xa3: {  	v46 =	vld [tilespmem:$0x91E0];
	v29 =	vadd.f32 $1.000000000e+00, v54;
	v57 =	vmul.f32 v27, v31;
	v56 =	vmul.f32 v26, v30  }
0xa4: {  	v23 =	vmul.f32 v23, v60;
	v63 =	vld [tilespmem:$0x91C0];
	v24 =	vsub.f32 $1.500000000e+00, v24;
	v58 =	vmul.f32 v32, v28  }
0xa5: {  	v62 =	vshra.s32 v29, $0x1;
	v60 =	vmul.f32 v57, v27;
	v59 =	vmul.f32 v56, v26  }
0xa6: {  	v29 =	vmul.f32 $5.000000000e-01, v29;
	v35 =	vsub.s32 $0x5F3759DF, v62;
	v61 =	vmul.f32 v32, v58  }
0xa7: {  	v24 =	vmul.f32 v24, v25;
	v33 =	vsub.f32 $1.500000000e+00, v60;
	v25 =	vsub.f32 $1.500000000e+00, v59  }
0xa8: {  	v41 =	vld [tilespmem:$0x91D0];
	v51 =	vadd.f32 $1.000000000e+00, v46;
	v40 =	vmul.f32 v35, v29;
	v34 =	vsub.f32 $1.500000000e+00, v61  }
0xa9: {  	v36 =	vadd.f32 $1.000000000e+00, v63;
	v27 =	vmul.f32 v33, v27;
	v25 =	vmul.f32 v25, v26  }
0xaa: {  	v32 =	vmul.f32 v32, v34;
	v26 =	vmul.f32 v35, v40  }
0xab: {  	v54 =	vmul.f32 $5.000000000e-01, v51;
	v42 =	vshra.s32 v36, $0x1;
	v31 =	vmul.f32 v27, v31  }
0xac: {  	v36 =	vmul.f32 $5.000000000e-01, v36;
	v34 =	vmul.f32 v32, v28;
	v26 =	vsub.f32 $1.500000000e+00, v26  }
0xad: {  	v33 =	vadd.f32 $1.000000000e+00, v41;
	v30 =	vmul.f32 v25, v30;
	v31 =	vmul.f32 v31, v27  }
0xae: {  	v34 =	vmul.f32 v34, v32;
	v26 =	vmul.f32 v35, v26;
	v35 =	vsub.s32 $0x5F3759DF, v42  }
0xaf: {  	v43 =	vshra.s32 v33, $0x1;
	v30 =	vmul.f32 v30, v25;
	v38 =	vmul.f32 v35, v36  }
0xb0: {  	v33 =	vmul.f32 $5.000000000e-01, v33;
	v34 =	vsub.f32 $1.500000000e+00, v34;
	v37 =	vmul.f32 v26, v29  }
0xb1: {  	v40 =	vld [tilespmem:$0x9200];
	v31 =	vsub.f32 $1.500000000e+00, v31;
	v30 =	vsub.f32 $1.500000000e+00, v30;
	v38 =	vmul.f32 v35, v38  }
0xb2: {  	v49 =	vld [tilespmem:$0x91F0];
	v32 =	vmul.f32 v34, v32;
	v37 =	vmul.f32 v37, v26;
	v34 =	vsub.s32 $0x5F3759DF, v43  }
0xb3: {  	v25 =	vmul.f32 v30, v25;
	v39 =	vmul.f32 v34, v33;
	v45 =	vsub.f32 $1.500000000e+00, v38  }
0xb4: {  	v38 =	vshra.s32 v51, $0x1;
	v28 =	vmul.f32 v32, v28;
	v44 =	vsub.f32 $1.500000000e+00, v37  }
0xb5: {  	v56 =	vsub.s32 $0x5F3759DF, v38;
	v39 =	vmul.f32 v34, v39;
	v35 =	vmul.f32 v35, v45  }
0xb6: {  	v62 =	vadd.f32 $1.000000000e+00, v40;
	v43 =	vld [tilespmem:$0x9210];
	v38 =	vmul.f32 v56, v54;
	v28 =	vmul.f32 v28, v32  }
0xb7: {  	v30 =	vmul.f32 v44, v26;
	v26 =	vmul.f32 v31, v27;
	v31 =	vadd.f32 $1.000000000e+00, v49  }
0xb8: {  	v48 =	vsub.f32 $1.500000000e+00, v39;
	v37 =	vmul.f32 v35, v36;
	v38 =	vmul.f32 v56, v38  }
0xb9: {  	v29 =	vmul.f32 v30, v29;
	v57 =	vshra.s32 v31, $0x1;
	v31 =	vmul.f32 $5.000000000e-01, v31  }
0xba: {  	v50 =	vmul.f32 v34, v48;
	v52 =	vmul.f32 v37, v35;
	v41 =	vsub.s32 $0x5F3759DF, v57  }
0xbb: {  	v45 =	vadd.f32 $1.000000000e+00, v43;
	v29 =	vmul.f32 v29, v30;
	v42 =	vmul.f32 v41, v31  }
0xbc: {  	v59 =	vsub.f32 $1.500000000e+00, v38;
	v53 =	vmul.f32 v50, v33;
	v55 =	vsub.f32 $1.500000000e+00, v52  }
0xbd: {  	v40 =	vmul.f32 $5.000000000e-01, v45;
	v29 =	vsub.f32 $1.500000000e+00, v29;
	v61 =	vmul.f32 v41, v42  }
0xbe: {  	v47 =	vsub.f32 $1.500000000e+00, v28;
	v37 =	vmul.f32 v53, v50;
	v35 =	vmul.f32 v55, v35  }
0xbf: {  	v28 =	vmul.f32 v29, v30;
	v30 =	vmul.f32 v56, v59  }
0xc0: {  	v27 =	vmul.f32 v47, v32;
	v63 =	vsub.f32 $1.500000000e+00, v61;
	v37 =	vsub.f32 $1.500000000e+00, v37  }
0xc1: {  	v36 =	vmul.f32 v35, v36;
	v44 =	vmul.f32 v30, v54  }
0xc2: {  	v47 =	vshra.s32 v45, $0x1;
	v34 =	vmul.f32 v41, v63;
	v58 =	vmul.f32 v37, v50  }
0xc3: {  	v42 =	vshra.s32 v62, $0x1;
	v60 =	vmul.f32 v36, v35;
	v37 =	vmul.f32 $5.000000000e-01, v62  }
0xc4: {  	v36 =	vsub.s32 $0x5F3759DF, v42;
	v38 =	vmul.f32 v44, v30;
	v48 =	vmul.f32 v34, v31  }
0xc5: {  	v42 =	vsub.s32 $0x5F3759DF, v47;
	v33 =	vmul.f32 v58, v33;
	v46 =	vmul.f32 v36, v37  }
0xc6: {  	v45 =	vld [tilespmem:$0x9220];
	v44 =	vmul.f32 v42, v40;
	v38 =	vsub.f32 $1.500000000e+00, v38;
	v43 =	vmul.f32 v48, v34  }
0xc7: {  	v62 =	vld [tilespmem:$0x9240];
	v32 =	vsub.f32 $1.500000000e+00, v60;
	v41 =	vmul.f32 v36, v46;
	v33 =	vmul.f32 v33, v58  }
0xc8: {  	v44 =	vmul.f32 v42, v44;
	v46 =	vld [tilespmem:$0x9230];
	v38 =	vmul.f32 v38, v30;
	v49 =	vsub.f32 $1.500000000e+00, v43  }
0xc9: {  	v30 =	vmul.f32 v32, v35;
	v41 =	vsub.f32 $1.500000000e+00, v41;
	v33 =	vsub.f32 $1.500000000e+00, v33  }
0xca: {  	v52 =	vsub.f32 $1.500000000e+00, v44;
	v51 =	vmul.f32 v38, v54;
	v32 =	vmul.f32 v49, v34  }
0xcb: {  	v54 =	vadd.f32 $1.000000000e+00, v45;
	v50 =	vmul.f32 v36, v41;
	v29 =	vmul.f32 v33, v58  }
0xcc: {  	v49 =	vadd.f32 $1.000000000e+00, v62;
	v36 =	vmul.f32 v42, v52;
	v33 =	vmul.f32 v51, v38  }
0xcd: {  	v31 =	vmul.f32 v32, v31;
	v55 =	vadd.f32 $1.000000000e+00, v46;
	v39 =	vmul.f32 $5.000000000e-01, v54  }
0xce: {  	v56 =	vshra.s32 v54, $0x1;
	v53 =	vmul.f32 v50, v37;
	v42 =	vmul.f32 v36, v40  }
0xcf: {  	v43 =	vsub.s32 $0x5F3759DF, v56;
	v57 =	vshra.s32 v55, $0x1;
	v41 =	vmul.f32 $5.000000000e-01, v55  }
0xd0: {  	v58 =	vmul.f32 v43, v39;
	v33 =	vsub.f32 $1.500000000e+00, v33;
	v47 =	vmul.f32 v31, v32  }
0xd1: {  	v34 =	vmul.f32 v53, v50;
	v44 =	vsub.s32 $0x5F3759DF, v57;
	v42 =	vmul.f32 v42, v36  }
0xd2: {  	v59 =	vmul.f32 v44, v41;
	v60 =	vmul.f32 v43, v58;
	v47 =	vsub.f32 $1.500000000e+00, v47  }
0xd3: {  	v31 =	vmul.f32 v33, v38;
	v34 =	vsub.f32 $1.500000000e+00, v34;
	v42 =	vsub.f32 $1.500000000e+00, v42  }
0xd4: {  	v61 =	vmul.f32 v44, v59;
	v35 =	vsub.f32 $1.500000000e+00, v60;
	v32 =	vmul.f32 v47, v32  }
0xd5: {  	v34 =	vmul.f32 v34, v50;
	v63 =	vmul.f32 v42, v36  }
0xd6: {  	v50 =	vld [tilespmem:$0x9250];
	v42 =	vmul.f32 $5.000000000e-01, v49;
	v45 =	vsub.f32 $1.500000000e+00, v61;
	v35 =	vmul.f32 v43, v35  }
0xd7: {  	v37 =	vmul.f32 v34, v37;
	v40 =	vmul.f32 v63, v40  }
0xd8: {  	v51 =	vshra.s32 v49, $0x1;
	v36 =	vmul.f32 v44, v45;
	v48 =	vmul.f32 v35, v39  }
0xd9: {  	v45 =	vsub.s32 $0x5F3759DF, v51;
	v37 =	vmul.f32 v37, v34;
	v40 =	vmul.f32 v40, v63  }
0xda: {  	v58 =	vld [tilespmem:$0x9270];
	v53 =	vmul.f32 v45, v42;
	v44 =	vmul.f32 v36, v41  }
0xdb: {  	v55 =	vld [tilespmem:$0x9260];
	v38 =	vmul.f32 v48, v35;
	v43 =	vadd.f32 $1.000000000e+00, v50;
	v37 =	vsub.f32 $1.500000000e+00, v37  }
0xdc: {  	v40 =	vsub.f32 $1.500000000e+00, v40;
	v56 =	vmul.f32 v45, v53;
	v44 =	vmul.f32 v44, v36  }
0xdd: {  	v52 =	vsub.f32 $1.500000000e+00, v38;
	v57 =	vshra.s32 v43, $0x1;
	v34 =	vmul.f32 v37, v34  }
0xde: {  	v33 =	vmul.f32 v40, v63;
	v40 =	vmul.f32 $5.000000000e-01, v43;
	v37 =	vsub.f32 $1.500000000e+00, v56  }
0xdf: {  	v38 =	vsub.s32 $0x5F3759DF, v57;
	v43 =	vadd.f32 $1.000000000e+00, v58;
	v54 =	vsub.f32 $1.500000000e+00, v44  }
0xe0: {  	v51 =	vld [tilespmem:$0x9280];
	v35 =	vmul.f32 v52, v35;
	v44 =	vadd.f32 $1.000000000e+00, v55;
	v59 =	vmul.f32 v38, v40  }
0xe1: {  	v37 =	vmul.f32 v45, v37;
	v63 =	vshra.s32 v43, $0x1;
	v43 =	vmul.f32 $5.000000000e-01, v43  }
0xe2: {  	v36 =	vmul.f32 v54, v36;
	v39 =	vmul.f32 v35, v39  }
0xe3: {  	v62 =	vshra.s32 v44, $0x1;
	v44 =	vmul.f32 $5.000000000e-01, v44;
	v60 =	vmul.f32 v38, v59  }
0xe4: {  	v61 =	vmul.f32 v37, v42;
	v47 =	vsub.s32 $0x5F3759DF, v62;
	v39 =	vmul.f32 v39, v35  }
0xe5: {  	v62 =	vadd.f32 $1.000000000e+00, v51;
	v48 =	vmul.f32 v47, v44;
	v45 =	vsub.f32 $1.500000000e+00, v60  }
0xe6: {  	v41 =	vmul.f32 v36, v41;
	v46 =	vmul.f32 v61, v37;
	v39 =	vsub.f32 $1.500000000e+00, v39  }
0xe7: {  	v48 =	vmul.f32 v47, v48;
	v38 =	vmul.f32 v38, v45;
	v45 =	vsub.s32 $0x5F3759DF, v63  }
0xe8: {  	v41 =	vmul.f32 v41, v36;
	v46 =	vsub.f32 $1.500000000e+00, v46;
	v50 =	vmul.f32 v45, v43  }
0xe9: {  	v35 =	vmul.f32 v39, v35;
	v52 =	vsub.f32 $1.500000000e+00, v48;
	v48 =	vmul.f32 $5.000000000e-01, v62  }
0xea: {  	v55 =	vld [tilespmem:$0x9290];
	v49 =	vmul.f32 v38, v40;
	v37 =	vmul.f32 v46, v37  }
0xeb: {  	v57 =	vshra.s32 v62, $0x1;
	v54 =	vmul.f32 v45, v50;
	v39 =	vmul.f32 v47, v52  }
0xec: {  	v41 =	vsub.f32 $1.500000000e+00, v41;
	v53 =	vmul.f32 v49, v38;
	v42 =	vmul.f32 v37, v42  }
0xed: {  	v46 =	vsub.s32 $0x5F3759DF, v57;
	v60 =	vsub.f32 $1.500000000e+00, v54;
	v61 =	vmul.f32 v39, v44  }
0xee: {  	v36 =	vmul.f32 v41, v36;
	v59 =	vsub.f32 $1.500000000e+00, v53;
	v42 =	vmul.f32 v42, v37  }
0xef: {  	v47 =	vadd.f32 $1.000000000e+00, v55;
	v63 =	vmul.f32 v45, v60;
	v56 =	vmul.f32 v61, v39  }
0xf0: {  	v38 =	vmul.f32 v59, v38;
	v59 =	vmul.f32 v46, v48  }
0xf1: {  	v52 =	vld [tilespmem:$0x92A0];
	v60 =	vshra.s32 v47, $0x1;
	v47 =	vmul.f32 $5.000000000e-01, v47;
	v58 =	vmul.f32 v63, v43  }
0xf2: {  	v62 =	vsub.s32 $0x5F3759DF, v60;
	v45 =	vsub.f32 $1.500000000e+00, v56;
	v61 =	vmul.f32 v46, v59  }
0xf3: {  	v42 =	vsub.f32 $1.500000000e+00, v42;
	v40 =	vmul.f32 v38, v40;
	v49 =	vmul.f32 v58, v63  }
0xf4: {  	v51 =	vmul.f32 v62, v47;
	v39 =	vmul.f32 v45, v39;
	v45 =	vsub.f32 $1.500000000e+00, v61  }
0xf5: {  	v37 =	vmul.f32 v42, v37;
	v40 =	vmul.f32 v40, v38;
	v49 =	vsub.f32 $1.500000000e+00, v49  }
0xf6: {  	v55 =	vadd.f32 $1.000000000e+00, v52;
	v44 =	vmul.f32 v39, v44;
	v42 =	vmul.f32 v46, v45  }
0xf7: {  	v41 =	vmul.f32 v49, v63;
	v63 =	vmul.f32 v62, v51  }
0xf8: {  	v56 =	vld [tilespmem:$0x92B0];
	v40 =	vsub.f32 $1.500000000e+00, v40;
	v46 =	vmul.f32 $5.000000000e-01, v55  }
0xf9: {  	v44 =	vmul.f32 v44, v39;
	v54 =	vmul.f32 v42, v48;
	v53 =	vsub.f32 $1.500000000e+00, v63  }
0xfa: {  	v58 =	vshra.s32 v55, $0x1;
	v38 =	vmul.f32 v40, v38;
	v43 =	vmul.f32 v41, v43  }
0xfb: {  	v60 =	vsub.s32 $0x5F3759DF, v58;
	v57 =	vmul.f32 v54, v42;
	v45 =	vmul.f32 v62, v53  }
0xfc: {  	v44 =	vsub.f32 $1.500000000e+00, v44;
	v54 =	vld [tilespmem:$0x92C0];
	v43 =	vmul.f32 v43, v41;
	v62 =	vmul.f32 v60, v46  }
0xfd: {  	v53 =	vadd.f32 $1.000000000e+00, v56;
	v61 =	vsub.f32 $1.500000000e+00, v57;
	v59 =	vmul.f32 v45, v47  }
0xfe: {  	v40 =	vmul.f32 v44, v39;
	v43 =	vsub.f32 $1.500000000e+00, v43;
	v55 =	vmul.f32 v60, v62  }
0xff: {  	v56 =	vshra.s32 v53, $0x1;
	v42 =	vmul.f32 v61, v42;
	v63 =	vmul.f32 v59, v45  }
0x100: {  	v57 =	vld [tilespmem:$0x92D0];
	v39 =	vmul.f32 v43, v41;
	v43 =	vmul.f32 $5.000000000e-01, v53;
	v44 =	vsub.f32 $1.500000000e+00, v55  }
0x101: {  	v50 =	vsub.s32 $0x5F3759DF, v56;
	v49 =	vadd.f32 $1.000000000e+00, v54;
	v41 =	vsub.f32 $1.500000000e+00, v63  }
0x102: {  	v58 =	vmul.f32 v50, v43;
	v44 =	vmul.f32 v60, v44  }
0x103: {  	v53 =	vshra.s32 v49, $0x1;
	v49 =	vmul.f32 $5.000000000e-01, v49;
	v45 =	vmul.f32 v41, v45  }
0x104: {  	v53 =	vsub.s32 $0x5F3759DF, v53;
	v41 =	vmul.f32 v50, v58;
	v52 =	vmul.f32 v44, v46  }
0x105: {  	v51 =	vadd.f32 $1.000000000e+00, v57;
	v54 =	vmul.f32 v53, v49  }
0x106: {  	v48 =	vmul.f32 v42, v48;
	v41 =	vsub.f32 $1.500000000e+00, v41;
	v52 =	vmul.f32 v52, v44  }
0x107: {  	v59 =	vshra.s32 v51, $0x1;
	v51 =	vmul.f32 $5.000000000e-01, v51;
	v54 =	vmul.f32 v53, v54  }
0x108: {  	v55 =	vsub.s32 $0x5F3759DF, v59;
	v50 =	vmul.f32 v50, v41;
	v52 =	vsub.f32 $1.500000000e+00, v52  }
0x109: {  	v48 =	vmul.f32 v48, v42;
	v56 =	vmul.f32 v55, v51;
	v61 =	vsub.f32 $1.500000000e+00, v54  }
0x10a: {  	v60 =	vmul.f32 v50, v43;
	v44 =	vmul.f32 v52, v44  }
0x10b: {  	v56 =	vmul.f32 v55, v56;
	v52 =	vmul.f32 v53, v61  }
0x10c: {  	v58 =	vld [tilespmem:$0x92E0];
	v48 =	vsub.f32 $1.500000000e+00, v48;
	v62 =	vmul.f32 v60, v50;
	v46 =	vmul.f32 v44, v46  }
0x10d: {  	v47 =	vmul.f32 v45, v47;
	v57 =	vsub.f32 $1.500000000e+00, v56;
	v59 =	vmul.f32 v52, v49  }
0x10e: {  	v41 =	vmul.f32 v48, v42;
	v63 =	vsub.f32 $1.500000000e+00, v62;
	v46 =	vmul.f32 v46, v44  }
0x10f: {  	v48 =	vmul.f32 v55, v57;
	v61 =	vmul.f32 v59, v52  }
0x110: {  	v47 =	vmul.f32 v47, v45;
	v50 =	vmul.f32 v63, v50;
	v60 =	vsub.f32 $1.500000000e+00, v46  }
0x111: {  	v58 =	vadd.f32 $1.000000000e+00, v58;
	v63 =	vmul.f32 v48, v51;
	v57 =	vsub.f32 $1.500000000e+00, v61;
	v46 =	vld [tilespmem:$0x92F0]  }
0x112: {  	v47 =	vsub.f32 $1.500000000e+00, v47;
	v62 =	vmul.f32 v50, v43;
	v43 =	vmul.f32 v60, v44  }
0x113: {  	v55 =	vld [tilespmem:$0x9300];
	v59 =	vmul.f32 v63, v48;
	v52 =	vmul.f32 v57, v52;
	v60 =	vshra.s32 v58, $0x1  }
0x114: {  	v54 =	vmul.f32 $5.000000000e-01, v58;
	v42 =	vmul.f32 v47, v45;
	v53 =	vsub.s32 $0x5F3759DF, v60  }
0x115: {  	v47 =	vmul.f32 v62, v50;
	v62 =	vsub.f32 $1.500000000e+00, v59;
	v49 =	vmul.f32 v52, v49  }
0x116: {  	v63 =	vmul.f32 v53, v54;
	v59 =	vadd.f32 $1.000000000e+00, v46  }
0x117: {  	v61 =	vsub.f32 $1.500000000e+00, v47;
	v47 =	vmul.f32 v62, v48;
	v46 =	vmul.f32 v49, v52  }
0x118: {  	v58 =	vadd.f32 $1.000000000e+00, v55;
	v60 =	vmul.f32 v53, v63;
	v56 =	vmul.f32 $5.000000000e-01, v59  }
0x119: {  	v63 =	vshra.s32 v59, $0x1;
	v44 =	vmul.f32 v61, v50;
	v61 =	vld [tilespmem:$0x9310];
	v62 =	vmul.f32 v47, v51  }
0x11a: {  	v57 =	vsub.f32 $1.500000000e+00, v60;
	v48 =	vsub.s32 $0x5F3759DF, v63;
	v60 =	vshra.s32 v58, $0x1  }
0x11b: {  	v51 =	vmul.f32 $5.000000000e-01, v58;
	v46 =	vsub.f32 $1.500000000e+00, v46;
	v59 =	vmul.f32 v48, v56  }
0x11c: {  	v50 =	vmul.f32 v62, v47;
	v53 =	vmul.f32 v53, v57;
	v57 =	vsub.s32 $0x5F3759DF, v60  }
0x11d: {  	v55 =	vmul.f32 v48, v59;
	v58 =	vmul.f32 v57, v51  }
0x11e: {  	v45 =	vmul.f32 v46, v52;
	v49 =	vmul.f32 v53, v54;
	v61 =	vadd.f32 $1.000000000e+00, v61  }
0x11f: {  	v46 =	vsub.f32 $1.500000000e+00, v50;
	v55 =	vsub.f32 $1.500000000e+00, v55;
	v58 =	vmul.f32 v57, v58  }
0x120: {  	v49 =	vmul.f32 v49, v53;
	v59 =	vshra.s32 v61, $0x1;
	v60 =	vmul.f32 $5.000000000e-01, v61;
	v61 =	vld [tilespmem:$0x9320]  }
0x121: {  	v48 =	vmul.f32 v48, v55;
	v62 =	vsub.f32 $1.500000000e+00, v58;
	v59 =	vsub.s32 $0x5F3759DF, v59  }
0x122: {  	v46 =	vmul.f32 v46, v47;
	v49 =	vsub.f32 $1.500000000e+00, v49;
	v55 =	vmul.f32 v59, v60  }
0x123: {  	v63 =	vmul.f32 v48, v56;
	v47 =	vmul.f32 v57, v62  }
0x124: {  	v57 =	vld [tilespmem:$0x9330];
	v49 =	vmul.f32 v49, v53;
	v55 =	vmul.f32 v59, v55  }
0x125: {  	v52 =	vmul.f32 v63, v48;
	v61 =	vadd.f32 $1.000000000e+00, v61  }
0x126: {  	v62 =	vmul.f32 v49, v54;
	v53 =	vsub.f32 $1.500000000e+00, v55;
	v55 =	vmul.f32 v47, v51  }
0x127: {  	v52 =	vsub.f32 $1.500000000e+00, v52;
	v58 =	vshra.s32 v61, $0x1;
	v61 =	vmul.f32 $5.000000000e-01, v61  }
0x128: {  	v53 =	vmul.f32 v59, v53;
	v54 =	vsub.s32 $0x5F3759DF, v58;
	v55 =	vmul.f32 v55, v47  }
0x129: {  	v50 =	vmul.f32 v62, v49;
	v57 =	vadd.f32 $1.000000000e+00, v57;
	v58 =	vmul.f32 v54, v61  }
0x12a: {  	v48 =	vmul.f32 v52, v48;
	v59 =	vmul.f32 v53, v60;
	v52 =	vsub.f32 $1.500000000e+00, v55  }
0x12b: {  	v62 =	vshra.s32 v57, $0x1;
	v57 =	vmul.f32 $5.000000000e-01, v57;
	v63 =	vmul.f32 v54, v58  }
0x12c: {  	v55 =	vsub.s32 $0x5F3759DF, v62;
	v58 =	vmul.f32 v59, v53;
	v52 =	vmul.f32 v52, v47  }
0x12d: {  	v59 =	vmul.f32 v55, v57;
	v63 =	vsub.f32 $1.500000000e+00, v63  }
0x12e: {  	v56 =	vmul.f32 v48, v56;
	v58 =	vsub.f32 $1.500000000e+00, v58;
	v51 =	vmul.f32 v52, v51  }
0x12f: {  	v47 =	vmul.f32 v55, v59;
	v54 =	vmul.f32 v54, v63  }
0x130: {  	v50 =	vsub.f32 $1.500000000e+00, v50;
	v56 =	vmul.f32 v56, v48;
	v63 =	vld [tilespmem:$0x9350];
	v53 =	vmul.f32 v58, v53  }
0x131: {  	v58 =	vld [tilespmem:$0x9340];
	v51 =	vmul.f32 v51, v52;
	v62 =	vsub.f32 $1.500000000e+00, v47;
	v59 =	vmul.f32 v54, v61  }
0x132: {  	v47 =	vmul.f32 v50, v49;
	v49 =	vsub.f32 $1.500000000e+00, v56;
	v60 =	vmul.f32 v53, v60  }
0x133: {  	v55 =	vmul.f32 v55, v62;
	v50 =	vmul.f32 v59, v54  }
0x134: {  	v51 =	vsub.f32 $1.500000000e+00, v51;
	v48 =	vmul.f32 v49, v48;
	v59 =	vld [tilespmem:$0x9360]  }
0x135: {  	v60 =	vmul.f32 v60, v53;
	v62 =	vmul.f32 v55, v57;
	v50 =	vsub.f32 $1.500000000e+00, v50  }
0x136: {  	v49 =	vmul.f32 v51, v52;
	v56 =	vadd.f32 $1.000000000e+00, v63;
	v58 =	vadd.f32 $1.000000000e+00, v58  }
0x137: {  	v51 =	vsub.f32 $1.500000000e+00, v60;
	v52 =	vmul.f32 v62, v55;
	v54 =	vmul.f32 v50, v54  }
0x138: {  	v60 =	vshra.s32 v58, $0x1;
	v58 =	vmul.f32 $5.000000000e-01, v58;
	v50 =	vshra.s32 v56, $0x1  }
0x139: {  	v56 =	vmul.f32 $5.000000000e-01, v56;
	v60 =	vsub.s32 $0x5F3759DF, v60;
	v59 =	vadd.f32 $1.000000000e+00, v59  }
0x13a: {  	v52 =	vsub.f32 $1.500000000e+00, v52;
	v63 =	vsub.s32 $0x5F3759DF, v50;
	v62 =	vmul.f32 v60, v58  }
0x13b: {  	v1 =	vld [tilespmem:$0x9370];
	[tilespmem:$0x1FF80] =	vst v0;
	v50 =	vmul.f32 v63, v56;
	v0 =	vshra.s32 v59, $0x1;
	v59 =	vmul.f32 $5.000000000e-01, v59  }
0x13c: {  	v52 =	vmul.f32 v52, v55;
	v55 =	vmul.f32 v60, v62;
	v0 =	vsub.s32 $0x5F3759DF, v0  }
0x13d: {  	v62 =	vmul.f32 v63, v50;
	v2 =	vmul.f32 v0, v59  }
0x13e: {  	v50 =	vmul.f32 v51, v53;
	v51 =	vmul.f32 v54, v61;
	v53 =	vsub.f32 $1.500000000e+00, v55  }
0x13f: {  	v61 =	vmul.f32 v52, v57;
	v62 =	vsub.f32 $1.500000000e+00, v62;
	v2 =	vmul.f32 v0, v2  }
0x140: {  	v1 =	vadd.f32 $1.000000000e+00, v1;
	v51 =	vmul.f32 v51, v54;
	v53 =	vmul.f32 v60, v53  }
0x141: {  	v55 =	vmul.f32 v61, v52;
	v57 =	vmul.f32 v63, v62;
	v2 =	vsub.f32 $1.500000000e+00, v2  }
0x142: {  	v61 =	vshra.s32 v1, $0x1;
	v1 =	vmul.f32 $5.000000000e-01, v1;
	v60 =	vmul.f32 v53, v58  }
0x143: {  	v62 =	vmul.f32 v57, v56;
	v0 =	vmul.f32 v0, v2;
	v2 =	vsub.s32 $0x5F3759DF, v61  }
0x144: {  	v60 =	vmul.f32 v60, v53;
	v61 =	vmul.f32 v2, v1  }
0x145: {  	v62 =	vmul.f32 v62, v57;
	v63 =	vmul.f32 v0, v59  }
0x146: {  	v3 =	vld [tilespmem:$0x9380];
	v51 =	vsub.f32 $1.500000000e+00, v51;
	v60 =	vsub.f32 $1.500000000e+00, v60;
	v61 =	vmul.f32 v2, v61  }
0x147: {  	v55 =	vsub.f32 $1.500000000e+00, v55;
	v62 =	vsub.f32 $1.500000000e+00, v62;
	v63 =	vmul.f32 v63, v0  }
0x148: {  	v51 =	vmul.f32 v51, v54;
	v53 =	vmul.f32 v60, v53;
	v61 =	vsub.f32 $1.500000000e+00, v61  }
0x149: {  	v52 =	vmul.f32 v55, v52;
	v55 =	vmul.f32 v62, v57;
	v63 =	vsub.f32 $1.500000000e+00, v63  }
0x14a: {  	v58 =	vmul.f32 v53, v58;
	v2 =	vmul.f32 v2, v61  }
0x14b: {  	v3 =	vadd.f32 $1.000000000e+00, v3;
	v60 =	vmul.f32 v55, v56;
	v0 =	vmul.f32 v63, v0  }
0x14c: {  	v56 =	vmul.f32 v58, v53;
	v61 =	vmul.f32 v2, v1;
	v58 =	vld [tilespmem:$0x9390]  }
0x14d: {  	v54 =	vmul.f32 v60, v55;
	v60 =	vshra.s32 v3, $0x1;
	v3 =	vmul.f32 $5.000000000e-01, v3  }
0x14e: {  	v59 =	vmul.f32 v0, v59;
	v57 =	vmul.f32 v61, v2;
	v61 =	vld [tilespmem:$0x93A0]  }
0x14f: {  	v60 =	vsub.s32 $0x5F3759DF, v60;
	v56 =	vsub.f32 $1.500000000e+00, v56;
	v62 =	vsub.f32 $1.500000000e+00, v54  }
0x150: {  	v63 =	vmul.f32 v60, v3;
	v59 =	vmul.f32 v59, v0;
	v57 =	vsub.f32 $1.500000000e+00, v57  }
0x151: {  	v54 =	vmul.f32 v56, v53;
	v53 =	vmul.f32 v62, v55;
	v62 =	vadd.f32 $1.000000000e+00, v58  }
0x152: {  	v56 =	vsub.f32 $1.500000000e+00, v59;
	v2 =	vmul.f32 v57, v2;
	v57 =	vmul.f32 v60, v63  }
0x153: {  	v58 =	vshra.s32 v62, $0x1;
	v59 =	vmul.f32 $5.000000000e-01, v62;
	v55 =	vadd.f32 $1.000000000e+00, v61;
	v61 =	vld [tilespmem:$0x93B0]  }
0x154: {  	v1 =	vmul.f32 v2, v1;
	v57 =	vsub.f32 $1.500000000e+00, v57;
	v58 =	vsub.s32 $0x5F3759DF, v58  }
0x155: {  	v62 =	vmul.f32 v58, v59;
	v63 =	vshra.s32 v55, $0x1;
	v4 =	vmul.f32 $5.000000000e-01, v55  }
0x156: {  	v1 =	vmul.f32 v1, v2;
	v57 =	vmul.f32 v60, v57;
	v60 =	vsub.s32 $0x5F3759DF, v63  }
0x157: {  	v62 =	vmul.f32 v58, v62;
	v63 =	vmul.f32 v60, v4  }
0x158: {  	v55 =	vmul.f32 v56, v0;
	v0 =	vmul.f32 v57, v3;
	v56 =	vadd.f32 $1.000000000e+00, v61  }
0x159: {  	v1 =	vsub.f32 $1.500000000e+00, v1;
	v61 =	vsub.f32 $1.500000000e+00, v62;
	v62 =	vmul.f32 v60, v63;
	v63 =	vld [tilespmem:$0x93C0]  }
0x15a: {  	v0 =	vmul.f32 v0, v57;
	v5 =	vshra.s32 v56, $0x1;
	v6 =	vmul.f32 $5.000000000e-01, v56  }
0x15b: {  	v58 =	vmul.f32 v58, v61;
	v61 =	vsub.f32 $1.500000000e+00, v62;
	v5 =	vsub.s32 $0x5F3759DF, v5  }
0x15c: {  	v56 =	vmul.f32 v1, v2;
	v0 =	vsub.f32 $1.500000000e+00, v0;
	v1 =	vmul.f32 v5, v6  }
0x15d: {  	v2 =	vmul.f32 v58, v59;
	v60 =	vmul.f32 v60, v61  }
0x15e: {  	v0 =	vmul.f32 v0, v57;
	v1 =	vmul.f32 v5, v1;
	v57 =	vadd.f32 $1.000000000e+00, v63  }
0x15f: {  	v2 =	vmul.f32 v2, v58;
	v61 =	vmul.f32 v60, v4  }
0x160: {  	v1 =	vsub.f32 $1.500000000e+00, v1;
	v62 =	vshra.s32 v57, $0x1;
	v63 =	vmul.f32 $5.000000000e-01, v57  }
0x161: {  	v2 =	vsub.f32 $1.500000000e+00, v2;
	v57 =	vmul.f32 v61, v60;
	v61 =	vsub.s32 $0x5F3759DF, v62  }
0x162: {  	v62 =	vld [tilespmem:$0x93D0];
	v1 =	vmul.f32 v5, v1;
	v5 =	vmul.f32 v61, v63  }
0x163: {  	v3 =	vmul.f32 v0, v3;
	v2 =	vmul.f32 v2, v58;
	v57 =	vsub.f32 $1.500000000e+00, v57  }
0x164: {  	v58 =	vmul.f32 v1, v6;
	v5 =	vmul.f32 v61, v5  }
0x165: {  	v3 =	vmul.f32 v3, v0;
	v60 =	vmul.f32 v57, v60  }
0x166: {  	v57 =	vmul.f32 v2, v59;
	v58 =	vmul.f32 v58, v1;
	v5 =	vsub.f32 $1.500000000e+00, v5  }
0x167: {  	v3 =	vsub.f32 $1.500000000e+00, v3;
	v59 =	vadd.f32 $1.000000000e+00, v62;
	v4 =	vmul.f32 v60, v4  }
0x168: {  	v62 =	vmul.f32 v57, v2;
	v57 =	vsub.f32 $1.500000000e+00, v58;
	v5 =	vmul.f32 v61, v5;
	v61 =	vld [tilespmem:$0x93E0]  }
0x169: {  	v11 =	vmul.f32 v3, v0;
	v7 =	vmul.f32 $5.000000000e-01, v59  }
0x16a: {  	v58 =	vshra.s32 v59, $0x1;
	v4 =	vmul.f32 v4, v60;
	v1 =	vmul.f32 v57, v1  }
0x16b: {  	v3 =	vsub.f32 $1.500000000e+00, v62;
	v59 =	vmul.f32 v5, v63;
	v57 =	vsub.s32 $0x5F3759DF, v58  }
0x16c: {  	v62 =	vmul.f32 v57, v7;
	v4 =	vsub.f32 $1.500000000e+00, v4;
	v6 =	vmul.f32 v1, v6  }
0x16d: {  	v58 =	vmul.f32 v3, v2;
	v0 =	vmul.f32 v59, v5;
	v3 =	vadd.f32 $1.000000000e+00, v61;
	v61 =	vld [tilespmem:$0x93F0]  }
0x16e: {  	[tilespmem:$0x91E0] =	vst v31;
	v31 =	vld [tilespmem:$0x9440];
	v59 =	vmul.f32 v4, v60;
	v4 =	vmul.f32 v6, v1  }
0x16f: {  	v2 =	vmul.f32 v57, v62;
	v0 =	vsub.f32 $1.500000000e+00, v0  }
0x170: {  	v6 =	vshra.s32 v3, $0x1;
	v3 =	vmul.f32 $5.000000000e-01, v3;
	v4 =	vsub.f32 $1.500000000e+00, v4  }
0x171: {  	v62 =	vld [tilespmem:$0x9400];
	v2 =	vsub.f32 $1.500000000e+00, v2;
	v0 =	vmul.f32 v0, v5;
	v5 =	vsub.s32 $0x5F3759DF, v6  }
0x172: {  	v6 =	vmul.f32 v5, v3;
	v60 =	vmul.f32 v4, v1;
	v4 =	vadd.f32 $1.000000000e+00, v61;
	v61 =	vld [tilespmem:$0x1FF80]  }
0x173: {  	[tilespmem:$0x9100] =	vst v16;
	v16 =	vadd.f32 $1.000000000e+00, v31;
	v2 =	vmul.f32 v57, v2;
	v57 =	vld [tilespmem:$0x9410]  }
0x174: {  	[tilespmem:$0x9090] =	vst v10;
	v6 =	vmul.f32 v5, v6  }
0x175: {  	[tilespmem:$0x9240] =	vst v37;
	v37 =	vshra.s32 v16, $0x1;
	v16 =	vmul.f32 $5.000000000e-01, v16;
	v1 =	vmul.f32 v0, v63  }
0x176: {  	[tilespmem:$0x90B0] =	vst v12;
	v10 =	vshra.s32 v4, $0x1;
	v4 =	vmul.f32 $5.000000000e-01, v4;
	v6 =	vsub.f32 $1.500000000e+00, v6  }
0x177: {  	v62 =	vadd.f32 $1.000000000e+00, v62;
	v10 =	vsub.s32 $0x5F3759DF, v10;
	[tilespmem:$0x9080] =	vst v61;
	v61 =	vmul.f32 v2, v7  }
0x178: {  	[tilespmem:$0x90C0] =	vst v13;
	v12 =	vmul.f32 v10, v4;
	v13 =	vadd.f32 $1.000000000e+00, v57;
	v5 =	vmul.f32 v5, v6  }
0x179: {  	[tilespmem:$0x90A0] =	vst v9;
	v9 =	vmul.f32 v61, v2;
	v61 =	vshra.s32 v62, $0x1;
	v62 =	vmul.f32 $5.000000000e-01, v62  }
0x17a: {  	v12 =	vmul.f32 v10, v12;
	v63 =	vmul.f32 v5, v3;
	v6 =	vsub.s32 $0x5F3759DF, v61  }
0x17b: {  	[tilespmem:$0x90E0] =	vst v15;
	v57 =	vshra.s32 v13, $0x1;
	v9 =	vsub.f32 $1.500000000e+00, v9;
	v61 =	vmul.f32 v6, v62  }
0x17c: {  	[tilespmem:$0x9220] =	vst v35;
	v35 =	vld [tilespmem:$0x9460];
	v13 =	vmul.f32 $5.000000000e-01, v13;
	v12 =	vsub.f32 $1.500000000e+00, v12;
	v15 =	vmul.f32 v63, v5  }
0x17d: {  	[tilespmem:$0x90D0] =	vst v14;
	v14 =	vmul.f32 v6, v61;
	v61 =	vsub.s32 $0x5F3759DF, v57;
	v2 =	vmul.f32 v9, v2  }
0x17e: {  	[tilespmem:$0x9110] =	vst v18;
	v1 =	vmul.f32 v1, v0;
	v18 =	vsub.f32 $1.500000000e+00, v15;
	v63 =	vmul.f32 v61, v13  }
0x17f: {  	[tilespmem:$0x90F0] =	vst v17;
	v10 =	vmul.f32 v10, v12;
	v9 =	vsub.f32 $1.500000000e+00, v14;
	v7 =	vmul.f32 v2, v7  }
0x180: {  	[tilespmem:$0x9120] =	vst v19;
	v5 =	vmul.f32 v18, v5;
	v19 =	vmul.f32 v61, v63  }
0x181: {  	[tilespmem:$0x9130] =	vst v20;
	v18 =	vadd.f32 $1.000000000e+00, v35;
	v6 =	vmul.f32 v6, v9;
	v9 =	vmul.f32 v10, v4  }
0x182: {  	[tilespmem:$0x9140] =	vst v23;
	v7 =	vmul.f32 v7, v2;
	v3 =	vmul.f32 v5, v3  }
0x183: {  	[tilespmem:$0x92A0] =	vst v43;
	v43 =	vshra.s32 v18, $0x1;
	v18 =	vmul.f32 $5.000000000e-01, v18;
	v20 =	vsub.f32 $1.500000000e+00, v19  }
0x184: {  	v23 =	vld [tilespmem:$0x9420];
	[tilespmem:$0x9150] =	vst v22;
	v1 =	vsub.f32 $1.500000000e+00, v1;
	v9 =	vmul.f32 v9, v10;
	v22 =	vmul.f32 v6, v62  }
0x185: {  	[tilespmem:$0x9200] =	vst v34;
	v34 =	vld [tilespmem:$0x9450];
	v3 =	vmul.f32 v3, v5;
	v12 =	vmul.f32 v61, v20  }
0x186: {  	[tilespmem:$0x9170] =	vst v24;
	v24 =	vsub.f32 $1.500000000e+00, v9;
	v14 =	vmul.f32 v22, v6;
	v9 =	vmul.f32 v1, v0  }
0x187: {  	[tilespmem:$0x9160] =	vst v21;
	v0 =	vsub.f32 $1.500000000e+00, v7;
	v22 =	vsub.s32 $0x5F3759DF, v43;
	v1 =	vmul.f32 v12, v13  }
0x188: {  	[tilespmem:$0x92C0] =	vst v45;
	v3 =	vsub.f32 $1.500000000e+00, v3;
	v45 =	vmul.f32 v22, v18;
	v7 =	vmul.f32 v24, v10  }
0x189: {  	[tilespmem:$0x9180] =	vst v25;
	v14 =	vsub.f32 $1.500000000e+00, v14;
	v10 =	vmul.f32 v0, v2;
	v2 =	vld [tilespmem:$0x9430];
	v0 =	vmul.f32 v1, v12  }
0x18a: {  	[tilespmem:$0x9250] =	vst v38;
	v38 =	vadd.f32 $1.000000000e+00, v34;
	v3 =	vmul.f32 v3, v5;
	v1 =	vadd.f32 $1.000000000e+00, v23  }
0x18b: {  	[tilespmem:$0x91B0] =	vst v28;
	v24 =	vmul.f32 v22, v45;
	v6 =	vmul.f32 v14, v6;
	v0 =	vsub.f32 $1.500000000e+00, v0  }
0x18c: {  	[tilespmem:$0x91C0] =	vst v30;
	v4 =	vmul.f32 v7, v4;
	v28 =	vshra.s32 v1, $0x1;
	v1 =	vmul.f32 $5.000000000e-01, v1  }
0x18d: {  	[tilespmem:$0x91D0] =	vst v29;
	v29 =	vmul.f32 v6, v62;
	v14 =	vsub.s32 $0x5F3759DF, v28;
	v0 =	vmul.f32 v0, v12  }
0x18e: {  	[tilespmem:$0x9210] =	vst v33;
	v4 =	vmul.f32 v4, v7;
	v30 =	vmul.f32 v14, v1;
	v2 =	vadd.f32 $1.000000000e+00, v2  }
0x18f: {  	[tilespmem:$0x9280] =	vst v41;
	v41 =	vshra.s32 v38, $0x1;
	v5 =	vmul.f32 v29, v6;
	v13 =	vmul.f32 v0, v13  }
0x190: {  	[tilespmem:$0x9230] =	vst v36;
	v36 =	vld [tilespmem:$0x9470];
	v4 =	vsub.f32 $1.500000000e+00, v4;
	v12 =	vmul.f32 v14, v30;
	v33 =	vshra.s32 v2, $0x1  }
0x191: {  	[tilespmem:$0x9190] =	vst v26;
	v2 =	vmul.f32 $5.000000000e-01, v2;
	v5 =	vsub.f32 $1.500000000e+00, v5;
	v13 =	vmul.f32 v13, v0  }
0x192: {  	[tilespmem:$0x91A0] =	vst v27;
	v15 =	vsub.s32 $0x5F3759DF, v33;
	v4 =	vmul.f32 v4, v7;
	v12 =	vsub.f32 $1.500000000e+00, v12  }
0x193: {  	[tilespmem:$0x91F0] =	vst v32;
	v7 =	vmul.f32 v15, v2;
	v5 =	vmul.f32 v5, v6;
	v6 =	vsub.f32 $1.500000000e+00, v13  }
0x194: {  	[tilespmem:$0x9260] =	vst v40;
	v20 =	vsub.s32 $0x5F3759DF, v41;
	v12 =	vmul.f32 v14, v12;
	v14 =	vmul.f32 $5.000000000e-01, v38  }
0x195: {  	[tilespmem:$0x9270] =	vst v39;
	v7 =	vmul.f32 v15, v7;
	v13 =	vadd.f32 $1.000000000e+00, v36;
	v0 =	vmul.f32 v6, v0  }
0x196: {  	[tilespmem:$0x9290] =	vst v42;
	v6 =	vsub.s32 $0x5F3759DF, v37;
	v39 =	vmul.f32 v12, v1;
	v42 =	vmul.f32 v20, v14  }
0x197: {  	[tilespmem:$0x92B0] =	vst v44;
	v7 =	vsub.f32 $1.500000000e+00, v7;
	v44 =	vshra.s32 v13, $0x1;
	v13 =	vmul.f32 $5.000000000e-01, v13  }
0x198: {  	[tilespmem:$0x92D0] =	vst v46;
	v40 =	vmul.f32 v6, v16;
	v23 =	vsub.s32 $0x5F3759DF, v44;
	v21 =	vmul.f32 v20, v42  }
0x199: {  	[tilespmem:$0x92E0] =	vst v47;
	v7 =	vmul.f32 v15, v7;
	v46 =	vmul.f32 v23, v13  }
0x19a: {  	[tilespmem:$0x92F0] =	vst v48;
	v17 =	vmul.f32 v39, v12;
	v19 =	vmul.f32 v6, v40;
	v21 =	vsub.f32 $1.500000000e+00, v21  }
0x19b: {  	[tilespmem:$0x9300] =	vst v49;
	v49 =	vsub.f32 $1.500000000e+00, v24;
	v47 =	vmul.f32 v7, v2;
	v15 =	vmul.f32 v23, v46  }
0x19c: {  	[tilespmem:$0x9310] =	vst v50;
	v17 =	vsub.f32 $1.500000000e+00, v17;
	v19 =	vsub.f32 $1.500000000e+00, v19;
	v48 =	vmul.f32 v20, v21  }
0x19d: {  	[tilespmem:$0x9320] =	vst v51;
	v50 =	vmul.f32 v47, v7;
	v15 =	vsub.f32 $1.500000000e+00, v15;
	v20 =	vmul.f32 v22, v49  }
0x19e: {  	[tilespmem:$0x9380] =	vst v11;
	v11 =	vmul.f32 v17, v12;
	v6 =	vmul.f32 v6, v19  }
0x19f: {  	[tilespmem:$0x9330] =	vst v52;
	v15 =	vmul.f32 v23, v15;
	v52 =	vmul.f32 v48, v14  }
0x1a0: {  	[tilespmem:$0x9340] =	vst v54;
	v54 =	vmul.f32 v20, v18;
	v21 =	vsub.f32 $1.500000000e+00, v50;
	v51 =	vmul.f32 v6, v16  }
0x1a1: {  	[tilespmem:$0x9350] =	vst v53;
	v23 =	vmul.f32 v52, v48;
	v57 =	vmul.f32 v15, v13  }
0x1a2: {  	[tilespmem:$0x9360] =	vst v55;
	v7 =	vmul.f32 v21, v7;
	v22 =	vmul.f32 v51, v6  }
0x1a3: {  	[tilespmem:$0x9370] =	vst v56;
	v1 =	vmul.f32 v11, v1;
	v23 =	vsub.f32 $1.500000000e+00, v23;
	v25 =	vmul.f32 v57, v15  }
0x1a4: {  	[tilespmem:$0x9390] =	vst v58;
	v24 =	vmul.f32 v54, v20;
	v2 =	vmul.f32 v7, v2;
	v22 =	vsub.f32 $1.500000000e+00, v22  }
0x1a5: {  	[tilespmem:$0x93A0] =	vst v59;
	v1 =	vmul.f32 v1, v11;
	v62 =	vmul.f32 v23, v48;
	v63 =	vsub.f32 $1.500000000e+00, v25  }
0x1a6: {  	[tilespmem:$0x93B0] =	vst v60;
	v61 =	vsub.f32 $1.500000000e+00, v24;
	v2 =	vmul.f32 v2, v7;
	v6 =	vmul.f32 v22, v6  }
0x1a7: {  	[tilespmem:$0x93D0] =	vst v10;
	v15 =	vmul.f32 v63, v15;
	v10 =	vmul.f32 v62, v14  }
0x1a8: {  	[tilespmem:$0x93C0] =	vst v9;
	v12 =	vmul.f32 v61, v20;
	v9 =	vmul.f32 v6, v16  }
0x1a9: {  	[tilespmem:$0x93F0] =	vst v4;
	v2 =	vsub.f32 $1.500000000e+00, v2;
	v4 =	vmul.f32 v10, v62;
	v10 =	vmul.f32 v15, v13  }
0x1aa: {  	[tilespmem:$0x93E0] =	vst v3;
	v1 =	vsub.f32 $1.500000000e+00, v1;
	v3 =	vmul.f32 v9, v6;
	v9 =	vmul.f32 v12, v18  }
0x1ab: {  	[tilespmem:$0x9410] =	vst v0;
	v0 =	vmul.f32 v2, v7;
	v2 =	vsub.f32 $1.500000000e+00, v4;
	v4 =	vmul.f32 v10, v15  }
0x1ac: {  	[tilespmem:$0x9400] =	vst v5;
	v1 =	vmul.f32 v1, v11;
	v3 =	vsub.f32 $1.500000000e+00, v3;
	v5 =	vmul.f32 v9, v12  }
0x1ad: {  	[tilespmem:$0x9430] =	vst v0;
	v0 =	vmul.f32 v2, v62;
	v2 =	vsub.f32 $1.500000000e+00, v4  }
0x1ae: {  	[tilespmem:$0x9420] =	vst v1;
	v1 =	vmul.f32 v3, v6;
	v3 =	vsub.f32 $1.500000000e+00, v5  }
0x1af: {  	[tilespmem:$0x9450] =	vst v0;
	v0 =	vmul.f32 v2, v15  }
0x1b0: {  	[tilespmem:$0x9440] =	vst v1;
	v1 =	vmul.f32 v3, v12  }
0x1b1: {  	[tilespmem:$0x9470] =	vst v0  }
0x1b2: {  	[tilespmem:$0x9460] =	vst v1  }
0x1b3: {  	[hbm4b:s7+s2] =	stream.linear.scatter [tilespmem:s15], [sflag:$0x1], $0x400, $0x38;
	[tilespmem:$0x9880] =	vst v63  }
0x1b4: {  	_ =	swait.ge [sflag:s10], $0x400  }
0x1b5: {  	v1 =	vld [tilespmem:$0x1FF90]  }
0x1b6: {  	v2 =	vld [tilespmem:$0x1FFA0]  }
.Ltmp4:
0x1b7: {  	v3 =	vld [tilespmem:$0x1FFB0];
	(pc) =	sbr.rel .LBB2_5-.Ltmp4, $4  }
0x1b8: {  	v4 =	vld [tilespmem:$0x1FFC0]  }
0x1b9: {  	v5 =	vld [tilespmem:$0x1FFD0]  }
0x1ba: {  	[sflag:s10] =	ssyncset.done $0x0;
	v6 =	vld [tilespmem:$0x1FFE0]  }
0x1bb: {  	v0 =	vlaneseq.u32;
	v7 =	vld [tilespmem:$0x1FFF0];
	[sflag:s10] =	ssyncadd.s32 $0xFFFFFC00  }
.LBB2_6:
0x1bc: {  	_ =	sfence.sel $0x180000  }
0x1bd: {  	[bflag:$0x0] =	sbarrier.arrive $0xFFFF  }
0x1be: {  	p0 =	sne.s32 s3, $0x0;
	_ =	strace $0x90000047  }
0x1bf: {  	s0 =	sadd.s32 @!p0 $0x100000, s0;
	[bflag:$0x2] =	sbarrier.arrive $0xFFFF  }
0x1c0: {  	[sflag:s0] =	ssyncadd.tile.s32 @!p0 $0x1;
	_ =	shalt  }
.Lfunc_end2:
_tile_overlayer_lowered:
.L_overlay_start_2:
0x1c1: {  	(tag) =	ssettag $0x2  }
0x1c2: {  	s0 =	rddreg [dreg:$0x0];
	s2 =	stileid.u32  }
0x1c3: {  	s1 =	rddreg [dreg:$0x1];
	p0 =	sne.s32 s2, $0x0  }
0x1c4: {  	s3 =	rddreg [dreg:$0x2];
	[bflag:$0x3] =	sbarrier.arrive $0xFFFF;
	s2 =	simm.s32 @!p0 $0x1C01  }
0x1c5: {  	[timem:s3], [sflag:s2] =	dma.local @!p0 [hbm:s0], s1  }
0x1c6: {  	s0 =	simm.s32 @!p0 $0x1  }
0x1c7: {  	_ =	swait.ge @!p0 [sflag:s0], s1  }
0x1c8: {  	s1 =	ssub.s32 @!p0 $0x0, s1;
	[sflag:s0] =	ssyncset.done @!p0 $0x0  }
0x1c9: {  	[sflag:s0] =	ssyncadd.s32 @!p0 s1  }
0x1ca: {  	[bflag:$0x3] =	sbarrier.arrive $0xFFFF  }
0x1cb: {  	_ =	shalt  }

</sc_bundles>
